<compile_context>
chip_gen: v7x
topology: tpu7x:2x2x1
jax: 0.10.2.dev20260603
libtpu: 0.0.44.dev20260713+nightly
codegen_flags: <defaults>
</compile_context>

<pallas_src>
import functools

import jax
import jax.numpy as jnp
import numpy as np
from jax import lax
from jax.experimental import pallas as pl
from jax.experimental.pallas import tpu as pltpu
from jax.experimental.pallas import tpu_sc as plsc

R = 512
F = 32
HW = R * R
N = HW
N4 = 4 * N

_k1d = np.exp(-0.5 * np.arange(-2, 3, dtype=np.float64) ** 2)
_k1d = (_k1d / _k1d.sum()).astype(np.float32)

_NB = 32


def _prep_body(coords_ref, featT_ref, idx_ref, upd_ref):
    c = coords_ref[0]
    pa = jnp.clip((c[0] + 1.0) * 0.5, 0.0, 0.999) * (R - 1)
    pb = jnp.clip((c[1] + 1.0) * 0.5, 0.0, 0.999) * (R - 1)
    a0 = jnp.floor(pa)
    b0 = jnp.floor(pb)
    a0i = a0.astype(jnp.int32)
    b0i = b0.astype(jnp.int32)
    wa1 = pa - a0
    wa0 = (a0 + 1.0) - pa
    wb1 = pb - b0
    wb0 = (b0 + 1.0) - pb
    base = b0i * R + a0i
    idx_ref[0] = jnp.stack([base, base + R, base + 1, base + R + 1], axis=0)
    w4 = jnp.stack([wa0 * wb0, wa0 * wb1, wa1 * wb0, wa1 * wb1], axis=0)
    uf = featT_ref[0]
    upd = uf[:, None, :, :] * w4[None, :, :, :]
    upd_ref[0] = upd.reshape(4 * F, _NB, R)


def _prep(coords, featT):
    grid = (3, R // _NB)
    return pl.pallas_call(
        _prep_body,
        grid=grid,
        in_specs=[
            pl.BlockSpec((1, 2, _NB, R), lambda p, h: (p, 0, h, 0)),
            pl.BlockSpec((1, F, _NB, R), lambda p, h: (p, 0, h, 0)),
        ],
        out_specs=[
            pl.BlockSpec((1, 4, _NB, R), lambda p, h: (p, 0, h, 0)),
            pl.BlockSpec((1, 4 * F, _NB, R), lambda p, h: (p, 0, h, 0)),
        ],
        out_shape=[
            jax.ShapeDtypeStruct((3, 4, R, R), jnp.int32),
            jax.ShapeDtypeStruct((3, 4 * F, R, R), jnp.float32),
        ],
    )(coords, featT)


_B = 16384
_TPB = N4 // 16
_SL = HW // 16


def _scatter_body(idx_hbm, upd_hbm, acc_hbm, sp0, sp1, sp2, sp3,
                  idx_v, upd_v, ones_v, zeros_v):
    sps = (sp0, sp1, sp2, sp3)
    cid = lax.axis_index("c")
    sid = lax.axis_index("s")

    def _fill(i, carry):
        ones_v[pl.ds(i * 16, 16)] = jnp.full((16,), 1.0, jnp.float32)
        zeros_v[pl.ds(i * 16, 16)] = jnp.zeros((16,), jnp.float32)
        return carry

    lax.fori_loop(0, _B // 16, _fill, 0)

    off = sid * _SL
    for slot in range(4):
        pltpu.sync_copy(zeros_v, sps[slot].at[pl.ds(off, _SL)])
    plsc.subcore_barrier()

    def _pass(pc, carry):
        fbase = cid * 16 + pc * 4
        is_feat = pc < 4

        @pl.when(is_feat)
        def _feats():
            def _win(w, c2):
                start = sid * _TPB + w * _B
                pltpu.sync_copy(idx_hbm.at[pl.ds(start, _B)], idx_v)
                for fl in range(4):
                    pltpu.sync_copy(upd_hbm.at[fbase + fl, pl.ds(start, _B)],
                                    upd_v)
                    pltpu.sync_copy(upd_v, sps[fl].at[idx_v], add=True)
                return c2

            lax.fori_loop(0, _TPB // _B, _win, 0)

        @pl.when(jnp.logical_not(is_feat))
        def _counts():
            def _cwin(w, c2):
                start = cid * (2 * N) + sid * (_TPB // 2) + w * _B
                pltpu.sync_copy(idx_hbm.at[pl.ds(start, _B)], idx_v)
                pltpu.sync_copy(ones_v, sp0.at[idx_v], add=True)
                return c2

            lax.fori_loop(0, _TPB // 2 // _B, _cwin, 0)

        plsc.subcore_barrier()

        @pl.when(is_feat)
        def _fdump():
            for fl in range(4):
                pltpu.sync_copy(sps[fl].at[pl.ds(off, _SL)],
                                acc_hbm.at[fbase + fl, pl.ds(off, _SL)])
                pltpu.sync_copy(zeros_v, sps[fl].at[pl.ds(off, _SL)])

        @pl.when(jnp.logical_not(is_feat))
        def _cdump():
            pltpu.sync_copy(sp0.at[pl.ds(off, _SL)],
                            acc_hbm.at[32 + cid, pl.ds(off, _SL)])
            pltpu.sync_copy(zeros_v, sp0.at[pl.ds(off, _SL)])

        plsc.subcore_barrier()
        return carry

    lax.fori_loop(0, 5, _pass, 0)


def _scatter(idx, upd):
    mesh = plsc.VectorSubcoreMesh(core_axis_name="c", subcore_axis_name="s")
    k = pl.kernel(
        _scatter_body,
        out_type=jax.ShapeDtypeStruct((34, HW), jnp.float32),
        mesh=mesh,
        scratch_types=[
            pltpu.VMEM_SHARED((HW,), jnp.float32),
            pltpu.VMEM_SHARED((HW,), jnp.float32),
            pltpu.VMEM_SHARED((HW,), jnp.float32),
            pltpu.VMEM_SHARED((HW,), jnp.float32),
            pltpu.VMEM((_B,), jnp.int32),
            pltpu.VMEM((_B,), jnp.float32),
            pltpu.VMEM((_B,), jnp.float32),
            pltpu.VMEM((_SL,), jnp.float32),
        ],
    )
    return k(idx, upd)


_HB3 = 128


def _stats_body(a_ref, c0_ref, c1_ref, x_ref, sums_ref):
    f = pl.program_id(0)
    h = pl.program_id(1)
    cnt = c0_ref[0] + c1_ref[0] + 1e-6
    x = a_ref[0] / cnt
    x_ref[0] = x
    s1 = jnp.sum(x.reshape(-1, 128), axis=0)
    s2 = jnp.sum((x * x).reshape(-1, 128), axis=0)

    @pl.when(jnp.logical_and(f == 0, h == 0))
    def _init():
        sums_ref[...] = jnp.zeros_like(sums_ref)

    sums_ref[0, :] += s1
    sums_ref[1, :] += s2


def _stats(acc_p):
    grid = (F, R // _HB3)
    return pl.pallas_call(
        _stats_body,
        grid=grid,
        in_specs=[
            pl.BlockSpec((1, _HB3, R), lambda f, h: (f, h, 0)),
            pl.BlockSpec((1, _HB3, R), lambda f, h: (32, h, 0)),
            pl.BlockSpec((1, _HB3, R), lambda f, h: (33, h, 0)),
        ],
        out_specs=[
            pl.BlockSpec((1, _HB3, R), lambda f, h: (f, h, 0)),
            pl.BlockSpec((8, 128), lambda f, h: (0, 0)),
        ],
        out_shape=[
            jax.ShapeDtypeStruct((F, R, R), jnp.float32),
            jax.ShapeDtypeStruct((8, 128), jnp.float32),
        ],
    )(acc_p, acc_p, acc_p)


_HB4 = 128
_NH4 = R // _HB4


def _hshift(t, o):
    z = jnp.zeros((t.shape[0], abs(o)), jnp.float32)
    if o < 0:
        return jnp.concatenate([z, t[:, :R + o]], axis=1)
    if o > 0:
        return jnp.concatenate([t[:, o:], z], axis=1)
    return t


def _blur_body(xp_ref, xc_ref, xn_ref, wp_ref, wc_ref, wn_ref,
               bp_ref, bc_ref, bn_ref, pl_ref, scal_ref, out_ref):
    h = pl.program_id(1)
    mu = scal_ref[0, 0]
    inv = scal_ref[0, 1]

    def pad(pr, cr, nr):
        return jnp.concatenate([pr[0, _HB4 - 2:], cr[0], nr[0, :2]], axis=0)

    x = pad(xp_ref, xc_ref, xn_ref)
    w = pad(wp_ref, wc_ref, wn_ref)
    b = pad(bp_ref, bc_ref, bn_ref)
    z = ((x - mu) * inv) * w + b
    rid = h * _HB4 - 2 + lax.broadcasted_iota(jnp.int32, (_HB4 + 4, R), 0)
    z = jnp.where(jnp.logical_and(rid >= 0, rid < R), z, 0.0)
    t = jnp.zeros((_HB4, R), jnp.float32)
    for d in range(5):
        t = t + _k1d[d] * z[d:d + _HB4, :]
    o = jnp.zeros((_HB4, R), jnp.float32)
    for d in range(5):
        o = o + _k1d[d] * _hshift(t, d - 2)
    out_ref[0] = o + pl_ref[0]


def _blur(x_p, ln_w, ln_b, plane_p, scal):
    grid = (F, _NH4)
    hp = lambda f, h: (f, jnp.maximum(h - 1, 0), 0)
    hc = lambda f, h: (f, h, 0)
    hn = lambda f, h: (f, jnp.minimum(h + 1, _NH4 - 1), 0)
    blk = lambda m: pl.BlockSpec((1, _HB4, R), m)
    return pl.pallas_call(
        _blur_body,
        grid=grid,
        in_specs=[
            blk(hp), blk(hc), blk(hn),
            blk(hp), blk(hc), blk(hn),
            blk(hp), blk(hc), blk(hn),
            blk(hc),
            pl.BlockSpec((1, 2), lambda f, h: (0, 0), memory_space=pltpu.SMEM),
        ],
        out_specs=pl.BlockSpec((1, _HB4, R), hc),
        out_shape=jax.ShapeDtypeStruct((F, R, R), jnp.float32),
    )(x_p, x_p, x_p, ln_w, ln_w, ln_w, ln_b, ln_b, ln_b, plane_p, scal)


def kernel(gaussian_features, gaussian_xyz, plane_xy, plane_xz, plane_yz,
           ln_weight, ln_bias):
    gx = gaussian_xyz[:, 0].reshape(R, R)
    gy = gaussian_xyz[:, 1].reshape(R, R)
    gz = gaussian_xyz[:, 2].reshape(R, R)
    coords = jnp.stack([
        jnp.stack([gx, gy]), jnp.stack([gx, gz]), jnp.stack([gy, gz])])
    featT = jnp.transpose(gaussian_features, (1, 2, 0)).reshape(3, F, R, R)

    idx, upd = _prep(coords, featT)
    idx = idx.reshape(3, N4)
    upd = upd.reshape(3, F, N4)

    planes = (plane_xy, plane_xz, plane_yz)
    outs = []
    xs, scals = [], []
    for p in range(3):
        acc_p = _scatter(idx[p], upd[p]).reshape(34, R, R)
        x_p, sums = _stats(acc_p)
        s1 = jnp.sum(sums[0])
        s2 = jnp.sum(sums[1])
        m = jnp.float32(F * HW)
        mu = s1 / m
        var = s2 / m - mu * mu
        inv = lax.rsqrt(var + 1e-5)
        xs.append(x_p)
        scals.append(jnp.stack([mu, inv]).reshape(1, 2))
    for p in range(3):
        o = _blur(xs[p], ln_weight, ln_bias, planes[p].reshape(F, R, R),
                  scals[p])
        outs.append(o)
    return jnp.stack(outs)[:, None]

# --- scband reference (transcript-rebuilt; emitter-appended) ---
"""Pipeline reference for scband-gaussian-tri-plane-4226247819637 (READ-ONLY COPY).

The authoritative reference and input builder live on the scoring server;
editing this copy changes nothing except your own understanding.
"""

import jax, jax.numpy as jnp
import numpy as np

RES = 512
FEAT = 32
N = 262144


def setup_inputs(seed: int = 0) -> dict:
    key = jax.random.key(seed)
    ks = jax.random.split(key, 6)
    return {
        "gaussian_features": jax.random.normal(ks[0], (N, 3, FEAT), dtype=jnp.float32),
        "gaussian_xyz": jax.random.normal(ks[1], (N, 3), dtype=jnp.float32),
        "plane_xy": jax.random.normal(ks[2], (1, FEAT, RES, RES), dtype=jnp.float32),
        "plane_xz": jax.random.normal(ks[3], (1, FEAT, RES, RES), dtype=jnp.float32),
        "plane_yz": jax.random.normal(ks[4], (1, FEAT, RES, RES), dtype=jnp.float32),
        "ln_weight": jnp.ones((FEAT, RES, RES), dtype=jnp.float32),
        "ln_bias": jnp.zeros((FEAT, RES, RES), dtype=jnp.float32),
    }


def _gaussian_blur(x):
    channels = x.shape[1]
    k = jnp.arange(-2, 3, dtype=jnp.float32)
    k = jnp.exp(-0.5 * (k / 1.0) ** 2)
    k = k / jnp.sum(k)
    k2 = k[:, None] * k[None, :]
    wk = jnp.broadcast_to(k2[None, None, :, :], (channels, 1, 5, 5))
    return jax.lax.conv_general_dilated(
        x, wk, window_strides=(1, 1), padding=((2, 2), (2, 2)),
        dimension_numbers=("NCHW", "OIHW", "NCHW"), feature_group_count=channels)


def _layer_norm(x, w, b):
    mu = jnp.mean(x, axis=(1, 2, 3), keepdims=True)
    var = jnp.mean((x - mu) ** 2, axis=(1, 2, 3), keepdims=True)
    return (x - mu) / jnp.sqrt(var + 1e-5) * w[None] + b[None]


def _update_plane(plane, gi, gf, ln_w, ln_b):
    _, feat_dim, h, w = plane.shape
    n = gi.shape[0]
    px, py = gi[:, 0], gi[:, 1]
    px0 = jnp.floor(px).astype(jnp.int32)
    py0 = jnp.floor(py).astype(jnp.int32)
    px1 = px0 + 1
    py1 = py0 + 1
    px0 = jnp.clip(px0, 0, w - 1)
    px1 = jnp.clip(px1, 0, w - 1)
    py0 = jnp.clip(py0, 0, h - 1)
    py1 = jnp.clip(py1, 0, h - 1)
    wx0 = jnp.clip(px1.astype(px.dtype) - px, 0.0, 1.0)
    wx1 = jnp.clip(px - px0.astype(px.dtype), 0.0, 1.0)
    wy0 = jnp.clip(py1.astype(py.dtype) - py, 0.0, 1.0)
    wy1 = jnp.clip(py - py0.astype(py.dtype), 0.0, 1.0)
    weights = jnp.stack([wx0 * wy0, wx0 * wy1, wx1 * wy0, wx1 * wy1], axis=-1)
    rows = jnp.stack([py0, py1, py0, py1], axis=-1)
    cols = jnp.stack([px0, px0, px1, px1], axis=-1)
    lin = (rows * w + cols).reshape(n * 4)
    wf = (gf[:, None, :] * weights[..., None]).reshape(n * 4, feat_dim)
    plane_flat = plane.reshape(feat_dim, h * w)
    # straight-through: forward value is zeros, grad flows to plane
    new_plane = plane_flat - jax.lax.stop_gradient(plane_flat)
    new_plane = new_plane.T.at[lin].add(wf).T
    counts = jnp.zeros((h * w,), dtype=jnp.float32).at[lin].add(1.0)
    new_plane = new_plane / (counts[None, :] + 1e-6)
    new_plane = new_plane.reshape(1, feat_dim, h, w)
    new_plane = _layer_norm(new_plane, ln_w, ln_b)
    new_plane = _gaussian_blur(new_plane)
    return new_plane + plane


def reference(gaussian_features, gaussian_xyz, plane_xy, plane_xz, plane_yz, ln_weight, ln_bias):
    res = plane_xy.shape[-1]
    xyz = (gaussian_xyz + 1.0) / 2.0
    x = jnp.clip(xyz[:, 0], 0.0, 0.999) * (res - 1)
    y = jnp.clip(xyz[:, 1], 0.0, 0.999) * (res - 1)
    z = jnp.clip(xyz[:, 2], 0.0, 0.999) * (res - 1)
    gf = gaussian_features.reshape(gaussian_xyz.shape[0], 3, -1)
    p_xy = _update_plane(plane_xy, jnp.stack([x, y], axis=-1), gf[:, 0, :], ln_weight, ln_bias)
    p_xz = _update_plane(plane_xz, jnp.stack([x, z], axis=-1), gf[:, 1, :], ln_weight, ln_bias)
    p_yz = _update_plane(plane_yz, jnp.stack([y, z], axis=-1), gf[:, 2, :], ln_weight, ln_bias)
    return jnp.stack([p_xy, p_xz, p_yz], axis=0)

if __name__ == "__main__":
    import jax
    _d = setup_inputs()
    print(jax.jit(kernel)(*tuple(_d.values())))

</pallas_src>

<mosaic_0001>
#map = affine_map<(d0, d1) -> (0)>
#map1 = affine_map<(d0, d1) -> (0, 0)>
module attributes {stable_mosaic.version = 14 : i64} {
  func.func @_scatter_body(%arg0: i32, %arg1: i32, %arg2: memref<1048576xi32, #tpu.memory_space<hbm>>, %arg3: memref<32x1048576xf32, #tpu.memory_space<hbm>>, %arg4: memref<34x262144xf32, #tpu.memory_space<hbm>>, %arg5: memref<262144xf32, #tpu.memory_space<vmem_shared>>, %arg6: memref<262144xf32, #tpu.memory_space<vmem_shared>>, %arg7: memref<262144xf32, #tpu.memory_space<vmem_shared>>, %arg8: memref<262144xf32, #tpu.memory_space<vmem_shared>>, %arg9: memref<16384xi32, #tpu.memory_space<vmem>>, %arg10: memref<16384xf32, #tpu.memory_space<vmem>>, %arg11: memref<16384xf32, #tpu.memory_space<vmem>>, %arg12: memref<16384xf32, #tpu.memory_space<vmem>>) attributes {dimension_semantics = [#tpu.dimension_semantics<core_parallel>, #tpu.dimension_semantics<subcore_parallel>], iteration_bounds = array<i64: 2, 16>, scalar_prefetch = 0 : i64, scratch_operands = 8 : i64, tpu.core_type = #tpu.core_type<sc_vector_subcore>, window_params = [{transform_indices = #map}, {transform_indices = #map1}, {transform_indices = #map1}]} {
    %scan3A = arith.constant 0 : i32
    %scan3A_0 = arith.constant 0 : i32
    %scan3A_1 = arith.constant 1024 : i32
    %scan3A_2 = arith.addi %scan3A_0, %scan3A_1 : i32
    %scan3A_3 = arith.constant 1 : i32
    scf.for %scan3A_12 = %scan3A_0 to %scan3A_2 step %scan3A_3  : i32 {
      %broadcast_in_dim3A = arith.constant 1.000000e+00 : f32
      %broadcast_in_dim3A_13 = vector.broadcast %broadcast_in_dim3A : f32 to vector<16xf32>
      %mul3A_14 = arith.constant 16 : i32
      %mul3A_15 = arith.muli %scan3A_12, %mul3A_14 : i32
      %swap3A = arith.index_cast %mul3A_15 : i32 to index
      %swap3A_16 = tpu.vector_load %arg11[%swap3A] {strides = array<i32>} : memref<16384xf32, #tpu.memory_space<vmem>>, vector<16xf32>,
      %swap3A_17 = vector.shape_cast %swap3A_16 : vector<16xf32> to vector<16xf32>
      %swap3A_18 = vector.shape_cast %broadcast_in_dim3A_13 : vector<16xf32> to vector<16xf32>
      tpu.vector_store %arg11[%swap3A], %swap3A_18 {strides = array<i32>} : memref<16384xf32, #tpu.memory_space<vmem>>, vector<16xf32>,
      %broadcast_in_dim3A_19 = arith.constant 0.000000e+00 : f32
      %broadcast_in_dim3A_20 = vector.broadcast %broadcast_in_dim3A_19 : f32 to vector<16xf32>
      %mul3A_21 = arith.constant 16 : i32
      %mul3A_22 = arith.muli %scan3A_12, %mul3A_21 : i32
      %swap3A_23 = arith.index_cast %mul3A_22 : i32 to index
      %swap3A_24 = tpu.vector_load %arg12[%swap3A_23] {strides = array<i32>} : memref<16384xf32, #tpu.memory_space<vmem>>, vector<16xf32>,
      %swap3A_25 = vector.shape_cast %swap3A_24 : vector<16xf32> to vector<16xf32>
      %swap3A_26 = vector.shape_cast %broadcast_in_dim3A_20 : vector<16xf32> to vector<16xf32>
      tpu.vector_store %arg12[%swap3A_23], %swap3A_26 {strides = array<i32>} : memref<16384xf32, #tpu.memory_space<vmem>>, vector<16xf32>,
    }
    %scan3A_4 = arith.constant 1024 : i32
    %mul3A = arith.constant 16384 : i32
    %mul3A_5 = arith.muli %arg1, %mul3A : i32
    "tpu.region"() ({
      %run_scoped3A = tpu.sem_alloc : memref<!tpu.dma_semaphore, #tpu.memory_space<semaphore_mem>>
      %dma_start3A = tpu.memref_slice %arg5[%mul3A_5] : memref<262144xf32, #tpu.memory_space<vmem_shared>> -> memref<16384xf32, #tpu.memory_space<vmem_shared>>
      %dma_start3A_12 = tpu.memref_slice %arg5[%mul3A_5] : memref<262144xf32, #tpu.memory_space<vmem_shared>> -> memref<16384xf32, #tpu.memory_space<vmem_shared>>
      tpu.enqueue_dma source(%arg12 : memref<16384xf32, #tpu.memory_space<vmem>>) target(%dma_start3A_12 : memref<16384xf32, #tpu.memory_space<vmem_shared>>) target_semaphore(%run_scoped3A : memref<!tpu.dma_semaphore, #tpu.memory_space<semaphore_mem>>)
      %dma_wait3A = tpu.memref_slice %arg5[%mul3A_5] : memref<262144xf32, #tpu.memory_space<vmem_shared>> -> memref<16384xf32, #tpu.memory_space<vmem_shared>>
      %dma_wait3A_13 = tpu.memref_slice %arg5[%mul3A_5] : memref<262144xf32, #tpu.memory_space<vmem_shared>> -> memref<16384xf32, #tpu.memory_space<vmem_shared>>
      tpu.wait_dma2 semaphore(%run_scoped3A : memref<!tpu.dma_semaphore, #tpu.memory_space<semaphore_mem>>) src(%arg12 : memref<16384xf32, #tpu.memory_space<vmem>>) dst(%dma_wait3A_13 : memref<16384xf32, #tpu.memory_space<vmem_shared>>)
      tpu.yield
    }) : () -> ()
    "tpu.region"() ({
      %run_scoped3A = tpu.sem_alloc : memref<!tpu.dma_semaphore, #tpu.memory_space<semaphore_mem>>
      %dma_start3A = tpu.memref_slice %arg6[%mul3A_5] : memref<262144xf32, #tpu.memory_space<vmem_shared>> -> memref<16384xf32, #tpu.memory_space<vmem_shared>>
      %dma_start3A_12 = tpu.memref_slice %arg6[%mul3A_5] : memref<262144xf32, #tpu.memory_space<vmem_shared>> -> memref<16384xf32, #tpu.memory_space<vmem_shared>>
      tpu.enqueue_dma source(%arg12 : memref<16384xf32, #tpu.memory_space<vmem>>) target(%dma_start3A_12 : memref<16384xf32, #tpu.memory_space<vmem_shared>>) target_semaphore(%run_scoped3A : memref<!tpu.dma_semaphore, #tpu.memory_space<semaphore_mem>>)
      %dma_wait3A = tpu.memref_slice %arg6[%mul3A_5] : memref<262144xf32, #tpu.memory_space<vmem_shared>> -> memref<16384xf32, #tpu.memory_space<vmem_shared>>
      %dma_wait3A_13 = tpu.memref_slice %arg6[%mul3A_5] : memref<262144xf32, #tpu.memory_space<vmem_shared>> -> memref<16384xf32, #tpu.memory_space<vmem_shared>>
      tpu.wait_dma2 semaphore(%run_scoped3A : memref<!tpu.dma_semaphore, #tpu.memory_space<semaphore_mem>>) src(%arg12 : memref<16384xf32, #tpu.memory_space<vmem>>) dst(%dma_wait3A_13 : memref<16384xf32, #tpu.memory_space<vmem_shared>>)
      tpu.yield
    }) : () -> ()
    "tpu.region"() ({
      %run_scoped3A = tpu.sem_alloc : memref<!tpu.dma_semaphore, #tpu.memory_space<semaphore_mem>>
      %dma_start3A = tpu.memref_slice %arg7[%mul3A_5] : memref<262144xf32, #tpu.memory_space<vmem_shared>> -> memref<16384xf32, #tpu.memory_space<vmem_shared>>
      %dma_start3A_12 = tpu.memref_slice %arg7[%mul3A_5] : memref<262144xf32, #tpu.memory_space<vmem_shared>> -> memref<16384xf32, #tpu.memory_space<vmem_shared>>
      tpu.enqueue_dma source(%arg12 : memref<16384xf32, #tpu.memory_space<vmem>>) target(%dma_start3A_12 : memref<16384xf32, #tpu.memory_space<vmem_shared>>) target_semaphore(%run_scoped3A : memref<!tpu.dma_semaphore, #tpu.memory_space<semaphore_mem>>)
      %dma_wait3A = tpu.memref_slice %arg7[%mul3A_5] : memref<262144xf32, #tpu.memory_space<vmem_shared>> -> memref<16384xf32, #tpu.memory_space<vmem_shared>>
      %dma_wait3A_13 = tpu.memref_slice %arg7[%mul3A_5] : memref<262144xf32, #tpu.memory_space<vmem_shared>> -> memref<16384xf32, #tpu.memory_space<vmem_shared>>
      tpu.wait_dma2 semaphore(%run_scoped3A : memref<!tpu.dma_semaphore, #tpu.memory_space<semaphore_mem>>) src(%arg12 : memref<16384xf32, #tpu.memory_space<vmem>>) dst(%dma_wait3A_13 : memref<16384xf32, #tpu.memory_space<vmem_shared>>)
      tpu.yield
    }) : () -> ()
    "tpu.region"() ({
      %run_scoped3A = tpu.sem_alloc : memref<!tpu.dma_semaphore, #tpu.memory_space<semaphore_mem>>
      %dma_start3A = tpu.memref_slice %arg8[%mul3A_5] : memref<262144xf32, #tpu.memory_space<vmem_shared>> -> memref<16384xf32, #tpu.memory_space<vmem_shared>>
      %dma_start3A_12 = tpu.memref_slice %arg8[%mul3A_5] : memref<262144xf32, #tpu.memory_space<vmem_shared>> -> memref<16384xf32, #tpu.memory_space<vmem_shared>>
      tpu.enqueue_dma source(%arg12 : memref<16384xf32, #tpu.memory_space<vmem>>) target(%dma_start3A_12 : memref<16384xf32, #tpu.memory_space<vmem_shared>>) target_semaphore(%run_scoped3A : memref<!tpu.dma_semaphore, #tpu.memory_space<semaphore_mem>>)
      %dma_wait3A = tpu.memref_slice %arg8[%mul3A_5] : memref<262144xf32, #tpu.memory_space<vmem_shared>> -> memref<16384xf32, #tpu.memory_space<vmem_shared>>
      %dma_wait3A_13 = tpu.memref_slice %arg8[%mul3A_5] : memref<262144xf32, #tpu.memory_space<vmem_shared>> -> memref<16384xf32, #tpu.memory_space<vmem_shared>>
      tpu.wait_dma2 semaphore(%run_scoped3A : memref<!tpu.dma_semaphore, #tpu.memory_space<semaphore_mem>>) src(%arg12 : memref<16384xf32, #tpu.memory_space<vmem>>) dst(%dma_wait3A_13 : memref<16384xf32, #tpu.memory_space<vmem_shared>>)
      tpu.yield
    }) : () -> ()
    %barrier3A = arith.constant 0 : index
    tpu.barrier barrier_id(%barrier3A)
    %scan3A_6 = arith.constant 0 : i32
    %scan3A_7 = arith.constant 0 : i32
    %scan3A_8 = arith.constant 5 : i32
    %scan3A_9 = arith.addi %scan3A_7, %scan3A_8 : i32
    %scan3A_10 = arith.constant 1 : i32
    scf.for %scan3A_12 = %scan3A_7 to %scan3A_9 step %scan3A_10  : i32 {
      %mul3A_13 = arith.constant 16 : i32
      %mul3A_14 = arith.muli %arg0, %mul3A_13 : i32
      %mul3A_15 = arith.constant 4 : i32
      %mul3A_16 = arith.muli %scan3A_12, %mul3A_15 : i32
      %add3A = arith.addi %mul3A_14, %mul3A_16 : i32
      %lt3A = arith.constant 4 : i32
      %lt3A_17 = arith.cmpi slt, %scan3A_12, %lt3A : i32
      %convert_element_type3A = arith.extui %lt3A_17 : i1 to i32
      %cond3A = arith.constant 0 : i32
      %cond3A_18 = arith.cmpi ne, %convert_element_type3A, %cond3A : i32
      scf.if %cond3A_18 {
        %scan3A_33 = arith.constant 0 : i32
        %scan3A_34 = arith.constant 0 : i32
        %scan3A_35 = arith.constant 4 : i32
        %scan3A_36 = arith.addi %scan3A_34, %scan3A_35 : i32
        %scan3A_37 = arith.constant 1 : i32
        scf.for %scan3A_39 = %scan3A_34 to %scan3A_36 step %scan3A_37  : i32 {
          %mul3A_40 = arith.constant 65536 : i32
          %mul3A_41 = arith.muli %arg1, %mul3A_40 : i32
          %mul3A_42 = arith.constant 16384 : i32
          %mul3A_43 = arith.muli %scan3A_39, %mul3A_42 : i32
          %add3A_44 = arith.addi %mul3A_41, %mul3A_43 : i32
          "tpu.region"() ({
            %run_scoped3A = tpu.sem_alloc : memref<!tpu.dma_semaphore, #tpu.memory_space<semaphore_mem>>
            %dma_start3A = tpu.memref_slice %arg2[%add3A_44] : memref<1048576xi32, #tpu.memory_space<hbm>> -> memref<16384xi32, #tpu.memory_space<hbm>>
            %dma_start3A_53 = tpu.memref_slice %arg2[%add3A_44] : memref<1048576xi32, #tpu.memory_space<hbm>> -> memref<16384xi32, #tpu.memory_space<hbm>>
            tpu.enqueue_dma source(%dma_start3A_53 : memref<16384xi32, #tpu.memory_space<hbm>>) target(%arg9 : memref<16384xi32, #tpu.memory_space<vmem>>) target_semaphore(%run_scoped3A : memref<!tpu.dma_semaphore, #tpu.memory_space<semaphore_mem>>)
            %dma_wait3A = tpu.memref_slice %arg2[%add3A_44] : memref<1048576xi32, #tpu.memory_space<hbm>> -> memref<16384xi32, #tpu.memory_space<hbm>>
            %dma_wait3A_54 = tpu.memref_slice %arg2[%add3A_44] : memref<1048576xi32, #tpu.memory_space<hbm>> -> memref<16384xi32, #tpu.memory_space<hbm>>
            tpu.wait_dma2 semaphore(%run_scoped3A : memref<!tpu.dma_semaphore, #tpu.memory_space<semaphore_mem>>) src(%dma_wait3A_54 : memref<16384xi32, #tpu.memory_space<hbm>>) dst(%arg9 : memref<16384xi32, #tpu.memory_space<vmem>>)
            tpu.yield
          }) : () -> ()
          %add3A_45 = arith.constant 0 : i32
          %add3A_46 = arith.addi %add3A, %add3A_45 : i32
          "tpu.region"() ({
            %run_scoped3A = tpu.sem_alloc : memref<!tpu.dma_semaphore, #tpu.memory_space<semaphore_mem>>
            %dma_start3A = tpu.memref_slice %arg3[%add3A_46, %add3A_44] : memref<32x1048576xf32, #tpu.memory_space<hbm>> -> memref<1x16384xf32, #tpu.memory_space<hbm>>
            %dma_start3A_53 = tpu.memref_squeeze %dma_start3A : memref<1x16384xf32, #tpu.memory_space<hbm>> -> memref<16384xf32, #tpu.memory_space<hbm>>
            %dma_start3A_54 = tpu.memref_slice %arg3[%add3A_46, %add3A_44] : memref<32x1048576xf32, #tpu.memory_space<hbm>> -> memref<1x16384xf32, #tpu.memory_space<hbm>>
            %dma_start3A_55 = tpu.memref_squeeze %dma_start3A_54 : memref<1x16384xf32, #tpu.memory_space<hbm>> -> memref<16384xf32, #tpu.memory_space<hbm>>
            tpu.enqueue_dma source(%dma_start3A_55 : memref<16384xf32, #tpu.memory_space<hbm>>) target(%arg10 : memref<16384xf32, #tpu.memory_space<vmem>>) target_semaphore(%run_scoped3A : memref<!tpu.dma_semaphore, #tpu.memory_space<semaphore_mem>>)
            %dma_wait3A = tpu.memref_slice %arg3[%add3A_46, %add3A_44] : memref<32x1048576xf32, #tpu.memory_space<hbm>> -> memref<1x16384xf32, #tpu.memory_space<hbm>>
            %dma_wait3A_56 = tpu.memref_squeeze %dma_wait3A : memref<1x16384xf32, #tpu.memory_space<hbm>> -> memref<16384xf32, #tpu.memory_space<hbm>>
            %dma_wait3A_57 = tpu.memref_slice %arg3[%add3A_46, %add3A_44] : memref<32x1048576xf32, #tpu.memory_space<hbm>> -> memref<1x16384xf32, #tpu.memory_space<hbm>>
            %dma_wait3A_58 = tpu.memref_squeeze %dma_wait3A_57 : memref<1x16384xf32, #tpu.memory_space<hbm>> -> memref<16384xf32, #tpu.memory_space<hbm>>
            tpu.wait_dma2 semaphore(%run_scoped3A : memref<!tpu.dma_semaphore, #tpu.memory_space<semaphore_mem>>) src(%dma_wait3A_58 : memref<16384xf32, #tpu.memory_space<hbm>>) dst(%arg10 : memref<16384xf32, #tpu.memory_space<vmem>>)
            tpu.yield
          }) : () -> ()
          "tpu.region"() ({
            %run_scoped3A = tpu.sem_alloc : memref<!tpu.dma_semaphore, #tpu.memory_space<semaphore_mem>>
            %dma_start3A = arith.constant 0 : i32
            %dma_start3A_53 = tpu.memref_slice %arg5[%dma_start3A] : memref<262144xf32, #tpu.memory_space<vmem_shared>> -> memref<262144xf32, #tpu.memory_space<vmem_shared>>
            tpu.enqueue_indirect_dma source(%arg10 : memref<16384xf32, #tpu.memory_space<vmem>>) target(%dma_start3A_53 : memref<262144xf32, #tpu.memory_space<vmem_shared>>) offsets(%arg9 : memref<16384xi32, #tpu.memory_space<vmem>>) semaphore(%run_scoped3A : memref<!tpu.dma_semaphore, #tpu.memory_space<semaphore_mem>>) {add = true}
            %dma_wait3A = arith.constant 0 : i32
            %dma_wait3A_54 = tpu.memref_slice %arg5[%dma_wait3A] : memref<262144xf32, #tpu.memory_space<vmem_shared>> -> memref<262144xf32, #tpu.memory_space<vmem_shared>>
            tpu.wait_indirect_dma semaphore(%run_scoped3A : memref<!tpu.dma_semaphore, #tpu.memory_space<semaphore_mem>>) src(%arg10 : memref<16384xf32, #tpu.memory_space<vmem>>) dst(%dma_wait3A_54 : memref<262144xf32, #tpu.memory_space<vmem_shared>>)
            tpu.yield
          }) : () -> ()
          %add3A_47 = arith.constant 1 : i32
          %add3A_48 = arith.addi %add3A, %add3A_47 : i32
          "tpu.region"() ({
            %run_scoped3A = tpu.sem_alloc : memref<!tpu.dma_semaphore, #tpu.memory_space<semaphore_mem>>
            %dma_start3A = tpu.memref_slice %arg3[%add3A_48, %add3A_44] : memref<32x1048576xf32, #tpu.memory_space<hbm>> -> memref<1x16384xf32, #tpu.memory_space<hbm>>
            %dma_start3A_53 = tpu.memref_squeeze %dma_start3A : memref<1x16384xf32, #tpu.memory_space<hbm>> -> memref<16384xf32, #tpu.memory_space<hbm>>
            %dma_start3A_54 = tpu.memref_slice %arg3[%add3A_48, %add3A_44] : memref<32x1048576xf32, #tpu.memory_space<hbm>> -> memref<1x16384xf32, #tpu.memory_space<hbm>>
            %dma_start3A_55 = tpu.memref_squeeze %dma_start3A_54 : memref<1x16384xf32, #tpu.memory_space<hbm>> -> memref<16384xf32, #tpu.memory_space<hbm>>
            tpu.enqueue_dma source(%dma_start3A_55 : memref<16384xf32, #tpu.memory_space<hbm>>) target(%arg10 : memref<16384xf32, #tpu.memory_space<vmem>>) target_semaphore(%run_scoped3A : memref<!tpu.dma_semaphore, #tpu.memory_space<semaphore_mem>>)
            %dma_wait3A = tpu.memref_slice %arg3[%add3A_48, %add3A_44] : memref<32x1048576xf32, #tpu.memory_space<hbm>> -> memref<1x16384xf32, #tpu.memory_space<hbm>>
            %dma_wait3A_56 = tpu.memref_squeeze %dma_wait3A : memref<1x16384xf32, #tpu.memory_space<hbm>> -> memref<16384xf32, #tpu.memory_space<hbm>>
            %dma_wait3A_57 = tpu.memref_slice %arg3[%add3A_48, %add3A_44] : memref<32x1048576xf32, #tpu.memory_space<hbm>> -> memref<1x16384xf32, #tpu.memory_space<hbm>>
            %dma_wait3A_58 = tpu.memref_squeeze %dma_wait3A_57 : memref<1x16384xf32, #tpu.memory_space<hbm>> -> memref<16384xf32, #tpu.memory_space<hbm>>
            tpu.wait_dma2 semaphore(%run_scoped3A : memref<!tpu.dma_semaphore, #tpu.memory_space<semaphore_mem>>) src(%dma_wait3A_58 : memref<16384xf32, #tpu.memory_space<hbm>>) dst(%arg10 : memref<16384xf32, #tpu.memory_space<vmem>>)
            tpu.yield
          }) : () -> ()
          "tpu.region"() ({
            %run_scoped3A = tpu.sem_alloc : memref<!tpu.dma_semaphore, #tpu.memory_space<semaphore_mem>>
            %dma_start3A = arith.constant 0 : i32
            %dma_start3A_53 = tpu.memref_slice %arg6[%dma_start3A] : memref<262144xf32, #tpu.memory_space<vmem_shared>> -> memref<262144xf32, #tpu.memory_space<vmem_shared>>
            tpu.enqueue_indirect_dma source(%arg10 : memref<16384xf32, #tpu.memory_space<vmem>>) target(%dma_start3A_53 : memref<262144xf32, #tpu.memory_space<vmem_shared>>) offsets(%arg9 : memref<16384xi32, #tpu.memory_space<vmem>>) semaphore(%run_scoped3A : memref<!tpu.dma_semaphore, #tpu.memory_space<semaphore_mem>>) {add = true}
            %dma_wait3A = arith.constant 0 : i32
            %dma_wait3A_54 = tpu.memref_slice %arg6[%dma_wait3A] : memref<262144xf32, #tpu.memory_space<vmem_shared>> -> memref<262144xf32, #tpu.memory_space<vmem_shared>>
            tpu.wait_indirect_dma semaphore(%run_scoped3A : memref<!tpu.dma_semaphore, #tpu.memory_space<semaphore_mem>>) src(%arg10 : memref<16384xf32, #tpu.memory_space<vmem>>) dst(%dma_wait3A_54 : memref<262144xf32, #tpu.memory_space<vmem_shared>>)
            tpu.yield
          }) : () -> ()
          %add3A_49 = arith.constant 2 : i32
          %add3A_50 = arith.addi %add3A, %add3A_49 : i32
          "tpu.region"() ({
            %run_scoped3A = tpu.sem_alloc : memref<!tpu.dma_semaphore, #tpu.memory_space<semaphore_mem>>
            %dma_start3A = tpu.memref_slice %arg3[%add3A_50, %add3A_44] : memref<32x1048576xf32, #tpu.memory_space<hbm>> -> memref<1x16384xf32, #tpu.memory_space<hbm>>
            %dma_start3A_53 = tpu.memref_squeeze %dma_start3A : memref<1x16384xf32, #tpu.memory_space<hbm>> -> memref<16384xf32, #tpu.memory_space<hbm>>
            %dma_start3A_54 = tpu.memref_slice %arg3[%add3A_50, %add3A_44] : memref<32x1048576xf32, #tpu.memory_space<hbm>> -> memref<1x16384xf32, #tpu.memory_space<hbm>>
            %dma_start3A_55 = tpu.memref_squeeze %dma_start3A_54 : memref<1x16384xf32, #tpu.memory_space<hbm>> -> memref<16384xf32, #tpu.memory_space<hbm>>
            tpu.enqueue_dma source(%dma_start3A_55 : memref<16384xf32, #tpu.memory_space<hbm>>) target(%arg10 : memref<16384xf32, #tpu.memory_space<vmem>>) target_semaphore(%run_scoped3A : memref<!tpu.dma_semaphore, #tpu.memory_space<semaphore_mem>>)
            %dma_wait3A = tpu.memref_slice %arg3[%add3A_50, %add3A_44] : memref<32x1048576xf32, #tpu.memory_space<hbm>> -> memref<1x16384xf32, #tpu.memory_space<hbm>>
            %dma_wait3A_56 = tpu.memref_squeeze %dma_wait3A : memref<1x16384xf32, #tpu.memory_space<hbm>> -> memref<16384xf32, #tpu.memory_space<hbm>>
            %dma_wait3A_57 = tpu.memref_slice %arg3[%add3A_50, %add3A_44] : memref<32x1048576xf32, #tpu.memory_space<hbm>> -> memref<1x16384xf32, #tpu.memory_space<hbm>>
            %dma_wait3A_58 = tpu.memref_squeeze %dma_wait3A_57 : memref<1x16384xf32, #tpu.memory_space<hbm>> -> memref<16384xf32, #tpu.memory_space<hbm>>
            tpu.wait_dma2 semaphore(%run_scoped3A : memref<!tpu.dma_semaphore, #tpu.memory_space<semaphore_mem>>) src(%dma_wait3A_58 : memref<16384xf32, #tpu.memory_space<hbm>>) dst(%arg10 : memref<16384xf32, #tpu.memory_space<vmem>>)
            tpu.yield
          }) : () -> ()
          "tpu.region"() ({
            %run_scoped3A = tpu.sem_alloc : memref<!tpu.dma_semaphore, #tpu.memory_space<semaphore_mem>>
            %dma_start3A = arith.constant 0 : i32
            %dma_start3A_53 = tpu.memref_slice %arg7[%dma_start3A] : memref<262144xf32, #tpu.memory_space<vmem_shared>> -> memref<262144xf32, #tpu.memory_space<vmem_shared>>
            tpu.enqueue_indirect_dma source(%arg10 : memref<16384xf32, #tpu.memory_space<vmem>>) target(%dma_start3A_53 : memref<262144xf32, #tpu.memory_space<vmem_shared>>) offsets(%arg9 : memref<16384xi32, #tpu.memory_space<vmem>>) semaphore(%run_scoped3A : memref<!tpu.dma_semaphore, #tpu.memory_space<semaphore_mem>>) {add = true}
            %dma_wait3A = arith.constant 0 : i32
            %dma_wait3A_54 = tpu.memref_slice %arg7[%dma_wait3A] : memref<262144xf32, #tpu.memory_space<vmem_shared>> -> memref<262144xf32, #tpu.memory_space<vmem_shared>>
            tpu.wait_indirect_dma semaphore(%run_scoped3A : memref<!tpu.dma_semaphore, #tpu.memory_space<semaphore_mem>>) src(%arg10 : memref<16384xf32, #tpu.memory_space<vmem>>) dst(%dma_wait3A_54 : memref<262144xf32, #tpu.memory_space<vmem_shared>>)
            tpu.yield
          }) : () -> ()
          %add3A_51 = arith.constant 3 : i32
          %add3A_52 = arith.addi %add3A, %add3A_51 : i32
          "tpu.region"() ({
            %run_scoped3A = tpu.sem_alloc : memref<!tpu.dma_semaphore, #tpu.memory_space<semaphore_mem>>
            %dma_start3A = tpu.memref_slice %arg3[%add3A_52, %add3A_44] : memref<32x1048576xf32, #tpu.memory_space<hbm>> -> memref<1x16384xf32, #tpu.memory_space<hbm>>
            %dma_start3A_53 = tpu.memref_squeeze %dma_start3A : memref<1x16384xf32, #tpu.memory_space<hbm>> -> memref<16384xf32, #tpu.memory_space<hbm>>
            %dma_start3A_54 = tpu.memref_slice %arg3[%add3A_52, %add3A_44] : memref<32x1048576xf32, #tpu.memory_space<hbm>> -> memref<1x16384xf32, #tpu.memory_space<hbm>>
            %dma_start3A_55 = tpu.memref_squeeze %dma_start3A_54 : memref<1x16384xf32, #tpu.memory_space<hbm>> -> memref<16384xf32, #tpu.memory_space<hbm>>
            tpu.enqueue_dma source(%dma_start3A_55 : memref<16384xf32, #tpu.memory_space<hbm>>) target(%arg10 : memref<16384xf32, #tpu.memory_space<vmem>>) target_semaphore(%run_scoped3A : memref<!tpu.dma_semaphore, #tpu.memory_space<semaphore_mem>>)
            %dma_wait3A = tpu.memref_slice %arg3[%add3A_52, %add3A_44] : memref<32x1048576xf32, #tpu.memory_space<hbm>> -> memref<1x16384xf32, #tpu.memory_space<hbm>>
            %dma_wait3A_56 = tpu.memref_squeeze %dma_wait3A : memref<1x16384xf32, #tpu.memory_space<hbm>> -> memref<16384xf32, #tpu.memory_space<hbm>>
            %dma_wait3A_57 = tpu.memref_slice %arg3[%add3A_52, %add3A_44] : memref<32x1048576xf32, #tpu.memory_space<hbm>> -> memref<1x16384xf32, #tpu.memory_space<hbm>>
            %dma_wait3A_58 = tpu.memref_squeeze %dma_wait3A_57 : memref<1x16384xf32, #tpu.memory_space<hbm>> -> memref<16384xf32, #tpu.memory_space<hbm>>
            tpu.wait_dma2 semaphore(%run_scoped3A : memref<!tpu.dma_semaphore, #tpu.memory_space<semaphore_mem>>) src(%dma_wait3A_58 : memref<16384xf32, #tpu.memory_space<hbm>>) dst(%arg10 : memref<16384xf32, #tpu.memory_space<vmem>>)
            tpu.yield
          }) : () -> ()
          "tpu.region"() ({
            %run_scoped3A = tpu.sem_alloc : memref<!tpu.dma_semaphore, #tpu.memory_space<semaphore_mem>>
            %dma_start3A = arith.constant 0 : i32
            %dma_start3A_53 = tpu.memref_slice %arg8[%dma_start3A] : memref<262144xf32, #tpu.memory_space<vmem_shared>> -> memref<262144xf32, #tpu.memory_space<vmem_shared>>
            tpu.enqueue_indirect_dma source(%arg10 : memref<16384xf32, #tpu.memory_space<vmem>>) target(%dma_start3A_53 : memref<262144xf32, #tpu.memory_space<vmem_shared>>) offsets(%arg9 : memref<16384xi32, #tpu.memory_space<vmem>>) semaphore(%run_scoped3A : memref<!tpu.dma_semaphore, #tpu.memory_space<semaphore_mem>>) {add = true}
            %dma_wait3A = arith.constant 0 : i32
            %dma_wait3A_54 = tpu.memref_slice %arg8[%dma_wait3A] : memref<262144xf32, #tpu.memory_space<vmem_shared>> -> memref<262144xf32, #tpu.memory_space<vmem_shared>>
            tpu.wait_indirect_dma semaphore(%run_scoped3A : memref<!tpu.dma_semaphore, #tpu.memory_space<semaphore_mem>>) src(%arg10 : memref<16384xf32, #tpu.memory_space<vmem>>) dst(%dma_wait3A_54 : memref<262144xf32, #tpu.memory_space<vmem_shared>>)
            tpu.yield
          }) : () -> ()
        }
        %scan3A_38 = arith.constant 4 : i32
      } else {
      }
      %not3A = arith.constant true
      %not3A_19 = arith.xori %lt3A_17, %not3A : i1
      %convert_element_type3A_20 = arith.extui %not3A_19 : i1 to i32
      %cond3A_21 = arith.constant 0 : i32
      %cond3A_22 = arith.cmpi ne, %convert_element_type3A_20, %cond3A_21 : i32
      scf.if %cond3A_22 {
        %scan3A_33 = arith.constant 0 : i32
        %scan3A_34 = arith.constant 0 : i32
        %scan3A_35 = arith.constant 2 : i32
        %scan3A_36 = arith.addi %scan3A_34, %scan3A_35 : i32
        %scan3A_37 = arith.constant 1 : i32
        scf.for %scan3A_39 = %scan3A_34 to %scan3A_36 step %scan3A_37  : i32 {
          %mul3A_40 = arith.constant 524288 : i32
          %mul3A_41 = arith.muli %arg0, %mul3A_40 : i32
          %mul3A_42 = arith.constant 32768 : i32
          %mul3A_43 = arith.muli %arg1, %mul3A_42 : i32
          %add3A_44 = arith.addi %mul3A_41, %mul3A_43 : i32
          %mul3A_45 = arith.constant 16384 : i32
          %mul3A_46 = arith.muli %scan3A_39, %mul3A_45 : i32
          %add3A_47 = arith.addi %add3A_44, %mul3A_46 : i32
          "tpu.region"() ({
            %run_scoped3A = tpu.sem_alloc : memref<!tpu.dma_semaphore, #tpu.memory_space<semaphore_mem>>
            %dma_start3A = tpu.memref_slice %arg2[%add3A_47] : memref<1048576xi32, #tpu.memory_space<hbm>> -> memref<16384xi32, #tpu.memory_space<hbm>>
            %dma_start3A_48 = tpu.memref_slice %arg2[%add3A_47] : memref<1048576xi32, #tpu.memory_space<hbm>> -> memref<16384xi32, #tpu.memory_space<hbm>>
            tpu.enqueue_dma source(%dma_start3A_48 : memref<16384xi32, #tpu.memory_space<hbm>>) target(%arg9 : memref<16384xi32, #tpu.memory_space<vmem>>) target_semaphore(%run_scoped3A : memref<!tpu.dma_semaphore, #tpu.memory_space<semaphore_mem>>)
            %dma_wait3A = tpu.memref_slice %arg2[%add3A_47] : memref<1048576xi32, #tpu.memory_space<hbm>> -> memref<16384xi32, #tpu.memory_space<hbm>>
            %dma_wait3A_49 = tpu.memref_slice %arg2[%add3A_47] : memref<1048576xi32, #tpu.memory_space<hbm>> -> memref<16384xi32, #tpu.memory_space<hbm>>
            tpu.wait_dma2 semaphore(%run_scoped3A : memref<!tpu.dma_semaphore, #tpu.memory_space<semaphore_mem>>) src(%dma_wait3A_49 : memref<16384xi32, #tpu.memory_space<hbm>>) dst(%arg9 : memref<16384xi32, #tpu.memory_space<vmem>>)
            tpu.yield
          }) : () -> ()
          "tpu.region"() ({
            %run_scoped3A = tpu.sem_alloc : memref<!tpu.dma_semaphore, #tpu.memory_space<semaphore_mem>>
            %dma_start3A = arith.constant 0 : i32
            %dma_start3A_48 = tpu.memref_slice %arg5[%dma_start3A] : memref<262144xf32, #tpu.memory_space<vmem_shared>> -> memref<262144xf32, #tpu.memory_space<vmem_shared>>
            tpu.enqueue_indirect_dma source(%arg11 : memref<16384xf32, #tpu.memory_space<vmem>>) target(%dma_start3A_48 : memref<262144xf32, #tpu.memory_space<vmem_shared>>) offsets(%arg9 : memref<16384xi32, #tpu.memory_space<vmem>>) semaphore(%run_scoped3A : memref<!tpu.dma_semaphore, #tpu.memory_space<semaphore_mem>>) {add = true}
            %dma_wait3A = arith.constant 0 : i32
            %dma_wait3A_49 = tpu.memref_slice %arg5[%dma_wait3A] : memref<262144xf32, #tpu.memory_space<vmem_shared>> -> memref<262144xf32, #tpu.memory_space<vmem_shared>>
            tpu.wait_indirect_dma semaphore(%run_scoped3A : memref<!tpu.dma_semaphore, #tpu.memory_space<semaphore_mem>>) src(%arg11 : memref<16384xf32, #tpu.memory_space<vmem>>) dst(%dma_wait3A_49 : memref<262144xf32, #tpu.memory_space<vmem_shared>>)
            tpu.yield
          }) : () -> ()
        }
        %scan3A_38 = arith.constant 2 : i32
      } else {
      }
      %barrier3A_23 = arith.constant 0 : index
      tpu.barrier barrier_id(%barrier3A_23)
      %convert_element_type3A_24 = arith.extui %lt3A_17 : i1 to i32
      %cond3A_25 = arith.constant 0 : i32
      %cond3A_26 = arith.cmpi ne, %convert_element_type3A_24, %cond3A_25 : i32
      scf.if %cond3A_26 {
        %add3A_33 = arith.constant 0 : i32
        %add3A_34 = arith.addi %add3A, %add3A_33 : i32
        "tpu.region"() ({
          %run_scoped3A = tpu.sem_alloc : memref<!tpu.dma_semaphore, #tpu.memory_space<semaphore_mem>>
          %dma_start3A = tpu.memref_slice %arg4[%add3A_34, %mul3A_5] : memref<34x262144xf32, #tpu.memory_space<hbm>> -> memref<1x16384xf32, #tpu.memory_space<hbm>>
          %dma_start3A_41 = tpu.memref_squeeze %dma_start3A : memref<1x16384xf32, #tpu.memory_space<hbm>> -> memref<16384xf32, #tpu.memory_space<hbm>>
          %dma_start3A_42 = tpu.memref_slice %arg5[%mul3A_5] : memref<262144xf32, #tpu.memory_space<vmem_shared>> -> memref<16384xf32, #tpu.memory_space<vmem_shared>>
          tpu.enqueue_dma source(%dma_start3A_42 : memref<16384xf32, #tpu.memory_space<vmem_shared>>) target(%dma_start3A_41 : memref<16384xf32, #tpu.memory_space<hbm>>) target_semaphore(%run_scoped3A : memref<!tpu.dma_semaphore, #tpu.memory_space<semaphore_mem>>)
          %dma_wait3A = tpu.memref_slice %arg4[%add3A_34, %mul3A_5] : memref<34x262144xf32, #tpu.memory_space<hbm>> -> memref<1x16384xf32, #tpu.memory_space<hbm>>
          %dma_wait3A_43 = tpu.memref_squeeze %dma_wait3A : memref<1x16384xf32, #tpu.memory_space<hbm>> -> memref<16384xf32, #tpu.memory_space<hbm>>
          %dma_wait3A_44 = tpu.memref_slice %arg5[%mul3A_5] : memref<262144xf32, #tpu.memory_space<vmem_shared>> -> memref<16384xf32, #tpu.memory_space<vmem_shared>>
          tpu.wait_dma2 semaphore(%run_scoped3A : memref<!tpu.dma_semaphore, #tpu.memory_space<semaphore_mem>>) src(%dma_wait3A_44 : memref<16384xf32, #tpu.memory_space<vmem_shared>>) dst(%dma_wait3A_43 : memref<16384xf32, #tpu.memory_space<hbm>>)
          tpu.yield
        }) : () -> ()
        "tpu.region"() ({
          %run_scoped3A = tpu.sem_alloc : memref<!tpu.dma_semaphore, #tpu.memory_space<semaphore_mem>>
          %dma_start3A = tpu.memref_slice %arg5[%mul3A_5] : memref<262144xf32, #tpu.memory_space<vmem_shared>> -> memref<16384xf32, #tpu.memory_space<vmem_shared>>
          %dma_start3A_41 = tpu.memref_slice %arg5[%mul3A_5] : memref<262144xf32, #tpu.memory_space<vmem_shared>> -> memref<16384xf32, #tpu.memory_space<vmem_shared>>
          tpu.enqueue_dma source(%arg12 : memref<16384xf32, #tpu.memory_space<vmem>>) target(%dma_start3A_41 : memref<16384xf32, #tpu.memory_space<vmem_shared>>) target_semaphore(%run_scoped3A : memref<!tpu.dma_semaphore, #tpu.memory_space<semaphore_mem>>)
          %dma_wait3A = tpu.memref_slice %arg5[%mul3A_5] : memref<262144xf32, #tpu.memory_space<vmem_shared>> -> memref<16384xf32, #tpu.memory_space<vmem_shared>>
          %dma_wait3A_42 = tpu.memref_slice %arg5[%mul3A_5] : memref<262144xf32, #tpu.memory_space<vmem_shared>> -> memref<16384xf32, #tpu.memory_space<vmem_shared>>
          tpu.wait_dma2 semaphore(%run_scoped3A : memref<!tpu.dma_semaphore, #tpu.memory_space<semaphore_mem>>) src(%arg12 : memref<16384xf32, #tpu.memory_space<vmem>>) dst(%dma_wait3A_42 : memref<16384xf32, #tpu.memory_space<vmem_shared>>)
          tpu.yield
        }) : () -> ()
        %add3A_35 = arith.constant 1 : i32
        %add3A_36 = arith.addi %add3A, %add3A_35 : i32
        "tpu.region"() ({
          %run_scoped3A = tpu.sem_alloc : memref<!tpu.dma_semaphore, #tpu.memory_space<semaphore_mem>>
          %dma_start3A = tpu.memref_slice %arg4[%add3A_36, %mul3A_5] : memref<34x262144xf32, #tpu.memory_space<hbm>> -> memref<1x16384xf32, #tpu.memory_space<hbm>>
          %dma_start3A_41 = tpu.memref_squeeze %dma_start3A : memref<1x16384xf32, #tpu.memory_space<hbm>> -> memref<16384xf32, #tpu.memory_space<hbm>>
          %dma_start3A_42 = tpu.memref_slice %arg6[%mul3A_5] : memref<262144xf32, #tpu.memory_space<vmem_shared>> -> memref<16384xf32, #tpu.memory_space<vmem_shared>>
          tpu.enqueue_dma source(%dma_start3A_42 : memref<16384xf32, #tpu.memory_space<vmem_shared>>) target(%dma_start3A_41 : memref<16384xf32, #tpu.memory_space<hbm>>) target_semaphore(%run_scoped3A : memref<!tpu.dma_semaphore, #tpu.memory_space<semaphore_mem>>)
          %dma_wait3A = tpu.memref_slice %arg4[%add3A_36, %mul3A_5] : memref<34x262144xf32, #tpu.memory_space<hbm>> -> memref<1x16384xf32, #tpu.memory_space<hbm>>
          %dma_wait3A_43 = tpu.memref_squeeze %dma_wait3A : memref<1x16384xf32, #tpu.memory_space<hbm>> -> memref<16384xf32, #tpu.memory_space<hbm>>
          %dma_wait3A_44 = tpu.memref_slice %arg6[%mul3A_5] : memref<262144xf32, #tpu.memory_space<vmem_shared>> -> memref<16384xf32, #tpu.memory_space<vmem_shared>>
          tpu.wait_dma2 semaphore(%run_scoped3A : memref<!tpu.dma_semaphore, #tpu.memory_space<semaphore_mem>>) src(%dma_wait3A_44 : memref<16384xf32, #tpu.memory_space<vmem_shared>>) dst(%dma_wait3A_43 : memref<16384xf32, #tpu.memory_space<hbm>>)
          tpu.yield
        }) : () -> ()
        "tpu.region"() ({
          %run_scoped3A = tpu.sem_alloc : memref<!tpu.dma_semaphore, #tpu.memory_space<semaphore_mem>>
          %dma_start3A = tpu.memref_slice %arg6[%mul3A_5] : memref<262144xf32, #tpu.memory_space<vmem_shared>> -> memref<16384xf32, #tpu.memory_space<vmem_shared>>
          %dma_start3A_41 = tpu.memref_slice %arg6[%mul3A_5] : memref<262144xf32, #tpu.memory_space<vmem_shared>> -> memref<16384xf32, #tpu.memory_space<vmem_shared>>
          tpu.enqueue_dma source(%arg12 : memref<16384xf32, #tpu.memory_space<vmem>>) target(%dma_start3A_41 : memref<16384xf32, #tpu.memory_space<vmem_shared>>) target_semaphore(%run_scoped3A : memref<!tpu.dma_semaphore, #tpu.memory_space<semaphore_mem>>)
          %dma_wait3A = tpu.memref_slice %arg6[%mul3A_5] : memref<262144xf32, #tpu.memory_space<vmem_shared>> -> memref<16384xf32, #tpu.memory_space<vmem_shared>>
          %dma_wait3A_42 = tpu.memref_slice %arg6[%mul3A_5] : memref<262144xf32, #tpu.memory_space<vmem_shared>> -> memref<16384xf32, #tpu.memory_space<vmem_shared>>
          tpu.wait_dma2 semaphore(%run_scoped3A : memref<!tpu.dma_semaphore, #tpu.memory_space<semaphore_mem>>) src(%arg12 : memref<16384xf32, #tpu.memory_space<vmem>>) dst(%dma_wait3A_42 : memref<16384xf32, #tpu.memory_space<vmem_shared>>)
          tpu.yield
        }) : () -> ()
        %add3A_37 = arith.constant 2 : i32
        %add3A_38 = arith.addi %add3A, %add3A_37 : i32
        "tpu.region"() ({
          %run_scoped3A = tpu.sem_alloc : memref<!tpu.dma_semaphore, #tpu.memory_space<semaphore_mem>>
          %dma_start3A = tpu.memref_slice %arg4[%add3A_38, %mul3A_5] : memref<34x262144xf32, #tpu.memory_space<hbm>> -> memref<1x16384xf32, #tpu.memory_space<hbm>>
          %dma_start3A_41 = tpu.memref_squeeze %dma_start3A : memref<1x16384xf32, #tpu.memory_space<hbm>> -> memref<16384xf32, #tpu.memory_space<hbm>>
          %dma_start3A_42 = tpu.memref_slice %arg7[%mul3A_5] : memref<262144xf32, #tpu.memory_space<vmem_shared>> -> memref<16384xf32, #tpu.memory_space<vmem_shared>>
          tpu.enqueue_dma source(%dma_start3A_42 : memref<16384xf32, #tpu.memory_space<vmem_shared>>) target(%dma_start3A_41 : memref<16384xf32, #tpu.memory_space<hbm>>) target_semaphore(%run_scoped3A : memref<!tpu.dma_semaphore, #tpu.memory_space<semaphore_mem>>)
          %dma_wait3A = tpu.memref_slice %arg4[%add3A_38, %mul3A_5] : memref<34x262144xf32, #tpu.memory_space<hbm>> -> memref<1x16384xf32, #tpu.memory_space<hbm>>
          %dma_wait3A_43 = tpu.memref_squeeze %dma_wait3A : memref<1x16384xf32, #tpu.memory_space<hbm>> -> memref<16384xf32, #tpu.memory_space<hbm>>
          %dma_wait3A_44 = tpu.memref_slice %arg7[%mul3A_5] : memref<262144xf32, #tpu.memory_space<vmem_shared>> -> memref<16384xf32, #tpu.memory_space<vmem_shared>>
          tpu.wait_dma2 semaphore(%run_scoped3A : memref<!tpu.dma_semaphore, #tpu.memory_space<semaphore_mem>>) src(%dma_wait3A_44 : memref<16384xf32, #tpu.memory_space<vmem_shared>>) dst(%dma_wait3A_43 : memref<16384xf32, #tpu.memory_space<hbm>>)
          tpu.yield
        }) : () -> ()
        "tpu.region"() ({
          %run_scoped3A = tpu.sem_alloc : memref<!tpu.dma_semaphore, #tpu.memory_space<semaphore_mem>>
          %dma_start3A = tpu.memref_slice %arg7[%mul3A_5] : memref<262144xf32, #tpu.memory_space<vmem_shared>> -> memref<16384xf32, #tpu.memory_space<vmem_shared>>
          %dma_start3A_41 = tpu.memref_slice %arg7[%mul3A_5] : memref<262144xf32, #tpu.memory_space<vmem_shared>> -> memref<16384xf32, #tpu.memory_space<vmem_shared>>
          tpu.enqueue_dma source(%arg12 : memref<16384xf32, #tpu.memory_space<vmem>>) target(%dma_start3A_41 : memref<16384xf32, #tpu.memory_space<vmem_shared>>) target_semaphore(%run_scoped3A : memref<!tpu.dma_semaphore, #tpu.memory_space<semaphore_mem>>)
          %dma_wait3A = tpu.memref_slice %arg7[%mul3A_5] : memref<262144xf32, #tpu.memory_space<vmem_shared>> -> memref<16384xf32, #tpu.memory_space<vmem_shared>>
          %dma_wait3A_42 = tpu.memref_slice %arg7[%mul3A_5] : memref<262144xf32, #tpu.memory_space<vmem_shared>> -> memref<16384xf32, #tpu.memory_space<vmem_shared>>
          tpu.wait_dma2 semaphore(%run_scoped3A : memref<!tpu.dma_semaphore, #tpu.memory_space<semaphore_mem>>) src(%arg12 : memref<16384xf32, #tpu.memory_space<vmem>>) dst(%dma_wait3A_42 : memref<16384xf32, #tpu.memory_space<vmem_shared>>)
          tpu.yield
        }) : () -> ()
        %add3A_39 = arith.constant 3 : i32
        %add3A_40 = arith.addi %add3A, %add3A_39 : i32
        "tpu.region"() ({
          %run_scoped3A = tpu.sem_alloc : memref<!tpu.dma_semaphore, #tpu.memory_space<semaphore_mem>>
          %dma_start3A = tpu.memref_slice %arg4[%add3A_40, %mul3A_5] : memref<34x262144xf32, #tpu.memory_space<hbm>> -> memref<1x16384xf32, #tpu.memory_space<hbm>>
          %dma_start3A_41 = tpu.memref_squeeze %dma_start3A : memref<1x16384xf32, #tpu.memory_space<hbm>> -> memref<16384xf32, #tpu.memory_space<hbm>>
          %dma_start3A_42 = tpu.memref_slice %arg8[%mul3A_5] : memref<262144xf32, #tpu.memory_space<vmem_shared>> -> memref<16384xf32, #tpu.memory_space<vmem_shared>>
          tpu.enqueue_dma source(%dma_start3A_42 : memref<16384xf32, #tpu.memory_space<vmem_shared>>) target(%dma_start3A_41 : memref<16384xf32, #tpu.memory_space<hbm>>) target_semaphore(%run_scoped3A : memref<!tpu.dma_semaphore, #tpu.memory_space<semaphore_mem>>)
          %dma_wait3A = tpu.memref_slice %arg4[%add3A_40, %mul3A_5] : memref<34x262144xf32, #tpu.memory_space<hbm>> -> memref<1x16384xf32, #tpu.memory_space<hbm>>
          %dma_wait3A_43 = tpu.memref_squeeze %dma_wait3A : memref<1x16384xf32, #tpu.memory_space<hbm>> -> memref<16384xf32, #tpu.memory_space<hbm>>
          %dma_wait3A_44 = tpu.memref_slice %arg8[%mul3A_5] : memref<262144xf32, #tpu.memory_space<vmem_shared>> -> memref<16384xf32, #tpu.memory_space<vmem_shared>>
          tpu.wait_dma2 semaphore(%run_scoped3A : memref<!tpu.dma_semaphore, #tpu.memory_space<semaphore_mem>>) src(%dma_wait3A_44 : memref<16384xf32, #tpu.memory_space<vmem_shared>>) dst(%dma_wait3A_43 : memref<16384xf32, #tpu.memory_space<hbm>>)
          tpu.yield
        }) : () -> ()
        "tpu.region"() ({
          %run_scoped3A = tpu.sem_alloc : memref<!tpu.dma_semaphore, #tpu.memory_space<semaphore_mem>>
          %dma_start3A = tpu.memref_slice %arg8[%mul3A_5] : memref<262144xf32, #tpu.memory_space<vmem_shared>> -> memref<16384xf32, #tpu.memory_space<vmem_shared>>
          %dma_start3A_41 = tpu.memref_slice %arg8[%mul3A_5] : memref<262144xf32, #tpu.memory_space<vmem_shared>> -> memref<16384xf32, #tpu.memory_space<vmem_shared>>
          tpu.enqueue_dma source(%arg12 : memref<16384xf32, #tpu.memory_space<vmem>>) target(%dma_start3A_41 : memref<16384xf32, #tpu.memory_space<vmem_shared>>) target_semaphore(%run_scoped3A : memref<!tpu.dma_semaphore, #tpu.memory_space<semaphore_mem>>)
          %dma_wait3A = tpu.memref_slice %arg8[%mul3A_5] : memref<262144xf32, #tpu.memory_space<vmem_shared>> -> memref<16384xf32, #tpu.memory_space<vmem_shared>>
          %dma_wait3A_42 = tpu.memref_slice %arg8[%mul3A_5] : memref<262144xf32, #tpu.memory_space<vmem_shared>> -> memref<16384xf32, #tpu.memory_space<vmem_shared>>
          tpu.wait_dma2 semaphore(%run_scoped3A : memref<!tpu.dma_semaphore, #tpu.memory_space<semaphore_mem>>) src(%arg12 : memref<16384xf32, #tpu.memory_space<vmem>>) dst(%dma_wait3A_42 : memref<16384xf32, #tpu.memory_space<vmem_shared>>)
          tpu.yield
        }) : () -> ()
      } else {
      }
      %not3A_27 = arith.constant true
      %not3A_28 = arith.xori %lt3A_17, %not3A_27 : i1
      %convert_element_type3A_29 = arith.extui %not3A_28 : i1 to i32
      %cond3A_30 = arith.constant 0 : i32
      %cond3A_31 = arith.cmpi ne, %convert_element_type3A_29, %cond3A_30 : i32
      scf.if %cond3A_31 {
        %add3A_33 = arith.constant 32 : i32
        %add3A_34 = arith.addi %add3A_33, %arg0 : i32
        "tpu.region"() ({
          %run_scoped3A = tpu.sem_alloc : memref<!tpu.dma_semaphore, #tpu.memory_space<semaphore_mem>>
          %dma_start3A = tpu.memref_slice %arg4[%add3A_34, %mul3A_5] : memref<34x262144xf32, #tpu.memory_space<hbm>> -> memref<1x16384xf32, #tpu.memory_space<hbm>>
          %dma_start3A_35 = tpu.memref_squeeze %dma_start3A : memref<1x16384xf32, #tpu.memory_space<hbm>> -> memref<16384xf32, #tpu.memory_space<hbm>>
          %dma_start3A_36 = tpu.memref_slice %arg5[%mul3A_5] : memref<262144xf32, #tpu.memory_space<vmem_shared>> -> memref<16384xf32, #tpu.memory_space<vmem_shared>>
          tpu.enqueue_dma source(%dma_start3A_36 : memref<16384xf32, #tpu.memory_space<vmem_shared>>) target(%dma_start3A_35 : memref<16384xf32, #tpu.memory_space<hbm>>) target_semaphore(%run_scoped3A : memref<!tpu.dma_semaphore, #tpu.memory_space<semaphore_mem>>)
          %dma_wait3A = tpu.memref_slice %arg4[%add3A_34, %mul3A_5] : memref<34x262144xf32, #tpu.memory_space<hbm>> -> memref<1x16384xf32, #tpu.memory_space<hbm>>
          %dma_wait3A_37 = tpu.memref_squeeze %dma_wait3A : memref<1x16384xf32, #tpu.memory_space<hbm>> -> memref<16384xf32, #tpu.memory_space<hbm>>
          %dma_wait3A_38 = tpu.memref_slice %arg5[%mul3A_5] : memref<262144xf32, #tpu.memory_space<vmem_shared>> -> memref<16384xf32, #tpu.memory_space<vmem_shared>>
          tpu.wait_dma2 semaphore(%run_scoped3A : memref<!tpu.dma_semaphore, #tpu.memory_space<semaphore_mem>>) src(%dma_wait3A_38 : memref<16384xf32, #tpu.memory_space<vmem_shared>>) dst(%dma_wait3A_37 : memref<16384xf32, #tpu.memory_space<hbm>>)
          tpu.yield
        }) : () -> ()
        "tpu.region"() ({
          %run_scoped3A = tpu.sem_alloc : memref<!tpu.dma_semaphore, #tpu.memory_space<semaphore_mem>>
          %dma_start3A = tpu.memref_slice %arg5[%mul3A_5] : memref<262144xf32, #tpu.memory_space<vmem_shared>> -> memref<16384xf32, #tpu.memory_space<vmem_shared>>
          %dma_start3A_35 = tpu.memref_slice %arg5[%mul3A_5] : memref<262144xf32, #tpu.memory_space<vmem_shared>> -> memref<16384xf32, #tpu.memory_space<vmem_shared>>
          tpu.enqueue_dma source(%arg12 : memref<16384xf32, #tpu.memory_space<vmem>>) target(%dma_start3A_35 : memref<16384xf32, #tpu.memory_space<vmem_shared>>) target_semaphore(%run_scoped3A : memref<!tpu.dma_semaphore, #tpu.memory_space<semaphore_mem>>)
          %dma_wait3A = tpu.memref_slice %arg5[%mul3A_5] : memref<262144xf32, #tpu.memory_space<vmem_shared>> -> memref<16384xf32, #tpu.memory_space<vmem_shared>>
          %dma_wait3A_36 = tpu.memref_slice %arg5[%mul3A_5] : memref<262144xf32, #tpu.memory_space<vmem_shared>> -> memref<16384xf32, #tpu.memory_space<vmem_shared>>
          tpu.wait_dma2 semaphore(%run_scoped3A : memref<!tpu.dma_semaphore, #tpu.memory_space<semaphore_mem>>) src(%arg12 : memref<16384xf32, #tpu.memory_space<vmem>>) dst(%dma_wait3A_36 : memref<16384xf32, #tpu.memory_space<vmem_shared>>)
          tpu.yield
        }) : () -> ()
      } else {
      }
      %barrier3A_32 = arith.constant 0 : index
      tpu.barrier barrier_id(%barrier3A_32)
    }
    %scan3A_11 = arith.constant 5 : i32
    return
  }
}

#map = affine_map<(d0, d1) -> (0)>
#map1 = affine_map<(d0, d1) -> (0, 0)>
module attributes {stable_mosaic.version = 14 : i64} {
  func.func @_scatter_body(%arg0: i32, %arg1: i32, %arg2: memref<1048576xi32, #tpu.memory_space<hbm>>, %arg3: memref<32x1048576xf32, #tpu.memory_space<hbm>>, %arg4: memref<34x262144xf32, #tpu.memory_space<hbm>>, %arg5: memref<262144xf32, #tpu.memory_space<vmem_shared>>, %arg6: memref<262144xf32, #tpu.memory_space<vmem_shared>>, %arg7: memref<262144xf32, #tpu.memory_space<vmem_shared>>, %arg8: memref<262144xf32, #tpu.memory_space<vmem_shared>>, %arg9: memref<16384xi32, #tpu.memory_space<vmem>>, %arg10: memref<16384xf32, #tpu.memory_space<vmem>>, %arg11: memref<16384xf32, #tpu.memory_space<vmem>>, %arg12: memref<16384xf32, #tpu.memory_space<vmem>>) attributes {dimension_semantics = [#tpu.dimension_semantics<core_parallel>, #tpu.dimension_semantics<subcore_parallel>], iteration_bounds = array<i64: 2, 16>, scalar_prefetch = 0 : i64, scratch_operands = 8 : i64, tpu.core_type = #tpu.core_type<sc_vector_subcore>, window_params = [{transform_indices = #map}, {transform_indices = #map1}, {transform_indices = #map1}]} {
    %scan3A = arith.constant 0 : i32
    %scan3A_0 = arith.constant 0 : i32
    %scan3A_1 = arith.constant 1024 : i32
    %scan3A_2 = arith.addi %scan3A_0, %scan3A_1 : i32
    %scan3A_3 = arith.constant 1 : i32
    scf.for %scan3A_12 = %scan3A_0 to %scan3A_2 step %scan3A_3  : i32 {
      %broadcast_in_dim3A = arith.constant 1.000000e+00 : f32
      %broadcast_in_dim3A_13 = vector.broadcast %broadcast_in_dim3A : f32 to vector<16xf32>
      %mul3A_14 = arith.constant 16 : i32
      %mul3A_15 = arith.muli %scan3A_12, %mul3A_14 : i32
      %swap3A = arith.index_cast %mul3A_15 : i32 to index
      %swap3A_16 = tpu.vector_load %arg11[%swap3A] {strides = array<i32>} : memref<16384xf32, #tpu.memory_space<vmem>>, vector<16xf32>,
      %swap3A_17 = vector.shape_cast %swap3A_16 : vector<16xf32> to vector<16xf32>
      %swap3A_18 = vector.shape_cast %broadcast_in_dim3A_13 : vector<16xf32> to vector<16xf32>
      tpu.vector_store %arg11[%swap3A], %swap3A_18 {strides = array<i32>} : memref<16384xf32, #tpu.memory_space<vmem>>, vector<16xf32>,
      %broadcast_in_dim3A_19 = arith.constant 0.000000e+00 : f32
      %broadcast_in_dim3A_20 = vector.broadcast %broadcast_in_dim3A_19 : f32 to vector<16xf32>
      %mul3A_21 = arith.constant 16 : i32
      %mul3A_22 = arith.muli %scan3A_12, %mul3A_21 : i32
      %swap3A_23 = arith.index_cast %mul3A_22 : i32 to index
      %swap3A_24 = tpu.vector_load %arg12[%swap3A_23] {strides = array<i32>} : memref<16384xf32, #tpu.memory_space<vmem>>, vector<16xf32>,
      %swap3A_25 = vector.shape_cast %swap3A_24 : vector<16xf32> to vector<16xf32>
      %swap3A_26 = vector.shape_cast %broadcast_in_dim3A_20 : vector<16xf32> to vector<16xf32>
      tpu.vector_store %arg12[%swap3A_23], %swap3A_26 {strides = array<i32>} : memref<16384xf32, #tpu.memory_space<vmem>>, vector<16xf32>,
    }
    %scan3A_4 = arith.constant 1024 : i32
    %mul3A = arith.constant 16384 : i32
    %mul3A_5 = arith.muli %arg1, %mul3A : i32
    "tpu.region"() ({
      %run_scoped3A = tpu.sem_alloc : memref<!tpu.dma_semaphore, #tpu.memory_space<semaphore_mem>>
      %dma_start3A = tpu.memref_slice %arg5[%mul3A_5] : memref<262144xf32, #tpu.memory_space<vmem_shared>> -> memref<16384xf32, #tpu.memory_space<vmem_shared>>
      %dma_start3A_12 = tpu.memref_slice %arg5[%mul3A_5] : memref<262144xf32, #tpu.memory_space<vmem_shared>> -> memref<16384xf32, #tpu.memory_space<vmem_shared>>
      tpu.enqueue_dma source(%arg12 : memref<16384xf32, #tpu.memory_space<vmem>>) target(%dma_start3A_12 : memref<16384xf32, #tpu.memory_space<vmem_shared>>) target_semaphore(%run_scoped3A : memref<!tpu.dma_semaphore, #tpu.memory_space<semaphore_mem>>)
      %dma_wait3A = tpu.memref_slice %arg5[%mul3A_5] : memref<262144xf32, #tpu.memory_space<vmem_shared>> -> memref<16384xf32, #tpu.memory_space<vmem_shared>>
      %dma_wait3A_13 = tpu.memref_slice %arg5[%mul3A_5] : memref<262144xf32, #tpu.memory_space<vmem_shared>> -> memref<16384xf32, #tpu.memory_space<vmem_shared>>
      tpu.wait_dma2 semaphore(%run_scoped3A : memref<!tpu.dma_semaphore, #tpu.memory_space<semaphore_mem>>) src(%arg12 : memref<16384xf32, #tpu.memory_space<vmem>>) dst(%dma_wait3A_13 : memref<16384xf32, #tpu.memory_space<vmem_shared>>)
      tpu.yield
    }) : () -> ()
    "tpu.region"() ({
      %run_scoped3A = tpu.sem_alloc : memref<!tpu.dma_semaphore, #tpu.memory_space<semaphore_mem>>
      %dma_start3A = tpu.memref_slice %arg6[%mul3A_5] : memref<262144xf32, #tpu.memory_space<vmem_shared>> -> memref<16384xf32, #tpu.memory_space<vmem_shared>>
      %dma_start3A_12 = tpu.memref_slice %arg6[%mul3A_5] : memref<262144xf32, #tpu.memory_space<vmem_shared>> -> memref<16384xf32, #tpu.memory_space<vmem_shared>>
      tpu.enqueue_dma source(%arg12 : memref<16384xf32, #tpu.memory_space<vmem>>) target(%dma_start3A_12 : memref<16384xf32, #tpu.memory_space<vmem_shared>>) target_semaphore(%run_scoped3A : memref<!tpu.dma_semaphore, #tpu.memory_space<semaphore_mem>>)
      %dma_wait3A = tpu.memref_slice %arg6[%mul3A_5] : memref<262144xf32, #tpu.memory_space<vmem_shared>> -> memref<16384xf32, #tpu.memory_space<vmem_shared>>
      %dma_wait3A_13 = tpu.memref_slice %arg6[%mul3A_5] : memref<262144xf32, #tpu.memory_space<vmem_shared>> -> memref<16384xf32, #tpu.memory_space<vmem_shared>>
      tpu.wait_dma2 semaphore(%run_scoped3A : memref<!tpu.dma_semaphore, #tpu.memory_space<semaphore_mem>>) src(%arg12 : memref<16384xf32, #tpu.memory_space<vmem>>) dst(%dma_wait3A_13 : memref<16384xf32, #tpu.memory_space<vmem_shared>>)
      tpu.yield
    }) : () -> ()
    "tpu.region"() ({
      %run_scoped3A = tpu.sem_alloc : memref<!tpu.dma_semaphore, #tpu.memory_space<semaphore_mem>>
      %dma_start3A = tpu.memref_slice %arg7[%mul3A_5] : memref<262144xf32, #tpu.memory_space<vmem_shared>> -> memref<16384xf32, #tpu.memory_space<vmem_shared>>
      %dma_start3A_12 = tpu.memref_slice %arg7[%mul3A_5] : memref<262144xf32, #tpu.memory_space<vmem_shared>> -> memref<16384xf32, #tpu.memory_space<vmem_shared>>
      tpu.enqueue_dma source(%arg12 : memref<16384xf32, #tpu.memory_space<vmem>>) target(%dma_start3A_12 : memref<16384xf32, #tpu.memory_space<vmem_shared>>) target_semaphore(%run_scoped3A : memref<!tpu.dma_semaphore, #tpu.memory_space<semaphore_mem>>)
      %dma_wait3A = tpu.memref_slice %arg7[%mul3A_5] : memref<262144xf32, #tpu.memory_space<vmem_shared>> -> memref<16384xf32, #tpu.memory_space<vmem_shared>>
      %dma_wait3A_13 = tpu.memref_slice %arg7[%mul3A_5] : memref<262144xf32, #tpu.memory_space<vmem_shared>> -> memref<16384xf32, #tpu.memory_space<vmem_shared>>
      tpu.wait_dma2 semaphore(%run_scoped3A : memref<!tpu.dma_semaphore, #tpu.memory_space<semaphore_mem>>) src(%arg12 : memref<16384xf32, #tpu.memory_space<vmem>>) dst(%dma_wait3A_13 : memref<16384xf32, #tpu.memory_space<vmem_shared>>)
      tpu.yield
    }) : () -> ()
    "tpu.region"() ({
      %run_scoped3A = tpu.sem_alloc : memref<!tpu.dma_semaphore, #tpu.memory_space<semaphore_mem>>
      %dma_start3A = tpu.memref_slice %arg8[%mul3A_5] : memref<262144xf32, #tpu.memory_space<vmem_shared>> -> memref<16384xf32, #tpu.memory_space<vmem_shared>>
      %dma_start3A_12 = tpu.memref_slice %arg8[%mul3A_5] : memref<262144xf32, #tpu.memory_space<vmem_shared>> -> memref<16384xf32, #tpu.memory_space<vmem_shared>>
      tpu.enqueue_dma source(%arg12 : memref<16384xf32, #tpu.memory_space<vmem>>) target(%dma_start3A_12 : memref<16384xf32, #tpu.memory_space<vmem_shared>>) target_semaphore(%run_scoped3A : memref<!tpu.dma_semaphore, #tpu.memory_space<semaphore_mem>>)
      %dma_wait3A = tpu.memref_slice %arg8[%mul3A_5] : memref<262144xf32, #tpu.memory_space<vmem_shared>> -> memref<16384xf32, #tpu.memory_space<vmem_shared>>
      %dma_wait3A_13 = tpu.memref_slice %arg8[%mul3A_5] : memref<262144xf32, #tpu.memory_space<vmem_shared>> -> memref<16384xf32, #tpu.memory_space<vmem_shared>>
      tpu.wait_dma2 semaphore(%run_scoped3A : memref<!tpu.dma_semaphore, #tpu.memory_space<semaphore_mem>>) src(%arg12 : memref<16384xf32, #tpu.memory_space<vmem>>) dst(%dma_wait3A_13 : memref<16384xf32, #tpu.memory_space<vmem_shared>>)
      tpu.yield
    }) : () -> ()
    %barrier3A = arith.constant 0 : index
    tpu.barrier barrier_id(%barrier3A)
    %scan3A_6 = arith.constant 0 : i32
    %scan3A_7 = arith.constant 0 : i32
    %scan3A_8 = arith.constant 5 : i32
    %scan3A_9 = arith.addi %scan3A_7, %scan3A_8 : i32
    %scan3A_10 = arith.constant 1 : i32
    scf.for %scan3A_12 = %scan3A_7 to %scan3A_9 step %scan3A_10  : i32 {
      %mul3A_13 = arith.constant 16 : i32
      %mul3A_14 = arith.muli %arg0, %mul3A_13 : i32
      %mul3A_15 = arith.constant 4 : i32
      %mul3A_16 = arith.muli %scan3A_12, %mul3A_15 : i32
      %add3A = arith.addi %mul3A_14, %mul3A_16 : i32
      %lt3A = arith.constant 4 : i32
      %lt3A_17 = arith.cmpi slt, %scan3A_12, %lt3A : i32
      %convert_element_type3A = arith.extui %lt3A_17 : i1 to i32
      %cond3A = arith.constant 0 : i32
      %cond3A_18 = arith.cmpi ne, %convert_element_type3A, %cond3A : i32
      scf.if %cond3A_18 {
        %scan3A_33 = arith.constant 0 : i32
        %scan3A_34 = arith.constant 0 : i32
        %scan3A_35 = arith.constant 4 : i32
        %scan3A_36 = arith.addi %scan3A_34, %scan3A_35 : i32
        %scan3A_37 = arith.constant 1 : i32
        scf.for %scan3A_39 = %scan3A_34 to %scan3A_36 step %scan3A_37  : i32 {
          %mul3A_40 = arith.constant 65536 : i32
          %mul3A_41 = arith.muli %arg1, %mul3A_40 : i32
          %mul3A_42 = arith.constant 16384 : i32
          %mul3A_43 = arith.muli %scan3A_39, %mul3A_42 : i32
          %add3A_44 = arith.addi %mul3A_41, %mul3A_43 : i32
          "tpu.region"() ({
            %run_scoped3A = tpu.sem_alloc : memref<!tpu.dma_semaphore, #tpu.memory_space<semaphore_mem>>
            %dma_start3A = tpu.memref_slice %arg2[%add3A_44] : memref<1048576xi32, #tpu.memory_space<hbm>> -> memref<16384xi32, #tpu.memory_space<hbm>>
            %dma_start3A_53 = tpu.memref_slice %arg2[%add3A_44] : memref<1048576xi32, #tpu.memory_space<hbm>> -> memref<16384xi32, #tpu.memory_space<hbm>>
            tpu.enqueue_dma source(%dma_start3A_53 : memref<16384xi32, #tpu.memory_space<hbm>>) target(%arg9 : memref<16384xi32, #tpu.memory_space<vmem>>) target_semaphore(%run_scoped3A : memref<!tpu.dma_semaphore, #tpu.memory_space<semaphore_mem>>)
            %dma_wait3A = tpu.memref_slice %arg2[%add3A_44] : memref<1048576xi32, #tpu.memory_space<hbm>> -> memref<16384xi32, #tpu.memory_space<hbm>>
            %dma_wait3A_54 = tpu.memref_slice %arg2[%add3A_44] : memref<1048576xi32, #tpu.memory_space<hbm>> -> memref<16384xi32, #tpu.memory_space<hbm>>
            tpu.wait_dma2 semaphore(%run_scoped3A : memref<!tpu.dma_semaphore, #tpu.memory_space<semaphore_mem>>) src(%dma_wait3A_54 : memref<16384xi32, #tpu.memory_space<hbm>>) dst(%arg9 : memref<16384xi32, #tpu.memory_space<vmem>>)
            tpu.yield
          }) : () -> ()
          %add3A_45 = arith.constant 0 : i32
          %add3A_46 = arith.addi %add3A, %add3A_45 : i32
          "tpu.region"() ({
            %run_scoped3A = tpu.sem_alloc : memref<!tpu.dma_semaphore, #tpu.memory_space<semaphore_mem>>
            %dma_start3A = tpu.memref_slice %arg3[%add3A_46, %add3A_44] : memref<32x1048576xf32, #tpu.memory_space<hbm>> -> memref<1x16384xf32, #tpu.memory_space<hbm>>
            %dma_start3A_53 = tpu.memref_squeeze %dma_start3A : memref<1x16384xf32, #tpu.memory_space<hbm>> -> memref<16384xf32, #tpu.memory_space<hbm>>
            %dma_start3A_54 = tpu.memref_slice %arg3[%add3A_46, %add3A_44] : memref<32x1048576xf32, #tpu.memory_space<hbm>> -> memref<1x16384xf32, #tpu.memory_space<hbm>>
            %dma_start3A_55 = tpu.memref_squeeze %dma_start3A_54 : memref<1x16384xf32, #tpu.memory_space<hbm>> -> memref<16384xf32, #tpu.memory_space<hbm>>
            tpu.enqueue_dma source(%dma_start3A_55 : memref<16384xf32, #tpu.memory_space<hbm>>) target(%arg10 : memref<16384xf32, #tpu.memory_space<vmem>>) target_semaphore(%run_scoped3A : memref<!tpu.dma_semaphore, #tpu.memory_space<semaphore_mem>>)
            %dma_wait3A = tpu.memref_slice %arg3[%add3A_46, %add3A_44] : memref<32x1048576xf32, #tpu.memory_space<hbm>> -> memref<1x16384xf32, #tpu.memory_space<hbm>>
            %dma_wait3A_56 = tpu.memref_squeeze %dma_wait3A : memref<1x16384xf32, #tpu.memory_space<hbm>> -> memref<16384xf32, #tpu.memory_space<hbm>>
            %dma_wait3A_57 = tpu.memref_slice %arg3[%add3A_46, %add3A_44] : memref<32x1048576xf32, #tpu.memory_space<hbm>> -> memref<1x16384xf32, #tpu.memory_space<hbm>>
            %dma_wait3A_58 = tpu.memref_squeeze %dma_wait3A_57 : memref<1x16384xf32, #tpu.memory_space<hbm>> -> memref<16384xf32, #tpu.memory_space<hbm>>
            tpu.wait_dma2 semaphore(%run_scoped3A : memref<!tpu.dma_semaphore, #tpu.memory_space<semaphore_mem>>) src(%dma_wait3A_58 : memref<16384xf32, #tpu.memory_space<hbm>>) dst(%arg10 : memref<16384xf32, #tpu.memory_space<vmem>>)
            tpu.yield
          }) : () -> ()
          "tpu.region"() ({
            %run_scoped3A = tpu.sem_alloc : memref<!tpu.dma_semaphore, #tpu.memory_space<semaphore_mem>>
            %dma_start3A = arith.constant 0 : i32
            %dma_start3A_53 = tpu.memref_slice %arg5[%dma_start3A] : memref<262144xf32, #tpu.memory_space<vmem_shared>> -> memref<262144xf32, #tpu.memory_space<vmem_shared>>
            tpu.enqueue_indirect_dma source(%arg10 : memref<16384xf32, #tpu.memory_space<vmem>>) target(%dma_start3A_53 : memref<262144xf32, #tpu.memory_space<vmem_shared>>) offsets(%arg9 : memref<16384xi32, #tpu.memory_space<vmem>>) semaphore(%run_scoped3A : memref<!tpu.dma_semaphore, #tpu.memory_space<semaphore_mem>>) {add = true}
            %dma_wait3A = arith.constant 0 : i32
            %dma_wait3A_54 = tpu.memref_slice %arg5[%dma_wait3A] : memref<262144xf32, #tpu.memory_space<vmem_shared>> -> memref<262144xf32, #tpu.memory_space<vmem_shared>>
            tpu.wait_indirect_dma semaphore(%run_scoped3A : memref<!tpu.dma_semaphore, #tpu.memory_space<semaphore_mem>>) src(%arg10 : memref<16384xf32, #tpu.memory_space<vmem>>) dst(%dma_wait3A_54 : memref<262144xf32, #tpu.memory_space<vmem_shared>>)
            tpu.yield
          }) : () -> ()
          %add3A_47 = arith.constant 1 : i32
          %add3A_48 = arith.addi %add3A, %add3A_47 : i32
          "tpu.region"() ({
            %run_scoped3A = tpu.sem_alloc : memref<!tpu.dma_semaphore, #tpu.memory_space<semaphore_mem>>
            %dma_start3A = tpu.memref_slice %arg3[%add3A_48, %add3A_44] : memref<32x1048576xf32, #tpu.memory_space<hbm>> -> memref<1x16384xf32, #tpu.memory_space<hbm>>
            %dma_start3A_53 = tpu.memref_squeeze %dma_start3A : memref<1x16384xf32, #tpu.memory_space<hbm>> -> memref<16384xf32, #tpu.memory_space<hbm>>
            %dma_start3A_54 = tpu.memref_slice %arg3[%add3A_48, %add3A_44] : memref<32x1048576xf32, #tpu.memory_space<hbm>> -> memref<1x16384xf32, #tpu.memory_space<hbm>>
            %dma_start3A_55 = tpu.memref_squeeze %dma_start3A_54 : memref<1x16384xf32, #tpu.memory_space<hbm>> -> memref<16384xf32, #tpu.memory_space<hbm>>
            tpu.enqueue_dma source(%dma_start3A_55 : memref<16384xf32, #tpu.memory_space<hbm>>) target(%arg10 : memref<16384xf32, #tpu.memory_space<vmem>>) target_semaphore(%run_scoped3A : memref<!tpu.dma_semaphore, #tpu.memory_space<semaphore_mem>>)
            %dma_wait3A = tpu.memref_slice %arg3[%add3A_48, %add3A_44] : memref<32x1048576xf32, #tpu.memory_space<hbm>> -> memref<1x16384xf32, #tpu.memory_space<hbm>>
            %dma_wait3A_56 = tpu.memref_squeeze %dma_wait3A : memref<1x16384xf32, #tpu.memory_space<hbm>> -> memref<16384xf32, #tpu.memory_space<hbm>>
            %dma_wait3A_57 = tpu.memref_slice %arg3[%add3A_48, %add3A_44] : memref<32x1048576xf32, #tpu.memory_space<hbm>> -> memref<1x16384xf32, #tpu.memory_space<hbm>>
            %dma_wait3A_58 = tpu.memref_squeeze %dma_wait3A_57 : memref<1x16384xf32, #tpu.memory_space<hbm>> -> memref<16384xf32, #tpu.memory_space<hbm>>
            tpu.wait_dma2 semaphore(%run_scoped3A : memref<!tpu.dma_semaphore, #tpu.memory_space<semaphore_mem>>) src(%dma_wait3A_58 : memref<16384xf32, #tpu.memory_space<hbm>>) dst(%arg10 : memref<16384xf32, #tpu.memory_space<vmem>>)
            tpu.yield
          }) : () -> ()
          "tpu.region"() ({
            %run_scoped3A = tpu.sem_alloc : memref<!tpu.dma_semaphore, #tpu.memory_space<semaphore_mem>>
            %dma_start3A = arith.constant 0 : i32
            %dma_start3A_53 = tpu.memref_slice %arg6[%dma_start3A] : memref<262144xf32, #tpu.memory_space<vmem_shared>> -> memref<262144xf32, #tpu.memory_space<vmem_shared>>
            tpu.enqueue_indirect_dma source(%arg10 : memref<16384xf32, #tpu.memory_space<vmem>>) target(%dma_start3A_53 : memref<262144xf32, #tpu.memory_space<vmem_shared>>) offsets(%arg9 : memref<16384xi32, #tpu.memory_space<vmem>>) semaphore(%run_scoped3A : memref<!tpu.dma_semaphore, #tpu.memory_space<semaphore_mem>>) {add = true}
            %dma_wait3A = arith.constant 0 : i32
            %dma_wait3A_54 = tpu.memref_slice %arg6[%dma_wait3A] : memref<262144xf32, #tpu.memory_space<vmem_shared>> -> memref<262144xf32, #tpu.memory_space<vmem_shared>>
            tpu.wait_indirect_dma semaphore(%run_scoped3A : memref<!tpu.dma_semaphore, #tpu.memory_space<semaphore_mem>>) src(%arg10 : memref<16384xf32, #tpu.memory_space<vmem>>) dst(%dma_wait3A_54 : memref<262144xf32, #tpu.memory_space<vmem_shared>>)
            tpu.yield
          }) : () -> ()
          %add3A_49 = arith.constant 2 : i32
          %add3A_50 = arith.addi %add3A, %add3A_49 : i32
          "tpu.region"() ({
            %run_scoped3A = tpu.sem_alloc : memref<!tpu.dma_semaphore, #tpu.memory_space<semaphore_mem>>
            %dma_start3A = tpu.memref_slice %arg3[%add3A_50, %add3A_44] : memref<32x1048576xf32, #tpu.memory_space<hbm>> -> memref<1x16384xf32, #tpu.memory_space<hbm>>
            %dma_start3A_53 = tpu.memref_squeeze %dma_start3A : memref<1x16384xf32, #tpu.memory_space<hbm>> -> memref<16384xf32, #tpu.memory_space<hbm>>
            %dma_start3A_54 = tpu.memref_slice %arg3[%add3A_50, %add3A_44] : memref<32x1048576xf32, #tpu.memory_space<hbm>> -> memref<1x16384xf32, #tpu.memory_space<hbm>>
            %dma_start3A_55 = tpu.memref_squeeze %dma_start3A_54 : memref<1x16384xf32, #tpu.memory_space<hbm>> -> memref<16384xf32, #tpu.memory_space<hbm>>
            tpu.enqueue_dma source(%dma_start3A_55 : memref<16384xf32, #tpu.memory_space<hbm>>) target(%arg10 : memref<16384xf32, #tpu.memory_space<vmem>>) target_semaphore(%run_scoped3A : memref<!tpu.dma_semaphore, #tpu.memory_space<semaphore_mem>>)
            %dma_wait3A = tpu.memref_slice %arg3[%add3A_50, %add3A_44] : memref<32x1048576xf32, #tpu.memory_space<hbm>> -> memref<1x16384xf32, #tpu.memory_space<hbm>>
            %dma_wait3A_56 = tpu.memref_squeeze %dma_wait3A : memref<1x16384xf32, #tpu.memory_space<hbm>> -> memref<16384xf32, #tpu.memory_space<hbm>>
            %dma_wait3A_57 = tpu.memref_slice %arg3[%add3A_50, %add3A_44] : memref<32x1048576xf32, #tpu.memory_space<hbm>> -> memref<1x16384xf32, #tpu.memory_space<hbm>>
            %dma_wait3A_58 = tpu.memref_squeeze %dma_wait3A_57 : memref<1x16384xf32, #tpu.memory_space<hbm>> -> memref<16384xf32, #tpu.memory_space<hbm>>
            tpu.wait_dma2 semaphore(%run_scoped3A : memref<!tpu.dma_semaphore, #tpu.memory_space<semaphore_mem>>) src(%dma_wait3A_58 : memref<16384xf32, #tpu.memory_space<hbm>>) dst(%arg10 : memref<16384xf32, #tpu.memory_space<vmem>>)
            tpu.yield
          }) : () -> ()
          "tpu.region"() ({
            %run_scoped3A = tpu.sem_alloc : memref<!tpu.dma_semaphore, #tpu.memory_space<semaphore_mem>>
            %dma_start3A = arith.constant 0 : i32
            %dma_start3A_53 = tpu.memref_slice %arg7[%dma_start3A] : memref<262144xf32, #tpu.memory_space<vmem_shared>> -> memref<262144xf32, #tpu.memory_space<vmem_shared>>
            tpu.enqueue_indirect_dma source(%arg10 : memref<16384xf32, #tpu.memory_space<vmem>>) target(%dma_start3A_53 : memref<262144xf32, #tpu.memory_space<vmem_shared>>) offsets(%arg9 : memref<16384xi32, #tpu.memory_space<vmem>>) semaphore(%run_scoped3A : memref<!tpu.dma_semaphore, #tpu.memory_space<semaphore_mem>>) {add = true}
            %dma_wait3A = arith.constant 0 : i32
            %dma_wait3A_54 = tpu.memref_slice %arg7[%dma_wait3A] : memref<262144xf32, #tpu.memory_space<vmem_shared>> -> memref<262144xf32, #tpu.memory_space<vmem_shared>>
            tpu.wait_indirect_dma semaphore(%run_scoped3A : memref<!tpu.dma_semaphore, #tpu.memory_space<semaphore_mem>>) src(%arg10 : memref<16384xf32, #tpu.memory_space<vmem>>) dst(%dma_wait3A_54 : memref<262144xf32, #tpu.memory_space<vmem_shared>>)
            tpu.yield
          }) : () -> ()
          %add3A_51 = arith.constant 3 : i32
          %add3A_52 = arith.addi %add3A, %add3A_51 : i32
          "tpu.region"() ({
            %run_scoped3A = tpu.sem_alloc : memref<!tpu.dma_semaphore, #tpu.memory_space<semaphore_mem>>
            %dma_start3A = tpu.memref_slice %arg3[%add3A_52, %add3A_44] : memref<32x1048576xf32, #tpu.memory_space<hbm>> -> memref<1x16384xf32, #tpu.memory_space<hbm>>
            %dma_start3A_53 = tpu.memref_squeeze %dma_start3A : memref<1x16384xf32, #tpu.memory_space<hbm>> -> memref<16384xf32, #tpu.memory_space<hbm>>
            %dma_start3A_54 = tpu.memref_slice %arg3[%add3A_52, %add3A_44] : memref<32x1048576xf32, #tpu.memory_space<hbm>> -> memref<1x16384xf32, #tpu.memory_space<hbm>>
            %dma_start3A_55 = tpu.memref_squeeze %dma_start3A_54 : memref<1x16384xf32, #tpu.memory_space<hbm>> -> memref<16384xf32, #tpu.memory_space<hbm>>
            tpu.enqueue_dma source(%dma_start3A_55 : memref<16384xf32, #tpu.memory_space<hbm>>) target(%arg10 : memref<16384xf32, #tpu.memory_space<vmem>>) target_semaphore(%run_scoped3A : memref<!tpu.dma_semaphore, #tpu.memory_space<semaphore_mem>>)
            %dma_wait3A = tpu.memref_slice %arg3[%add3A_52, %add3A_44] : memref<32x1048576xf32, #tpu.memory_space<hbm>> -> memref<1x16384xf32, #tpu.memory_space<hbm>>
            %dma_wait3A_56 = tpu.memref_squeeze %dma_wait3A : memref<1x16384xf32, #tpu.memory_space<hbm>> -> memref<16384xf32, #tpu.memory_space<hbm>>
            %dma_wait3A_57 = tpu.memref_slice %arg3[%add3A_52, %add3A_44] : memref<32x1048576xf32, #tpu.memory_space<hbm>> -> memref<1x16384xf32, #tpu.memory_space<hbm>>
            %dma_wait3A_58 = tpu.memref_squeeze %dma_wait3A_57 : memref<1x16384xf32, #tpu.memory_space<hbm>> -> memref<16384xf32, #tpu.memory_space<hbm>>
            tpu.wait_dma2 semaphore(%run_scoped3A : memref<!tpu.dma_semaphore, #tpu.memory_space<semaphore_mem>>) src(%dma_wait3A_58 : memref<16384xf32, #tpu.memory_space<hbm>>) dst(%arg10 : memref<16384xf32, #tpu.memory_space<vmem>>)
            tpu.yield
          }) : () -> ()
          "tpu.region"() ({
            %run_scoped3A = tpu.sem_alloc : memref<!tpu.dma_semaphore, #tpu.memory_space<semaphore_mem>>
            %dma_start3A = arith.constant 0 : i32
            %dma_start3A_53 = tpu.memref_slice %arg8[%dma_start3A] : memref<262144xf32, #tpu.memory_space<vmem_shared>> -> memref<262144xf32, #tpu.memory_space<vmem_shared>>
            tpu.enqueue_indirect_dma source(%arg10 : memref<16384xf32, #tpu.memory_space<vmem>>) target(%dma_start3A_53 : memref<262144xf32, #tpu.memory_space<vmem_shared>>) offsets(%arg9 : memref<16384xi32, #tpu.memory_space<vmem>>) semaphore(%run_scoped3A : memref<!tpu.dma_semaphore, #tpu.memory_space<semaphore_mem>>) {add = true}
            %dma_wait3A = arith.constant 0 : i32
            %dma_wait3A_54 = tpu.memref_slice %arg8[%dma_wait3A] : memref<262144xf32, #tpu.memory_space<vmem_shared>> -> memref<262144xf32, #tpu.memory_space<vmem_shared>>
            tpu.wait_indirect_dma semaphore(%run_scoped3A : memref<!tpu.dma_semaphore, #tpu.memory_space<semaphore_mem>>) src(%arg10 : memref<16384xf32, #tpu.memory_space<vmem>>) dst(%dma_wait3A_54 : memref<262144xf32, #tpu.memory_space<vmem_shared>>)
            tpu.yield
          }) : () -> ()
        }
        %scan3A_38 = arith.constant 4 : i32
      } else {
      }
      %not3A = arith.constant true
      %not3A_19 = arith.xori %lt3A_17, %not3A : i1
      %convert_element_type3A_20 = arith.extui %not3A_19 : i1 to i32
      %cond3A_21 = arith.constant 0 : i32
      %cond3A_22 = arith.cmpi ne, %convert_element_type3A_20, %cond3A_21 : i32
      scf.if %cond3A_22 {
        %scan3A_33 = arith.constant 0 : i32
        %scan3A_34 = arith.constant 0 : i32
        %scan3A_35 = arith.constant 2 : i32
        %scan3A_36 = arith.addi %scan3A_34, %scan3A_35 : i32
        %scan3A_37 = arith.constant 1 : i32
        scf.for %scan3A_39 = %scan3A_34 to %scan3A_36 step %scan3A_37  : i32 {
          %mul3A_40 = arith.constant 524288 : i32
          %mul3A_41 = arith.muli %arg0, %mul3A_40 : i32
          %mul3A_42 = arith.constant 32768 : i32
          %mul3A_43 = arith.muli %arg1, %mul3A_42 : i32
          %add3A_44 = arith.addi %mul3A_41, %mul3A_43 : i32
          %mul3A_45 = arith.constant 16384 : i32
          %mul3A_46 = arith.muli %scan3A_39, %mul3A_45 : i32
          %add3A_47 = arith.addi %add3A_44, %mul3A_46 : i32
          "tpu.region"() ({
            %run_scoped3A = tpu.sem_alloc : memref<!tpu.dma_semaphore, #tpu.memory_space<semaphore_mem>>
            %dma_start3A = tpu.memref_slice %arg2[%add3A_47] : memref<1048576xi32, #tpu.memory_space<hbm>> -> memref<16384xi32, #tpu.memory_space<hbm>>
            %dma_start3A_48 = tpu.memref_slice %arg2[%add3A_47] : memref<1048576xi32, #tpu.memory_space<hbm>> -> memref<16384xi32, #tpu.memory_space<hbm>>
            tpu.enqueue_dma source(%dma_start3A_48 : memref<16384xi32, #tpu.memory_space<hbm>>) target(%arg9 : memref<16384xi32, #tpu.memory_space<vmem>>) target_semaphore(%run_scoped3A : memref<!tpu.dma_semaphore, #tpu.memory_space<semaphore_mem>>)
            %dma_wait3A = tpu.memref_slice %arg2[%add3A_47] : memref<1048576xi32, #tpu.memory_space<hbm>> -> memref<16384xi32, #tpu.memory_space<hbm>>
            %dma_wait3A_49 = tpu.memref_slice %arg2[%add3A_47] : memref<1048576xi32, #tpu.memory_space<hbm>> -> memref<16384xi32, #tpu.memory_space<hbm>>
            tpu.wait_dma2 semaphore(%run_scoped3A : memref<!tpu.dma_semaphore, #tpu.memory_space<semaphore_mem>>) src(%dma_wait3A_49 : memref<16384xi32, #tpu.memory_space<hbm>>) dst(%arg9 : memref<16384xi32, #tpu.memory_space<vmem>>)
            tpu.yield
          }) : () -> ()
          "tpu.region"() ({
            %run_scoped3A = tpu.sem_alloc : memref<!tpu.dma_semaphore, #tpu.memory_space<semaphore_mem>>
            %dma_start3A = arith.constant 0 : i32
            %dma_start3A_48 = tpu.memref_slice %arg5[%dma_start3A] : memref<262144xf32, #tpu.memory_space<vmem_shared>> -> memref<262144xf32, #tpu.memory_space<vmem_shared>>
            tpu.enqueue_indirect_dma source(%arg11 : memref<16384xf32, #tpu.memory_space<vmem>>) target(%dma_start3A_48 : memref<262144xf32, #tpu.memory_space<vmem_shared>>) offsets(%arg9 : memref<16384xi32, #tpu.memory_space<vmem>>) semaphore(%run_scoped3A : memref<!tpu.dma_semaphore, #tpu.memory_space<semaphore_mem>>) {add = true}
            %dma_wait3A = arith.constant 0 : i32
            %dma_wait3A_49 = tpu.memref_slice %arg5[%dma_wait3A] : memref<262144xf32, #tpu.memory_space<vmem_shared>> -> memref<262144xf32, #tpu.memory_space<vmem_shared>>
            tpu.wait_indirect_dma semaphore(%run_scoped3A : memref<!tpu.dma_semaphore, #tpu.memory_space<semaphore_mem>>) src(%arg11 : memref<16384xf32, #tpu.memory_space<vmem>>) dst(%dma_wait3A_49 : memref<262144xf32, #tpu.memory_space<vmem_shared>>)
            tpu.yield
          }) : () -> ()
        }
        %scan3A_38 = arith.constant 2 : i32
      } else {
      }
      %barrier3A_23 = arith.constant 0 : index
      tpu.barrier barrier_id(%barrier3A_23)
      %convert_element_type3A_24 = arith.extui %lt3A_17 : i1 to i32
      %cond3A_25 = arith.constant 0 : i32
      %cond3A_26 = arith.cmpi ne, %convert_element_type3A_24, %cond3A_25 : i32
      scf.if %cond3A_26 {
        %add3A_33 = arith.constant 0 : i32
        %add3A_34 = arith.addi %add3A, %add3A_33 : i32
        "tpu.region"() ({
          %run_scoped3A = tpu.sem_alloc : memref<!tpu.dma_semaphore, #tpu.memory_space<semaphore_mem>>
          %dma_start3A = tpu.memref_slice %arg4[%add3A_34, %mul3A_5] : memref<34x262144xf32, #tpu.memory_space<hbm>> -> memref<1x16384xf32, #tpu.memory_space<hbm>>
          %dma_start3A_41 = tpu.memref_squeeze %dma_start3A : memref<1x16384xf32, #tpu.memory_space<hbm>> -> memref<16384xf32, #tpu.memory_space<hbm>>
          %dma_start3A_42 = tpu.memref_slice %arg5[%mul3A_5] : memref<262144xf32, #tpu.memory_space<vmem_shared>> -> memref<16384xf32, #tpu.memory_space<vmem_shared>>
          tpu.enqueue_dma source(%dma_start3A_42 : memref<16384xf32, #tpu.memory_space<vmem_shared>>) target(%dma_start3A_41 : memref<16384xf32, #tpu.memory_space<hbm>>) target_semaphore(%run_scoped3A : memref<!tpu.dma_semaphore, #tpu.memory_space<semaphore_mem>>)
          %dma_wait3A = tpu.memref_slice %arg4[%add3A_34, %mul3A_5] : memref<34x262144xf32, #tpu.memory_space<hbm>> -> memref<1x16384xf32, #tpu.memory_space<hbm>>
          %dma_wait3A_43 = tpu.memref_squeeze %dma_wait3A : memref<1x16384xf32, #tpu.memory_space<hbm>> -> memref<16384xf32, #tpu.memory_space<hbm>>
          %dma_wait3A_44 = tpu.memref_slice %arg5[%mul3A_5] : memref<262144xf32, #tpu.memory_space<vmem_shared>> -> memref<16384xf32, #tpu.memory_space<vmem_shared>>
          tpu.wait_dma2 semaphore(%run_scoped3A : memref<!tpu.dma_semaphore, #tpu.memory_space<semaphore_mem>>) src(%dma_wait3A_44 : memref<16384xf32, #tpu.memory_space<vmem_shared>>) dst(%dma_wait3A_43 : memref<16384xf32, #tpu.memory_space<hbm>>)
          tpu.yield
        }) : () -> ()
        "tpu.region"() ({
          %run_scoped3A = tpu.sem_alloc : memref<!tpu.dma_semaphore, #tpu.memory_space<semaphore_mem>>
          %dma_start3A = tpu.memref_slice %arg5[%mul3A_5] : memref<262144xf32, #tpu.memory_space<vmem_shared>> -> memref<16384xf32, #tpu.memory_space<vmem_shared>>
          %dma_start3A_41 = tpu.memref_slice %arg5[%mul3A_5] : memref<262144xf32, #tpu.memory_space<vmem_shared>> -> memref<16384xf32, #tpu.memory_space<vmem_shared>>
          tpu.enqueue_dma source(%arg12 : memref<16384xf32, #tpu.memory_space<vmem>>) target(%dma_start3A_41 : memref<16384xf32, #tpu.memory_space<vmem_shared>>) target_semaphore(%run_scoped3A : memref<!tpu.dma_semaphore, #tpu.memory_space<semaphore_mem>>)
          %dma_wait3A = tpu.memref_slice %arg5[%mul3A_5] : memref<262144xf32, #tpu.memory_space<vmem_shared>> -> memref<16384xf32, #tpu.memory_space<vmem_shared>>
          %dma_wait3A_42 = tpu.memref_slice %arg5[%mul3A_5] : memref<262144xf32, #tpu.memory_space<vmem_shared>> -> memref<16384xf32, #tpu.memory_space<vmem_shared>>
          tpu.wait_dma2 semaphore(%run_scoped3A : memref<!tpu.dma_semaphore, #tpu.memory_space<semaphore_mem>>) src(%arg12 : memref<16384xf32, #tpu.memory_space<vmem>>) dst(%dma_wait3A_42 : memref<16384xf32, #tpu.memory_space<vmem_shared>>)
          tpu.yield
        }) : () -> ()
        %add3A_35 = arith.constant 1 : i32
        %add3A_36 = arith.addi %add3A, %add3A_35 : i32
        "tpu.region"() ({
          %run_scoped3A = tpu.sem_alloc : memref<!tpu.dma_semaphore, #tpu.memory_space<semaphore_mem>>
          %dma_start3A = tpu.memref_slice %arg4[%add3A_36, %mul3A_5] : memref<34x262144xf32, #tpu.memory_space<hbm>> -> memref<1x16384xf32, #tpu.memory_space<hbm>>
          %dma_start3A_41 = tpu.memref_squeeze %dma_start3A : memref<1x16384xf32, #tpu.memory_space<hbm>> -> memref<16384xf32, #tpu.memory_space<hbm>>
          %dma_start3A_42 = tpu.memref_slice %arg6[%mul3A_5] : memref<262144xf32, #tpu.memory_space<vmem_shared>> -> memref<16384xf32, #tpu.memory_space<vmem_shared>>
          tpu.enqueue_dma source(%dma_start3A_42 : memref<16384xf32, #tpu.memory_space<vmem_shared>>) target(%dma_start3A_41 : memref<16384xf32, #tpu.memory_space<hbm>>) target_semaphore(%run_scoped3A : memref<!tpu.dma_semaphore, #tpu.memory_space<semaphore_mem>>)
          %dma_wait3A = tpu.memref_slice %arg4[%add3A_36, %mul3A_5] : memref<34x262144xf32, #tpu.memory_space<hbm>> -> memref<1x16384xf32, #tpu.memory_space<hbm>>
          %dma_wait3A_43 = tpu.memref_squeeze %dma_wait3A : memref<1x16384xf32, #tpu.memory_space<hbm>> -> memref<16384xf32, #tpu.memory_space<hbm>>
          %dma_wait3A_44 = tpu.memref_slice %arg6[%mul3A_5] : memref<262144xf32, #tpu.memory_space<vmem_shared>> -> memref<16384xf32, #tpu.memory_space<vmem_shared>>
          tpu.wait_dma2 semaphore(%run_scoped3A : memref<!tpu.dma_semaphore, #tpu.memory_space<semaphore_mem>>) src(%dma_wait3A_44 : memref<16384xf32, #tpu.memory_space<vmem_shared>>) dst(%dma_wait3A_43 : memref<16384xf32, #tpu.memory_space<hbm>>)
          tpu.yield
        }) : () -> ()
        "tpu.region"() ({
          %run_scoped3A = tpu.sem_alloc : memref<!tpu.dma_semaphore, #tpu.memory_space<semaphore_mem>>
          %dma_start3A = tpu.memref_slice %arg6[%mul3A_5] : memref<262144xf32, #tpu.memory_space<vmem_shared>> -> memref<16384xf32, #tpu.memory_space<vmem_shared>>
          %dma_start3A_41 = tpu.memref_slice %arg6[%mul3A_5] : memref<262144xf32, #tpu.memory_space<vmem_shared>> -> memref<16384xf32, #tpu.memory_space<vmem_shared>>
          tpu.enqueue_dma source(%arg12 : memref<16384xf32, #tpu.memory_space<vmem>>) target(%dma_start3A_41 : memref<16384xf32, #tpu.memory_space<vmem_shared>>) target_semaphore(%run_scoped3A : memref<!tpu.dma_semaphore, #tpu.memory_space<semaphore_mem>>)
          %dma_wait3A = tpu.memref_slice %arg6[%mul3A_5] : memref<262144xf32, #tpu.memory_space<vmem_shared>> -> memref<16384xf32, #tpu.memory_space<vmem_shared>>
          %dma_wait3A_42 = tpu.memref_slice %arg6[%mul3A_5] : memref<262144xf32, #tpu.memory_space<vmem_shared>> -> memref<16384xf32, #tpu.memory_space<vmem_shared>>
          tpu.wait_dma2 semaphore(%run_scoped3A : memref<!tpu.dma_semaphore, #tpu.memory_space<semaphore_mem>>) src(%arg12 : memref<16384xf32, #tpu.memory_space<vmem>>) dst(%dma_wait3A_42 : memref<16384xf32, #tpu.memory_space<vmem_shared>>)
          tpu.yield
        }) : () -> ()
        %add3A_37 = arith.constant 2 : i32
        %add3A_38 = arith.addi %add3A, %add3A_37 : i32
        "tpu.region"() ({
          %run_scoped3A = tpu.sem_alloc : memref<!tpu.dma_semaphore, #tpu.memory_space<semaphore_mem>>
          %dma_start3A = tpu.memref_slice %arg4[%add3A_38, %mul3A_5] : memref<34x262144xf32, #tpu.memory_space<hbm>> -> memref<1x16384xf32, #tpu.memory_space<hbm>>
          %dma_start3A_41 = tpu.memref_squeeze %dma_start3A : memref<1x16384xf32, #tpu.memory_space<hbm>> -> memref<16384xf32, #tpu.memory_space<hbm>>
          %dma_start3A_42 = tpu.memref_slice %arg7[%mul3A_5] : memref<262144xf32, #tpu.memory_space<vmem_shared>> -> memref<16384xf32, #tpu.memory_space<vmem_shared>>
          tpu.enqueue_dma source(%dma_start3A_42 : memref<16384xf32, #tpu.memory_space<vmem_shared>>) target(%dma_start3A_41 : memref<16384xf32, #tpu.memory_space<hbm>>) target_semaphore(%run_scoped3A : memref<!tpu.dma_semaphore, #tpu.memory_space<semaphore_mem>>)
          %dma_wait3A = tpu.memref_slice %arg4[%add3A_38, %mul3A_5] : memref<34x262144xf32, #tpu.memory_space<hbm>> -> memref<1x16384xf32, #tpu.memory_space<hbm>>
          %dma_wait3A_43 = tpu.memref_squeeze %dma_wait3A : memref<1x16384xf32, #tpu.memory_space<hbm>> -> memref<16384xf32, #tpu.memory_space<hbm>>
          %dma_wait3A_44 = tpu.memref_slice %arg7[%mul3A_5] : memref<262144xf32, #tpu.memory_space<vmem_shared>> -> memref<16384xf32, #tpu.memory_space<vmem_shared>>
          tpu.wait_dma2 semaphore(%run_scoped3A : memref<!tpu.dma_semaphore, #tpu.memory_space<semaphore_mem>>) src(%dma_wait3A_44 : memref<16384xf32, #tpu.memory_space<vmem_shared>>) dst(%dma_wait3A_43 : memref<16384xf32, #tpu.memory_space<hbm>>)
          tpu.yield
        }) : () -> ()
        "tpu.region"() ({
          %run_scoped3A = tpu.sem_alloc : memref<!tpu.dma_semaphore, #tpu.memory_space<semaphore_mem>>
          %dma_start3A = tpu.memref_slice %arg7[%mul3A_5] : memref<262144xf32, #tpu.memory_space<vmem_shared>> -> memref<16384xf32, #tpu.memory_space<vmem_shared>>
          %dma_start3A_41 = tpu.memref_slice %arg7[%mul3A_5] : memref<262144xf32, #tpu.memory_space<vmem_shared>> -> memref<16384xf32, #tpu.memory_space<vmem_shared>>
          tpu.enqueue_dma source(%arg12 : memref<16384xf32, #tpu.memory_space<vmem>>) target(%dma_start3A_41 : memref<16384xf32, #tpu.memory_space<vmem_shared>>) target_semaphore(%run_scoped3A : memref<!tpu.dma_semaphore, #tpu.memory_space<semaphore_mem>>)
          %dma_wait3A = tpu.memref_slice %arg7[%mul3A_5] : memref<262144xf32, #tpu.memory_space<vmem_shared>> -> memref<16384xf32, #tpu.memory_space<vmem_shared>>
          %dma_wait3A_42 = tpu.memref_slice %arg7[%mul3A_5] : memref<262144xf32, #tpu.memory_space<vmem_shared>> -> memref<16384xf32, #tpu.memory_space<vmem_shared>>
          tpu.wait_dma2 semaphore(%run_scoped3A : memref<!tpu.dma_semaphore, #tpu.memory_space<semaphore_mem>>) src(%arg12 : memref<16384xf32, #tpu.memory_space<vmem>>) dst(%dma_wait3A_42 : memref<16384xf32, #tpu.memory_space<vmem_shared>>)
          tpu.yield
        }) : () -> ()
        %add3A_39 = arith.constant 3 : i32
        %add3A_40 = arith.addi %add3A, %add3A_39 : i32
        "tpu.region"() ({
          %run_scoped3A = tpu.sem_alloc : memref<!tpu.dma_semaphore, #tpu.memory_space<semaphore_mem>>
          %dma_start3A = tpu.memref_slice %arg4[%add3A_40, %mul3A_5] : memref<34x262144xf32, #tpu.memory_space<hbm>> -> memref<1x16384xf32, #tpu.memory_space<hbm>>
          %dma_start3A_41 = tpu.memref_squeeze %dma_start3A : memref<1x16384xf32, #tpu.memory_space<hbm>> -> memref<16384xf32, #tpu.memory_space<hbm>>
          %dma_start3A_42 = tpu.memref_slice %arg8[%mul3A_5] : memref<262144xf32, #tpu.memory_space<vmem_shared>> -> memref<16384xf32, #tpu.memory_space<vmem_shared>>
          tpu.enqueue_dma source(%dma_start3A_42 : memref<16384xf32, #tpu.memory_space<vmem_shared>>) target(%dma_start3A_41 : memref<16384xf32, #tpu.memory_space<hbm>>) target_semaphore(%run_scoped3A : memref<!tpu.dma_semaphore, #tpu.memory_space<semaphore_mem>>)
          %dma_wait3A = tpu.memref_slice %arg4[%add3A_40, %mul3A_5] : memref<34x262144xf32, #tpu.memory_space<hbm>> -> memref<1x16384xf32, #tpu.memory_space<hbm>>
          %dma_wait3A_43 = tpu.memref_squeeze %dma_wait3A : memref<1x16384xf32, #tpu.memory_space<hbm>> -> memref<16384xf32, #tpu.memory_space<hbm>>
          %dma_wait3A_44 = tpu.memref_slice %arg8[%mul3A_5] : memref<262144xf32, #tpu.memory_space<vmem_shared>> -> memref<16384xf32, #tpu.memory_space<vmem_shared>>
          tpu.wait_dma2 semaphore(%run_scoped3A : memref<!tpu.dma_semaphore, #tpu.memory_space<semaphore_mem>>) src(%dma_wait3A_44 : memref<16384xf32, #tpu.memory_space<vmem_shared>>) dst(%dma_wait3A_43 : memref<16384xf32, #tpu.memory_space<hbm>>)
          tpu.yield
        }) : () -> ()
        "tpu.region"() ({
          %run_scoped3A = tpu.sem_alloc : memref<!tpu.dma_semaphore, #tpu.memory_space<semaphore_mem>>
          %dma_start3A = tpu.memref_slice %arg8[%mul3A_5] : memref<262144xf32, #tpu.memory_space<vmem_shared>> -> memref<16384xf32, #tpu.memory_space<vmem_shared>>
          %dma_start3A_41 = tpu.memref_slice %arg8[%mul3A_5] : memref<262144xf32, #tpu.memory_space<vmem_shared>> -> memref<16384xf32, #tpu.memory_space<vmem_shared>>
          tpu.enqueue_dma source(%arg12 : memref<16384xf32, #tpu.memory_space<vmem>>) target(%dma_start3A_41 : memref<16384xf32, #tpu.memory_space<vmem_shared>>) target_semaphore(%run_scoped3A : memref<!tpu.dma_semaphore, #tpu.memory_space<semaphore_mem>>)
          %dma_wait3A = tpu.memref_slice %arg8[%mul3A_5] : memref<262144xf32, #tpu.memory_space<vmem_shared>> -> memref<16384xf32, #tpu.memory_space<vmem_shared>>
          %dma_wait3A_42 = tpu.memref_slice %arg8[%mul3A_5] : memref<262144xf32, #tpu.memory_space<vmem_shared>> -> memref<16384xf32, #tpu.memory_space<vmem_shared>>
          tpu.wait_dma2 semaphore(%run_scoped3A : memref<!tpu.dma_semaphore, #tpu.memory_space<semaphore_mem>>) src(%arg12 : memref<16384xf32, #tpu.memory_space<vmem>>) dst(%dma_wait3A_42 : memref<16384xf32, #tpu.memory_space<vmem_shared>>)
          tpu.yield
        }) : () -> ()
      } else {
      }
      %not3A_27 = arith.constant true
      %not3A_28 = arith.xori %lt3A_17, %not3A_27 : i1
      %convert_element_type3A_29 = arith.extui %not3A_28 : i1 to i32
      %cond3A_30 = arith.constant 0 : i32
      %cond3A_31 = arith.cmpi ne, %convert_element_type3A_29, %cond3A_30 : i32
      scf.if %cond3A_31 {
        %add3A_33 = arith.constant 32 : i32
        %add3A_34 = arith.addi %add3A_33, %arg0 : i32
        "tpu.region"() ({
          %run_scoped3A = tpu.sem_alloc : memref<!tpu.dma_semaphore, #tpu.memory_space<semaphore_mem>>
          %dma_start3A = tpu.memref_slice %arg4[%add3A_34, %mul3A_5] : memref<34x262144xf32, #tpu.memory_space<hbm>> -> memref<1x16384xf32, #tpu.memory_space<hbm>>
          %dma_start3A_35 = tpu.memref_squeeze %dma_start3A : memref<1x16384xf32, #tpu.memory_space<hbm>> -> memref<16384xf32, #tpu.memory_space<hbm>>
          %dma_start3A_36 = tpu.memref_slice %arg5[%mul3A_5] : memref<262144xf32, #tpu.memory_space<vmem_shared>> -> memref<16384xf32, #tpu.memory_space<vmem_shared>>
          tpu.enqueue_dma source(%dma_start3A_36 : memref<16384xf32, #tpu.memory_space<vmem_shared>>) target(%dma_start3A_35 : memref<16384xf32, #tpu.memory_space<hbm>>) target_semaphore(%run_scoped3A : memref<!tpu.dma_semaphore, #tpu.memory_space<semaphore_mem>>)
          %dma_wait3A = tpu.memref_slice %arg4[%add3A_34, %mul3A_5] : memref<34x262144xf32, #tpu.memory_space<hbm>> -> memref<1x16384xf32, #tpu.memory_space<hbm>>
          %dma_wait3A_37 = tpu.memref_squeeze %dma_wait3A : memref<1x16384xf32, #tpu.memory_space<hbm>> -> memref<16384xf32, #tpu.memory_space<hbm>>
          %dma_wait3A_38 = tpu.memref_slice %arg5[%mul3A_5] : memref<262144xf32, #tpu.memory_space<vmem_shared>> -> memref<16384xf32, #tpu.memory_space<vmem_shared>>
          tpu.wait_dma2 semaphore(%run_scoped3A : memref<!tpu.dma_semaphore, #tpu.memory_space<semaphore_mem>>) src(%dma_wait3A_38 : memref<16384xf32, #tpu.memory_space<vmem_shared>>) dst(%dma_wait3A_37 : memref<16384xf32, #tpu.memory_space<hbm>>)
          tpu.yield
        }) : () -> ()
        "tpu.region"() ({
          %run_scoped3A = tpu.sem_alloc : memref<!tpu.dma_semaphore, #tpu.memory_space<semaphore_mem>>
          %dma_start3A = tpu.memref_slice %arg5[%mul3A_5] : memref<262144xf32, #tpu.memory_space<vmem_shared>> -> memref<16384xf32, #tpu.memory_space<vmem_shared>>
          %dma_start3A_35 = tpu.memref_slice %arg5[%mul3A_5] : memref<262144xf32, #tpu.memory_space<vmem_shared>> -> memref<16384xf32, #tpu.memory_space<vmem_shared>>
          tpu.enqueue_dma source(%arg12 : memref<16384xf32, #tpu.memory_space<vmem>>) target(%dma_start3A_35 : memref<16384xf32, #tpu.memory_space<vmem_shared>>) target_semaphore(%run_scoped3A : memref<!tpu.dma_semaphore, #tpu.memory_space<semaphore_mem>>)
          %dma_wait3A = tpu.memref_slice %arg5[%mul3A_5] : memref<262144xf32, #tpu.memory_space<vmem_shared>> -> memref<16384xf32, #tpu.memory_space<vmem_shared>>
          %dma_wait3A_36 = tpu.memref_slice %arg5[%mul3A_5] : memref<262144xf32, #tpu.memory_space<vmem_shared>> -> memref<16384xf32, #tpu.memory_space<vmem_shared>>
          tpu.wait_dma2 semaphore(%run_scoped3A : memref<!tpu.dma_semaphore, #tpu.memory_space<semaphore_mem>>) src(%arg12 : memref<16384xf32, #tpu.memory_space<vmem>>) dst(%dma_wait3A_36 : memref<16384xf32, #tpu.memory_space<vmem_shared>>)
          tpu.yield
        }) : () -> ()
      } else {
      }
      %barrier3A_32 = arith.constant 0 : index
      tpu.barrier barrier_id(%barrier3A_32)
    }
    %scan3A_11 = arith.constant 5 : i32
    return
  }
}

#map = affine_map<(d0, d1) -> (0)>
#map1 = affine_map<(d0, d1) -> (0, 0)>
module attributes {stable_mosaic.version = 14 : i64} {
  func.func @_scatter_body(%arg0: i32, %arg1: i32, %arg2: memref<1048576xi32, #tpu.memory_space<hbm>>, %arg3: memref<32x1048576xf32, #tpu.memory_space<hbm>>, %arg4: memref<34x262144xf32, #tpu.memory_space<hbm>>, %arg5: memref<262144xf32, #tpu.memory_space<vmem_shared>>, %arg6: memref<262144xf32, #tpu.memory_space<vmem_shared>>, %arg7: memref<262144xf32, #tpu.memory_space<vmem_shared>>, %arg8: memref<262144xf32, #tpu.memory_space<vmem_shared>>, %arg9: memref<16384xi32, #tpu.memory_space<vmem>>, %arg10: memref<16384xf32, #tpu.memory_space<vmem>>, %arg11: memref<16384xf32, #tpu.memory_space<vmem>>, %arg12: memref<16384xf32, #tpu.memory_space<vmem>>) attributes {dimension_semantics = [#tpu.dimension_semantics<core_parallel>, #tpu.dimension_semantics<subcore_parallel>], iteration_bounds = array<i64: 2, 16>, scalar_prefetch = 0 : i64, scratch_operands = 8 : i64, tpu.core_type = #tpu.core_type<sc_vector_subcore>, window_params = [{transform_indices = #map}, {transform_indices = #map1}, {transform_indices = #map1}]} {
    %scan3A = arith.constant 0 : i32
    %scan3A_0 = arith.constant 0 : i32
    %scan3A_1 = arith.constant 1024 : i32
    %scan3A_2 = arith.addi %scan3A_0, %scan3A_1 : i32
    %scan3A_3 = arith.constant 1 : i32
    scf.for %scan3A_12 = %scan3A_0 to %scan3A_2 step %scan3A_3  : i32 {
      %broadcast_in_dim3A = arith.constant 1.000000e+00 : f32
      %broadcast_in_dim3A_13 = vector.broadcast %broadcast_in_dim3A : f32 to vector<16xf32>
      %mul3A_14 = arith.constant 16 : i32
      %mul3A_15 = arith.muli %scan3A_12, %mul3A_14 : i32
      %swap3A = arith.index_cast %mul3A_15 : i32 to index
      %swap3A_16 = tpu.vector_load %arg11[%swap3A] {strides = array<i32>} : memref<16384xf32, #tpu.memory_space<vmem>>, vector<16xf32>,
      %swap3A_17 = vector.shape_cast %swap3A_16 : vector<16xf32> to vector<16xf32>
      %swap3A_18 = vector.shape_cast %broadcast_in_dim3A_13 : vector<16xf32> to vector<16xf32>
      tpu.vector_store %arg11[%swap3A], %swap3A_18 {strides = array<i32>} : memref<16384xf32, #tpu.memory_space<vmem>>, vector<16xf32>,
      %broadcast_in_dim3A_19 = arith.constant 0.000000e+00 : f32
      %broadcast_in_dim3A_20 = vector.broadcast %broadcast_in_dim3A_19 : f32 to vector<16xf32>
      %mul3A_21 = arith.constant 16 : i32
      %mul3A_22 = arith.muli %scan3A_12, %mul3A_21 : i32
      %swap3A_23 = arith.index_cast %mul3A_22 : i32 to index
      %swap3A_24 = tpu.vector_load %arg12[%swap3A_23] {strides = array<i32>} : memref<16384xf32, #tpu.memory_space<vmem>>, vector<16xf32>,
      %swap3A_25 = vector.shape_cast %swap3A_24 : vector<16xf32> to vector<16xf32>
      %swap3A_26 = vector.shape_cast %broadcast_in_dim3A_20 : vector<16xf32> to vector<16xf32>
      tpu.vector_store %arg12[%swap3A_23], %swap3A_26 {strides = array<i32>} : memref<16384xf32, #tpu.memory_space<vmem>>, vector<16xf32>,
    }
    %scan3A_4 = arith.constant 1024 : i32
    %mul3A = arith.constant 16384 : i32
    %mul3A_5 = arith.muli %arg1, %mul3A : i32
    "tpu.region"() ({
      %run_scoped3A = tpu.sem_alloc : memref<!tpu.dma_semaphore, #tpu.memory_space<semaphore_mem>>
      %dma_start3A = tpu.memref_slice %arg5[%mul3A_5] : memref<262144xf32, #tpu.memory_space<vmem_shared>> -> memref<16384xf32, #tpu.memory_space<vmem_shared>>
      %dma_start3A_12 = tpu.memref_slice %arg5[%mul3A_5] : memref<262144xf32, #tpu.memory_space<vmem_shared>> -> memref<16384xf32, #tpu.memory_space<vmem_shared>>
      tpu.enqueue_dma source(%arg12 : memref<16384xf32, #tpu.memory_space<vmem>>) target(%dma_start3A_12 : memref<16384xf32, #tpu.memory_space<vmem_shared>>) target_semaphore(%run_scoped3A : memref<!tpu.dma_semaphore, #tpu.memory_space<semaphore_mem>>)
      %dma_wait3A = tpu.memref_slice %arg5[%mul3A_5] : memref<262144xf32, #tpu.memory_space<vmem_shared>> -> memref<16384xf32, #tpu.memory_space<vmem_shared>>
      %dma_wait3A_13 = tpu.memref_slice %arg5[%mul3A_5] : memref<262144xf32, #tpu.memory_space<vmem_shared>> -> memref<16384xf32, #tpu.memory_space<vmem_shared>>
      tpu.wait_dma2 semaphore(%run_scoped3A : memref<!tpu.dma_semaphore, #tpu.memory_space<semaphore_mem>>) src(%arg12 : memref<16384xf32, #tpu.memory_space<vmem>>) dst(%dma_wait3A_13 : memref<16384xf32, #tpu.memory_space<vmem_shared>>)
      tpu.yield
    }) : () -> ()
    "tpu.region"() ({
      %run_scoped3A = tpu.sem_alloc : memref<!tpu.dma_semaphore, #tpu.memory_space<semaphore_mem>>
      %dma_start3A = tpu.memref_slice %arg6[%mul3A_5] : memref<262144xf32, #tpu.memory_space<vmem_shared>> -> memref<16384xf32, #tpu.memory_space<vmem_shared>>
      %dma_start3A_12 = tpu.memref_slice %arg6[%mul3A_5] : memref<262144xf32, #tpu.memory_space<vmem_shared>> -> memref<16384xf32, #tpu.memory_space<vmem_shared>>
      tpu.enqueue_dma source(%arg12 : memref<16384xf32, #tpu.memory_space<vmem>>) target(%dma_start3A_12 : memref<16384xf32, #tpu.memory_space<vmem_shared>>) target_semaphore(%run_scoped3A : memref<!tpu.dma_semaphore, #tpu.memory_space<semaphore_mem>>)
      %dma_wait3A = tpu.memref_slice %arg6[%mul3A_5] : memref<262144xf32, #tpu.memory_space<vmem_shared>> -> memref<16384xf32, #tpu.memory_space<vmem_shared>>
      %dma_wait3A_13 = tpu.memref_slice %arg6[%mul3A_5] : memref<262144xf32, #tpu.memory_space<vmem_shared>> -> memref<16384xf32, #tpu.memory_space<vmem_shared>>
      tpu.wait_dma2 semaphore(%run_scoped3A : memref<!tpu.dma_semaphore, #tpu.memory_space<semaphore_mem>>) src(%arg12 : memref<16384xf32, #tpu.memory_space<vmem>>) dst(%dma_wait3A_13 : memref<16384xf32, #tpu.memory_space<vmem_shared>>)
      tpu.yield
    }) : () -> ()
    "tpu.region"() ({
      %run_scoped3A = tpu.sem_alloc : memref<!tpu.dma_semaphore, #tpu.memory_space<semaphore_mem>>
      %dma_start3A = tpu.memref_slice %arg7[%mul3A_5] : memref<262144xf32, #tpu.memory_space<vmem_shared>> -> memref<16384xf32, #tpu.memory_space<vmem_shared>>
      %dma_start3A_12 = tpu.memref_slice %arg7[%mul3A_5] : memref<262144xf32, #tpu.memory_space<vmem_shared>> -> memref<16384xf32, #tpu.memory_space<vmem_shared>>
      tpu.enqueue_dma source(%arg12 : memref<16384xf32, #tpu.memory_space<vmem>>) target(%dma_start3A_12 : memref<16384xf32, #tpu.memory_space<vmem_shared>>) target_semaphore(%run_scoped3A : memref<!tpu.dma_semaphore, #tpu.memory_space<semaphore_mem>>)
      %dma_wait3A = tpu.memref_slice %arg7[%mul3A_5] : memref<262144xf32, #tpu.memory_space<vmem_shared>> -> memref<16384xf32, #tpu.memory_space<vmem_shared>>
      %dma_wait3A_13 = tpu.memref_slice %arg7[%mul3A_5] : memref<262144xf32, #tpu.memory_space<vmem_shared>> -> memref<16384xf32, #tpu.memory_space<vmem_shared>>
      tpu.wait_dma2 semaphore(%run_scoped3A : memref<!tpu.dma_semaphore, #tpu.memory_space<semaphore_mem>>) src(%arg12 : memref<16384xf32, #tpu.memory_space<vmem>>) dst(%dma_wait3A_13 : memref<16384xf32, #tpu.memory_space<vmem_shared>>)
      tpu.yield
    }) : () -> ()
    "tpu.region"() ({
      %run_scoped3A = tpu.sem_alloc : memref<!tpu.dma_semaphore, #tpu.memory_space<semaphore_mem>>
      %dma_start3A = tpu.memref_slice %arg8[%mul3A_5] : memref<262144xf32, #tpu.memory_space<vmem_shared>> -> memref<16384xf32, #tpu.memory_space<vmem_shared>>
      %dma_start3A_12 = tpu.memref_slice %arg8[%mul3A_5] : memref<262144xf32, #tpu.memory_space<vmem_shared>> -> memref<16384xf32, #tpu.memory_space<vmem_shared>>
      tpu.enqueue_dma source(%arg12 : memref<16384xf32, #tpu.memory_space<vmem>>) target(%dma_start3A_12 : memref<16384xf32, #tpu.memory_space<vmem_shared>>) target_semaphore(%run_scoped3A : memref<!tpu.dma_semaphore, #tpu.memory_space<semaphore_mem>>)
      %dma_wait3A = tpu.memref_slice %arg8[%mul3A_5] : memref<262144xf32, #tpu.memory_space<vmem_shared>> -> memref<16384xf32, #tpu.memory_space<vmem_shared>>
      %dma_wait3A_13 = tpu.memref_slice %arg8[%mul3A_5] : memref<262144xf32, #tpu.memory_space<vmem_shared>> -> memref<16384xf32, #tpu.memory_space<vmem_shared>>
      tpu.wait_dma2 semaphore(%run_scoped3A : memref<!tpu.dma_semaphore, #tpu.memory_space<semaphore_mem>>) src(%arg12 : memref<16384xf32, #tpu.memory_space<vmem>>) dst(%dma_wait3A_13 : memref<16384xf32, #tpu.memory_space<vmem_shared>>)
      tpu.yield
    }) : () -> ()
    %barrier3A = arith.constant 0 : index
    tpu.barrier barrier_id(%barrier3A)
    %scan3A_6 = arith.constant 0 : i32
    %scan3A_7 = arith.constant 0 : i32
    %scan3A_8 = arith.constant 5 : i32
    %scan3A_9 = arith.addi %scan3A_7, %scan3A_8 : i32
    %scan3A_10 = arith.constant 1 : i32
    scf.for %scan3A_12 = %scan3A_7 to %scan3A_9 step %scan3A_10  : i32 {
      %mul3A_13 = arith.constant 16 : i32
      %mul3A_14 = arith.muli %arg0, %mul3A_13 : i32
      %mul3A_15 = arith.constant 4 : i32
      %mul3A_16 = arith.muli %scan3A_12, %mul3A_15 : i32
      %add3A = arith.addi %mul3A_14, %mul3A_16 : i32
      %lt3A = arith.constant 4 : i32
      %lt3A_17 = arith.cmpi slt, %scan3A_12, %lt3A : i32
      %convert_element_type3A = arith.extui %lt3A_17 : i1 to i32
      %cond3A = arith.constant 0 : i32
      %cond3A_18 = arith.cmpi ne, %convert_element_type3A, %cond3A : i32
      scf.if %cond3A_18 {
        %scan3A_33 = arith.constant 0 : i32
        %scan3A_34 = arith.constant 0 : i32
        %scan3A_35 = arith.constant 4 : i32
        %scan3A_36 = arith.addi %scan3A_34, %scan3A_35 : i32
        %scan3A_37 = arith.constant 1 : i32
        scf.for %scan3A_39 = %scan3A_34 to %scan3A_36 step %scan3A_37  : i32 {
          %mul3A_40 = arith.constant 65536 : i32
          %mul3A_41 = arith.muli %arg1, %mul3A_40 : i32
          %mul3A_42 = arith.constant 16384 : i32
          %mul3A_43 = arith.muli %scan3A_39, %mul3A_42 : i32
          %add3A_44 = arith.addi %mul3A_41, %mul3A_43 : i32
          "tpu.region"() ({
            %run_scoped3A = tpu.sem_alloc : memref<!tpu.dma_semaphore, #tpu.memory_space<semaphore_mem>>
            %dma_start3A = tpu.memref_slice %arg2[%add3A_44] : memref<1048576xi32, #tpu.memory_space<hbm>> -> memref<16384xi32, #tpu.memory_space<hbm>>
            %dma_start3A_53 = tpu.memref_slice %arg2[%add3A_44] : memref<1048576xi32, #tpu.memory_space<hbm>> -> memref<16384xi32, #tpu.memory_space<hbm>>
            tpu.enqueue_dma source(%dma_start3A_53 : memref<16384xi32, #tpu.memory_space<hbm>>) target(%arg9 : memref<16384xi32, #tpu.memory_space<vmem>>) target_semaphore(%run_scoped3A : memref<!tpu.dma_semaphore, #tpu.memory_space<semaphore_mem>>)
            %dma_wait3A = tpu.memref_slice %arg2[%add3A_44] : memref<1048576xi32, #tpu.memory_space<hbm>> -> memref<16384xi32, #tpu.memory_space<hbm>>
            %dma_wait3A_54 = tpu.memref_slice %arg2[%add3A_44] : memref<1048576xi32, #tpu.memory_space<hbm>> -> memref<16384xi32, #tpu.memory_space<hbm>>
            tpu.wait_dma2 semaphore(%run_scoped3A : memref<!tpu.dma_semaphore, #tpu.memory_space<semaphore_mem>>) src(%dma_wait3A_54 : memref<16384xi32, #tpu.memory_space<hbm>>) dst(%arg9 : memref<16384xi32, #tpu.memory_space<vmem>>)
            tpu.yield
          }) : () -> ()
          %add3A_45 = arith.constant 0 : i32
          %add3A_46 = arith.addi %add3A, %add3A_45 : i32
          "tpu.region"() ({
            %run_scoped3A = tpu.sem_alloc : memref<!tpu.dma_semaphore, #tpu.memory_space<semaphore_mem>>
            %dma_start3A = tpu.memref_slice %arg3[%add3A_46, %add3A_44] : memref<32x1048576xf32, #tpu.memory_space<hbm>> -> memref<1x16384xf32, #tpu.memory_space<hbm>>
            %dma_start3A_53 = tpu.memref_squeeze %dma_start3A : memref<1x16384xf32, #tpu.memory_space<hbm>> -> memref<16384xf32, #tpu.memory_space<hbm>>
            %dma_start3A_54 = tpu.memref_slice %arg3[%add3A_46, %add3A_44] : memref<32x1048576xf32, #tpu.memory_space<hbm>> -> memref<1x16384xf32, #tpu.memory_space<hbm>>
            %dma_start3A_55 = tpu.memref_squeeze %dma_start3A_54 : memref<1x16384xf32, #tpu.memory_space<hbm>> -> memref<16384xf32, #tpu.memory_space<hbm>>
            tpu.enqueue_dma source(%dma_start3A_55 : memref<16384xf32, #tpu.memory_space<hbm>>) target(%arg10 : memref<16384xf32, #tpu.memory_space<vmem>>) target_semaphore(%run_scoped3A : memref<!tpu.dma_semaphore, #tpu.memory_space<semaphore_mem>>)
            %dma_wait3A = tpu.memref_slice %arg3[%add3A_46, %add3A_44] : memref<32x1048576xf32, #tpu.memory_space<hbm>> -> memref<1x16384xf32, #tpu.memory_space<hbm>>
            %dma_wait3A_56 = tpu.memref_squeeze %dma_wait3A : memref<1x16384xf32, #tpu.memory_space<hbm>> -> memref<16384xf32, #tpu.memory_space<hbm>>
            %dma_wait3A_57 = tpu.memref_slice %arg3[%add3A_46, %add3A_44] : memref<32x1048576xf32, #tpu.memory_space<hbm>> -> memref<1x16384xf32, #tpu.memory_space<hbm>>
            %dma_wait3A_58 = tpu.memref_squeeze %dma_wait3A_57 : memref<1x16384xf32, #tpu.memory_space<hbm>> -> memref<16384xf32, #tpu.memory_space<hbm>>
            tpu.wait_dma2 semaphore(%run_scoped3A : memref<!tpu.dma_semaphore, #tpu.memory_space<semaphore_mem>>) src(%dma_wait3A_58 : memref<16384xf32, #tpu.memory_space<hbm>>) dst(%arg10 : memref<16384xf32, #tpu.memory_space<vmem>>)
            tpu.yield
          }) : () -> ()
          "tpu.region"() ({
            %run_scoped3A = tpu.sem_alloc : memref<!tpu.dma_semaphore, #tpu.memory_space<semaphore_mem>>
            %dma_start3A = arith.constant 0 : i32
            %dma_start3A_53 = tpu.memref_slice %arg5[%dma_start3A] : memref<262144xf32, #tpu.memory_space<vmem_shared>> -> memref<262144xf32, #tpu.memory_space<vmem_shared>>
            tpu.enqueue_indirect_dma source(%arg10 : memref<16384xf32, #tpu.memory_space<vmem>>) target(%dma_start3A_53 : memref<262144xf32, #tpu.memory_space<vmem_shared>>) offsets(%arg9 : memref<16384xi32, #tpu.memory_space<vmem>>) semaphore(%run_scoped3A : memref<!tpu.dma_semaphore, #tpu.memory_space<semaphore_mem>>) {add = true}
            %dma_wait3A = arith.constant 0 : i32
            %dma_wait3A_54 = tpu.memref_slice %arg5[%dma_wait3A] : memref<262144xf32, #tpu.memory_space<vmem_shared>> -> memref<262144xf32, #tpu.memory_space<vmem_shared>>
            tpu.wait_indirect_dma semaphore(%run_scoped3A : memref<!tpu.dma_semaphore, #tpu.memory_space<semaphore_mem>>) src(%arg10 : memref<16384xf32, #tpu.memory_space<vmem>>) dst(%dma_wait3A_54 : memref<262144xf32, #tpu.memory_space<vmem_shared>>)
            tpu.yield
          }) : () -> ()
          %add3A_47 = arith.constant 1 : i32
          %add3A_48 = arith.addi %add3A, %add3A_47 : i32
          "tpu.region"() ({
            %run_scoped3A = tpu.sem_alloc : memref<!tpu.dma_semaphore, #tpu.memory_space<semaphore_mem>>
            %dma_start3A = tpu.memref_slice %arg3[%add3A_48, %add3A_44] : memref<32x1048576xf32, #tpu.memory_space<hbm>> -> memref<1x16384xf32, #tpu.memory_space<hbm>>
            %dma_start3A_53 = tpu.memref_squeeze %dma_start3A : memref<1x16384xf32, #tpu.memory_space<hbm>> -> memref<16384xf32, #tpu.memory_space<hbm>>
            %dma_start3A_54 = tpu.memref_slice %arg3[%add3A_48, %add3A_44] : memref<32x1048576xf32, #tpu.memory_space<hbm>> -> memref<1x16384xf32, #tpu.memory_space<hbm>>
            %dma_start3A_55 = tpu.memref_squeeze %dma_start3A_54 : memref<1x16384xf32, #tpu.memory_space<hbm>> -> memref<16384xf32, #tpu.memory_space<hbm>>
            tpu.enqueue_dma source(%dma_start3A_55 : memref<16384xf32, #tpu.memory_space<hbm>>) target(%arg10 : memref<16384xf32, #tpu.memory_space<vmem>>) target_semaphore(%run_scoped3A : memref<!tpu.dma_semaphore, #tpu.memory_space<semaphore_mem>>)
            %dma_wait3A = tpu.memref_slice %arg3[%add3A_48, %add3A_44] : memref<32x1048576xf32, #tpu.memory_space<hbm>> -> memref<1x16384xf32, #tpu.memory_space<hbm>>
            %dma_wait3A_56 = tpu.memref_squeeze %dma_wait3A : memref<1x16384xf32, #tpu.memory_space<hbm>> -> memref<16384xf32, #tpu.memory_space<hbm>>
            %dma_wait3A_57 = tpu.memref_slice %arg3[%add3A_48, %add3A_44] : memref<32x1048576xf32, #tpu.memory_space<hbm>> -> memref<1x16384xf32, #tpu.memory_space<hbm>>
            %dma_wait3A_58 = tpu.memref_squeeze %dma_wait3A_57 : memref<1x16384xf32, #tpu.memory_space<hbm>> -> memref<16384xf32, #tpu.memory_space<hbm>>
            tpu.wait_dma2 semaphore(%run_scoped3A : memref<!tpu.dma_semaphore, #tpu.memory_space<semaphore_mem>>) src(%dma_wait3A_58 : memref<16384xf32, #tpu.memory_space<hbm>>) dst(%arg10 : memref<16384xf32, #tpu.memory_space<vmem>>)
            tpu.yield
          }) : () -> ()
          "tpu.region"() ({
            %run_scoped3A = tpu.sem_alloc : memref<!tpu.dma_semaphore, #tpu.memory_space<semaphore_mem>>
            %dma_start3A = arith.constant 0 : i32
            %dma_start3A_53 = tpu.memref_slice %arg6[%dma_start3A] : memref<262144xf32, #tpu.memory_space<vmem_shared>> -> memref<262144xf32, #tpu.memory_space<vmem_shared>>
            tpu.enqueue_indirect_dma source(%arg10 : memref<16384xf32, #tpu.memory_space<vmem>>) target(%dma_start3A_53 : memref<262144xf32, #tpu.memory_space<vmem_shared>>) offsets(%arg9 : memref<16384xi32, #tpu.memory_space<vmem>>) semaphore(%run_scoped3A : memref<!tpu.dma_semaphore, #tpu.memory_space<semaphore_mem>>) {add = true}
            %dma_wait3A = arith.constant 0 : i32
            %dma_wait3A_54 = tpu.memref_slice %arg6[%dma_wait3A] : memref<262144xf32, #tpu.memory_space<vmem_shared>> -> memref<262144xf32, #tpu.memory_space<vmem_shared>>
            tpu.wait_indirect_dma semaphore(%run_scoped3A : memref<!tpu.dma_semaphore, #tpu.memory_space<semaphore_mem>>) src(%arg10 : memref<16384xf32, #tpu.memory_space<vmem>>) dst(%dma_wait3A_54 : memref<262144xf32, #tpu.memory_space<vmem_shared>>)
            tpu.yield
          }) : () -> ()
          %add3A_49 = arith.constant 2 : i32
          %add3A_50 = arith.addi %add3A, %add3A_49 : i32
          "tpu.region"() ({
            %run_scoped3A = tpu.sem_alloc : memref<!tpu.dma_semaphore, #tpu.memory_space<semaphore_mem>>
            %dma_start3A = tpu.memref_slice %arg3[%add3A_50, %add3A_44] : memref<32x1048576xf32, #tpu.memory_space<hbm>> -> memref<1x16384xf32, #tpu.memory_space<hbm>>
            %dma_start3A_53 = tpu.memref_squeeze %dma_start3A : memref<1x16384xf32, #tpu.memory_space<hbm>> -> memref<16384xf32, #tpu.memory_space<hbm>>
            %dma_start3A_54 = tpu.memref_slice %arg3[%add3A_50, %add3A_44] : memref<32x1048576xf32, #tpu.memory_space<hbm>> -> memref<1x16384xf32, #tpu.memory_space<hbm>>
            %dma_start3A_55 = tpu.memref_squeeze %dma_start3A_54 : memref<1x16384xf32, #tpu.memory_space<hbm>> -> memref<16384xf32, #tpu.memory_space<hbm>>
            tpu.enqueue_dma source(%dma_start3A_55 : memref<16384xf32, #tpu.memory_space<hbm>>) target(%arg10 : memref<16384xf32, #tpu.memory_space<vmem>>) target_semaphore(%run_scoped3A : memref<!tpu.dma_semaphore, #tpu.memory_space<semaphore_mem>>)
            %dma_wait3A = tpu.memref_slice %arg3[%add3A_50, %add3A_44] : memref<32x1048576xf32, #tpu.memory_space<hbm>> -> memref<1x16384xf32, #tpu.memory_space<hbm>>
            %dma_wait3A_56 = tpu.memref_squeeze %dma_wait3A : memref<1x16384xf32, #tpu.memory_space<hbm>> -> memref<16384xf32, #tpu.memory_space<hbm>>
            %dma_wait3A_57 = tpu.memref_slice %arg3[%add3A_50, %add3A_44] : memref<32x1048576xf32, #tpu.memory_space<hbm>> -> memref<1x16384xf32, #tpu.memory_space<hbm>>
            %dma_wait3A_58 = tpu.memref_squeeze %dma_wait3A_57 : memref<1x16384xf32, #tpu.memory_space<hbm>> -> memref<16384xf32, #tpu.memory_space<hbm>>
            tpu.wait_dma2 semaphore(%run_scoped3A : memref<!tpu.dma_semaphore, #tpu.memory_space<semaphore_mem>>) src(%dma_wait3A_58 : memref<16384xf32, #tpu.memory_space<hbm>>) dst(%arg10 : memref<16384xf32, #tpu.memory_space<vmem>>)
            tpu.yield
          }) : () -> ()
          "tpu.region"() ({
            %run_scoped3A = tpu.sem_alloc : memref<!tpu.dma_semaphore, #tpu.memory_space<semaphore_mem>>
            %dma_start3A = arith.constant 0 : i32
            %dma_start3A_53 = tpu.memref_slice %arg7[%dma_start3A] : memref<262144xf32, #tpu.memory_space<vmem_shared>> -> memref<262144xf32, #tpu.memory_space<vmem_shared>>
            tpu.enqueue_indirect_dma source(%arg10 : memref<16384xf32, #tpu.memory_space<vmem>>) target(%dma_start3A_53 : memref<262144xf32, #tpu.memory_space<vmem_shared>>) offsets(%arg9 : memref<16384xi32, #tpu.memory_space<vmem>>) semaphore(%run_scoped3A : memref<!tpu.dma_semaphore, #tpu.memory_space<semaphore_mem>>) {add = true}
            %dma_wait3A = arith.constant 0 : i32
            %dma_wait3A_54 = tpu.memref_slice %arg7[%dma_wait3A] : memref<262144xf32, #tpu.memory_space<vmem_shared>> -> memref<262144xf32, #tpu.memory_space<vmem_shared>>
            tpu.wait_indirect_dma semaphore(%run_scoped3A : memref<!tpu.dma_semaphore, #tpu.memory_space<semaphore_mem>>) src(%arg10 : memref<16384xf32, #tpu.memory_space<vmem>>) dst(%dma_wait3A_54 : memref<262144xf32, #tpu.memory_space<vmem_shared>>)
            tpu.yield
          }) : () -> ()
          %add3A_51 = arith.constant 3 : i32
          %add3A_52 = arith.addi %add3A, %add3A_51 : i32
          "tpu.region"() ({
            %run_scoped3A = tpu.sem_alloc : memref<!tpu.dma_semaphore, #tpu.memory_space<semaphore_mem>>
            %dma_start3A = tpu.memref_slice %arg3[%add3A_52, %add3A_44] : memref<32x1048576xf32, #tpu.memory_space<hbm>> -> memref<1x16384xf32, #tpu.memory_space<hbm>>
            %dma_start3A_53 = tpu.memref_squeeze %dma_start3A : memref<1x16384xf32, #tpu.memory_space<hbm>> -> memref<16384xf32, #tpu.memory_space<hbm>>
            %dma_start3A_54 = tpu.memref_slice %arg3[%add3A_52, %add3A_44] : memref<32x1048576xf32, #tpu.memory_space<hbm>> -> memref<1x16384xf32, #tpu.memory_space<hbm>>
            %dma_start3A_55 = tpu.memref_squeeze %dma_start3A_54 : memref<1x16384xf32, #tpu.memory_space<hbm>> -> memref<16384xf32, #tpu.memory_space<hbm>>
            tpu.enqueue_dma source(%dma_start3A_55 : memref<16384xf32, #tpu.memory_space<hbm>>) target(%arg10 : memref<16384xf32, #tpu.memory_space<vmem>>) target_semaphore(%run_scoped3A : memref<!tpu.dma_semaphore, #tpu.memory_space<semaphore_mem>>)
            %dma_wait3A = tpu.memref_slice %arg3[%add3A_52, %add3A_44] : memref<32x1048576xf32, #tpu.memory_space<hbm>> -> memref<1x16384xf32, #tpu.memory_space<hbm>>
            %dma_wait3A_56 = tpu.memref_squeeze %dma_wait3A : memref<1x16384xf32, #tpu.memory_space<hbm>> -> memref<16384xf32, #tpu.memory_space<hbm>>
            %dma_wait3A_57 = tpu.memref_slice %arg3[%add3A_52, %add3A_44] : memref<32x1048576xf32, #tpu.memory_space<hbm>> -> memref<1x16384xf32, #tpu.memory_space<hbm>>
            %dma_wait3A_58 = tpu.memref_squeeze %dma_wait3A_57 : memref<1x16384xf32, #tpu.memory_space<hbm>> -> memref<16384xf32, #tpu.memory_space<hbm>>
            tpu.wait_dma2 semaphore(%run_scoped3A : memref<!tpu.dma_semaphore, #tpu.memory_space<semaphore_mem>>) src(%dma_wait3A_58 : memref<16384xf32, #tpu.memory_space<hbm>>) dst(%arg10 : memref<16384xf32, #tpu.memory_space<vmem>>)
            tpu.yield
          }) : () -> ()
          "tpu.region"() ({
            %run_scoped3A = tpu.sem_alloc : memref<!tpu.dma_semaphore, #tpu.memory_space<semaphore_mem>>
            %dma_start3A = arith.constant 0 : i32
            %dma_start3A_53 = tpu.memref_slice %arg8[%dma_start3A] : memref<262144xf32, #tpu.memory_space<vmem_shared>> -> memref<262144xf32, #tpu.memory_space<vmem_shared>>
            tpu.enqueue_indirect_dma source(%arg10 : memref<16384xf32, #tpu.memory_space<vmem>>) target(%dma_start3A_53 : memref<262144xf32, #tpu.memory_space<vmem_shared>>) offsets(%arg9 : memref<16384xi32, #tpu.memory_space<vmem>>) semaphore(%run_scoped3A : memref<!tpu.dma_semaphore, #tpu.memory_space<semaphore_mem>>) {add = true}
            %dma_wait3A = arith.constant 0 : i32
            %dma_wait3A_54 = tpu.memref_slice %arg8[%dma_wait3A] : memref<262144xf32, #tpu.memory_space<vmem_shared>> -> memref<262144xf32, #tpu.memory_space<vmem_shared>>
            tpu.wait_indirect_dma semaphore(%run_scoped3A : memref<!tpu.dma_semaphore, #tpu.memory_space<semaphore_mem>>) src(%arg10 : memref<16384xf32, #tpu.memory_space<vmem>>) dst(%dma_wait3A_54 : memref<262144xf32, #tpu.memory_space<vmem_shared>>)
            tpu.yield
          }) : () -> ()
        }
        %scan3A_38 = arith.constant 4 : i32
      } else {
      }
      %not3A = arith.constant true
      %not3A_19 = arith.xori %lt3A_17, %not3A : i1
      %convert_element_type3A_20 = arith.extui %not3A_19 : i1 to i32
      %cond3A_21 = arith.constant 0 : i32
      %cond3A_22 = arith.cmpi ne, %convert_element_type3A_20, %cond3A_21 : i32
      scf.if %cond3A_22 {
        %scan3A_33 = arith.constant 0 : i32
        %scan3A_34 = arith.constant 0 : i32
        %scan3A_35 = arith.constant 2 : i32
        %scan3A_36 = arith.addi %scan3A_34, %scan3A_35 : i32
        %scan3A_37 = arith.constant 1 : i32
        scf.for %scan3A_39 = %scan3A_34 to %scan3A_36 step %scan3A_37  : i32 {
          %mul3A_40 = arith.constant 524288 : i32
          %mul3A_41 = arith.muli %arg0, %mul3A_40 : i32
          %mul3A_42 = arith.constant 32768 : i32
          %mul3A_43 = arith.muli %arg1, %mul3A_42 : i32
          %add3A_44 = arith.addi %mul3A_41, %mul3A_43 : i32
          %mul3A_45 = arith.constant 16384 : i32
          %mul3A_46 = arith.muli %scan3A_39, %mul3A_45 : i32
          %add3A_47 = arith.addi %add3A_44, %mul3A_46 : i32
          "tpu.region"() ({
            %run_scoped3A = tpu.sem_alloc : memref<!tpu.dma_semaphore, #tpu.memory_space<semaphore_mem>>
            %dma_start3A = tpu.memref_slice %arg2[%add3A_47] : memref<1048576xi32, #tpu.memory_space<hbm>> -> memref<16384xi32, #tpu.memory_space<hbm>>
            %dma_start3A_48 = tpu.memref_slice %arg2[%add3A_47] : memref<1048576xi32, #tpu.memory_space<hbm>> -> memref<16384xi32, #tpu.memory_space<hbm>>
            tpu.enqueue_dma source(%dma_start3A_48 : memref<16384xi32, #tpu.memory_space<hbm>>) target(%arg9 : memref<16384xi32, #tpu.memory_space<vmem>>) target_semaphore(%run_scoped3A : memref<!tpu.dma_semaphore, #tpu.memory_space<semaphore_mem>>)
            %dma_wait3A = tpu.memref_slice %arg2[%add3A_47] : memref<1048576xi32, #tpu.memory_space<hbm>> -> memref<16384xi32, #tpu.memory_space<hbm>>
            %dma_wait3A_49 = tpu.memref_slice %arg2[%add3A_47] : memref<1048576xi32, #tpu.memory_space<hbm>> -> memref<16384xi32, #tpu.memory_space<hbm>>
            tpu.wait_dma2 semaphore(%run_scoped3A : memref<!tpu.dma_semaphore, #tpu.memory_space<semaphore_mem>>) src(%dma_wait3A_49 : memref<16384xi32, #tpu.memory_space<hbm>>) dst(%arg9 : memref<16384xi32, #tpu.memory_space<vmem>>)
            tpu.yield
          }) : () -> ()
          "tpu.region"() ({
            %run_scoped3A = tpu.sem_alloc : memref<!tpu.dma_semaphore, #tpu.memory_space<semaphore_mem>>
            %dma_start3A = arith.constant 0 : i32
            %dma_start3A_48 = tpu.memref_slice %arg5[%dma_start3A] : memref<262144xf32, #tpu.memory_space<vmem_shared>> -> memref<262144xf32, #tpu.memory_space<vmem_shared>>
            tpu.enqueue_indirect_dma source(%arg11 : memref<16384xf32, #tpu.memory_space<vmem>>) target(%dma_start3A_48 : memref<262144xf32, #tpu.memory_space<vmem_shared>>) offsets(%arg9 : memref<16384xi32, #tpu.memory_space<vmem>>) semaphore(%run_scoped3A : memref<!tpu.dma_semaphore, #tpu.memory_space<semaphore_mem>>) {add = true}
            %dma_wait3A = arith.constant 0 : i32
            %dma_wait3A_49 = tpu.memref_slice %arg5[%dma_wait3A] : memref<262144xf32, #tpu.memory_space<vmem_shared>> -> memref<262144xf32, #tpu.memory_space<vmem_shared>>
            tpu.wait_indirect_dma semaphore(%run_scoped3A : memref<!tpu.dma_semaphore, #tpu.memory_space<semaphore_mem>>) src(%arg11 : memref<16384xf32, #tpu.memory_space<vmem>>) dst(%dma_wait3A_49 : memref<262144xf32, #tpu.memory_space<vmem_shared>>)
            tpu.yield
          }) : () -> ()
        }
        %scan3A_38 = arith.constant 2 : i32
      } else {
      }
      %barrier3A_23 = arith.constant 0 : index
      tpu.barrier barrier_id(%barrier3A_23)
      %convert_element_type3A_24 = arith.extui %lt3A_17 : i1 to i32
      %cond3A_25 = arith.constant 0 : i32
      %cond3A_26 = arith.cmpi ne, %convert_element_type3A_24, %cond3A_25 : i32
      scf.if %cond3A_26 {
        %add3A_33 = arith.constant 0 : i32
        %add3A_34 = arith.addi %add3A, %add3A_33 : i32
        "tpu.region"() ({
          %run_scoped3A = tpu.sem_alloc : memref<!tpu.dma_semaphore, #tpu.memory_space<semaphore_mem>>
          %dma_start3A = tpu.memref_slice %arg4[%add3A_34, %mul3A_5] : memref<34x262144xf32, #tpu.memory_space<hbm>> -> memref<1x16384xf32, #tpu.memory_space<hbm>>
          %dma_start3A_41 = tpu.memref_squeeze %dma_start3A : memref<1x16384xf32, #tpu.memory_space<hbm>> -> memref<16384xf32, #tpu.memory_space<hbm>>
          %dma_start3A_42 = tpu.memref_slice %arg5[%mul3A_5] : memref<262144xf32, #tpu.memory_space<vmem_shared>> -> memref<16384xf32, #tpu.memory_space<vmem_shared>>
          tpu.enqueue_dma source(%dma_start3A_42 : memref<16384xf32, #tpu.memory_space<vmem_shared>>) target(%dma_start3A_41 : memref<16384xf32, #tpu.memory_space<hbm>>) target_semaphore(%run_scoped3A : memref<!tpu.dma_semaphore, #tpu.memory_space<semaphore_mem>>)
          %dma_wait3A = tpu.memref_slice %arg4[%add3A_34, %mul3A_5] : memref<34x262144xf32, #tpu.memory_space<hbm>> -> memref<1x16384xf32, #tpu.memory_space<hbm>>
          %dma_wait3A_43 = tpu.memref_squeeze %dma_wait3A : memref<1x16384xf32, #tpu.memory_space<hbm>> -> memref<16384xf32, #tpu.memory_space<hbm>>
          %dma_wait3A_44 = tpu.memref_slice %arg5[%mul3A_5] : memref<262144xf32, #tpu.memory_space<vmem_shared>> -> memref<16384xf32, #tpu.memory_space<vmem_shared>>
          tpu.wait_dma2 semaphore(%run_scoped3A : memref<!tpu.dma_semaphore, #tpu.memory_space<semaphore_mem>>) src(%dma_wait3A_44 : memref<16384xf32, #tpu.memory_space<vmem_shared>>) dst(%dma_wait3A_43 : memref<16384xf32, #tpu.memory_space<hbm>>)
          tpu.yield
        }) : () -> ()
        "tpu.region"() ({
          %run_scoped3A = tpu.sem_alloc : memref<!tpu.dma_semaphore, #tpu.memory_space<semaphore_mem>>
          %dma_start3A = tpu.memref_slice %arg5[%mul3A_5] : memref<262144xf32, #tpu.memory_space<vmem_shared>> -> memref<16384xf32, #tpu.memory_space<vmem_shared>>
          %dma_start3A_41 = tpu.memref_slice %arg5[%mul3A_5] : memref<262144xf32, #tpu.memory_space<vmem_shared>> -> memref<16384xf32, #tpu.memory_space<vmem_shared>>
          tpu.enqueue_dma source(%arg12 : memref<16384xf32, #tpu.memory_space<vmem>>) target(%dma_start3A_41 : memref<16384xf32, #tpu.memory_space<vmem_shared>>) target_semaphore(%run_scoped3A : memref<!tpu.dma_semaphore, #tpu.memory_space<semaphore_mem>>)
          %dma_wait3A = tpu.memref_slice %arg5[%mul3A_5] : memref<262144xf32, #tpu.memory_space<vmem_shared>> -> memref<16384xf32, #tpu.memory_space<vmem_shared>>
          %dma_wait3A_42 = tpu.memref_slice %arg5[%mul3A_5] : memref<262144xf32, #tpu.memory_space<vmem_shared>> -> memref<16384xf32, #tpu.memory_space<vmem_shared>>
          tpu.wait_dma2 semaphore(%run_scoped3A : memref<!tpu.dma_semaphore, #tpu.memory_space<semaphore_mem>>) src(%arg12 : memref<16384xf32, #tpu.memory_space<vmem>>) dst(%dma_wait3A_42 : memref<16384xf32, #tpu.memory_space<vmem_shared>>)
          tpu.yield
        }) : () -> ()
        %add3A_35 = arith.constant 1 : i32
        %add3A_36 = arith.addi %add3A, %add3A_35 : i32
        "tpu.region"() ({
          %run_scoped3A = tpu.sem_alloc : memref<!tpu.dma_semaphore, #tpu.memory_space<semaphore_mem>>
          %dma_start3A = tpu.memref_slice %arg4[%add3A_36, %mul3A_5] : memref<34x262144xf32, #tpu.memory_space<hbm>> -> memref<1x16384xf32, #tpu.memory_space<hbm>>
          %dma_start3A_41 = tpu.memref_squeeze %dma_start3A : memref<1x16384xf32, #tpu.memory_space<hbm>> -> memref<16384xf32, #tpu.memory_space<hbm>>
          %dma_start3A_42 = tpu.memref_slice %arg6[%mul3A_5] : memref<262144xf32, #tpu.memory_space<vmem_shared>> -> memref<16384xf32, #tpu.memory_space<vmem_shared>>
          tpu.enqueue_dma source(%dma_start3A_42 : memref<16384xf32, #tpu.memory_space<vmem_shared>>) target(%dma_start3A_41 : memref<16384xf32, #tpu.memory_space<hbm>>) target_semaphore(%run_scoped3A : memref<!tpu.dma_semaphore, #tpu.memory_space<semaphore_mem>>)
          %dma_wait3A = tpu.memref_slice %arg4[%add3A_36, %mul3A_5] : memref<34x262144xf32, #tpu.memory_space<hbm>> -> memref<1x16384xf32, #tpu.memory_space<hbm>>
          %dma_wait3A_43 = tpu.memref_squeeze %dma_wait3A : memref<1x16384xf32, #tpu.memory_space<hbm>> -> memref<16384xf32, #tpu.memory_space<hbm>>
          %dma_wait3A_44 = tpu.memref_slice %arg6[%mul3A_5] : memref<262144xf32, #tpu.memory_space<vmem_shared>> -> memref<16384xf32, #tpu.memory_space<vmem_shared>>
          tpu.wait_dma2 semaphore(%run_scoped3A : memref<!tpu.dma_semaphore, #tpu.memory_space<semaphore_mem>>) src(%dma_wait3A_44 : memref<16384xf32, #tpu.memory_space<vmem_shared>>) dst(%dma_wait3A_43 : memref<16384xf32, #tpu.memory_space<hbm>>)
          tpu.yield
        }) : () -> ()
        "tpu.region"() ({
          %run_scoped3A = tpu.sem_alloc : memref<!tpu.dma_semaphore, #tpu.memory_space<semaphore_mem>>
          %dma_start3A = tpu.memref_slice %arg6[%mul3A_5] : memref<262144xf32, #tpu.memory_space<vmem_shared>> -> memref<16384xf32, #tpu.memory_space<vmem_shared>>
          %dma_start3A_41 = tpu.memref_slice %arg6[%mul3A_5] : memref<262144xf32, #tpu.memory_space<vmem_shared>> -> memref<16384xf32, #tpu.memory_space<vmem_shared>>
          tpu.enqueue_dma source(%arg12 : memref<16384xf32, #tpu.memory_space<vmem>>) target(%dma_start3A_41 : memref<16384xf32, #tpu.memory_space<vmem_shared>>) target_semaphore(%run_scoped3A : memref<!tpu.dma_semaphore, #tpu.memory_space<semaphore_mem>>)
          %dma_wait3A = tpu.memref_slice %arg6[%mul3A_5] : memref<262144xf32, #tpu.memory_space<vmem_shared>> -> memref<16384xf32, #tpu.memory_space<vmem_shared>>
          %dma_wait3A_42 = tpu.memref_slice %arg6[%mul3A_5] : memref<262144xf32, #tpu.memory_space<vmem_shared>> -> memref<16384xf32, #tpu.memory_space<vmem_shared>>
          tpu.wait_dma2 semaphore(%run_scoped3A : memref<!tpu.dma_semaphore, #tpu.memory_space<semaphore_mem>>) src(%arg12 : memref<16384xf32, #tpu.memory_space<vmem>>) dst(%dma_wait3A_42 : memref<16384xf32, #tpu.memory_space<vmem_shared>>)
          tpu.yield
        }) : () -> ()
        %add3A_37 = arith.constant 2 : i32
        %add3A_38 = arith.addi %add3A, %add3A_37 : i32
        "tpu.region"() ({
          %run_scoped3A = tpu.sem_alloc : memref<!tpu.dma_semaphore, #tpu.memory_space<semaphore_mem>>
          %dma_start3A = tpu.memref_slice %arg4[%add3A_38, %mul3A_5] : memref<34x262144xf32, #tpu.memory_space<hbm>> -> memref<1x16384xf32, #tpu.memory_space<hbm>>
          %dma_start3A_41 = tpu.memref_squeeze %dma_start3A : memref<1x16384xf32, #tpu.memory_space<hbm>> -> memref<16384xf32, #tpu.memory_space<hbm>>
          %dma_start3A_42 = tpu.memref_slice %arg7[%mul3A_5] : memref<262144xf32, #tpu.memory_space<vmem_shared>> -> memref<16384xf32, #tpu.memory_space<vmem_shared>>
          tpu.enqueue_dma source(%dma_start3A_42 : memref<16384xf32, #tpu.memory_space<vmem_shared>>) target(%dma_start3A_41 : memref<16384xf32, #tpu.memory_space<hbm>>) target_semaphore(%run_scoped3A : memref<!tpu.dma_semaphore, #tpu.memory_space<semaphore_mem>>)
          %dma_wait3A = tpu.memref_slice %arg4[%add3A_38, %mul3A_5] : memref<34x262144xf32, #tpu.memory_space<hbm>> -> memref<1x16384xf32, #tpu.memory_space<hbm>>
          %dma_wait3A_43 = tpu.memref_squeeze %dma_wait3A : memref<1x16384xf32, #tpu.memory_space<hbm>> -> memref<16384xf32, #tpu.memory_space<hbm>>
          %dma_wait3A_44 = tpu.memref_slice %arg7[%mul3A_5] : memref<262144xf32, #tpu.memory_space<vmem_shared>> -> memref<16384xf32, #tpu.memory_space<vmem_shared>>
          tpu.wait_dma2 semaphore(%run_scoped3A : memref<!tpu.dma_semaphore, #tpu.memory_space<semaphore_mem>>) src(%dma_wait3A_44 : memref<16384xf32, #tpu.memory_space<vmem_shared>>) dst(%dma_wait3A_43 : memref<16384xf32, #tpu.memory_space<hbm>>)
          tpu.yield
        }) : () -> ()
        "tpu.region"() ({
          %run_scoped3A = tpu.sem_alloc : memref<!tpu.dma_semaphore, #tpu.memory_space<semaphore_mem>>
          %dma_start3A = tpu.memref_slice %arg7[%mul3A_5] : memref<262144xf32, #tpu.memory_space<vmem_shared>> -> memref<16384xf32, #tpu.memory_space<vmem_shared>>
          %dma_start3A_41 = tpu.memref_slice %arg7[%mul3A_5] : memref<262144xf32, #tpu.memory_space<vmem_shared>> -> memref<16384xf32, #tpu.memory_space<vmem_shared>>
          tpu.enqueue_dma source(%arg12 : memref<16384xf32, #tpu.memory_space<vmem>>) target(%dma_start3A_41 : memref<16384xf32, #tpu.memory_space<vmem_shared>>) target_semaphore(%run_scoped3A : memref<!tpu.dma_semaphore, #tpu.memory_space<semaphore_mem>>)
          %dma_wait3A = tpu.memref_slice %arg7[%mul3A_5] : memref<262144xf32, #tpu.memory_space<vmem_shared>> -> memref<16384xf32, #tpu.memory_space<vmem_shared>>
          %dma_wait3A_42 = tpu.memref_slice %arg7[%mul3A_5] : memref<262144xf32, #tpu.memory_space<vmem_shared>> -> memref<16384xf32, #tpu.memory_space<vmem_shared>>
          tpu.wait_dma2 semaphore(%run_scoped3A : memref<!tpu.dma_semaphore, #tpu.memory_space<semaphore_mem>>) src(%arg12 : memref<16384xf32, #tpu.memory_space<vmem>>) dst(%dma_wait3A_42 : memref<16384xf32, #tpu.memory_space<vmem_shared>>)
          tpu.yield
        }) : () -> ()
        %add3A_39 = arith.constant 3 : i32
        %add3A_40 = arith.addi %add3A, %add3A_39 : i32
        "tpu.region"() ({
          %run_scoped3A = tpu.sem_alloc : memref<!tpu.dma_semaphore, #tpu.memory_space<semaphore_mem>>
          %dma_start3A = tpu.memref_slice %arg4[%add3A_40, %mul3A_5] : memref<34x262144xf32, #tpu.memory_space<hbm>> -> memref<1x16384xf32, #tpu.memory_space<hbm>>
          %dma_start3A_41 = tpu.memref_squeeze %dma_start3A : memref<1x16384xf32, #tpu.memory_space<hbm>> -> memref<16384xf32, #tpu.memory_space<hbm>>
          %dma_start3A_42 = tpu.memref_slice %arg8[%mul3A_5] : memref<262144xf32, #tpu.memory_space<vmem_shared>> -> memref<16384xf32, #tpu.memory_space<vmem_shared>>
          tpu.enqueue_dma source(%dma_start3A_42 : memref<16384xf32, #tpu.memory_space<vmem_shared>>) target(%dma_start3A_41 : memref<16384xf32, #tpu.memory_space<hbm>>) target_semaphore(%run_scoped3A : memref<!tpu.dma_semaphore, #tpu.memory_space<semaphore_mem>>)
          %dma_wait3A = tpu.memref_slice %arg4[%add3A_40, %mul3A_5] : memref<34x262144xf32, #tpu.memory_space<hbm>> -> memref<1x16384xf32, #tpu.memory_space<hbm>>
          %dma_wait3A_43 = tpu.memref_squeeze %dma_wait3A : memref<1x16384xf32, #tpu.memory_space<hbm>> -> memref<16384xf32, #tpu.memory_space<hbm>>
          %dma_wait3A_44 = tpu.memref_slice %arg8[%mul3A_5] : memref<262144xf32, #tpu.memory_space<vmem_shared>> -> memref<16384xf32, #tpu.memory_space<vmem_shared>>
          tpu.wait_dma2 semaphore(%run_scoped3A : memref<!tpu.dma_semaphore, #tpu.memory_space<semaphore_mem>>) src(%dma_wait3A_44 : memref<16384xf32, #tpu.memory_space<vmem_shared>>) dst(%dma_wait3A_43 : memref<16384xf32, #tpu.memory_space<hbm>>)
          tpu.yield
        }) : () -> ()
        "tpu.region"() ({
          %run_scoped3A = tpu.sem_alloc : memref<!tpu.dma_semaphore, #tpu.memory_space<semaphore_mem>>
          %dma_start3A = tpu.memref_slice %arg8[%mul3A_5] : memref<262144xf32, #tpu.memory_space<vmem_shared>> -> memref<16384xf32, #tpu.memory_space<vmem_shared>>
          %dma_start3A_41 = tpu.memref_slice %arg8[%mul3A_5] : memref<262144xf32, #tpu.memory_space<vmem_shared>> -> memref<16384xf32, #tpu.memory_space<vmem_shared>>
          tpu.enqueue_dma source(%arg12 : memref<16384xf32, #tpu.memory_space<vmem>>) target(%dma_start3A_41 : memref<16384xf32, #tpu.memory_space<vmem_shared>>) target_semaphore(%run_scoped3A : memref<!tpu.dma_semaphore, #tpu.memory_space<semaphore_mem>>)
          %dma_wait3A = tpu.memref_slice %arg8[%mul3A_5] : memref<262144xf32, #tpu.memory_space<vmem_shared>> -> memref<16384xf32, #tpu.memory_space<vmem_shared>>
          %dma_wait3A_42 = tpu.memref_slice %arg8[%mul3A_5] : memref<262144xf32, #tpu.memory_space<vmem_shared>> -> memref<16384xf32, #tpu.memory_space<vmem_shared>>
          tpu.wait_dma2 semaphore(%run_scoped3A : memref<!tpu.dma_semaphore, #tpu.memory_space<semaphore_mem>>) src(%arg12 : memref<16384xf32, #tpu.memory_space<vmem>>) dst(%dma_wait3A_42 : memref<16384xf32, #tpu.memory_space<vmem_shared>>)
          tpu.yield
        }) : () -> ()
      } else {
      }
      %not3A_27 = arith.constant true
      %not3A_28 = arith.xori %lt3A_17, %not3A_27 : i1
      %convert_element_type3A_29 = arith.extui %not3A_28 : i1 to i32
      %cond3A_30 = arith.constant 0 : i32
      %cond3A_31 = arith.cmpi ne, %convert_element_type3A_29, %cond3A_30 : i32
      scf.if %cond3A_31 {
        %add3A_33 = arith.constant 32 : i32
        %add3A_34 = arith.addi %add3A_33, %arg0 : i32
        "tpu.region"() ({
          %run_scoped3A = tpu.sem_alloc : memref<!tpu.dma_semaphore, #tpu.memory_space<semaphore_mem>>
          %dma_start3A = tpu.memref_slice %arg4[%add3A_34, %mul3A_5] : memref<34x262144xf32, #tpu.memory_space<hbm>> -> memref<1x16384xf32, #tpu.memory_space<hbm>>
          %dma_start3A_35 = tpu.memref_squeeze %dma_start3A : memref<1x16384xf32, #tpu.memory_space<hbm>> -> memref<16384xf32, #tpu.memory_space<hbm>>
          %dma_start3A_36 = tpu.memref_slice %arg5[%mul3A_5] : memref<262144xf32, #tpu.memory_space<vmem_shared>> -> memref<16384xf32, #tpu.memory_space<vmem_shared>>
          tpu.enqueue_dma source(%dma_start3A_36 : memref<16384xf32, #tpu.memory_space<vmem_shared>>) target(%dma_start3A_35 : memref<16384xf32, #tpu.memory_space<hbm>>) target_semaphore(%run_scoped3A : memref<!tpu.dma_semaphore, #tpu.memory_space<semaphore_mem>>)
          %dma_wait3A = tpu.memref_slice %arg4[%add3A_34, %mul3A_5] : memref<34x262144xf32, #tpu.memory_space<hbm>> -> memref<1x16384xf32, #tpu.memory_space<hbm>>
          %dma_wait3A_37 = tpu.memref_squeeze %dma_wait3A : memref<1x16384xf32, #tpu.memory_space<hbm>> -> memref<16384xf32, #tpu.memory_space<hbm>>
          %dma_wait3A_38 = tpu.memref_slice %arg5[%mul3A_5] : memref<262144xf32, #tpu.memory_space<vmem_shared>> -> memref<16384xf32, #tpu.memory_space<vmem_shared>>
          tpu.wait_dma2 semaphore(%run_scoped3A : memref<!tpu.dma_semaphore, #tpu.memory_space<semaphore_mem>>) src(%dma_wait3A_38 : memref<16384xf32, #tpu.memory_space<vmem_shared>>) dst(%dma_wait3A_37 : memref<16384xf32, #tpu.memory_space<hbm>>)
          tpu.yield
        }) : () -> ()
        "tpu.region"() ({
          %run_scoped3A = tpu.sem_alloc : memref<!tpu.dma_semaphore, #tpu.memory_space<semaphore_mem>>
          %dma_start3A = tpu.memref_slice %arg5[%mul3A_5] : memref<262144xf32, #tpu.memory_space<vmem_shared>> -> memref<16384xf32, #tpu.memory_space<vmem_shared>>
          %dma_start3A_35 = tpu.memref_slice %arg5[%mul3A_5] : memref<262144xf32, #tpu.memory_space<vmem_shared>> -> memref<16384xf32, #tpu.memory_space<vmem_shared>>
          tpu.enqueue_dma source(%arg12 : memref<16384xf32, #tpu.memory_space<vmem>>) target(%dma_start3A_35 : memref<16384xf32, #tpu.memory_space<vmem_shared>>) target_semaphore(%run_scoped3A : memref<!tpu.dma_semaphore, #tpu.memory_space<semaphore_mem>>)
          %dma_wait3A = tpu.memref_slice %arg5[%mul3A_5] : memref<262144xf32, #tpu.memory_space<vmem_shared>> -> memref<16384xf32, #tpu.memory_space<vmem_shared>>
          %dma_wait3A_36 = tpu.memref_slice %arg5[%mul3A_5] : memref<262144xf32, #tpu.memory_space<vmem_shared>> -> memref<16384xf32, #tpu.memory_space<vmem_shared>>
          tpu.wait_dma2 semaphore(%run_scoped3A : memref<!tpu.dma_semaphore, #tpu.memory_space<semaphore_mem>>) src(%arg12 : memref<16384xf32, #tpu.memory_space<vmem>>) dst(%dma_wait3A_36 : memref<16384xf32, #tpu.memory_space<vmem_shared>>)
          tpu.yield
        }) : () -> ()
      } else {
      }
      %barrier3A_32 = arith.constant 0 : index
      tpu.barrier barrier_id(%barrier3A_32)
    }
    %scan3A_11 = arith.constant 5 : i32
    return
  }
}

module attributes {stable_mosaic.version = 14 : i64} {
  func.func @_prep_body(%arg0: i32, %arg1: i32, %arg2: memref<1x2x32x512xf32, #tpu.memory_space<vmem>>, %arg3: memref<1x32x32x512xf32, #tpu.memory_space<vmem>>, %arg4: memref<1x4x32x512xi32, #tpu.memory_space<vmem>>, %arg5: memref<1x128x32x512xf32, #tpu.memory_space<vmem>>) attributes {dimension_semantics = [#tpu.dimension_semantics<arbitrary>, #tpu.dimension_semantics<arbitrary>], iteration_bounds = array<i64: 3, 16>, scalar_prefetch = 0 : i64, scratch_operands = 0 : i64, tpu.core_type = #tpu.core_type<tc>, window_params = [{transform_indices = @transform_0, window_bounds = array<i64: 1, 2, 32, 512>}, {transform_indices = @transform_1, window_bounds = array<i64: 1, 32, 32, 512>}, {transform_indices = @transform_2, window_bounds = array<i64: 1, 4, 32, 512>}, {transform_indices = @transform_3, window_bounds = array<i64: 1, 128, 32, 512>}]} {
    %get3A = arith.constant 0 : index
    %get3A_0 = arith.constant 0 : index
    %get3A_1 = arith.constant 0 : index
    %get3A_2 = arith.constant 0 : index
    %get3A_3 = vector.load %arg2[%get3A, %get3A_0, %get3A_1, %get3A_2] : memref<1x2x32x512xf32, #tpu.memory_space<vmem>>, vector<1x2x32x512xf32>
    %get3A_4 = vector.shape_cast %get3A_3 : vector<1x2x32x512xf32> to vector<2x32x512xf32>
    %slice3A = vector.extract_strided_slice %get3A_4 {offsets = [0, 0, 0], sizes = [1, 32, 512], strides = [1, 1, 1]} : vector<2x32x512xf32> to vector<1x32x512xf32>
    %squeeze3A = vector.shape_cast %slice3A : vector<1x32x512xf32> to vector<32x512xf32>
    %add3A = arith.constant 1.000000e+00 : f32
    %add3A_5 = vector.broadcast %add3A : f32 to vector<32x512xf32>
    %add3A_6 = arith.addf %squeeze3A, %add3A_5 : vector<32x512xf32>
    %mul3A = arith.constant 5.000000e-01 : f32
    %mul3A_7 = vector.broadcast %mul3A : f32 to vector<32x512xf32>
    %mul3A_8 = arith.mulf %add3A_6, %mul3A_7 : vector<32x512xf32>
    %jit3A = arith.constant 0.000000e+00 : f32
    %jit3A_9 = arith.constant 9.990000e-01 : f32
    %max3A = vector.broadcast %jit3A : f32 to vector<32x512xf32>
    %max3A_10 = arith.maximumf %max3A, %mul3A_8 : vector<32x512xf32>
    %min3A = vector.broadcast %jit3A_9 : f32 to vector<32x512xf32>
    %min3A_11 = arith.minimumf %min3A, %max3A_10 : vector<32x512xf32>
    %mul3A_12 = arith.constant 5.110000e+02 : f32
    %mul3A_13 = vector.broadcast %mul3A_12 : f32 to vector<32x512xf32>
    %mul3A_14 = arith.mulf %min3A_11, %mul3A_13 : vector<32x512xf32>
    %slice3A_15 = vector.extract_strided_slice %get3A_4 {offsets = [1, 0, 0], sizes = [1, 32, 512], strides = [1, 1, 1]} : vector<2x32x512xf32> to vector<1x32x512xf32>
    %squeeze3A_16 = vector.shape_cast %slice3A_15 : vector<1x32x512xf32> to vector<32x512xf32>
    %add3A_17 = arith.constant 1.000000e+00 : f32
    %add3A_18 = vector.broadcast %add3A_17 : f32 to vector<32x512xf32>
    %add3A_19 = arith.addf %squeeze3A_16, %add3A_18 : vector<32x512xf32>
    %mul3A_20 = arith.constant 5.000000e-01 : f32
    %mul3A_21 = vector.broadcast %mul3A_20 : f32 to vector<32x512xf32>
    %mul3A_22 = arith.mulf %add3A_19, %mul3A_21 : vector<32x512xf32>
    %jit3A_23 = arith.constant 0.000000e+00 : f32
    %jit3A_24 = arith.constant 9.990000e-01 : f32
    %max3A_25 = vector.broadcast %jit3A_23 : f32 to vector<32x512xf32>
    %max3A_26 = arith.maximumf %max3A_25, %mul3A_22 : vector<32x512xf32>
    %min3A_27 = vector.broadcast %jit3A_24 : f32 to vector<32x512xf32>
    %min3A_28 = arith.minimumf %min3A_27, %max3A_26 : vector<32x512xf32>
    %mul3A_29 = arith.constant 5.110000e+02 : f32
    %mul3A_30 = vector.broadcast %mul3A_29 : f32 to vector<32x512xf32>
    %mul3A_31 = arith.mulf %min3A_28, %mul3A_30 : vector<32x512xf32>
    %floor3A = math.floor %mul3A_14 : vector<32x512xf32>
    %floor3A_32 = math.floor %mul3A_31 : vector<32x512xf32>
    %convert_element_type3A = arith.fptosi %floor3A : vector<32x512xf32> to vector<32x512xi32>
    %convert_element_type3A_33 = arith.fptosi %floor3A_32 : vector<32x512xf32> to vector<32x512xi32>
    %sub3A = arith.subf %mul3A_14, %floor3A : vector<32x512xf32>
    %add3A_34 = arith.constant 1.000000e+00 : f32
    %add3A_35 = vector.broadcast %add3A_34 : f32 to vector<32x512xf32>
    %add3A_36 = arith.addf %floor3A, %add3A_35 : vector<32x512xf32>
    %sub3A_37 = arith.subf %add3A_36, %mul3A_14 : vector<32x512xf32>
    %sub3A_38 = arith.subf %mul3A_31, %floor3A_32 : vector<32x512xf32>
    %add3A_39 = arith.constant 1.000000e+00 : f32
    %add3A_40 = vector.broadcast %add3A_39 : f32 to vector<32x512xf32>
    %add3A_41 = arith.addf %floor3A_32, %add3A_40 : vector<32x512xf32>
    %sub3A_42 = arith.subf %add3A_41, %mul3A_31 : vector<32x512xf32>
    %mul3A_43 = arith.constant 512 : i32
    %mul3A_44 = vector.broadcast %mul3A_43 : i32 to vector<32x512xi32>
    %mul3A_45 = arith.muli %convert_element_type3A_33, %mul3A_44 : vector<32x512xi32>
    %add3A_46 = arith.addi %mul3A_45, %convert_element_type3A : vector<32x512xi32>
    %add3A_47 = arith.constant 512 : i32
    %add3A_48 = vector.broadcast %add3A_47 : i32 to vector<32x512xi32>
    %add3A_49 = arith.addi %add3A_46, %add3A_48 : vector<32x512xi32>
    %add3A_50 = arith.constant 1 : i32
    %add3A_51 = vector.broadcast %add3A_50 : i32 to vector<32x512xi32>
    %add3A_52 = arith.addi %add3A_46, %add3A_51 : vector<32x512xi32>
    %add3A_53 = arith.constant 512 : i32
    %add3A_54 = vector.broadcast %add3A_53 : i32 to vector<32x512xi32>
    %add3A_55 = arith.addi %add3A_46, %add3A_54 : vector<32x512xi32>
    %add3A_56 = arith.constant 1 : i32
    %add3A_57 = vector.broadcast %add3A_56 : i32 to vector<32x512xi32>
    %add3A_58 = arith.addi %add3A_55, %add3A_57 : vector<32x512xi32>
    %stack3A = vector.shape_cast %add3A_46 : vector<32x512xi32> to vector<1x32x512xi32>
    %stack3A_59 = vector.shape_cast %add3A_49 : vector<32x512xi32> to vector<1x32x512xi32>
    %stack3A_60 = vector.shape_cast %add3A_52 : vector<32x512xi32> to vector<1x32x512xi32>
    %stack3A_61 = vector.shape_cast %add3A_58 : vector<32x512xi32> to vector<1x32x512xi32>
    %stack3A_62 = tpu.concatenate %stack3A, %stack3A_59, %stack3A_60, %stack3A_61 in 0 : vector<1x32x512xi32>, vector<1x32x512xi32>, vector<1x32x512xi32>, vector<1x32x512xi32> -> vector<4x32x512xi32>
    %swap3A = arith.constant 0 : index
    %swap3A_63 = arith.constant 0 : index
    %swap3A_64 = arith.constant 0 : index
    %swap3A_65 = arith.constant 0 : index
    %swap3A_66 = vector.load %arg4[%swap3A, %swap3A_63, %swap3A_64, %swap3A_65] : memref<1x4x32x512xi32, #tpu.memory_space<vmem>>, vector<1x4x32x512xi32>
    %swap3A_67 = vector.shape_cast %swap3A_66 : vector<1x4x32x512xi32> to vector<4x32x512xi32>
    %swap3A_68 = vector.shape_cast %stack3A_62 : vector<4x32x512xi32> to vector<1x4x32x512xi32>
    tpu.vector_store %arg4[%swap3A, %swap3A_63, %swap3A_64, %swap3A_65], %swap3A_68 {strides = array<i32>} : memref<1x4x32x512xi32, #tpu.memory_space<vmem>>, vector<1x4x32x512xi32>,
    %mul3A_69 = arith.mulf %sub3A_37, %sub3A_42 : vector<32x512xf32>
    %mul3A_70 = arith.mulf %sub3A_37, %sub3A_38 : vector<32x512xf32>
    %mul3A_71 = arith.mulf %sub3A, %sub3A_42 : vector<32x512xf32>
    %mul3A_72 = arith.mulf %sub3A, %sub3A_38 : vector<32x512xf32>
    %stack3A_73 = vector.shape_cast %mul3A_69 : vector<32x512xf32> to vector<1x32x512xf32>
    %stack3A_74 = vector.shape_cast %mul3A_70 : vector<32x512xf32> to vector<1x32x512xf32>
    %stack3A_75 = vector.shape_cast %mul3A_71 : vector<32x512xf32> to vector<1x32x512xf32>
    %stack3A_76 = vector.shape_cast %mul3A_72 : vector<32x512xf32> to vector<1x32x512xf32>
    %stack3A_77 = tpu.concatenate %stack3A_73, %stack3A_74, %stack3A_75, %stack3A_76 in 0 : vector<1x32x512xf32>, vector<1x32x512xf32>, vector<1x32x512xf32>, vector<1x32x512xf32> -> vector<4x32x512xf32>
    %get3A_78 = arith.constant 0 : index
    %get3A_79 = arith.constant 0 : index
    %get3A_80 = arith.constant 0 : index
    %get3A_81 = arith.constant 0 : index
    %get3A_82 = vector.load %arg3[%get3A_78, %get3A_79, %get3A_80, %get3A_81] : memref<1x32x32x512xf32, #tpu.memory_space<vmem>>, vector<1x32x32x512xf32>
    %get3A_83 = vector.shape_cast %get3A_82 : vector<1x32x32x512xf32> to vector<32x32x512xf32>
    %broadcast_in_dim3A = vector.shape_cast %get3A_83 : vector<32x32x512xf32> to vector<32x1x32x512xf32>
    %broadcast_in_dim3A_84 = vector.shape_cast %stack3A_77 : vector<4x32x512xf32> to vector<1x4x32x512xf32>
    %mul3A_85 = vector.broadcast %broadcast_in_dim3A : vector<32x1x32x512xf32> to vector<32x4x32x512xf32>
    %mul3A_86 = vector.broadcast %broadcast_in_dim3A_84 : vector<1x4x32x512xf32> to vector<32x4x32x512xf32>
    %mul3A_87 = arith.mulf %mul3A_85, %mul3A_86 : vector<32x4x32x512xf32>
    %reshape3A = vector.shape_cast %mul3A_87 : vector<32x4x32x512xf32> to vector<128x32x512xf32>
    %swap3A_88 = arith.constant 0 : index
    %swap3A_89 = arith.constant 0 : index
    %swap3A_90 = arith.constant 0 : index
    %swap3A_91 = arith.constant 0 : index
    %swap3A_92 = vector.load %arg5[%swap3A_88, %swap3A_89, %swap3A_90, %swap3A_91] : memref<1x128x32x512xf32, #tpu.memory_space<vmem>>, vector<1x128x32x512xf32>
    %swap3A_93 = vector.shape_cast %swap3A_92 : vector<1x128x32x512xf32> to vector<128x32x512xf32>
    %swap3A_94 = vector.shape_cast %reshape3A : vector<128x32x512xf32> to vector<1x128x32x512xf32>
    tpu.vector_store %arg5[%swap3A_88, %swap3A_89, %swap3A_90, %swap3A_91], %swap3A_94 {strides = array<i32>} : memref<1x128x32x512xf32, #tpu.memory_space<vmem>>, vector<1x128x32x512xf32>,
    return
  }
  func.func @transform_0(%arg0: i32, %arg1: i32) -> (i32, i32, i32, i32) {
    %c0_i32 = arith.constant 0 : i32
    %c0_i32_0 = arith.constant 0 : i32
    %c0_i32_1 = arith.constant 0 : i32
    return %arg0, %c0_i32, %arg1, %c0_i32_0 : i32, i32, i32, i32
  }
  func.func @transform_1(%arg0: i32, %arg1: i32) -> (i32, i32, i32, i32) {
    %c0_i32 = arith.constant 0 : i32
    %c0_i32_0 = arith.constant 0 : i32
    %c0_i32_1 = arith.constant 0 : i32
    return %arg0, %c0_i32, %arg1, %c0_i32_0 : i32, i32, i32, i32
  }
  func.func @transform_2(%arg0: i32, %arg1: i32) -> (i32, i32, i32, i32) {
    %c0_i32 = arith.constant 0 : i32
    %c0_i32_0 = arith.constant 0 : i32
    %c0_i32_1 = arith.constant 0 : i32
    return %arg0, %c0_i32, %arg1, %c0_i32_0 : i32, i32, i32, i32
  }
  func.func @transform_3(%arg0: i32, %arg1: i32) -> (i32, i32, i32, i32) {
    %c0_i32 = arith.constant 0 : i32
    %c0_i32_0 = arith.constant 0 : i32
    %c0_i32_1 = arith.constant 0 : i32
    return %arg0, %c0_i32, %arg1, %c0_i32_0 : i32, i32, i32, i32
  }
}

module attributes {stable_mosaic.version = 14 : i64} {
  func.func @_stats_body(%arg0: i32, %arg1: i32, %arg2: memref<1x128x512xf32, #tpu.memory_space<vmem>>, %arg3: memref<1x128x512xf32, #tpu.memory_space<vmem>>, %arg4: memref<1x128x512xf32, #tpu.memory_space<vmem>>, %arg5: memref<1x128x512xf32, #tpu.memory_space<vmem>>, %arg6: memref<8x128xf32, #tpu.memory_space<vmem>>) attributes {dimension_semantics = [#tpu.dimension_semantics<arbitrary>, #tpu.dimension_semantics<arbitrary>], iteration_bounds = array<i64: 32, 4>, scalar_prefetch = 0 : i64, scratch_operands = 0 : i64, tpu.core_type = #tpu.core_type<tc>, window_params = [{transform_indices = @transform_0, window_bounds = array<i64: 1, 128, 512>}, {transform_indices = @transform_1, window_bounds = array<i64: 1, 128, 512>}, {transform_indices = @transform_2, window_bounds = array<i64: 1, 128, 512>}, {transform_indices = @transform_3, window_bounds = array<i64: 1, 128, 512>}, {pipeline_mode = #tpu.pipeline_mode<synchronous>, transform_indices = @transform_4, window_bounds = array<i64: 8, 128>}]} {
    %get3A = arith.constant 0 : index
    %get3A_0 = arith.constant 0 : index
    %get3A_1 = arith.constant 0 : index
    %get3A_2 = vector.load %arg3[%get3A, %get3A_0, %get3A_1] : memref<1x128x512xf32, #tpu.memory_space<vmem>>, vector<1x128x512xf32>
    %get3A_3 = vector.shape_cast %get3A_2 : vector<1x128x512xf32> to vector<128x512xf32>
    %get3A_4 = arith.constant 0 : index
    %get3A_5 = arith.constant 0 : index
    %get3A_6 = arith.constant 0 : index
    %get3A_7 = vector.load %arg4[%get3A_4, %get3A_5, %get3A_6] : memref<1x128x512xf32, #tpu.memory_space<vmem>>, vector<1x128x512xf32>
    %get3A_8 = vector.shape_cast %get3A_7 : vector<1x128x512xf32> to vector<128x512xf32>
    %add3A = arith.addf %get3A_3, %get3A_8 : vector<128x512xf32>
    %add3A_9 = arith.constant 9.99999997E-7 : f32
    %add3A_10 = vector.broadcast %add3A_9 : f32 to vector<128x512xf32>
    %add3A_11 = arith.addf %add3A, %add3A_10 : vector<128x512xf32>
    %get3A_12 = arith.constant 0 : index
    %get3A_13 = arith.constant 0 : index
    %get3A_14 = arith.constant 0 : index
    %get3A_15 = vector.load %arg2[%get3A_12, %get3A_13, %get3A_14] : memref<1x128x512xf32, #tpu.memory_space<vmem>>, vector<1x128x512xf32>
    %get3A_16 = vector.shape_cast %get3A_15 : vector<1x128x512xf32> to vector<128x512xf32>
    %div3A = arith.divf %get3A_16, %add3A_11 : vector<128x512xf32>
    %swap3A = arith.constant 0 : index
    %swap3A_17 = arith.constant 0 : index
    %swap3A_18 = arith.constant 0 : index
    %swap3A_19 = vector.load %arg5[%swap3A, %swap3A_17, %swap3A_18] : memref<1x128x512xf32, #tpu.memory_space<vmem>>, vector<1x128x512xf32>
    %swap3A_20 = vector.shape_cast %swap3A_19 : vector<1x128x512xf32> to vector<128x512xf32>
    %swap3A_21 = vector.shape_cast %div3A : vector<128x512xf32> to vector<1x128x512xf32>
    tpu.vector_store %arg5[%swap3A, %swap3A_17, %swap3A_18], %swap3A_21 {strides = array<i32>} : memref<1x128x512xf32, #tpu.memory_space<vmem>>, vector<1x128x512xf32>,
    %reshape3A = vector.shape_cast %div3A : vector<128x512xf32> to vector<512x128xf32>
    %reduce_sum3A = arith.constant dense<0.000000e+00> : vector<128xf32>
    %reduce_sum3A_22 = vector.multi_reduction <add>, %reshape3A, %reduce_sum3A [0] : vector<512x128xf32> to vector<128xf32>
    %mul3A = arith.mulf %div3A, %div3A : vector<128x512xf32>
    %reshape3A_23 = vector.shape_cast %mul3A : vector<128x512xf32> to vector<512x128xf32>
    %reduce_sum3A_24 = arith.constant dense<0.000000e+00> : vector<128xf32>
    %reduce_sum3A_25 = vector.multi_reduction <add>, %reshape3A_23, %reduce_sum3A_24 [0] : vector<512x128xf32> to vector<128xf32>
    %eq3A = arith.constant 0 : i32
    %eq3A_26 = arith.cmpi eq, %arg0, %eq3A : i32
    %eq3A_27 = arith.constant 0 : i32
    %eq3A_28 = arith.cmpi eq, %arg1, %eq3A_27 : i32
    %and3A = arith.andi %eq3A_26, %eq3A_28 : i1
    %convert_element_type3A = arith.extui %and3A : i1 to i32
    %cond3A = arith.constant 0 : i32
    %cond3A_29 = arith.cmpi ne, %convert_element_type3A, %cond3A : i32
    scf.if %cond3A_29 {
      %broadcast_in_dim3A = arith.constant 0.000000e+00 : f32
      %broadcast_in_dim3A_50 = vector.broadcast %broadcast_in_dim3A : f32 to vector<8x128xf32>
      %swap3A_51 = arith.constant 0 : index
      %swap3A_52 = arith.constant 0 : index
      %swap3A_53 = vector.load %arg6[%swap3A_51, %swap3A_52] : memref<8x128xf32, #tpu.memory_space<vmem>>, vector<8x128xf32>
      tpu.vector_store %arg6[%swap3A_51, %swap3A_52], %broadcast_in_dim3A_50 {strides = array<i32>} : memref<8x128xf32, #tpu.memory_space<vmem>>, vector<8x128xf32>,
    } else {
    }
    %get3A_30 = arith.constant 0 : index
    %get3A_31 = arith.constant 0 : index
    %get3A_32 = vector.load %arg6[%get3A_30, %get3A_31] : memref<8x128xf32, #tpu.memory_space<vmem>>, vector<1x128xf32>
    %get3A_33 = vector.shape_cast %get3A_32 : vector<1x128xf32> to vector<128xf32>
    %add3A_34 = arith.addf %get3A_33, %reduce_sum3A_22 : vector<128xf32>
    %swap3A_35 = arith.constant 0 : index
    %swap3A_36 = arith.constant 0 : index
    %swap3A_37 = vector.load %arg6[%swap3A_35, %swap3A_36] : memref<8x128xf32, #tpu.memory_space<vmem>>, vector<1x128xf32>
    %swap3A_38 = vector.shape_cast %swap3A_37 : vector<1x128xf32> to vector<128xf32>
    %swap3A_39 = vector.shape_cast %add3A_34 : vector<128xf32> to vector<1x128xf32>
    tpu.vector_store %arg6[%swap3A_35, %swap3A_36], %swap3A_39 {strides = array<i32>} : memref<8x128xf32, #tpu.memory_space<vmem>>, vector<1x128xf32>,
    %get3A_40 = arith.constant 1 : index
    %get3A_41 = arith.constant 0 : index
    %get3A_42 = vector.load %arg6[%get3A_40, %get3A_41] : memref<8x128xf32, #tpu.memory_space<vmem>>, vector<1x128xf32>
    %get3A_43 = vector.shape_cast %get3A_42 : vector<1x128xf32> to vector<128xf32>
    %add3A_44 = arith.addf %get3A_43, %reduce_sum3A_25 : vector<128xf32>
    %swap3A_45 = arith.constant 1 : index
    %swap3A_46 = arith.constant 0 : index
    %swap3A_47 = vector.load %arg6[%swap3A_45, %swap3A_46] : memref<8x128xf32, #tpu.memory_space<vmem>>, vector<1x128xf32>
    %swap3A_48 = vector.shape_cast %swap3A_47 : vector<1x128xf32> to vector<128xf32>
    %swap3A_49 = vector.shape_cast %add3A_44 : vector<128xf32> to vector<1x128xf32>
    tpu.vector_store %arg6[%swap3A_45, %swap3A_46], %swap3A_49 {strides = array<i32>} : memref<8x128xf32, #tpu.memory_space<vmem>>, vector<1x128xf32>,
    return
  }
  func.func @transform_0(%arg0: i32, %arg1: i32) -> (i32, i32, i32) {
    %c0_i32 = arith.constant 0 : i32
    %c0_i32_0 = arith.constant 0 : i32
    return %arg0, %arg1, %c0_i32 : i32, i32, i32
  }
  func.func @transform_1(%arg0: i32, %arg1: i32) -> (i32, i32, i32) {
    %c32_i32 = arith.constant 32 : i32
    %c0_i32 = arith.constant 0 : i32
    %c0_i32_0 = arith.constant 0 : i32
    return %c32_i32, %arg1, %c0_i32 : i32, i32, i32
  }
  func.func @transform_2(%arg0: i32, %arg1: i32) -> (i32, i32, i32) {
    %c33_i32 = arith.constant 33 : i32
    %c0_i32 = arith.constant 0 : i32
    %c0_i32_0 = arith.constant 0 : i32
    return %c33_i32, %arg1, %c0_i32 : i32, i32, i32
  }
  func.func @transform_3(%arg0: i32, %arg1: i32) -> (i32, i32, i32) {
    %c0_i32 = arith.constant 0 : i32
    %c0_i32_0 = arith.constant 0 : i32
    return %arg0, %arg1, %c0_i32 : i32, i32, i32
  }
  func.func @transform_4(%arg0: i32, %arg1: i32) -> (i32, i32) {
    %c0_i32 = arith.constant 0 : i32
    %c0_i32_0 = arith.constant 0 : i32
    %c0_i32_1 = arith.constant 0 : i32
    return %c0_i32, %c0_i32_0 : i32, i32
  }
}

module attributes {stable_mosaic.version = 14 : i64} {
  func.func @_blur_body(%arg0: i32, %arg1: i32, %arg2: memref<1x128x512xf32, #tpu.memory_space<vmem>>, %arg3: memref<1x128x512xf32, #tpu.memory_space<vmem>>, %arg4: memref<1x128x512xf32, #tpu.memory_space<vmem>>, %arg5: memref<1x128x512xf32, #tpu.memory_space<vmem>>, %arg6: memref<1x128x512xf32, #tpu.memory_space<vmem>>, %arg7: memref<1x128x512xf32, #tpu.memory_space<vmem>>, %arg8: memref<1x128x512xf32, #tpu.memory_space<vmem>>, %arg9: memref<1x128x512xf32, #tpu.memory_space<vmem>>, %arg10: memref<1x128x512xf32, #tpu.memory_space<vmem>>, %arg11: memref<1x128x512xf32, #tpu.memory_space<vmem>>, %arg12: memref<1x2xf32, #tpu.memory_space<smem>>, %arg13: memref<1x128x512xf32, #tpu.memory_space<vmem>>) attributes {dimension_semantics = [#tpu.dimension_semantics<arbitrary>, #tpu.dimension_semantics<arbitrary>], iteration_bounds = array<i64: 32, 4>, scalar_prefetch = 0 : i64, scratch_operands = 0 : i64, tpu.core_type = #tpu.core_type<tc>, window_params = [{transform_indices = @transform_0, window_bounds = array<i64: 1, 128, 512>}, {transform_indices = @transform_1, window_bounds = array<i64: 1, 128, 512>}, {transform_indices = @transform_2, window_bounds = array<i64: 1, 128, 512>}, {transform_indices = @transform_3, window_bounds = array<i64: 1, 128, 512>}, {transform_indices = @transform_4, window_bounds = array<i64: 1, 128, 512>}, {transform_indices = @transform_5, window_bounds = array<i64: 1, 128, 512>}, {transform_indices = @transform_6, window_bounds = array<i64: 1, 128, 512>}, {transform_indices = @transform_7, window_bounds = array<i64: 1, 128, 512>}, {transform_indices = @transform_8, window_bounds = array<i64: 1, 128, 512>}, {transform_indices = @transform_9, window_bounds = array<i64: 1, 128, 512>}, {transform_indices = @transform_10, window_bounds = array<i64: 1, 2>}, {transform_indices = @transform_11, window_bounds = array<i64: 1, 128, 512>}]} {
    %get3A = arith.constant 0 : index
    %get3A_0 = arith.constant 0 : index
    %get3A_1 = memref.load %arg12[%get3A, %get3A_0] : memref<1x2xf32, #tpu.memory_space<smem>>
    %get3A_2 = arith.constant 0 : index
    %get3A_3 = arith.constant 1 : index
    %get3A_4 = memref.load %arg12[%get3A_2, %get3A_3] : memref<1x2xf32, #tpu.memory_space<smem>>
    %get3A_5 = arith.constant 0 : index
    %get3A_6 = arith.constant 126 : index
    %get3A_7 = arith.constant 0 : index
    %get3A_8 = vector.load %arg2[%get3A_5, %get3A_6, %get3A_7] : memref<1x128x512xf32, #tpu.memory_space<vmem>>, vector<1x2x512xf32>
    %get3A_9 = vector.shape_cast %get3A_8 : vector<1x2x512xf32> to vector<2x512xf32>
    %get3A_10 = arith.constant 0 : index
    %get3A_11 = arith.constant 0 : index
    %get3A_12 = arith.constant 0 : index
    %get3A_13 = vector.load %arg3[%get3A_10, %get3A_11, %get3A_12] : memref<1x128x512xf32, #tpu.memory_space<vmem>>, vector<1x128x512xf32>
    %get3A_14 = vector.shape_cast %get3A_13 : vector<1x128x512xf32> to vector<128x512xf32>
    %get3A_15 = arith.constant 0 : index
    %get3A_16 = arith.constant 0 : index
    %get3A_17 = arith.constant 0 : index
    %get3A_18 = vector.load %arg4[%get3A_15, %get3A_16, %get3A_17] : memref<1x128x512xf32, #tpu.memory_space<vmem>>, vector<1x2x512xf32>
    %get3A_19 = vector.shape_cast %get3A_18 : vector<1x2x512xf32> to vector<2x512xf32>
    %concatenate3A = tpu.concatenate %get3A_9, %get3A_14, %get3A_19 in 0 : vector<2x512xf32>, vector<128x512xf32>, vector<2x512xf32> -> vector<132x512xf32>
    %get3A_20 = arith.constant 0 : index
    %get3A_21 = arith.constant 126 : index
    %get3A_22 = arith.constant 0 : index
    %get3A_23 = vector.load %arg5[%get3A_20, %get3A_21, %get3A_22] : memref<1x128x512xf32, #tpu.memory_space<vmem>>, vector<1x2x512xf32>
    %get3A_24 = vector.shape_cast %get3A_23 : vector<1x2x512xf32> to vector<2x512xf32>
    %get3A_25 = arith.constant 0 : index
    %get3A_26 = arith.constant 0 : index
    %get3A_27 = arith.constant 0 : index
    %get3A_28 = vector.load %arg6[%get3A_25, %get3A_26, %get3A_27] : memref<1x128x512xf32, #tpu.memory_space<vmem>>, vector<1x128x512xf32>
    %get3A_29 = vector.shape_cast %get3A_28 : vector<1x128x512xf32> to vector<128x512xf32>
    %get3A_30 = arith.constant 0 : index
    %get3A_31 = arith.constant 0 : index
    %get3A_32 = arith.constant 0 : index
    %get3A_33 = vector.load %arg7[%get3A_30, %get3A_31, %get3A_32] : memref<1x128x512xf32, #tpu.memory_space<vmem>>, vector<1x2x512xf32>
    %get3A_34 = vector.shape_cast %get3A_33 : vector<1x2x512xf32> to vector<2x512xf32>
    %concatenate3A_35 = tpu.concatenate %get3A_24, %get3A_29, %get3A_34 in 0 : vector<2x512xf32>, vector<128x512xf32>, vector<2x512xf32> -> vector<132x512xf32>
    %get3A_36 = arith.constant 0 : index
    %get3A_37 = arith.constant 126 : index
    %get3A_38 = arith.constant 0 : index
    %get3A_39 = vector.load %arg8[%get3A_36, %get3A_37, %get3A_38] : memref<1x128x512xf32, #tpu.memory_space<vmem>>, vector<1x2x512xf32>
    %get3A_40 = vector.shape_cast %get3A_39 : vector<1x2x512xf32> to vector<2x512xf32>
    %get3A_41 = arith.constant 0 : index
    %get3A_42 = arith.constant 0 : index
    %get3A_43 = arith.constant 0 : index
    %get3A_44 = vector.load %arg9[%get3A_41, %get3A_42, %get3A_43] : memref<1x128x512xf32, #tpu.memory_space<vmem>>, vector<1x128x512xf32>
    %get3A_45 = vector.shape_cast %get3A_44 : vector<1x128x512xf32> to vector<128x512xf32>
    %get3A_46 = arith.constant 0 : index
    %get3A_47 = arith.constant 0 : index
    %get3A_48 = arith.constant 0 : index
    %get3A_49 = vector.load %arg10[%get3A_46, %get3A_47, %get3A_48] : memref<1x128x512xf32, #tpu.memory_space<vmem>>, vector<1x2x512xf32>
    %get3A_50 = vector.shape_cast %get3A_49 : vector<1x2x512xf32> to vector<2x512xf32>
    %concatenate3A_51 = tpu.concatenate %get3A_40, %get3A_45, %get3A_50 in 0 : vector<2x512xf32>, vector<128x512xf32>, vector<2x512xf32> -> vector<132x512xf32>
    %sub3A = vector.broadcast %get3A_1 : f32 to vector<132x512xf32>
    %sub3A_52 = arith.subf %concatenate3A, %sub3A : vector<132x512xf32>
    %mul3A = vector.broadcast %get3A_4 : f32 to vector<132x512xf32>
    %mul3A_53 = arith.mulf %sub3A_52, %mul3A : vector<132x512xf32>
    %mul3A_54 = arith.mulf %mul3A_53, %concatenate3A_35 : vector<132x512xf32>
    %add3A = arith.addf %mul3A_54, %concatenate3A_51 : vector<132x512xf32>
    %mul3A_55 = arith.constant 128 : i32
    %mul3A_56 = arith.muli %arg1, %mul3A_55 : i32
    %sub3A_57 = arith.constant 2 : i32
    %sub3A_58 = arith.subi %mul3A_56, %sub3A_57 : i32
    %iota3A = tpu.iota {dimensions = array<i32: 0>} : vector<132x512xi32>
    %add3A_59 = vector.broadcast %sub3A_58 : i32 to vector<132x512xi32>
    %add3A_60 = arith.addi %add3A_59, %iota3A : vector<132x512xi32>
    %ge3A = arith.constant 0 : i32
    %ge3A_61 = vector.broadcast %ge3A : i32 to vector<132x512xi32>
    %ge3A_62 = arith.cmpi sge, %add3A_60, %ge3A_61 : vector<132x512xi32>
    %lt3A = arith.constant 512 : i32
    %lt3A_63 = vector.broadcast %lt3A : i32 to vector<132x512xi32>
    %lt3A_64 = arith.cmpi slt, %add3A_60, %lt3A_63 : vector<132x512xi32>
    %and3A = arith.andi %ge3A_62, %lt3A_64 : vector<132x512xi1>
    %jit3A = arith.constant 0.000000e+00 : f32
    %broadcast_in_dim3A = vector.broadcast %jit3A : f32 to vector<132x512xf32>
    %select_n3A = arith.select %and3A, %add3A, %broadcast_in_dim3A : vector<132x512xi1>, vector<132x512xf32>
    %broadcast_in_dim3A_65 = arith.constant 0.000000e+00 : f32
    %broadcast_in_dim3A_66 = vector.broadcast %broadcast_in_dim3A_65 : f32 to vector<128x512xf32>
    %slice3A = vector.extract_strided_slice %select_n3A {offsets = [0, 0], sizes = [128, 512], strides = [1, 1]} : vector<132x512xf32> to vector<128x512xf32>
    %mul3A_67 = arith.constant 0.054488685 : f32
    %mul3A_68 = vector.broadcast %mul3A_67 : f32 to vector<128x512xf32>
    %mul3A_69 = arith.mulf %mul3A_68, %slice3A : vector<128x512xf32>
    %add3A_70 = arith.addf %broadcast_in_dim3A_66, %mul3A_69 : vector<128x512xf32>
    %slice3A_71 = vector.extract_strided_slice %select_n3A {offsets = [1, 0], sizes = [128, 512], strides = [1, 1]} : vector<132x512xf32> to vector<128x512xf32>
    %mul3A_72 = arith.constant 0.244201347 : f32
    %mul3A_73 = vector.broadcast %mul3A_72 : f32 to vector<128x512xf32>
    %mul3A_74 = arith.mulf %mul3A_73, %slice3A_71 : vector<128x512xf32>
    %add3A_75 = arith.addf %add3A_70, %mul3A_74 : vector<128x512xf32>
    %slice3A_76 = vector.extract_strided_slice %select_n3A {offsets = [2, 0], sizes = [128, 512], strides = [1, 1]} : vector<132x512xf32> to vector<128x512xf32>
    %mul3A_77 = arith.constant 0.402619958 : f32
    %mul3A_78 = vector.broadcast %mul3A_77 : f32 to vector<128x512xf32>
    %mul3A_79 = arith.mulf %mul3A_78, %slice3A_76 : vector<128x512xf32>
    %add3A_80 = arith.addf %add3A_75, %mul3A_79 : vector<128x512xf32>
    %slice3A_81 = vector.extract_strided_slice %select_n3A {offsets = [3, 0], sizes = [128, 512], strides = [1, 1]} : vector<132x512xf32> to vector<128x512xf32>
    %mul3A_82 = arith.constant 0.244201347 : f32
    %mul3A_83 = vector.broadcast %mul3A_82 : f32 to vector<128x512xf32>
    %mul3A_84 = arith.mulf %mul3A_83, %slice3A_81 : vector<128x512xf32>
    %add3A_85 = arith.addf %add3A_80, %mul3A_84 : vector<128x512xf32>
    %slice3A_86 = vector.extract_strided_slice %select_n3A {offsets = [4, 0], sizes = [128, 512], strides = [1, 1]} : vector<132x512xf32> to vector<128x512xf32>
    %mul3A_87 = arith.constant 0.054488685 : f32
    %mul3A_88 = vector.broadcast %mul3A_87 : f32 to vector<128x512xf32>
    %mul3A_89 = arith.mulf %mul3A_88, %slice3A_86 : vector<128x512xf32>
    %add3A_90 = arith.addf %add3A_85, %mul3A_89 : vector<128x512xf32>
    %broadcast_in_dim3A_91 = arith.constant 0.000000e+00 : f32
    %broadcast_in_dim3A_92 = vector.broadcast %broadcast_in_dim3A_91 : f32 to vector<128x512xf32>
    %broadcast_in_dim3A_93 = arith.constant 0.000000e+00 : f32
    %broadcast_in_dim3A_94 = vector.broadcast %broadcast_in_dim3A_93 : f32 to vector<128x2xf32>
    %slice3A_95 = vector.extract_strided_slice %add3A_90 {offsets = [0, 0], sizes = [128, 510], strides = [1, 1]} : vector<128x512xf32> to vector<128x510xf32>
    %concatenate3A_96 = tpu.concatenate %broadcast_in_dim3A_94, %slice3A_95 in 1 : vector<128x2xf32>, vector<128x510xf32> -> vector<128x512xf32>
    %mul3A_97 = arith.constant 0.054488685 : f32
    %mul3A_98 = vector.broadcast %mul3A_97 : f32 to vector<128x512xf32>
    %mul3A_99 = arith.mulf %mul3A_98, %concatenate3A_96 : vector<128x512xf32>
    %add3A_100 = arith.addf %broadcast_in_dim3A_92, %mul3A_99 : vector<128x512xf32>
    %broadcast_in_dim3A_101 = arith.constant 0.000000e+00 : f32
    %broadcast_in_dim3A_102 = vector.broadcast %broadcast_in_dim3A_101 : f32 to vector<128x1xf32>
    %slice3A_103 = vector.extract_strided_slice %add3A_90 {offsets = [0, 0], sizes = [128, 511], strides = [1, 1]} : vector<128x512xf32> to vector<128x511xf32>
    %concatenate3A_104 = tpu.concatenate %broadcast_in_dim3A_102, %slice3A_103 in 1 : vector<128x1xf32>, vector<128x511xf32> -> vector<128x512xf32>
    %mul3A_105 = arith.constant 0.244201347 : f32
    %mul3A_106 = vector.broadcast %mul3A_105 : f32 to vector<128x512xf32>
    %mul3A_107 = arith.mulf %mul3A_106, %concatenate3A_104 : vector<128x512xf32>
    %add3A_108 = arith.addf %add3A_100, %mul3A_107 : vector<128x512xf32>
    %mul3A_109 = arith.constant 0.402619958 : f32
    %mul3A_110 = vector.broadcast %mul3A_109 : f32 to vector<128x512xf32>
    %mul3A_111 = arith.mulf %mul3A_110, %add3A_90 : vector<128x512xf32>
    %add3A_112 = arith.addf %add3A_108, %mul3A_111 : vector<128x512xf32>
    %broadcast_in_dim3A_113 = arith.constant 0.000000e+00 : f32
    %broadcast_in_dim3A_114 = vector.broadcast %broadcast_in_dim3A_113 : f32 to vector<128x1xf32>
    %slice3A_115 = vector.extract_strided_slice %add3A_90 {offsets = [0, 1], sizes = [128, 511], strides = [1, 1]} : vector<128x512xf32> to vector<128x511xf32>
    %concatenate3A_116 = tpu.concatenate %slice3A_115, %broadcast_in_dim3A_114 in 1 : vector<128x511xf32>, vector<128x1xf32> -> vector<128x512xf32>
    %mul3A_117 = arith.constant 0.244201347 : f32
    %mul3A_118 = vector.broadcast %mul3A_117 : f32 to vector<128x512xf32>
    %mul3A_119 = arith.mulf %mul3A_118, %concatenate3A_116 : vector<128x512xf32>
    %add3A_120 = arith.addf %add3A_112, %mul3A_119 : vector<128x512xf32>
    %broadcast_in_dim3A_121 = arith.constant 0.000000e+00 : f32
    %broadcast_in_dim3A_122 = vector.broadcast %broadcast_in_dim3A_121 : f32 to vector<128x2xf32>
    %slice3A_123 = vector.extract_strided_slice %add3A_90 {offsets = [0, 2], sizes = [128, 510], strides = [1, 1]} : vector<128x512xf32> to vector<128x510xf32>
    %concatenate3A_124 = tpu.concatenate %slice3A_123, %broadcast_in_dim3A_122 in 1 : vector<128x510xf32>, vector<128x2xf32> -> vector<128x512xf32>
    %mul3A_125 = arith.constant 0.054488685 : f32
    %mul3A_126 = vector.broadcast %mul3A_125 : f32 to vector<128x512xf32>
    %mul3A_127 = arith.mulf %mul3A_126, %concatenate3A_124 : vector<128x512xf32>
    %add3A_128 = arith.addf %add3A_120, %mul3A_127 : vector<128x512xf32>
    %get3A_129 = arith.constant 0 : index
    %get3A_130 = arith.constant 0 : index
    %get3A_131 = arith.constant 0 : index
    %get3A_132 = vector.load %arg11[%get3A_129, %get3A_130, %get3A_131] : memref<1x128x512xf32, #tpu.memory_space<vmem>>, vector<1x128x512xf32>
    %get3A_133 = vector.shape_cast %get3A_132 : vector<1x128x512xf32> to vector<128x512xf32>
    %add3A_134 = arith.addf %add3A_128, %get3A_133 : vector<128x512xf32>
    %swap3A = arith.constant 0 : index
    %swap3A_135 = arith.constant 0 : index
    %swap3A_136 = arith.constant 0 : index
    %swap3A_137 = vector.load %arg13[%swap3A, %swap3A_135, %swap3A_136] : memref<1x128x512xf32, #tpu.memory_space<vmem>>, vector<1x128x512xf32>
    %swap3A_138 = vector.shape_cast %swap3A_137 : vector<1x128x512xf32> to vector<128x512xf32>
    %swap3A_139 = vector.shape_cast %add3A_134 : vector<128x512xf32> to vector<1x128x512xf32>
    tpu.vector_store %arg13[%swap3A, %swap3A_135, %swap3A_136], %swap3A_139 {strides = array<i32>} : memref<1x128x512xf32, #tpu.memory_space<vmem>>, vector<1x128x512xf32>,
    return
  }
  func.func @transform_0(%arg0: i32, %arg1: i32) -> (i32, i32, i32) {
    %sub3A = arith.constant 1 : i32
    %sub3A_0 = arith.subi %arg1, %sub3A : i32
    %max3A = arith.constant 0 : i32
    %max3A_1 = arith.maxsi %sub3A_0, %max3A : i32
    %c0_i32 = arith.constant 0 : i32
    %c0_i32_2 = arith.constant 0 : i32
    return %arg0, %max3A_1, %c0_i32 : i32, i32, i32
  }
  func.func @transform_1(%arg0: i32, %arg1: i32) -> (i32, i32, i32) {
    %c0_i32 = arith.constant 0 : i32
    %c0_i32_0 = arith.constant 0 : i32
    return %arg0, %arg1, %c0_i32 : i32, i32, i32
  }
  func.func @transform_2(%arg0: i32, %arg1: i32) -> (i32, i32, i32) {
    %add3A = arith.constant 1 : i32
    %add3A_0 = arith.addi %arg1, %add3A : i32
    %min3A = arith.constant 3 : i32
    %min3A_1 = arith.minsi %add3A_0, %min3A : i32
    %c0_i32 = arith.constant 0 : i32
    %c0_i32_2 = arith.constant 0 : i32
    return %arg0, %min3A_1, %c0_i32 : i32, i32, i32
  }
  func.func @transform_3(%arg0: i32, %arg1: i32) -> (i32, i32, i32) {
    %sub3A = arith.constant 1 : i32
    %sub3A_0 = arith.subi %arg1, %sub3A : i32
    %max3A = arith.constant 0 : i32
    %max3A_1 = arith.maxsi %sub3A_0, %max3A : i32
    %c0_i32 = arith.constant 0 : i32
    %c0_i32_2 = arith.constant 0 : i32
    return %arg0, %max3A_1, %c0_i32 : i32, i32, i32
  }
  func.func @transform_4(%arg0: i32, %arg1: i32) -> (i32, i32, i32) {
    %c0_i32 = arith.constant 0 : i32
    %c0_i32_0 = arith.constant 0 : i32
    return %arg0, %arg1, %c0_i32 : i32, i32, i32
  }
  func.func @transform_5(%arg0: i32, %arg1: i32) -> (i32, i32, i32) {
    %add3A = arith.constant 1 : i32
    %add3A_0 = arith.addi %arg1, %add3A : i32
    %min3A = arith.constant 3 : i32
    %min3A_1 = arith.minsi %add3A_0, %min3A : i32
    %c0_i32 = arith.constant 0 : i32
    %c0_i32_2 = arith.constant 0 : i32
    return %arg0, %min3A_1, %c0_i32 : i32, i32, i32
  }
  func.func @transform_6(%arg0: i32, %arg1: i32) -> (i32, i32, i32) {
    %sub3A = arith.constant 1 : i32
    %sub3A_0 = arith.subi %arg1, %sub3A : i32
    %max3A = arith.constant 0 : i32
    %max3A_1 = arith.maxsi %sub3A_0, %max3A : i32
    %c0_i32 = arith.constant 0 : i32
    %c0_i32_2 = arith.constant 0 : i32
    return %arg0, %max3A_1, %c0_i32 : i32, i32, i32
  }
  func.func @transform_7(%arg0: i32, %arg1: i32) -> (i32, i32, i32) {
    %c0_i32 = arith.constant 0 : i32
    %c0_i32_0 = arith.constant 0 : i32
    return %arg0, %arg1, %c0_i32 : i32, i32, i32
  }
  func.func @transform_8(%arg0: i32, %arg1: i32) -> (i32, i32, i32) {
    %add3A = arith.constant 1 : i32
    %add3A_0 = arith.addi %arg1, %add3A : i32
    %min3A = arith.constant 3 : i32
    %min3A_1 = arith.minsi %add3A_0, %min3A : i32
    %c0_i32 = arith.constant 0 : i32
    %c0_i32_2 = arith.constant 0 : i32
    return %arg0, %min3A_1, %c0_i32 : i32, i32, i32
  }
  func.func @transform_9(%arg0: i32, %arg1: i32) -> (i32, i32, i32) {
    %c0_i32 = arith.constant 0 : i32
    %c0_i32_0 = arith.constant 0 : i32
    return %arg0, %arg1, %c0_i32 : i32, i32, i32
  }
  func.func @transform_10(%arg0: i32, %arg1: i32) -> (i32, i32) {
    %c0_i32 = arith.constant 0 : i32
    %c0_i32_0 = arith.constant 0 : i32
    %c0_i32_1 = arith.constant 0 : i32
    return %c0_i32, %c0_i32_0 : i32, i32
  }
  func.func @transform_11(%arg0: i32, %arg1: i32) -> (i32, i32, i32) {
    %c0_i32 = arith.constant 0 : i32
    %c0_i32_0 = arith.constant 0 : i32
    return %arg0, %arg1, %c0_i32 : i32, i32, i32
  }
}

</mosaic_0001>

<sc_bundles>
// kernel: kernel.12.cloned.1.call-start
scs
__scs_entry_jumppad:
0x0: {  	(pc) =	sbr.rel $0x88, $3  }
0x1: {  	(tag) =	ssettag $0x0;
	lr =	simm.s32 $0x1  }
0x2: {  	[smem:$0x3F9A] =	sst lr;
	_ =	strace $0xD0000000  }
0x3: {  	_ = 	snop  }
0x4: {  	_ = 	snop  }
0x5: {  	_ = 	snop  }
0x6: {  	_ = 	snop  }
0x7: {  	_ = 	snop  }
__scs_overlays_trampoline_lowered:
0x8: {  	[smem:$0x3FA9] =	sst s0  }
0x9: {  	[smem:$0x3FAA] =	sst s1  }
0xa: {  	[smem:$0x3FAB] =	sst s2  }
0xb: {  	[smem:$0x3FAC] =	sst s3  }
0xc: {  	[smem:$0x3FAD] =	sst s4  }
0xd: {  	[smem:$0x3FAE] =	sst s5  }
0xe: {  	[smem:$0x3FAF] =	sst s6  }
0xf: {  	[smem:$0x3FB0] =	sst s7  }
0x10: {  	[smem:$0x3FB1] =	sst s8  }
0x11: {  	[smem:$0x3FB2] =	sst s9;
	s0 =	simm.s32 @!p0 $0x0  }
0x12: {  	s1 =	sld [smem:$0x3F98];
	s0 =	simm.s32 @p0 $0x1  }
0x13: {  	[smem:$0x3FB3] =	sst s0;
	s0 =	simm.s32 @!p1 $0x0  }
0x14: {  	s2 =	sld [smem:$0x3F97];
	s0 =	simm.s32 @p1 $0x1  }
0x15: {  	[smem:$0x3FB4] =	sst s0;
	s0 =	simm.s32 @!p2 $0x0  }
0x16: {  	s3 =	sld [smem:$0x3FDB];
	s0 =	simm.s32 @p2 $0x1  }
0x17: {  	s4 =	simm.s32 $0x1BF5;
	[smem:$0x3FB6] =	sst s0  }
0x18: {  	s0 =	sld [smem:$0x3F99];
	_ =	swait.ge [sflag:s4], $0x0  }
0x19: {  	s7 =	sld [smem:$0x3F9A]  }
0x1a: {  	s8 =	sadd.s32 $0xFFFFE003, lr  }
0x1b: {  	s9 =	sadd.s32 $0xFFFFFEF7, lr;
	s5 =	simm.s32 $0xFFFFFFFF;
	p2 =	slt.u32 s8, $0xFFFFF086  }
0x1c: {  	p1 =	slt.u32 s9, $0xF7A;
	s5 =	simm.s32 @!p2 $0x0  }
0x1d: {  	s5 =	simm.s32 @p1 $0x1;
	p0 =	seq.s32 s7, s2  }
0x1e: {  	s7 =	smul.u32 @!p0 $0xF7A, s2;
	p2 =	seq.s32 @!p0 s5, $0x0  }
0x1f: {  	s9 =	smul.u32 $0xF7A, s1;
	s8 =	simm.s32 @!p0 $0x1BF5;
	p2 =	por !p2, p0  }
0x20: {  	[sflag:s8] =	ssyncset.s32 @!p0 $0xFFFFF086;
	s6 =	sadd.s32 @!p0 s3, s7;
	s7 =	simm.s32 @!p0 $0x108  }
0x21: {  	s3 =	sadd.s32 s3, s9;
	s6 =	sadd.s32 @!p0 $0x88, s6;
	s7 =	simm.s32 @p2 $0x1082  }
0x22: {  	[simem:s7], [sflag:s8] =	dma.local @!p0 [hbm:s6], $0xF7A  }
0x23: {  	s9 =	sor.u32 $0xD0000000, s2;
	s6 =	simm.s32 $0x108;
	_ =	swait.ge @!p0 [sflag:s8], $0x0  }
0x24: {  	s3 =	sadd.s32 $0x88, s3;
	s6 =	simm.s32 @!p1 $0x1082;
	[sflag:s4] =	ssyncset.s32 $0xFFFFF086  }
0x25: {  	[simem:s6], [sflag:s4] =	dma.local [hbm:s3], $0xF7A  }
0x26: {  	[smem:$0x3F9A] =	sst s1;
	(tag) =	ssettag s2;
	_ =	strace s9  }
0x27: {  	s1 =	sld [smem:$0x3FAA]  }
0x28: {  	s2 =	sld [smem:$0x3FAB]  }
0x29: {  	s4 =	sld [smem:$0x3FAD]  }
0x2a: {  	p0 =	seq.s32 s5, $0x0;
	s5 =	sld [smem:$0x3FAE]  }
0x2b: {  	s6 =	sld [smem:$0x3FAF]  }
0x2c: {  	s7 =	sld [smem:$0x3FB0]  }
0x2d: {  	s3 =	simm.s32 $0x108;
	s8 =	sld [smem:$0x3FB1]  }
0x2e: {  	s3 =	simm.s32 @!p0 $0x1082;
	s9 =	sld [smem:$0x3FB2]  }
0x2f: {  	lr =	sadd.s32 s0, s3;
	s0 =	sld [smem:$0x3FA9]  }
0x30: {  	s3 =	sld [smem:$0x3FAC]  }
0x31: {  	[smem:$0x3FB5] =	sst s10  }
0x32: {  	s10 =	sld [smem:$0x3FB3];
	_ =	sdelay $0x3  }
0x33: {  	p0 =	seq.s32 s10, $0x1;
	s10 =	sld [smem:$0x3FB5];
	_ =	sdelay $0x3  }
0x34: {  	[smem:$0x3FB5] =	sst s10  }
0x35: {  	s10 =	sld [smem:$0x3FB4];
	_ =	sdelay $0x3  }
0x36: {  	p1 =	seq.s32 s10, $0x1;
	s10 =	sld [smem:$0x3FB5];
	_ =	sdelay $0x3  }
0x37: {  	[smem:$0x3FB5] =	sst s10  }
0x38: {  	s10 =	sld [smem:$0x3FB6]  }
0x39: {  	_ = 	snop;
	(pc) =	sbr.ind lr, $3  }
0x3a: {  	_ = 	snop  }
0x3b: {  	_ = 	snop  }
0x3c: {  	p2 =	seq.s32 s10, $0x1;
	s10 =	sld [smem:$0x3FB5]  }
0x3d: {  	_ =	shalt  }
0x3e: {  	_ =	shalt  }
0x3f: {  	_ =	shalt  }
0x40: {  	_ =	shalt  }
0x41: {  	_ =	shalt  }
0x42: {  	_ =	shalt  }
0x43: {  	_ =	shalt  }
0x44: {  	_ =	shalt  }
0x45: {  	_ =	shalt  }
0x46: {  	_ =	shalt  }
0x47: {  	_ =	shalt  }
0x48: {  	_ =	shalt  }
0x49: {  	_ =	shalt  }
0x4a: {  	_ =	shalt  }
0x4b: {  	_ =	shalt  }
0x4c: {  	_ =	shalt  }
0x4d: {  	_ =	shalt  }
0x4e: {  	_ =	shalt  }
0x4f: {  	_ =	shalt  }
0x50: {  	_ =	shalt  }
0x51: {  	_ =	shalt  }
0x52: {  	_ =	shalt  }
0x53: {  	_ =	shalt  }
0x54: {  	_ =	shalt  }
0x55: {  	_ =	shalt  }
0x56: {  	_ =	shalt  }
0x57: {  	_ =	shalt  }
0x58: {  	_ =	shalt  }
0x59: {  	_ =	shalt  }
0x5a: {  	_ =	shalt  }
0x5b: {  	_ =	shalt  }
0x5c: {  	_ =	shalt  }
0x5d: {  	_ =	shalt  }
0x5e: {  	_ =	shalt  }
0x5f: {  	_ =	shalt  }
0x60: {  	_ =	shalt  }
0x61: {  	_ =	shalt  }
0x62: {  	_ =	shalt  }
0x63: {  	_ =	shalt  }
0x64: {  	_ =	shalt  }
0x65: {  	_ =	shalt  }
0x66: {  	_ =	shalt  }
0x67: {  	_ =	shalt  }
0x68: {  	_ =	shalt  }
0x69: {  	_ =	shalt  }
0x6a: {  	_ =	shalt  }
0x6b: {  	_ =	shalt  }
0x6c: {  	_ =	shalt  }
0x6d: {  	_ =	shalt  }
0x6e: {  	_ =	shalt  }
0x6f: {  	_ =	shalt  }
0x70: {  	_ =	shalt  }
0x71: {  	_ =	shalt  }
0x72: {  	_ =	shalt  }
0x73: {  	_ =	shalt  }
0x74: {  	_ =	shalt  }
0x75: {  	_ =	shalt  }
0x76: {  	_ =	shalt  }
0x77: {  	_ =	shalt  }
0x78: {  	_ =	shalt  }
0x79: {  	_ =	shalt  }
0x7a: {  	_ =	shalt  }
0x7b: {  	_ =	shalt  }
0x7c: {  	_ =	shalt  }
0x7d: {  	_ =	shalt  }
0x7e: {  	_ =	shalt  }
0x7f: {  	_ =	shalt  }
0x80: {  	_ =	shalt  }
0x81: {  	_ =	shalt  }
0x82: {  	_ =	shalt  }
0x83: {  	_ =	shalt  }
0x84: {  	_ =	shalt  }
0x85: {  	_ =	shalt  }
0x86: {  	_ =	shalt  }
0x87: {  	_ =	shalt  }
.Lfunc_end0:
.L_simem_size_0:
called_computation.4_lowered:
.L_overlay_start_0:
0x88: {  	s2 =	sld [smem:$0x3FD9]  }
0x89: {  	s3 =	sld [smem:$0x3FFE];
	_ =	sdelay $0x1  }
0x8a: {  	s1 =	srdreg.scid  }
0x8b: {  	s0 =	sand.u32 $0x1, s1  }
0x8c: {  	s16 =	sshll.u32 s0, $0xA;
	s2 =	sadd.s32 s3, s2  }
0x8d: {  	s2 =	sadd.s32 s2, s16  }
0x8e: {  	[smem:$0x3FC1] =	sst s2  }
0x8f: {  	_ = 	snop  }
0x90: {  	(tm) =	ssettm $0x1  }
0x91: {  	s17 =	sld [smem:$0x3FFB];
	_ =	sdelay $0x3  }
0x92: {  	_ =	strace s17  }
0x93: {  	s2 =	sld [smem:$0x3FFC];
	_ =	sdelay $0x3  }
0x94: {  	_ =	strace s2  }
0x95: {  	s2 =	sld [smem:$0x3FFD];
	_ =	sdelay $0x3  }
0x96: {  	_ =	strace s2  }
0x97: {  	_ =	strace $0x8FFFFFFF  }
0x98: {  	s18 =	sld [smem:$0x3FDB];
	_ =	sdelay $0x1  }
0x99: {  	s19 =	simm.s32 $_scs_section_size  }
0x9a: {  	s4 =	simm.s32 $_size__tile_overlayer_lowered;
	s5 =	simm.s32 $_tile_overlayer_lowered  }
0x9b: {  	s22 =	simm.s32 $0x1BFF;
	s21 =	sshll.u32 s5, $0x1;
	s2 =	sadd.s32 s19, s18  }
0x9c: {  	s6 =	simm.s32 $0x0;
	s20 =	sshll.u32 s4, $0x1;
	s4 =	sadd.s32 s21, s2  }
0x9d: {  	[timem:s6], [sflag:s22] =	dma.local [hbm:s4], s20  }
0x9e: {  	_ =	swait.ge [sflag:s22], s20  }
0x9f: {  	s3 =	ssub.s32 $0x0, s20;
	[sflag:s22] =	ssyncset.done $0x0  }
0xa0: {  	[sflag:s22] =	ssyncadd.s32 s3;
	_ =	sdelay $0x1  }
0xa1: {  	s23 =	simm.s32 $0x1B8B  }
0xa2: {  	_ =	swait.ge [sflag:s23], $0x1  }
0xa3: {  	[sflag:s23] =	ssyncset.done $0x0  }
0xa4: {  	s25 =	simm.s32 $0x1B8E;
	s24 =	sld [smem:$0x3FFE];
	[sflag:s23] =	ssyncadd.s32 $0xFFFFFFFF  }
0xa5: {  	s26 =	simm.s32 $execute0_lowered;
	[smem:$0x3FD2] =	sst s25  }
0xa6: {  	s4 =	sshll.u32 s26, $0x1;
	_ =	strace $0x80000049;
	[dreg:$0x1] =	wrdreg $0xFFFFFFFF  }
0xa7: {  	s28 =	simm.s32 $_size_execute0_lowered;
	s2 =	sadd.s32 s2, s4;
	[dreg:$0x0] =	wrdreg $0x0  }
0xa8: {  	s4 =	sshll.u32 s28, $0x1;
	[dreg:$0x2] =	wrdreg s2  }
0xa9: {  	[dreg:$0x3] =	wrdreg s4  }
0xaa: {  	[dreg:$0x4] =	wrdreg $0xC0  }
0xab: {  	_ =	task [dreg:s6], $0x5FFFF  }
0xac: {  	[dreg:$0x1] =	wrdreg $0xFFFFFFFF  }
0xad: {  	[dreg:$0x0] =	wrdreg $0x60  }
0xae: {  	[dreg:$0x2] =	wrdreg s24  }
0xaf: {  	[dreg:$0x3] =	wrdreg $0x0  }
0xb0: {  	[dreg:$0x4] =	wrdreg $0x40000  }
0xb1: {  	[dreg:$0x5] =	wrdreg $0x80000  }
0xb2: {  	[dreg:$0x6] =	wrdreg $0xC0000  }
0xb3: {  	[dreg:$0x7] =	wrdreg $0x9  }
0xb4: {  	_ =	task.clear_ibuf [dreg:s6], $0x8FFFF;
	_ =	strace $0x90000049  }
0xb5: {  	s29 =	simm.s32 $0x9;
	_ =	strace $0x8000004B  }
0xb6: {  	_ =	swait.ge [sflag:s29], $0x1  }
0xb7: {  	[sflag:s29] =	ssyncadd.s32 $0xFFFFFFFF  }
0xb8: {  	_ =	strace $0x9000004B  }
0xb9: {  	_ =	sfence  }
0xba: {  	s30 =	sld [smem:$0x0];
	_ =	sdelay $0x2  }
0xbb: {  	s31 =	sshll.u32 s1, $0xD;
	s1 =	sshrl.u32 s1, $0x2  }
0xbc: {  	s3 =	sand.u32 $0x4000, s31;
	s1 =	sadd.s32 s1, s30  }
0xbd: {  	s0 =	sor.u32 s3, s0;
	s1 =	sshll.u32 s1, $0x11  }
0xbe: {  	s0 =	sor.u32 s1, s0  }
0xbf: {  	s0 =	sadd.s32 $0x8F2B, s0  }
0xc0: {  	[sflag:s0] =	ssyncadd.remote.s32 $0x1  }
0xc1: {  	_ =	sfence.sel $0xFFFF  }
0xc2: {  	[dreg:$0x0] =	wrdreg $0xFFFFFFFF;
	(pc) =	sbr.abs _section_cstart, $3  }
0xc3: {  	[dreg:$0x1] =	wrdreg $0xFFFFFFFF  }
0xc4: {  	_ =	task.clear_ibuf [dreg:s6], $0x2FFFF;
	_ =	strace $0x9FFFFFFF  }
0xc5: {  	(tm) =	ssettm $0x7FFFFFFF  }
tec
execute0_lowered:
.L_overlay_start_1:
0x0: {  	(tag) =	ssettag $0x1  }
0x1: {  	s0 =	rddreg [dreg:$0x0]  }
0x2: {  	s1 =	rddreg [dreg:$0x1]  }
0x3: {  	s2 =	rddreg [dreg:$0x2]  }
0x4: {  	s3 =	rddreg [dreg:$0x3]  }
0x5: {  	s5 =	rddreg [dreg:$0x4];
	s6 =	simm.s32 $0x0;
	s12 =	stileid.u32  }
0x6: {  	s4 =	srdreg.scid;
	s28 =	simm.s32 $0x80;
	s29 =	simm.s32 $0x400  }
0x7: {  	s30 =	simm.s32 $0x14000;
	s31 =	simm.s32 $0x4000;
	[smem:$0x7FF] =	sst s6  }
0x8: {  	s7 =	sshll.u32 s12, $0x10;
	s4 =	sand.u32 $0x1, s4;
	s13 =	sadd.s32 $0xC00600, s0  }
0x9: {  	s19 =	sshll.u32 s12, $0xE;
	s14 =	sshll.u32 s12, $0x11;
	s20 =	sshll.u32 s12, $0xC  }
0xa: {  	s26 =	sshll.u32 s12, $0xD;
	_ =	strace $0x8000004A;
	s18 =	sadd.s32 s7, s0  }
0xb: {  	s8 =	ssub.s32 $0x2, s4;
	s7 =	sadd.s32 $0xC20600, s0;
	s9 =	sadd.s32 s19, s2  }
0xc: {  	s10 =	sadd.s32 s19, s3;
	s11 =	sadd.s32 s19, s5;
	s17 =	sshll.u32 s4, $0x4  }
0xd: {  	s15 =	sor.u32 $0x80, s14;
	s23 =	sor.u32 $0x100, s14;
	s16 =	sor.u32 $0x180, s14  }
0xe: {  	s21 =	sshll.u32 s4, $0x10;
	s20 =	sadd.s32 s13, s20;
	[dreg:$0x6] =	wrdreg s15  }
0xf: {  	s4 =	sshll.u32 s4, $0x15;
	s22 =	sshrl.u32 s8, $0x1;
	[dreg:$0x7] =	wrdreg s23  }
0x10: {  	s15 =	smov.u32 s14;
	s24 =	sadd.s32 s21, s20;
	s21 =	sadd.s32 $0x1000600, s18  }
0x11: {  	[dreg:$0xc] =	wrdreg s4;
	s4 =	sadd.s32 s26, s13;
	s26 =	simm.s32 $0x10000  }
0x12: {  	s13 =	simm.s32 $0x0;
	s0 =	ssub.s32 s8, s22;
	s8 =	sadd.s32 s19, s1  }
0x13: {  	s19 =	sor.u32 s17, s19;
	[dreg:$0x8] =	wrdreg s24;
	s25 =	sadd.s32 $0x800, s24  }
0x14: {  	s19 =	sadd.s32 s19, s7;
	s0 =	smax.u32 s0, $0x1;
	[dreg:$0xb] =	wrdreg s25  }
0x15: {  	s24 =	simm.s32 $0x1C000;
	s19 =	sadd.s32 $0x100000, s19;
	[dreg:$0xa] =	wrdreg s0  }
0x16: {  	v0 =	vimm.f32 $1.000000000e+00;
	v1 =	vimm.f32 $0.0e+00;
	s25 =	simm.s32 $0x1;
	s0 =	simm.s32 $0x10;
	[dreg:$0x9] =	wrdreg s19  }
.LBB2_1:
0x17: {  	[dreg:$0xd] =	wrdreg s13;
	s13 =	simm.s32 $0x40;
	s18 =	simm.s32 $0x0  }
.LBB2_2:
0x18: {  	p0 =	sne.s32 s13, $0xFFC0;
	[tilespmem:s18+$0x18000] =	vst v0;
	s19 =	smov.u32 s13;
	s13 =	sadd.s32 $0x40, s13  }
.Ltmp0:
0x19: {  	[tilespmem:s18+$0x1C000] =	vst v1;
	(pc) =	sbr.rel @p0 .LBB2_2-.Ltmp0, $2  }
0x1a: {  	_ =	sdelay $0x2  }
0x1b: {  	s18 =	sshra.s32 s19, $0x2  }
0x1c: {  	[tilespmem:s18+$0x18000] =	vst v0  }
0x1d: {  	[tilespmem:s18+$0x1C000] =	vst v1  }
0x1e: {  	[spmem:s8] =	stream.linear.scatter [tilespmem:s24], [sflag:$0x1], $0x4000, $0x38;
	v63 =	vld [tilespmem:$0x0]  }
0x1f: {  	_ =	swait.ge [sflag:s25], $0x4000  }
0x20: {  	[sflag:s25] =	ssyncset.done $0x0  }
0x21: {  	[sflag:s25] =	ssyncadd.s32 $0xFFFFC000  }
0x22: {  	[spmem:s9] =	stream.linear.scatter [tilespmem:s24], [sflag:$0x1], $0x4000, $0x38;
	v63 =	vld [tilespmem:$0x0]  }
0x23: {  	_ =	swait.ge [sflag:s25], $0x4000  }
0x24: {  	[sflag:s25] =	ssyncset.done $0x0  }
0x25: {  	[sflag:s25] =	ssyncadd.s32 $0xFFFFC000  }
0x26: {  	[spmem:s10] =	stream.linear.scatter [tilespmem:s24], [sflag:$0x1], $0x4000, $0x38;
	v63 =	vld [tilespmem:$0x0]  }
0x27: {  	_ =	swait.ge [sflag:s25], $0x4000  }
0x28: {  	[sflag:s25] =	ssyncset.done $0x0  }
0x29: {  	[sflag:s25] =	ssyncadd.s32 $0xFFFFC000  }
0x2a: {  	[spmem:s11] =	stream.linear.scatter [tilespmem:s24], [sflag:$0x1], $0x4000, $0x38;
	v63 =	vld [tilespmem:$0x0]  }
0x2b: {  	_ =	swait.ge [sflag:s25], $0x4000  }
0x2c: {  	[sflag:s25] =	ssyncset.done $0x0  }
0x2d: {  	[sflag:s25] =	ssyncadd.s32 $0xFFFFC000  }
0x2e: {  	s20 =	simm.s32 $0x0;
	[bflag:$0x0] =	sbarrier.arrive $0xFFFF  }
0x2f: {  	p0 =	por $0x0, $0x0;
	s13 =	smov.u32 s17;
	s22 =	rddreg [dreg:$0xc]  }
.LBB2_4:
0x30: {  	s18 =	simm.s32 $0x1  }
0x31: {  	[tilespmem:s26], [sflag:$0x1] =	stream.linear.gather [hbm4b:s4+s6], $0x4000, $0x38;
	v63 =	vld [tilespmem:$0x0]  }
0x32: {  	s19 =	sand.u32 $0xFFF00000, s22;
	s18 =	simm.s32 @!p0 $0x0  }
0x33: {  	s19 =	sadd.s32 s19, s21;
	_ =	swait.ge [sflag:s25], $0x4000;
	s18 =	sshll.u32 s18, $0x6  }
0x34: {  	[sflag:s25] =	ssyncset.done $0x0;
	s18 =	sadd.s32 s18, s19  }
0x35: {  	[sflag:s25] =	ssyncadd.s32 $0xFFFFC000;
	s19 =	sadd.s32 $0x0, s18  }
0x36: {  	[tilespmem:s30], [sflag:$0x1] =	stream.strided.gather [hbm4b:s19+s28], $0x4000, s29, s28, $0x38;
	v63 =	vld [tilespmem:$0x0]  }
0x37: {  	_ =	swait.ge [sflag:s25], $0x4000  }
0x38: {  	[sflag:s25] =	ssyncset.done $0x0  }
0x39: {  	[sflag:s25] =	ssyncadd.s32 $0xFFFFC000  }
0x3a: {  	[spmem:s1] =	stream.indirect.scatter.add.f32 [tilespmem:s30], [sflag:$0x1], $0x1, s26, s31, $0xb8;
	v63 =	vld [tilespmem:$0x0]  }
0x3b: {  	_ =	swait.ge [sflag:s25], $0x4000  }
0x3c: {  	[sflag:s25] =	ssyncset.done $0x0  }
0x3d: {  	s23 =	sadd.s32 $0x10, s19;
	[sflag:s25] =	ssyncadd.s32 $0xFFFFC000  }
0x3e: {  	[tilespmem:s30], [sflag:$0x1] =	stream.strided.gather [hbm4b:s23+s28], $0x4000, s29, s28, $0x38;
	v63 =	vld [tilespmem:$0x0]  }
0x3f: {  	_ =	swait.ge [sflag:s25], $0x4000  }
0x40: {  	[sflag:s25] =	ssyncset.done $0x0  }
0x41: {  	[sflag:s25] =	ssyncadd.s32 $0xFFFFC000  }
0x42: {  	[spmem:s2] =	stream.indirect.scatter.add.f32 [tilespmem:s30], [sflag:$0x1], $0x1, s26, s31, $0xb8;
	v63 =	vld [tilespmem:$0x0]  }
0x43: {  	_ =	swait.ge [sflag:s25], $0x4000  }
0x44: {  	[sflag:s25] =	ssyncset.done $0x0  }
0x45: {  	s14 =	sadd.s32 $0x20, s19;
	[sflag:s25] =	ssyncadd.s32 $0xFFFFC000  }
0x46: {  	[tilespmem:s30], [sflag:$0x1] =	stream.strided.gather [hbm4b:s14+s28], $0x4000, s29, s28, $0x38;
	v63 =	vld [tilespmem:$0x0]  }
0x47: {  	_ =	swait.ge [sflag:s25], $0x4000  }
0x48: {  	[sflag:s25] =	ssyncset.done $0x0  }
0x49: {  	[sflag:s25] =	ssyncadd.s32 $0xFFFFC000  }
0x4a: {  	[spmem:s3] =	stream.indirect.scatter.add.f32 [tilespmem:s30], [sflag:$0x1], $0x1, s26, s31, $0xb8;
	v63 =	vld [tilespmem:$0x0]  }
0x4b: {  	_ =	swait.ge [sflag:s25], $0x4000  }
0x4c: {  	[sflag:s25] =	ssyncset.done $0x0  }
0x4d: {  	s19 =	sadd.s32 $0x30, s19;
	[sflag:s25] =	ssyncadd.s32 $0xFFFFC000  }
0x4e: {  	[tilespmem:s30], [sflag:$0x1] =	stream.strided.gather [hbm4b:s19+s28], $0x4000, s29, s28, $0x38;
	v63 =	vld [tilespmem:$0x0]  }
0x4f: {  	_ =	swait.ge [sflag:s25], $0x4000  }
0x50: {  	[sflag:s25] =	ssyncset.done $0x0  }
0x51: {  	[sflag:s25] =	ssyncadd.s32 $0xFFFFC000  }
0x52: {  	[spmem:s5] =	stream.indirect.scatter.add.f32 [tilespmem:s30], [sflag:$0x1], $0x1, s26, s31, $0xb8;
	v63 =	vld [tilespmem:$0x0]  }
0x53: {  	_ =	swait.ge [sflag:s25], $0x4000  }
0x54: {  	s23 =	smov.u32 s4;
	s19 =	simm.s32 $0x4000;
	[sflag:s25] =	ssyncset.done $0x0  }
.LBB2_5:
0x55: {  	p1 =	sne.s32 s19, $0xC000;
	[sflag:s25] =	ssyncadd.s32 $0xFFFFC000;
	s23 =	sadd.s32 $0x800, s23  }
0x56: {  	[tilespmem:s26], [sflag:$0x1] =	stream.linear.gather [hbm4b:s23+s6], $0x4000, $0x38;
	v63 =	vld [tilespmem:$0x0]  }
0x57: {  	s12 =	smov.u32 s19;
	s19 =	sadd.s32 $0x4000, s19;
	_ =	swait.ge [sflag:s25], $0x4000  }
0x58: {  	[sflag:s25] =	ssyncset.done $0x0  }
0x59: {  	s12 =	sadd.s32 s12, s18;
	[sflag:s25] =	ssyncadd.s32 $0xFFFFC000  }
0x5a: {  	[tilespmem:s30], [sflag:$0x1] =	stream.strided.gather [hbm4b:s12+s28], $0x4000, s29, s28, $0x38;
	v63 =	vld [tilespmem:$0x0]  }
0x5b: {  	_ =	swait.ge [sflag:s25], $0x4000  }
0x5c: {  	[sflag:s25] =	ssyncset.done $0x0  }
0x5d: {  	[sflag:s25] =	ssyncadd.s32 $0xFFFFC000  }
0x5e: {  	[spmem:s1] =	stream.indirect.scatter.add.f32 [tilespmem:s30], [sflag:$0x1], $0x1, s26, s31, $0xb8;
	v63 =	vld [tilespmem:$0x0]  }
0x5f: {  	_ =	swait.ge [sflag:s25], $0x4000  }
0x60: {  	[sflag:s25] =	ssyncset.done $0x0  }
0x61: {  	s14 =	sadd.s32 $0x10, s12;
	[sflag:s25] =	ssyncadd.s32 $0xFFFFC000  }
0x62: {  	[tilespmem:s30], [sflag:$0x1] =	stream.strided.gather [hbm4b:s14+s28], $0x4000, s29, s28, $0x38;
	v63 =	vld [tilespmem:$0x0]  }
0x63: {  	_ =	swait.ge [sflag:s25], $0x4000  }
0x64: {  	[sflag:s25] =	ssyncset.done $0x0  }
0x65: {  	[sflag:s25] =	ssyncadd.s32 $0xFFFFC000  }
0x66: {  	[spmem:s2] =	stream.indirect.scatter.add.f32 [tilespmem:s30], [sflag:$0x1], $0x1, s26, s31, $0xb8;
	v63 =	vld [tilespmem:$0x0]  }
0x67: {  	_ =	swait.ge [sflag:s25], $0x4000  }
0x68: {  	[sflag:s25] =	ssyncset.done $0x0  }
0x69: {  	s14 =	sadd.s32 $0x20, s12;
	[sflag:s25] =	ssyncadd.s32 $0xFFFFC000  }
0x6a: {  	[tilespmem:s30], [sflag:$0x1] =	stream.strided.gather [hbm4b:s14+s28], $0x4000, s29, s28, $0x38;
	v63 =	vld [tilespmem:$0x0]  }
0x6b: {  	_ =	swait.ge [sflag:s25], $0x4000  }
0x6c: {  	[sflag:s25] =	ssyncset.done $0x0  }
0x6d: {  	[sflag:s25] =	ssyncadd.s32 $0xFFFFC000  }
0x6e: {  	[spmem:s3] =	stream.indirect.scatter.add.f32 [tilespmem:s30], [sflag:$0x1], $0x1, s26, s31, $0xb8;
	v63 =	vld [tilespmem:$0x0]  }
0x6f: {  	_ =	swait.ge [sflag:s25], $0x4000  }
0x70: {  	[sflag:s25] =	ssyncset.done $0x0  }
0x71: {  	s12 =	sadd.s32 $0x30, s12;
	[sflag:s25] =	ssyncadd.s32 $0xFFFFC000  }
0x72: {  	[tilespmem:s30], [sflag:$0x1] =	stream.strided.gather [hbm4b:s12+s28], $0x4000, s29, s28, $0x38;
	v63 =	vld [tilespmem:$0x0]  }
0x73: {  	_ =	swait.ge [sflag:s25], $0x4000  }
.Ltmp1:
0x74: {  	[sflag:s25] =	ssyncset.done $0x0;
	(pc) =	sbr.rel @p1 .LBB2_5-.Ltmp1, $4  }
0x75: {  	[sflag:s25] =	ssyncadd.s32 $0xFFFFC000  }
0x76: {  	[spmem:s5] =	stream.indirect.scatter.add.f32 [tilespmem:s30], [sflag:$0x1], $0x1, s26, s31, $0xb8;
	v63 =	vld [tilespmem:$0x0]  }
0x77: {  	_ =	swait.ge [sflag:s25], $0x4000  }
0x78: {  	[sflag:s25] =	ssyncset.done $0x0  }
0x79: {  	s12 =	sshll.u32 s20, $0x9  }
0x7a: {  	s13 =	sshll.u32 s13, $0x12;
	s12 =	sand.u32 $0x200, s12  }
0x7b: {  	s13 =	sand.u32 $0xE00000, s13;
	s14 =	sor.u32 s15, s12  }
0x7c: {  	[sflag:s25] =	ssyncadd.s32 $0xFFFFC000;
	s18 =	stileid.u32;
	s14 =	sor.u32 s13, s14  }
0x7d: {  	s19 =	sshrl.u32 s8, $0x3;
	s18 =	sshll.u32 s18, $0x6;
	s14 =	sshrl.u32 s14, $0x3  }
0x7e: {  	[bflag:$0x0] =	sbarrier.arrive $0xFFFF;
	s18 =	sor.u32 $0x1C01, s18;
	s14 =	sadd.s32 s7, s14  }
0x7f: {  	[hbm:s14@s28], [sflag:s18] =	dma.strided [spmem:s19@s0], $0x800, s25, $0x10   }
0x80: {  	_ =	swait.ge [sflag:s25], $0x800  }
0x81: {  	[sflag:s25] =	ssyncset.done $0x0;
	s23 =	rddreg [dreg:$0x6]  }
0x82: {  	[sflag:s25] =	ssyncadd.s32 $0xFFFFF800;
	s14 =	sor.u32 s23, s12  }
0x83: {  	[spmem:s8] =	stream.linear.scatter [tilespmem:s24], [sflag:$0x1], $0x4000, $0x38;
	v63 =	vld [tilespmem:$0x0]  }
0x84: {  	s14 =	sor.u32 s13, s14;
	_ =	swait.ge [sflag:s25], $0x4000  }
0x85: {  	s14 =	sshrl.u32 s14, $0x3;
	[sflag:s25] =	ssyncset.done $0x0  }
0x86: {  	s23 =	sshrl.u32 s9, $0x3;
	s14 =	sadd.s32 s7, s14;
	[sflag:s25] =	ssyncadd.s32 $0xFFFFC000  }
0x87: {  	[hbm:s14@s28], [sflag:s18] =	dma.strided [spmem:s23@s0], $0x800, s25, $0x10   }
0x88: {  	_ =	swait.ge [sflag:s25], $0x800  }
0x89: {  	[sflag:s25] =	ssyncset.done $0x0;
	s23 =	rddreg [dreg:$0x7]  }
0x8a: {  	[sflag:s25] =	ssyncadd.s32 $0xFFFFF800;
	s14 =	sor.u32 s23, s12  }
0x8b: {  	[spmem:s9] =	stream.linear.scatter [tilespmem:s24], [sflag:$0x1], $0x4000, $0x38;
	v63 =	vld [tilespmem:$0x0]  }
0x8c: {  	s14 =	sor.u32 s13, s14;
	_ =	swait.ge [sflag:s25], $0x4000  }
0x8d: {  	s14 =	sshrl.u32 s14, $0x3;
	[sflag:s25] =	ssyncset.done $0x0  }
0x8e: {  	s23 =	sshrl.u32 s10, $0x3;
	s14 =	sadd.s32 s7, s14;
	[sflag:s25] =	ssyncadd.s32 $0xFFFFC000  }
0x8f: {  	[hbm:s14@s28], [sflag:s18] =	dma.strided [spmem:s23@s0], $0x800, s25, $0x10   }
0x90: {  	_ =	swait.ge [sflag:s25], $0x800  }
0x91: {  	[sflag:s25] =	ssyncset.done $0x0  }
0x92: {  	s12 =	sor.u32 s16, s12;
	[sflag:s25] =	ssyncadd.s32 $0xFFFFF800  }
0x93: {  	[spmem:s10] =	stream.linear.scatter [tilespmem:s24], [sflag:$0x1], $0x4000, $0x38;
	v63 =	vld [tilespmem:$0x0]  }
0x94: {  	s12 =	sor.u32 s13, s12;
	_ =	swait.ge [sflag:s25], $0x4000  }
0x95: {  	s12 =	sshrl.u32 s12, $0x3;
	[sflag:s25] =	ssyncset.done $0x0  }
0x96: {  	s12 =	sadd.s32 s7, s12;
	s14 =	sshrl.u32 s11, $0x3;
	[sflag:s25] =	ssyncadd.s32 $0xFFFFC000  }
0x97: {  	[hbm:s12@s28], [sflag:s18] =	dma.strided [spmem:s14@s0], $0x800, s25, $0x10   }
0x98: {  	_ =	swait.ge [sflag:s25], $0x800  }
0x99: {  	s20 =	sadd.s32 $0x1, s20;
	[sflag:s25] =	ssyncset.done $0x0  }
0x9a: {  	p1 =	sne.s32 s20, $0x4;
	[sflag:s25] =	ssyncadd.s32 $0xFFFFF800  }
0x9b: {  	[spmem:s11] =	stream.linear.scatter [tilespmem:s24], [sflag:$0x1], $0x4000, $0x38;
	v63 =	vld [tilespmem:$0x0]  }
.Ltmp2:
0x9c: {  	_ =	swait.ge [sflag:s25], $0x4000;
	(pc) =	sbr.rel @p1 .LBB2_4-.Ltmp2, $4  }
0x9d: {  	[sflag:s25] =	ssyncset.done $0x0  }
0x9e: {  	[sflag:s25] =	ssyncadd.s32 $0xFFFFC000  }
0x9f: {  	s23 =	sshll.u32 s20, $0x2;
	[bflag:$0x0] =	sbarrier.arrive $0xFFFF  }
0xa0: {  	s22 =	sadd.s32 $0x80000, s22;
	p0 =	por !p0, !p0;
	s13 =	sadd.s32 s17, s23  }
0xa1: {  	s12 =	rddreg [dreg:$0x8]  }
0xa2: {  	[tilespmem:s26], [sflag:$0x1] =	stream.linear.gather [hbm4b:s12+s6], $0x4000, $0x38;
	v63 =	vld [tilespmem:$0x0]  }
0xa3: {  	_ =	swait.ge [sflag:s25], $0x4000  }
0xa4: {  	[sflag:s25] =	ssyncset.done $0x0  }
0xa5: {  	s13 =	simm.s32 $0x18000;
	[sflag:s25] =	ssyncadd.s32 $0xFFFFC000  }
0xa6: {  	[spmem:s1] =	stream.indirect.scatter.add.f32 [tilespmem:s13], [sflag:$0x1], $0x1, s26, s31, $0xb8;
	v63 =	vld [tilespmem:$0x0]  }
0xa7: {  	_ =	swait.ge [sflag:s25], $0x4000  }
0xa8: {  	[sflag:s25] =	ssyncset.done $0x0  }
0xa9: {  	s14 =	rddreg [dreg:$0xb];
	[sflag:s25] =	ssyncadd.s32 $0xFFFFC000  }
0xaa: {  	[tilespmem:s26], [sflag:$0x1] =	stream.linear.gather [hbm4b:s14+s6], $0x4000, $0x38;
	v63 =	vld [tilespmem:$0x0]  }
0xab: {  	_ =	swait.ge [sflag:s25], $0x4000  }
0xac: {  	[sflag:s25] =	ssyncset.done $0x0  }
0xad: {  	[sflag:s25] =	ssyncadd.s32 $0xFFFFC000  }
0xae: {  	[spmem:s1] =	stream.indirect.scatter.add.f32 [tilespmem:s13], [sflag:$0x1], $0x1, s26, s31, $0xb8;
	v63 =	vld [tilespmem:$0x0]  }
0xaf: {  	_ =	swait.ge [sflag:s25], $0x4000  }
0xb0: {  	[sflag:s25] =	ssyncset.done $0x0  }
0xb1: {  	[sflag:s25] =	ssyncadd.s32 $0xFFFFC000  }
0xb2: {  	[bflag:$0x0] =	sbarrier.arrive $0xFFFF  }
0xb3: {  	s20 =	rddreg [dreg:$0x9]  }
0xb4: {  	[hbm:s20@s28], [sflag:s18] =	dma.strided [spmem:s19@s0], $0x800, s25, $0x10   }
0xb5: {  	_ =	swait.ge [sflag:s25], $0x800  }
0xb6: {  	[sflag:s25] =	ssyncset.done $0x0  }
0xb7: {  	[sflag:s25] =	ssyncadd.s32 $0xFFFFF800  }
0xb8: {  	[spmem:s8] =	stream.linear.scatter [tilespmem:s24], [sflag:$0x1], $0x4000, $0x38;
	v63 =	vld [tilespmem:$0x0]  }
0xb9: {  	_ =	swait.ge [sflag:s25], $0x4000  }
0xba: {  	s22 =	rddreg [dreg:$0xd]  }
0xbb: {  	s23 =	rddreg [dreg:$0xa];
	s13 =	sadd.s32 $0x1, s22  }
0xbc: {  	p0 =	sne.s32 s13, s23  }
.Ltmp3:
0xbd: {  	_ = 	snop;
	(pc) =	sbr.rel @p0 .LBB2_1-.Ltmp3, $3  }
0xbe: {  	[sflag:s25] =	ssyncset.done $0x0  }
0xbf: {  	[sflag:s25] =	ssyncadd.s32 $0xFFFFC000  }
0xc0: {  	[bflag:$0x0] =	sbarrier.arrive $0xFFFF;
	_ =	sdelay $0x1  }
0xc1: {  	_ =	sfence.sel $0x180000  }
0xc2: {  	[bflag:$0x0] =	sbarrier.arrive $0xFFFF  }
0xc3: {  	_ =	strace $0x9000004A  }
0xc4: {  	s0 =	stileid.u32;
	[bflag:$0x2] =	sbarrier.arrive $0xFFFF  }
0xc5: {  	p0 =	sne.s32 s0, $0x0;
	s0 =	rddreg [dreg:$0x5]  }
0xc6: {  	s0 =	sadd.s32 @!p0 $0x100000, s0  }
0xc7: {  	[sflag:s0] =	ssyncadd.tile.s32 @!p0 $0x1;
	_ =	shalt  }
.Lfunc_end2:
_tile_overlayer_lowered:
.L_overlay_start_2:
0xc8: {  	(tag) =	ssettag $0x2  }
0xc9: {  	s0 =	rddreg [dreg:$0x0];
	s2 =	stileid.u32  }
0xca: {  	s1 =	rddreg [dreg:$0x1];
	p0 =	sne.s32 s2, $0x0  }
0xcb: {  	s3 =	rddreg [dreg:$0x2];
	[bflag:$0x3] =	sbarrier.arrive $0xFFFF;
	s2 =	simm.s32 @!p0 $0x1C01  }
0xcc: {  	[timem:s3], [sflag:s2] =	dma.local @!p0 [hbm:s0], s1  }
0xcd: {  	s0 =	simm.s32 @!p0 $0x1  }
0xce: {  	_ =	swait.ge @!p0 [sflag:s0], s1  }
0xcf: {  	s1 =	ssub.s32 @!p0 $0x0, s1;
	[sflag:s0] =	ssyncset.done @!p0 $0x0  }
0xd0: {  	[sflag:s0] =	ssyncadd.s32 @!p0 s1  }
0xd1: {  	[bflag:$0x3] =	sbarrier.arrive $0xFFFF  }
0xd2: {  	_ =	shalt  }

// kernel: kernel.15.cloned.1.call-start
scs
__scs_entry_jumppad:
0x0: {  	(pc) =	sbr.rel $0x88, $3  }
0x1: {  	(tag) =	ssettag $0x0;
	lr =	simm.s32 $0x1  }
0x2: {  	[smem:$0x3F9A] =	sst lr;
	_ =	strace $0xD0000000  }
0x3: {  	_ = 	snop  }
0x4: {  	_ = 	snop  }
0x5: {  	_ = 	snop  }
0x6: {  	_ = 	snop  }
0x7: {  	_ = 	snop  }
__scs_overlays_trampoline_lowered:
0x8: {  	[smem:$0x3FA9] =	sst s0  }
0x9: {  	[smem:$0x3FAA] =	sst s1  }
0xa: {  	[smem:$0x3FAB] =	sst s2  }
0xb: {  	[smem:$0x3FAC] =	sst s3  }
0xc: {  	[smem:$0x3FAD] =	sst s4  }
0xd: {  	[smem:$0x3FAE] =	sst s5  }
0xe: {  	[smem:$0x3FAF] =	sst s6  }
0xf: {  	[smem:$0x3FB0] =	sst s7  }
0x10: {  	[smem:$0x3FB1] =	sst s8  }
0x11: {  	[smem:$0x3FB2] =	sst s9;
	s0 =	simm.s32 @!p0 $0x0  }
0x12: {  	s1 =	sld [smem:$0x3F98];
	s0 =	simm.s32 @p0 $0x1  }
0x13: {  	[smem:$0x3FB3] =	sst s0;
	s0 =	simm.s32 @!p1 $0x0  }
0x14: {  	s2 =	sld [smem:$0x3F97];
	s0 =	simm.s32 @p1 $0x1  }
0x15: {  	[smem:$0x3FB4] =	sst s0;
	s0 =	simm.s32 @!p2 $0x0  }
0x16: {  	s3 =	sld [smem:$0x3FDB];
	s0 =	simm.s32 @p2 $0x1  }
0x17: {  	s4 =	simm.s32 $0x1BF5;
	[smem:$0x3FB6] =	sst s0  }
0x18: {  	s0 =	sld [smem:$0x3F99];
	_ =	swait.ge [sflag:s4], $0x0  }
0x19: {  	s7 =	sld [smem:$0x3F9A]  }
0x1a: {  	s8 =	sadd.s32 $0xFFFFE003, lr  }
0x1b: {  	s9 =	sadd.s32 $0xFFFFFEF7, lr;
	s5 =	simm.s32 $0xFFFFFFFF;
	p2 =	slt.u32 s8, $0xFFFFF086  }
0x1c: {  	p1 =	slt.u32 s9, $0xF7A;
	s5 =	simm.s32 @!p2 $0x0  }
0x1d: {  	s5 =	simm.s32 @p1 $0x1;
	p0 =	seq.s32 s7, s2  }
0x1e: {  	s7 =	smul.u32 @!p0 $0xF7A, s2;
	p2 =	seq.s32 @!p0 s5, $0x0  }
0x1f: {  	s9 =	smul.u32 $0xF7A, s1;
	s8 =	simm.s32 @!p0 $0x1BF5;
	p2 =	por !p2, p0  }
0x20: {  	[sflag:s8] =	ssyncset.s32 @!p0 $0xFFFFF086;
	s6 =	sadd.s32 @!p0 s3, s7;
	s7 =	simm.s32 @!p0 $0x108  }
0x21: {  	s3 =	sadd.s32 s3, s9;
	s6 =	sadd.s32 @!p0 $0x88, s6;
	s7 =	simm.s32 @p2 $0x1082  }
0x22: {  	[simem:s7], [sflag:s8] =	dma.local @!p0 [hbm:s6], $0xF7A  }
0x23: {  	s9 =	sor.u32 $0xD0000000, s2;
	s6 =	simm.s32 $0x108;
	_ =	swait.ge @!p0 [sflag:s8], $0x0  }
0x24: {  	s3 =	sadd.s32 $0x88, s3;
	s6 =	simm.s32 @!p1 $0x1082;
	[sflag:s4] =	ssyncset.s32 $0xFFFFF086  }
0x25: {  	[simem:s6], [sflag:s4] =	dma.local [hbm:s3], $0xF7A  }
0x26: {  	[smem:$0x3F9A] =	sst s1;
	(tag) =	ssettag s2;
	_ =	strace s9  }
0x27: {  	s1 =	sld [smem:$0x3FAA]  }
0x28: {  	s2 =	sld [smem:$0x3FAB]  }
0x29: {  	s4 =	sld [smem:$0x3FAD]  }
0x2a: {  	p0 =	seq.s32 s5, $0x0;
	s5 =	sld [smem:$0x3FAE]  }
0x2b: {  	s6 =	sld [smem:$0x3FAF]  }
0x2c: {  	s7 =	sld [smem:$0x3FB0]  }
0x2d: {  	s3 =	simm.s32 $0x108;
	s8 =	sld [smem:$0x3FB1]  }
0x2e: {  	s3 =	simm.s32 @!p0 $0x1082;
	s9 =	sld [smem:$0x3FB2]  }
0x2f: {  	lr =	sadd.s32 s0, s3;
	s0 =	sld [smem:$0x3FA9]  }
0x30: {  	s3 =	sld [smem:$0x3FAC]  }
0x31: {  	[smem:$0x3FB5] =	sst s10  }
0x32: {  	s10 =	sld [smem:$0x3FB3];
	_ =	sdelay $0x3  }
0x33: {  	p0 =	seq.s32 s10, $0x1;
	s10 =	sld [smem:$0x3FB5];
	_ =	sdelay $0x3  }
0x34: {  	[smem:$0x3FB5] =	sst s10  }
0x35: {  	s10 =	sld [smem:$0x3FB4];
	_ =	sdelay $0x3  }
0x36: {  	p1 =	seq.s32 s10, $0x1;
	s10 =	sld [smem:$0x3FB5];
	_ =	sdelay $0x3  }
0x37: {  	[smem:$0x3FB5] =	sst s10  }
0x38: {  	s10 =	sld [smem:$0x3FB6]  }
0x39: {  	_ = 	snop;
	(pc) =	sbr.ind lr, $3  }
0x3a: {  	_ = 	snop  }
0x3b: {  	_ = 	snop  }
0x3c: {  	p2 =	seq.s32 s10, $0x1;
	s10 =	sld [smem:$0x3FB5]  }
0x3d: {  	_ =	shalt  }
0x3e: {  	_ =	shalt  }
0x3f: {  	_ =	shalt  }
0x40: {  	_ =	shalt  }
0x41: {  	_ =	shalt  }
0x42: {  	_ =	shalt  }
0x43: {  	_ =	shalt  }
0x44: {  	_ =	shalt  }
0x45: {  	_ =	shalt  }
0x46: {  	_ =	shalt  }
0x47: {  	_ =	shalt  }
0x48: {  	_ =	shalt  }
0x49: {  	_ =	shalt  }
0x4a: {  	_ =	shalt  }
0x4b: {  	_ =	shalt  }
0x4c: {  	_ =	shalt  }
0x4d: {  	_ =	shalt  }
0x4e: {  	_ =	shalt  }
0x4f: {  	_ =	shalt  }
0x50: {  	_ =	shalt  }
0x51: {  	_ =	shalt  }
0x52: {  	_ =	shalt  }
0x53: {  	_ =	shalt  }
0x54: {  	_ =	shalt  }
0x55: {  	_ =	shalt  }
0x56: {  	_ =	shalt  }
0x57: {  	_ =	shalt  }
0x58: {  	_ =	shalt  }
0x59: {  	_ =	shalt  }
0x5a: {  	_ =	shalt  }
0x5b: {  	_ =	shalt  }
0x5c: {  	_ =	shalt  }
0x5d: {  	_ =	shalt  }
0x5e: {  	_ =	shalt  }
0x5f: {  	_ =	shalt  }
0x60: {  	_ =	shalt  }
0x61: {  	_ =	shalt  }
0x62: {  	_ =	shalt  }
0x63: {  	_ =	shalt  }
0x64: {  	_ =	shalt  }
0x65: {  	_ =	shalt  }
0x66: {  	_ =	shalt  }
0x67: {  	_ =	shalt  }
0x68: {  	_ =	shalt  }
0x69: {  	_ =	shalt  }
0x6a: {  	_ =	shalt  }
0x6b: {  	_ =	shalt  }
0x6c: {  	_ =	shalt  }
0x6d: {  	_ =	shalt  }
0x6e: {  	_ =	shalt  }
0x6f: {  	_ =	shalt  }
0x70: {  	_ =	shalt  }
0x71: {  	_ =	shalt  }
0x72: {  	_ =	shalt  }
0x73: {  	_ =	shalt  }
0x74: {  	_ =	shalt  }
0x75: {  	_ =	shalt  }
0x76: {  	_ =	shalt  }
0x77: {  	_ =	shalt  }
0x78: {  	_ =	shalt  }
0x79: {  	_ =	shalt  }
0x7a: {  	_ =	shalt  }
0x7b: {  	_ =	shalt  }
0x7c: {  	_ =	shalt  }
0x7d: {  	_ =	shalt  }
0x7e: {  	_ =	shalt  }
0x7f: {  	_ =	shalt  }
0x80: {  	_ =	shalt  }
0x81: {  	_ =	shalt  }
0x82: {  	_ =	shalt  }
0x83: {  	_ =	shalt  }
0x84: {  	_ =	shalt  }
0x85: {  	_ =	shalt  }
0x86: {  	_ =	shalt  }
0x87: {  	_ =	shalt  }
.Lfunc_end0:
.L_simem_size_0:
called_computation.5_lowered:
.L_overlay_start_0:
0x88: {  	s2 =	sld [smem:$0x3FD9]  }
0x89: {  	s3 =	sld [smem:$0x3FFE];
	_ =	sdelay $0x1  }
0x8a: {  	s1 =	srdreg.scid  }
0x8b: {  	s0 =	sand.u32 $0x1, s1  }
0x8c: {  	s17 =	sshll.u32 s0, $0xA;
	s2 =	sadd.s32 s3, s2  }
0x8d: {  	s2 =	sadd.s32 s2, s17  }
0x8e: {  	[smem:$0x3FC1] =	sst s2  }
0x8f: {  	_ = 	snop  }
0x90: {  	s18 =	sld [smem:$0x3FD0];
	(tm) =	ssettm $0x1  }
0x91: {  	s19 =	sld [smem:$0x3FFB];
	_ =	sdelay $0x3  }
0x92: {  	_ =	strace s19  }
0x93: {  	s2 =	sld [smem:$0x3FFC];
	_ =	sdelay $0x3  }
0x94: {  	_ =	strace s2  }
0x95: {  	s2 =	sld [smem:$0x3FFD];
	_ =	sdelay $0x3  }
0x96: {  	_ =	strace s2  }
0x97: {  	_ =	strace $0x8FFFFFFF  }
0x98: {  	s20 =	sld [smem:$0x3FDB];
	_ =	sdelay $0x1  }
0x99: {  	s4 =	simm.s32 $_scs_section_size  }
0x9a: {  	s5 =	simm.s32 $_size__tile_overlayer_lowered;
	s6 =	simm.s32 $_tile_overlayer_lowered  }
0x9b: {  	s7 =	simm.s32 $0x1BFF;
	s21 =	sshll.u32 s6, $0x1;
	s4 =	sadd.s32 s4, s20  }
0x9c: {  	s22 =	simm.s32 $0x0;
	s5 =	sshll.u32 s5, $0x1;
	s6 =	sadd.s32 s21, s4  }
0x9d: {  	[timem:s22], [sflag:s7] =	dma.local [hbm:s6], s5  }
0x9e: {  	_ =	swait.ge [sflag:s7], s5  }
0x9f: {  	s5 =	ssub.s32 $0x0, s5;
	[sflag:s7] =	ssyncset.done $0x0  }
0xa0: {  	[sflag:s7] =	ssyncadd.s32 s5;
	_ =	sdelay $0x1  }
0xa1: {  	s23 =	simm.s32 $0x1B8B  }
0xa2: {  	_ =	swait.ge [sflag:s23], $0x1  }
0xa3: {  	[sflag:s23] =	ssyncset.done $0x0  }
0xa4: {  	[sflag:s23] =	ssyncadd.s32 $0xFFFFFFFF  }
0xa5: {  	s5 =	sld [smem:$0x0]  }
0xa6: {  	s6 =	sand.u32 $0xFFFFFFFE, s1  }
0xa7: {  	p0 =	sne.s32 s1, s6  }
0xa8: {  	s6 =	sshll.u32 @p0 s6, $0xE  }
0xa9: {  	s6 =	sadd.s32 @p0 $0x11B8D, s6;
	s7 =	sshll.u32 @p0 s5, $0x11  }
0xaa: {  	s6 =	sor.u32 @p0 s7, s6  }
0xab: {  	[sflag:s6] =	ssyncadd.remote.s32 @p0 $0x1;
	_ =	sdelay $0x1  }
0xac: {  	s6 =	simm.s32 @p0 $0x1B8D  }
0xad: {  	_ =	swait.eq @p0 [sflag:s6], $0x1  }
0xae: {  	[sflag:s6] =	ssyncadd.s32 @p0 $0xFFFFFFFF  }
0xaf: {  	s7 =	sshll.u32 @!p0 s1, $0xE  }
0xb0: {  	s7 =	sor.u32 @!p0 $0x4000, s7;
	s6 =	simm.s32 @!p0 $0x1B8D  }
0xb1: {  	s5 =	sshll.u32 @!p0 s5, $0x11;
	s7 =	sadd.s32 @!p0 $0x11B8D, s7;
	_ =	swait.eq @!p0 [sflag:s6], $0x1  }
0xb2: {  	s5 =	sor.u32 @!p0 s5, s7;
	[sflag:s6] =	ssyncadd.s32 @!p0 $0xFFFFFFFF  }
0xb3: {  	s25 =	simm.s32 $0x1B8E;
	s24 =	sld [smem:$0x3FFE];
	[sflag:s5] =	ssyncadd.remote.s32 @!p0 $0x1  }
0xb4: {  	s26 =	simm.s32 $execute0_lowered;
	[smem:$0x3FD2] =	sst s25  }
0xb5: {  	s6 =	sshll.u32 s26, $0x1;
	_ =	strace $0x8000004C;
	[dreg:$0x1] =	wrdreg $0xFFFFFFFF  }
0xb6: {  	s28 =	simm.s32 $_size_execute0_lowered;
	s4 =	sadd.s32 s4, s6;
	[dreg:$0x0] =	wrdreg $0x0  }
0xb7: {  	s6 =	sshll.u32 s28, $0x1;
	[dreg:$0x2] =	wrdreg s4  }
0xb8: {  	[dreg:$0x3] =	wrdreg s6  }
0xb9: {  	[dreg:$0x4] =	wrdreg $0xC0  }
0xba: {  	_ =	task [dreg:s22], $0x5FFFF  }
0xbb: {  	[dreg:$0x1] =	wrdreg $0xFFFFFFFF  }
0xbc: {  	[dreg:$0x0] =	wrdreg $0x60  }
0xbd: {  	[dreg:$0x2] =	wrdreg s18  }
0xbe: {  	[dreg:$0x3] =	wrdreg s24  }
0xbf: {  	[dreg:$0x4] =	wrdreg $0x0  }
0xc0: {  	[dreg:$0x5] =	wrdreg $0x40000  }
0xc1: {  	[dreg:$0x6] =	wrdreg $0x80000  }
0xc2: {  	[dreg:$0x7] =	wrdreg $0xC0000  }
0xc3: {  	[dreg:$0x8] =	wrdreg $0xB  }
0xc4: {  	_ =	task.clear_ibuf [dreg:s22], $0x9FFFF;
	_ =	strace $0x9000004C  }
0xc5: {  	s29 =	simm.s32 $0xB;
	_ =	strace $0x8000004E  }
0xc6: {  	_ =	swait.ge [sflag:s29], $0x1  }
0xc7: {  	[sflag:s29] =	ssyncadd.s32 $0xFFFFFFFF  }
0xc8: {  	_ =	strace $0x9000004E  }
0xc9: {  	_ =	sfence  }
0xca: {  	s30 =	sld [smem:$0x0];
	_ =	sdelay $0x2  }
0xcb: {  	s31 =	sshll.u32 s1, $0xD;
	s1 =	sshrl.u32 s1, $0x2  }
0xcc: {  	s4 =	sand.u32 $0x4000, s31;
	s1 =	sadd.s32 s1, s30  }
0xcd: {  	s0 =	sor.u32 s4, s0;
	s1 =	sshll.u32 s1, $0x11  }
0xce: {  	s0 =	sor.u32 s1, s0  }
0xcf: {  	s0 =	sadd.s32 $0x8F2B, s0  }
0xd0: {  	[sflag:s0] =	ssyncadd.remote.s32 $0x1  }
0xd1: {  	_ =	sfence.sel $0xFFFF  }
0xd2: {  	[dreg:$0x0] =	wrdreg $0xFFFFFFFF;
	(pc) =	sbr.abs _section_cstart, $3  }
0xd3: {  	[dreg:$0x1] =	wrdreg $0xFFFFFFFF  }
0xd4: {  	_ =	task.clear_ibuf [dreg:s22], $0x2FFFF;
	_ =	strace $0x9FFFFFFF  }
0xd5: {  	(tm) =	ssettm $0x7FFFFFFF  }
tec
execute0_lowered:
.L_overlay_start_1:
0x0: {  	(tag) =	ssettag $0x1  }
0x1: {  	s0 =	rddreg [dreg:$0x0]  }
0x2: {  	s3 =	rddreg [dreg:$0x1]  }
0x3: {  	s1 =	rddreg [dreg:$0x2]  }
0x4: {  	s2 =	rddreg [dreg:$0x3]  }
0x5: {  	s4 =	rddreg [dreg:$0x4]  }
0x6: {  	s5 =	rddreg [dreg:$0x5];
	s6 =	simm.s32 $0x0  }
0x7: {  	s12 =	stileid.u32;
	s7 =	srdreg.scid;
	s28 =	simm.s32 $0x80  }
0x8: {  	s29 =	simm.s32 $0x400;
	s30 =	simm.s32 $0x14000;
	s31 =	simm.s32 $0x4000  }
0x9: {  	[smem:$0x7FF] =	sst s6;
	s8 =	sshll.u32 s12, $0x10;
	s13 =	sand.u32 $0x1, s7  }
0xa: {  	s7 =	sadd.s32 $0xD80600, s3;
	s19 =	sshll.u32 s12, $0xE;
	s14 =	sshll.u32 s12, $0x11  }
0xb: {  	s25 =	sshll.u32 s12, $0xD;
	_ =	strace $0x8000004D;
	s18 =	sadd.s32 s8, s3  }
0xc: {  	s20 =	ssub.s32 $0x2, s13;
	s8 =	sadd.s32 s19, s1;
	s9 =	sadd.s32 s19, s2  }
0xd: {  	s10 =	sadd.s32 s19, s4;
	s11 =	sadd.s32 s19, s5;
	s17 =	sshll.u32 s13, $0x4  }
0xe: {  	s15 =	sor.u32 $0x80, s14;
	s22 =	sor.u32 $0x100, s14;
	s16 =	sor.u32 $0x180, s14  }
0xf: {  	s26 =	sshll.u32 s13, $0x15;
	s21 =	sshrl.u32 s20, $0x1;
	[dreg:$0x7] =	wrdreg s15  }
0x10: {  	[dreg:$0x8] =	wrdreg s22;
	s15 =	smov.u32 s14;
	s19 =	sor.u32 s17, s19  }
0x11: {  	[dreg:$0xd] =	wrdreg s26;
	s26 =	simm.s32 $0x10000;
	s3 =	ssub.s32 s20, s21  }
0x12: {  	s20 =	sshll.u32 s12, $0xC;
	s21 =	sshll.u32 s13, $0x10;
	s19 =	sadd.s32 s19, s7  }
0x13: {  	s13 =	simm.s32 $0x0;
	s20 =	sadd.s32 s0, s20;
	s19 =	sadd.s32 $0x100000, s19  }
0x14: {  	s3 =	smax.u32 s3, $0x1;
	s23 =	sadd.s32 s21, s20;
	[dreg:$0xa] =	wrdreg s19  }
0x15: {  	[dreg:$0xb] =	wrdreg s3;
	s21 =	sadd.s32 $0x600, s18;
	s3 =	sadd.s32 s25, s0  }
0x16: {  	s25 =	simm.s32 $0x1;
	[dreg:$0x9] =	wrdreg s23;
	s24 =	sadd.s32 $0x800, s23  }
0x17: {  	v0 =	vimm.f32 $1.000000000e+00;
	v1 =	vimm.f32 $0.0e+00;
	s0 =	simm.s32 $0x10;
	[dreg:$0xc] =	wrdreg s24;
	s24 =	simm.s32 $0x1C000  }
.LBB2_1:
0x18: {  	[dreg:$0xe] =	wrdreg s13;
	s13 =	simm.s32 $0x40;
	s18 =	simm.s32 $0x0  }
.LBB2_2:
0x19: {  	p0 =	sne.s32 s13, $0xFFC0;
	[tilespmem:s18+$0x18000] =	vst v0;
	s19 =	smov.u32 s13;
	s13 =	sadd.s32 $0x40, s13  }
.Ltmp0:
0x1a: {  	[tilespmem:s18+$0x1C000] =	vst v1;
	(pc) =	sbr.rel @p0 .LBB2_2-.Ltmp0, $2  }
0x1b: {  	_ =	sdelay $0x2  }
0x1c: {  	s18 =	sshra.s32 s19, $0x2  }
0x1d: {  	[tilespmem:s18+$0x18000] =	vst v0  }
0x1e: {  	[tilespmem:s18+$0x1C000] =	vst v1  }
0x1f: {  	[spmem:s8] =	stream.linear.scatter [tilespmem:s24], [sflag:$0x1], $0x4000, $0x38;
	v63 =	vld [tilespmem:$0x0]  }
0x20: {  	_ =	swait.ge [sflag:s25], $0x4000  }
0x21: {  	[sflag:s25] =	ssyncset.done $0x0  }
0x22: {  	[sflag:s25] =	ssyncadd.s32 $0xFFFFC000  }
0x23: {  	[spmem:s9] =	stream.linear.scatter [tilespmem:s24], [sflag:$0x1], $0x4000, $0x38;
	v63 =	vld [tilespmem:$0x0]  }
0x24: {  	_ =	swait.ge [sflag:s25], $0x4000  }
0x25: {  	[sflag:s25] =	ssyncset.done $0x0  }
0x26: {  	[sflag:s25] =	ssyncadd.s32 $0xFFFFC000  }
0x27: {  	[spmem:s10] =	stream.linear.scatter [tilespmem:s24], [sflag:$0x1], $0x4000, $0x38;
	v63 =	vld [tilespmem:$0x0]  }
0x28: {  	_ =	swait.ge [sflag:s25], $0x4000  }
0x29: {  	[sflag:s25] =	ssyncset.done $0x0  }
0x2a: {  	[sflag:s25] =	ssyncadd.s32 $0xFFFFC000  }
0x2b: {  	[spmem:s11] =	stream.linear.scatter [tilespmem:s24], [sflag:$0x1], $0x4000, $0x38;
	v63 =	vld [tilespmem:$0x0]  }
0x2c: {  	_ =	swait.ge [sflag:s25], $0x4000  }
0x2d: {  	[sflag:s25] =	ssyncset.done $0x0  }
0x2e: {  	[sflag:s25] =	ssyncadd.s32 $0xFFFFC000  }
0x2f: {  	s20 =	simm.s32 $0x0;
	[bflag:$0x0] =	sbarrier.arrive $0xFFFF  }
0x30: {  	p0 =	por $0x0, $0x0;
	s13 =	smov.u32 s17;
	s22 =	rddreg [dreg:$0xd]  }
.LBB2_4:
0x31: {  	s18 =	simm.s32 $0x1  }
0x32: {  	[tilespmem:s26], [sflag:$0x1] =	stream.linear.gather [hbm4b:s3+s6], $0x4000, $0x38;
	v63 =	vld [tilespmem:$0x0]  }
0x33: {  	s19 =	sand.u32 $0xFFF00000, s22;
	s18 =	simm.s32 @!p0 $0x0  }
0x34: {  	s19 =	sadd.s32 s19, s21;
	_ =	swait.ge [sflag:s25], $0x4000;
	s18 =	sshll.u32 s18, $0x6  }
0x35: {  	[sflag:s25] =	ssyncset.done $0x0;
	s18 =	sadd.s32 s18, s19  }
0x36: {  	[sflag:s25] =	ssyncadd.s32 $0xFFFFC000;
	s19 =	sadd.s32 $0x0, s18  }
0x37: {  	[tilespmem:s30], [sflag:$0x1] =	stream.strided.gather [hbm4b:s19+s28], $0x4000, s29, s28, $0x38;
	v63 =	vld [tilespmem:$0x0]  }
0x38: {  	_ =	swait.ge [sflag:s25], $0x4000  }
0x39: {  	[sflag:s25] =	ssyncset.done $0x0  }
0x3a: {  	[sflag:s25] =	ssyncadd.s32 $0xFFFFC000  }
0x3b: {  	[spmem:s1] =	stream.indirect.scatter.add.f32 [tilespmem:s30], [sflag:$0x1], $0x1, s26, s31, $0xb8;
	v63 =	vld [tilespmem:$0x0]  }
0x3c: {  	_ =	swait.ge [sflag:s25], $0x4000  }
0x3d: {  	[sflag:s25] =	ssyncset.done $0x0  }
0x3e: {  	s23 =	sadd.s32 $0x10, s19;
	[sflag:s25] =	ssyncadd.s32 $0xFFFFC000  }
0x3f: {  	[tilespmem:s30], [sflag:$0x1] =	stream.strided.gather [hbm4b:s23+s28], $0x4000, s29, s28, $0x38;
	v63 =	vld [tilespmem:$0x0]  }
0x40: {  	_ =	swait.ge [sflag:s25], $0x4000  }
0x41: {  	[sflag:s25] =	ssyncset.done $0x0  }
0x42: {  	[sflag:s25] =	ssyncadd.s32 $0xFFFFC000  }
0x43: {  	[spmem:s2] =	stream.indirect.scatter.add.f32 [tilespmem:s30], [sflag:$0x1], $0x1, s26, s31, $0xb8;
	v63 =	vld [tilespmem:$0x0]  }
0x44: {  	_ =	swait.ge [sflag:s25], $0x4000  }
0x45: {  	[sflag:s25] =	ssyncset.done $0x0  }
0x46: {  	s14 =	sadd.s32 $0x20, s19;
	[sflag:s25] =	ssyncadd.s32 $0xFFFFC000  }
0x47: {  	[tilespmem:s30], [sflag:$0x1] =	stream.strided.gather [hbm4b:s14+s28], $0x4000, s29, s28, $0x38;
	v63 =	vld [tilespmem:$0x0]  }
0x48: {  	_ =	swait.ge [sflag:s25], $0x4000  }
0x49: {  	[sflag:s25] =	ssyncset.done $0x0  }
0x4a: {  	[sflag:s25] =	ssyncadd.s32 $0xFFFFC000  }
0x4b: {  	[spmem:s4] =	stream.indirect.scatter.add.f32 [tilespmem:s30], [sflag:$0x1], $0x1, s26, s31, $0xb8;
	v63 =	vld [tilespmem:$0x0]  }
0x4c: {  	_ =	swait.ge [sflag:s25], $0x4000  }
0x4d: {  	[sflag:s25] =	ssyncset.done $0x0  }
0x4e: {  	s19 =	sadd.s32 $0x30, s19;
	[sflag:s25] =	ssyncadd.s32 $0xFFFFC000  }
0x4f: {  	[tilespmem:s30], [sflag:$0x1] =	stream.strided.gather [hbm4b:s19+s28], $0x4000, s29, s28, $0x38;
	v63 =	vld [tilespmem:$0x0]  }
0x50: {  	_ =	swait.ge [sflag:s25], $0x4000  }
0x51: {  	[sflag:s25] =	ssyncset.done $0x0  }
0x52: {  	[sflag:s25] =	ssyncadd.s32 $0xFFFFC000  }
0x53: {  	[spmem:s5] =	stream.indirect.scatter.add.f32 [tilespmem:s30], [sflag:$0x1], $0x1, s26, s31, $0xb8;
	v63 =	vld [tilespmem:$0x0]  }
0x54: {  	_ =	swait.ge [sflag:s25], $0x4000  }
0x55: {  	s23 =	smov.u32 s3;
	s19 =	simm.s32 $0x4000;
	[sflag:s25] =	ssyncset.done $0x0  }
.LBB2_5:
0x56: {  	p1 =	sne.s32 s19, $0xC000;
	[sflag:s25] =	ssyncadd.s32 $0xFFFFC000;
	s23 =	sadd.s32 $0x800, s23  }
0x57: {  	[tilespmem:s26], [sflag:$0x1] =	stream.linear.gather [hbm4b:s23+s6], $0x4000, $0x38;
	v63 =	vld [tilespmem:$0x0]  }
0x58: {  	s12 =	smov.u32 s19;
	s19 =	sadd.s32 $0x4000, s19;
	_ =	swait.ge [sflag:s25], $0x4000  }
0x59: {  	[sflag:s25] =	ssyncset.done $0x0  }
0x5a: {  	s12 =	sadd.s32 s12, s18;
	[sflag:s25] =	ssyncadd.s32 $0xFFFFC000  }
0x5b: {  	[tilespmem:s30], [sflag:$0x1] =	stream.strided.gather [hbm4b:s12+s28], $0x4000, s29, s28, $0x38;
	v63 =	vld [tilespmem:$0x0]  }
0x5c: {  	_ =	swait.ge [sflag:s25], $0x4000  }
0x5d: {  	[sflag:s25] =	ssyncset.done $0x0  }
0x5e: {  	[sflag:s25] =	ssyncadd.s32 $0xFFFFC000  }
0x5f: {  	[spmem:s1] =	stream.indirect.scatter.add.f32 [tilespmem:s30], [sflag:$0x1], $0x1, s26, s31, $0xb8;
	v63 =	vld [tilespmem:$0x0]  }
0x60: {  	_ =	swait.ge [sflag:s25], $0x4000  }
0x61: {  	[sflag:s25] =	ssyncset.done $0x0  }
0x62: {  	s14 =	sadd.s32 $0x10, s12;
	[sflag:s25] =	ssyncadd.s32 $0xFFFFC000  }
0x63: {  	[tilespmem:s30], [sflag:$0x1] =	stream.strided.gather [hbm4b:s14+s28], $0x4000, s29, s28, $0x38;
	v63 =	vld [tilespmem:$0x0]  }
0x64: {  	_ =	swait.ge [sflag:s25], $0x4000  }
0x65: {  	[sflag:s25] =	ssyncset.done $0x0  }
0x66: {  	[sflag:s25] =	ssyncadd.s32 $0xFFFFC000  }
0x67: {  	[spmem:s2] =	stream.indirect.scatter.add.f32 [tilespmem:s30], [sflag:$0x1], $0x1, s26, s31, $0xb8;
	v63 =	vld [tilespmem:$0x0]  }
0x68: {  	_ =	swait.ge [sflag:s25], $0x4000  }
0x69: {  	[sflag:s25] =	ssyncset.done $0x0  }
0x6a: {  	s14 =	sadd.s32 $0x20, s12;
	[sflag:s25] =	ssyncadd.s32 $0xFFFFC000  }
0x6b: {  	[tilespmem:s30], [sflag:$0x1] =	stream.strided.gather [hbm4b:s14+s28], $0x4000, s29, s28, $0x38;
	v63 =	vld [tilespmem:$0x0]  }
0x6c: {  	_ =	swait.ge [sflag:s25], $0x4000  }
0x6d: {  	[sflag:s25] =	ssyncset.done $0x0  }
0x6e: {  	[sflag:s25] =	ssyncadd.s32 $0xFFFFC000  }
0x6f: {  	[spmem:s4] =	stream.indirect.scatter.add.f32 [tilespmem:s30], [sflag:$0x1], $0x1, s26, s31, $0xb8;
	v63 =	vld [tilespmem:$0x0]  }
0x70: {  	_ =	swait.ge [sflag:s25], $0x4000  }
0x71: {  	[sflag:s25] =	ssyncset.done $0x0  }
0x72: {  	s12 =	sadd.s32 $0x30, s12;
	[sflag:s25] =	ssyncadd.s32 $0xFFFFC000  }
0x73: {  	[tilespmem:s30], [sflag:$0x1] =	stream.strided.gather [hbm4b:s12+s28], $0x4000, s29, s28, $0x38;
	v63 =	vld [tilespmem:$0x0]  }
0x74: {  	_ =	swait.ge [sflag:s25], $0x4000  }
.Ltmp1:
0x75: {  	[sflag:s25] =	ssyncset.done $0x0;
	(pc) =	sbr.rel @p1 .LBB2_5-.Ltmp1, $4  }
0x76: {  	[sflag:s25] =	ssyncadd.s32 $0xFFFFC000  }
0x77: {  	[spmem:s5] =	stream.indirect.scatter.add.f32 [tilespmem:s30], [sflag:$0x1], $0x1, s26, s31, $0xb8;
	v63 =	vld [tilespmem:$0x0]  }
0x78: {  	_ =	swait.ge [sflag:s25], $0x4000  }
0x79: {  	[sflag:s25] =	ssyncset.done $0x0  }
0x7a: {  	s12 =	sshll.u32 s20, $0x9  }
0x7b: {  	s13 =	sshll.u32 s13, $0x12;
	s12 =	sand.u32 $0x200, s12  }
0x7c: {  	s13 =	sand.u32 $0xE00000, s13;
	s14 =	sor.u32 s15, s12  }
0x7d: {  	[sflag:s25] =	ssyncadd.s32 $0xFFFFC000;
	s18 =	stileid.u32;
	s14 =	sor.u32 s13, s14  }
0x7e: {  	s19 =	sshrl.u32 s8, $0x3;
	s18 =	sshll.u32 s18, $0x6;
	s14 =	sshrl.u32 s14, $0x3  }
0x7f: {  	[bflag:$0x0] =	sbarrier.arrive $0xFFFF;
	s18 =	sor.u32 $0x1C01, s18;
	s14 =	sadd.s32 s7, s14  }
0x80: {  	[hbm:s14@s28], [sflag:s18] =	dma.strided [spmem:s19@s0], $0x800, s25, $0x10   }
0x81: {  	_ =	swait.ge [sflag:s25], $0x800  }
0x82: {  	[sflag:s25] =	ssyncset.done $0x0;
	s23 =	rddreg [dreg:$0x7]  }
0x83: {  	[sflag:s25] =	ssyncadd.s32 $0xFFFFF800;
	s14 =	sor.u32 s23, s12  }
0x84: {  	[spmem:s8] =	stream.linear.scatter [tilespmem:s24], [sflag:$0x1], $0x4000, $0x38;
	v63 =	vld [tilespmem:$0x0]  }
0x85: {  	s14 =	sor.u32 s13, s14;
	_ =	swait.ge [sflag:s25], $0x4000  }
0x86: {  	s14 =	sshrl.u32 s14, $0x3;
	[sflag:s25] =	ssyncset.done $0x0  }
0x87: {  	s23 =	sshrl.u32 s9, $0x3;
	s14 =	sadd.s32 s7, s14;
	[sflag:s25] =	ssyncadd.s32 $0xFFFFC000  }
0x88: {  	[hbm:s14@s28], [sflag:s18] =	dma.strided [spmem:s23@s0], $0x800, s25, $0x10   }
0x89: {  	_ =	swait.ge [sflag:s25], $0x800  }
0x8a: {  	[sflag:s25] =	ssyncset.done $0x0;
	s23 =	rddreg [dreg:$0x8]  }
0x8b: {  	[sflag:s25] =	ssyncadd.s32 $0xFFFFF800;
	s14 =	sor.u32 s23, s12  }
0x8c: {  	[spmem:s9] =	stream.linear.scatter [tilespmem:s24], [sflag:$0x1], $0x4000, $0x38;
	v63 =	vld [tilespmem:$0x0]  }
0x8d: {  	s14 =	sor.u32 s13, s14;
	_ =	swait.ge [sflag:s25], $0x4000  }
0x8e: {  	s14 =	sshrl.u32 s14, $0x3;
	[sflag:s25] =	ssyncset.done $0x0  }
0x8f: {  	s23 =	sshrl.u32 s10, $0x3;
	s14 =	sadd.s32 s7, s14;
	[sflag:s25] =	ssyncadd.s32 $0xFFFFC000  }
0x90: {  	[hbm:s14@s28], [sflag:s18] =	dma.strided [spmem:s23@s0], $0x800, s25, $0x10   }
0x91: {  	_ =	swait.ge [sflag:s25], $0x800  }
0x92: {  	[sflag:s25] =	ssyncset.done $0x0  }
0x93: {  	s12 =	sor.u32 s16, s12;
	[sflag:s25] =	ssyncadd.s32 $0xFFFFF800  }
0x94: {  	[spmem:s10] =	stream.linear.scatter [tilespmem:s24], [sflag:$0x1], $0x4000, $0x38;
	v63 =	vld [tilespmem:$0x0]  }
0x95: {  	s12 =	sor.u32 s13, s12;
	_ =	swait.ge [sflag:s25], $0x4000  }
0x96: {  	s12 =	sshrl.u32 s12, $0x3;
	[sflag:s25] =	ssyncset.done $0x0  }
0x97: {  	s12 =	sadd.s32 s7, s12;
	s14 =	sshrl.u32 s11, $0x3;
	[sflag:s25] =	ssyncadd.s32 $0xFFFFC000  }
0x98: {  	[hbm:s12@s28], [sflag:s18] =	dma.strided [spmem:s14@s0], $0x800, s25, $0x10   }
0x99: {  	_ =	swait.ge [sflag:s25], $0x800  }
0x9a: {  	s20 =	sadd.s32 $0x1, s20;
	[sflag:s25] =	ssyncset.done $0x0  }
0x9b: {  	p1 =	sne.s32 s20, $0x4;
	[sflag:s25] =	ssyncadd.s32 $0xFFFFF800  }
0x9c: {  	[spmem:s11] =	stream.linear.scatter [tilespmem:s24], [sflag:$0x1], $0x4000, $0x38;
	v63 =	vld [tilespmem:$0x0]  }
.Ltmp2:
0x9d: {  	_ =	swait.ge [sflag:s25], $0x4000;
	(pc) =	sbr.rel @p1 .LBB2_4-.Ltmp2, $4  }
0x9e: {  	[sflag:s25] =	ssyncset.done $0x0  }
0x9f: {  	[sflag:s25] =	ssyncadd.s32 $0xFFFFC000  }
0xa0: {  	s23 =	sshll.u32 s20, $0x2;
	[bflag:$0x0] =	sbarrier.arrive $0xFFFF  }
0xa1: {  	s22 =	sadd.s32 $0x80000, s22;
	p0 =	por !p0, !p0;
	s13 =	sadd.s32 s17, s23  }
0xa2: {  	s12 =	rddreg [dreg:$0x9]  }
0xa3: {  	[tilespmem:s26], [sflag:$0x1] =	stream.linear.gather [hbm4b:s12+s6], $0x4000, $0x38;
	v63 =	vld [tilespmem:$0x0]  }
0xa4: {  	_ =	swait.ge [sflag:s25], $0x4000  }
0xa5: {  	[sflag:s25] =	ssyncset.done $0x0  }
0xa6: {  	s13 =	simm.s32 $0x18000;
	[sflag:s25] =	ssyncadd.s32 $0xFFFFC000  }
0xa7: {  	[spmem:s1] =	stream.indirect.scatter.add.f32 [tilespmem:s13], [sflag:$0x1], $0x1, s26, s31, $0xb8;
	v63 =	vld [tilespmem:$0x0]  }
0xa8: {  	_ =	swait.ge [sflag:s25], $0x4000  }
0xa9: {  	[sflag:s25] =	ssyncset.done $0x0  }
0xaa: {  	s14 =	rddreg [dreg:$0xc];
	[sflag:s25] =	ssyncadd.s32 $0xFFFFC000  }
0xab: {  	[tilespmem:s26], [sflag:$0x1] =	stream.linear.gather [hbm4b:s14+s6], $0x4000, $0x38;
	v63 =	vld [tilespmem:$0x0]  }
0xac: {  	_ =	swait.ge [sflag:s25], $0x4000  }
0xad: {  	[sflag:s25] =	ssyncset.done $0x0  }
0xae: {  	[sflag:s25] =	ssyncadd.s32 $0xFFFFC000  }
0xaf: {  	[spmem:s1] =	stream.indirect.scatter.add.f32 [tilespmem:s13], [sflag:$0x1], $0x1, s26, s31, $0xb8;
	v63 =	vld [tilespmem:$0x0]  }
0xb0: {  	_ =	swait.ge [sflag:s25], $0x4000  }
0xb1: {  	[sflag:s25] =	ssyncset.done $0x0  }
0xb2: {  	[sflag:s25] =	ssyncadd.s32 $0xFFFFC000  }
0xb3: {  	[bflag:$0x0] =	sbarrier.arrive $0xFFFF  }
0xb4: {  	s20 =	rddreg [dreg:$0xa]  }
0xb5: {  	[hbm:s20@s28], [sflag:s18] =	dma.strided [spmem:s19@s0], $0x800, s25, $0x10   }
0xb6: {  	_ =	swait.ge [sflag:s25], $0x800  }
0xb7: {  	[sflag:s25] =	ssyncset.done $0x0  }
0xb8: {  	[sflag:s25] =	ssyncadd.s32 $0xFFFFF800  }
0xb9: {  	[spmem:s8] =	stream.linear.scatter [tilespmem:s24], [sflag:$0x1], $0x4000, $0x38;
	v63 =	vld [tilespmem:$0x0]  }
0xba: {  	_ =	swait.ge [sflag:s25], $0x4000  }
0xbb: {  	s22 =	rddreg [dreg:$0xe]  }
0xbc: {  	s23 =	rddreg [dreg:$0xb];
	s13 =	sadd.s32 $0x1, s22  }
0xbd: {  	p0 =	sne.s32 s13, s23  }
.Ltmp3:
0xbe: {  	_ = 	snop;
	(pc) =	sbr.rel @p0 .LBB2_1-.Ltmp3, $3  }
0xbf: {  	[sflag:s25] =	ssyncset.done $0x0  }
0xc0: {  	[sflag:s25] =	ssyncadd.s32 $0xFFFFC000  }
0xc1: {  	[bflag:$0x0] =	sbarrier.arrive $0xFFFF;
	_ =	sdelay $0x1  }
0xc2: {  	_ =	sfence.sel $0x180000  }
0xc3: {  	[bflag:$0x0] =	sbarrier.arrive $0xFFFF  }
0xc4: {  	_ =	strace $0x9000004D  }
0xc5: {  	s0 =	stileid.u32;
	[bflag:$0x2] =	sbarrier.arrive $0xFFFF  }
0xc6: {  	p0 =	sne.s32 s0, $0x0;
	s0 =	rddreg [dreg:$0x6]  }
0xc7: {  	s0 =	sadd.s32 @!p0 $0x100000, s0  }
0xc8: {  	[sflag:s0] =	ssyncadd.tile.s32 @!p0 $0x1;
	_ =	shalt  }
.Lfunc_end2:
_tile_overlayer_lowered:
.L_overlay_start_2:
0xc9: {  	(tag) =	ssettag $0x2  }
0xca: {  	s0 =	rddreg [dreg:$0x0];
	s2 =	stileid.u32  }
0xcb: {  	s1 =	rddreg [dreg:$0x1];
	p0 =	sne.s32 s2, $0x0  }
0xcc: {  	s3 =	rddreg [dreg:$0x2];
	[bflag:$0x3] =	sbarrier.arrive $0xFFFF;
	s2 =	simm.s32 @!p0 $0x1C01  }
0xcd: {  	[timem:s3], [sflag:s2] =	dma.local @!p0 [hbm:s0], s1  }
0xce: {  	s0 =	simm.s32 @!p0 $0x1  }
0xcf: {  	_ =	swait.ge @!p0 [sflag:s0], s1  }
0xd0: {  	s1 =	ssub.s32 @!p0 $0x0, s1;
	[sflag:s0] =	ssyncset.done @!p0 $0x0  }
0xd1: {  	[sflag:s0] =	ssyncadd.s32 @!p0 s1  }
0xd2: {  	[bflag:$0x3] =	sbarrier.arrive $0xFFFF  }
0xd3: {  	_ =	shalt  }

// kernel: kernel.18.cloned.1.call-start
scs
__scs_entry_jumppad:
0x0: {  	(pc) =	sbr.rel $0x88, $3  }
0x1: {  	(tag) =	ssettag $0x0;
	lr =	simm.s32 $0x1  }
0x2: {  	[smem:$0x3F9A] =	sst lr;
	_ =	strace $0xD0000000  }
0x3: {  	_ = 	snop  }
0x4: {  	_ = 	snop  }
0x5: {  	_ = 	snop  }
0x6: {  	_ = 	snop  }
0x7: {  	_ = 	snop  }
__scs_overlays_trampoline_lowered:
0x8: {  	[smem:$0x3FA9] =	sst s0  }
0x9: {  	[smem:$0x3FAA] =	sst s1  }
0xa: {  	[smem:$0x3FAB] =	sst s2  }
0xb: {  	[smem:$0x3FAC] =	sst s3  }
0xc: {  	[smem:$0x3FAD] =	sst s4  }
0xd: {  	[smem:$0x3FAE] =	sst s5  }
0xe: {  	[smem:$0x3FAF] =	sst s6  }
0xf: {  	[smem:$0x3FB0] =	sst s7  }
0x10: {  	[smem:$0x3FB1] =	sst s8  }
0x11: {  	[smem:$0x3FB2] =	sst s9;
	s0 =	simm.s32 @!p0 $0x0  }
0x12: {  	s1 =	sld [smem:$0x3F98];
	s0 =	simm.s32 @p0 $0x1  }
0x13: {  	[smem:$0x3FB3] =	sst s0;
	s0 =	simm.s32 @!p1 $0x0  }
0x14: {  	s2 =	sld [smem:$0x3F97];
	s0 =	simm.s32 @p1 $0x1  }
0x15: {  	[smem:$0x3FB4] =	sst s0;
	s0 =	simm.s32 @!p2 $0x0  }
0x16: {  	s3 =	sld [smem:$0x3FDB];
	s0 =	simm.s32 @p2 $0x1  }
0x17: {  	s4 =	simm.s32 $0x1BF5;
	[smem:$0x3FB6] =	sst s0  }
0x18: {  	s0 =	sld [smem:$0x3F99];
	_ =	swait.ge [sflag:s4], $0x0  }
0x19: {  	s7 =	sld [smem:$0x3F9A]  }
0x1a: {  	s8 =	sadd.s32 $0xFFFFE003, lr  }
0x1b: {  	s9 =	sadd.s32 $0xFFFFFEF7, lr;
	s5 =	simm.s32 $0xFFFFFFFF;
	p2 =	slt.u32 s8, $0xFFFFF086  }
0x1c: {  	p1 =	slt.u32 s9, $0xF7A;
	s5 =	simm.s32 @!p2 $0x0  }
0x1d: {  	s5 =	simm.s32 @p1 $0x1;
	p0 =	seq.s32 s7, s2  }
0x1e: {  	s7 =	smul.u32 @!p0 $0xF7A, s2;
	p2 =	seq.s32 @!p0 s5, $0x0  }
0x1f: {  	s9 =	smul.u32 $0xF7A, s1;
	s8 =	simm.s32 @!p0 $0x1BF5;
	p2 =	por !p2, p0  }
0x20: {  	[sflag:s8] =	ssyncset.s32 @!p0 $0xFFFFF086;
	s6 =	sadd.s32 @!p0 s3, s7;
	s7 =	simm.s32 @!p0 $0x108  }
0x21: {  	s3 =	sadd.s32 s3, s9;
	s6 =	sadd.s32 @!p0 $0x88, s6;
	s7 =	simm.s32 @p2 $0x1082  }
0x22: {  	[simem:s7], [sflag:s8] =	dma.local @!p0 [hbm:s6], $0xF7A  }
0x23: {  	s9 =	sor.u32 $0xD0000000, s2;
	s6 =	simm.s32 $0x108;
	_ =	swait.ge @!p0 [sflag:s8], $0x0  }
0x24: {  	s3 =	sadd.s32 $0x88, s3;
	s6 =	simm.s32 @!p1 $0x1082;
	[sflag:s4] =	ssyncset.s32 $0xFFFFF086  }
0x25: {  	[simem:s6], [sflag:s4] =	dma.local [hbm:s3], $0xF7A  }
0x26: {  	[smem:$0x3F9A] =	sst s1;
	(tag) =	ssettag s2;
	_ =	strace s9  }
0x27: {  	s1 =	sld [smem:$0x3FAA]  }
0x28: {  	s2 =	sld [smem:$0x3FAB]  }
0x29: {  	s4 =	sld [smem:$0x3FAD]  }
0x2a: {  	p0 =	seq.s32 s5, $0x0;
	s5 =	sld [smem:$0x3FAE]  }
0x2b: {  	s6 =	sld [smem:$0x3FAF]  }
0x2c: {  	s7 =	sld [smem:$0x3FB0]  }
0x2d: {  	s3 =	simm.s32 $0x108;
	s8 =	sld [smem:$0x3FB1]  }
0x2e: {  	s3 =	simm.s32 @!p0 $0x1082;
	s9 =	sld [smem:$0x3FB2]  }
0x2f: {  	lr =	sadd.s32 s0, s3;
	s0 =	sld [smem:$0x3FA9]  }
0x30: {  	s3 =	sld [smem:$0x3FAC]  }
0x31: {  	[smem:$0x3FB5] =	sst s10  }
0x32: {  	s10 =	sld [smem:$0x3FB3];
	_ =	sdelay $0x3  }
0x33: {  	p0 =	seq.s32 s10, $0x1;
	s10 =	sld [smem:$0x3FB5];
	_ =	sdelay $0x3  }
0x34: {  	[smem:$0x3FB5] =	sst s10  }
0x35: {  	s10 =	sld [smem:$0x3FB4];
	_ =	sdelay $0x3  }
0x36: {  	p1 =	seq.s32 s10, $0x1;
	s10 =	sld [smem:$0x3FB5];
	_ =	sdelay $0x3  }
0x37: {  	[smem:$0x3FB5] =	sst s10  }
0x38: {  	s10 =	sld [smem:$0x3FB6]  }
0x39: {  	_ = 	snop;
	(pc) =	sbr.ind lr, $3  }
0x3a: {  	_ = 	snop  }
0x3b: {  	_ = 	snop  }
0x3c: {  	p2 =	seq.s32 s10, $0x1;
	s10 =	sld [smem:$0x3FB5]  }
0x3d: {  	_ =	shalt  }
0x3e: {  	_ =	shalt  }
0x3f: {  	_ =	shalt  }
0x40: {  	_ =	shalt  }
0x41: {  	_ =	shalt  }
0x42: {  	_ =	shalt  }
0x43: {  	_ =	shalt  }
0x44: {  	_ =	shalt  }
0x45: {  	_ =	shalt  }
0x46: {  	_ =	shalt  }
0x47: {  	_ =	shalt  }
0x48: {  	_ =	shalt  }
0x49: {  	_ =	shalt  }
0x4a: {  	_ =	shalt  }
0x4b: {  	_ =	shalt  }
0x4c: {  	_ =	shalt  }
0x4d: {  	_ =	shalt  }
0x4e: {  	_ =	shalt  }
0x4f: {  	_ =	shalt  }
0x50: {  	_ =	shalt  }
0x51: {  	_ =	shalt  }
0x52: {  	_ =	shalt  }
0x53: {  	_ =	shalt  }
0x54: {  	_ =	shalt  }
0x55: {  	_ =	shalt  }
0x56: {  	_ =	shalt  }
0x57: {  	_ =	shalt  }
0x58: {  	_ =	shalt  }
0x59: {  	_ =	shalt  }
0x5a: {  	_ =	shalt  }
0x5b: {  	_ =	shalt  }
0x5c: {  	_ =	shalt  }
0x5d: {  	_ =	shalt  }
0x5e: {  	_ =	shalt  }
0x5f: {  	_ =	shalt  }
0x60: {  	_ =	shalt  }
0x61: {  	_ =	shalt  }
0x62: {  	_ =	shalt  }
0x63: {  	_ =	shalt  }
0x64: {  	_ =	shalt  }
0x65: {  	_ =	shalt  }
0x66: {  	_ =	shalt  }
0x67: {  	_ =	shalt  }
0x68: {  	_ =	shalt  }
0x69: {  	_ =	shalt  }
0x6a: {  	_ =	shalt  }
0x6b: {  	_ =	shalt  }
0x6c: {  	_ =	shalt  }
0x6d: {  	_ =	shalt  }
0x6e: {  	_ =	shalt  }
0x6f: {  	_ =	shalt  }
0x70: {  	_ =	shalt  }
0x71: {  	_ =	shalt  }
0x72: {  	_ =	shalt  }
0x73: {  	_ =	shalt  }
0x74: {  	_ =	shalt  }
0x75: {  	_ =	shalt  }
0x76: {  	_ =	shalt  }
0x77: {  	_ =	shalt  }
0x78: {  	_ =	shalt  }
0x79: {  	_ =	shalt  }
0x7a: {  	_ =	shalt  }
0x7b: {  	_ =	shalt  }
0x7c: {  	_ =	shalt  }
0x7d: {  	_ =	shalt  }
0x7e: {  	_ =	shalt  }
0x7f: {  	_ =	shalt  }
0x80: {  	_ =	shalt  }
0x81: {  	_ =	shalt  }
0x82: {  	_ =	shalt  }
0x83: {  	_ =	shalt  }
0x84: {  	_ =	shalt  }
0x85: {  	_ =	shalt  }
0x86: {  	_ =	shalt  }
0x87: {  	_ =	shalt  }
.Lfunc_end0:
.L_simem_size_0:
called_computation.6_lowered:
.L_overlay_start_0:
0x88: {  	s2 =	sld [smem:$0x3FD9]  }
0x89: {  	s3 =	sld [smem:$0x3FFE];
	_ =	sdelay $0x1  }
0x8a: {  	s1 =	srdreg.scid  }
0x8b: {  	s0 =	sand.u32 $0x1, s1  }
0x8c: {  	s17 =	sshll.u32 s0, $0xA;
	s2 =	sadd.s32 s3, s2  }
0x8d: {  	s2 =	sadd.s32 s2, s17  }
0x8e: {  	[smem:$0x3FC1] =	sst s2  }
0x8f: {  	_ = 	snop  }
0x90: {  	(tm) =	ssettm $0x1  }
0x91: {  	s18 =	sld [smem:$0x3FFB];
	_ =	sdelay $0x3  }
0x92: {  	_ =	strace s18  }
0x93: {  	s2 =	sld [smem:$0x3FFC];
	_ =	sdelay $0x3  }
0x94: {  	_ =	strace s2  }
0x95: {  	s2 =	sld [smem:$0x3FFD];
	_ =	sdelay $0x3  }
0x96: {  	_ =	strace s2  }
0x97: {  	_ =	strace $0x8FFFFFFF  }
0x98: {  	s19 =	sld [smem:$0x3FDB];
	_ =	sdelay $0x1  }
0x99: {  	s20 =	simm.s32 $_scs_section_size  }
0x9a: {  	s4 =	simm.s32 $_size__tile_overlayer_lowered;
	s5 =	simm.s32 $_tile_overlayer_lowered  }
0x9b: {  	s6 =	simm.s32 $0x1BFF;
	s21 =	sshll.u32 s5, $0x1;
	s3 =	sadd.s32 s20, s19  }
0x9c: {  	s22 =	simm.s32 $0x0;
	s4 =	sshll.u32 s4, $0x1;
	s5 =	sadd.s32 s21, s3  }
0x9d: {  	[timem:s22], [sflag:s6] =	dma.local [hbm:s5], s4  }
0x9e: {  	_ =	swait.ge [sflag:s6], s4  }
0x9f: {  	s4 =	ssub.s32 $0x0, s4;
	[sflag:s6] =	ssyncset.done $0x0  }
0xa0: {  	[sflag:s6] =	ssyncadd.s32 s4;
	_ =	sdelay $0x1  }
0xa1: {  	s23 =	simm.s32 $0x1B8B  }
0xa2: {  	_ =	swait.ge [sflag:s23], $0x1  }
0xa3: {  	[sflag:s23] =	ssyncset.done $0x0  }
0xa4: {  	[sflag:s23] =	ssyncadd.s32 $0xFFFFFFFF  }
0xa5: {  	s4 =	sld [smem:$0x0]  }
0xa6: {  	s5 =	sand.u32 $0xFFFFFFFE, s1  }
0xa7: {  	p0 =	sne.s32 s1, s5  }
0xa8: {  	s5 =	sshll.u32 @p0 s5, $0xE  }
0xa9: {  	s5 =	sadd.s32 @p0 $0x11B8D, s5;
	s6 =	sshll.u32 @p0 s4, $0x11  }
0xaa: {  	s5 =	sor.u32 @p0 s6, s5  }
0xab: {  	[sflag:s5] =	ssyncadd.remote.s32 @p0 $0x1;
	_ =	sdelay $0x1  }
0xac: {  	s5 =	simm.s32 @p0 $0x1B8D  }
0xad: {  	_ =	swait.eq @p0 [sflag:s5], $0x1  }
0xae: {  	[sflag:s5] =	ssyncadd.s32 @p0 $0xFFFFFFFF  }
0xaf: {  	s6 =	sshll.u32 @!p0 s1, $0xE  }
0xb0: {  	s6 =	sor.u32 @!p0 $0x4000, s6;
	s5 =	simm.s32 @!p0 $0x1B8D  }
0xb1: {  	s4 =	sshll.u32 @!p0 s4, $0x11;
	s6 =	sadd.s32 @!p0 $0x11B8D, s6;
	_ =	swait.eq @!p0 [sflag:s5], $0x1  }
0xb2: {  	s4 =	sor.u32 @!p0 s4, s6;
	[sflag:s5] =	ssyncadd.s32 @!p0 $0xFFFFFFFF  }
0xb3: {  	s25 =	simm.s32 $0x1B8E;
	s24 =	sld [smem:$0x3FFE];
	[sflag:s4] =	ssyncadd.remote.s32 @!p0 $0x1  }
0xb4: {  	s26 =	simm.s32 $execute0_lowered;
	[smem:$0x3FD2] =	sst s25  }
0xb5: {  	s5 =	sshll.u32 s26, $0x1;
	_ =	strace $0x8000004F;
	[dreg:$0x1] =	wrdreg $0xFFFFFFFF  }
0xb6: {  	s28 =	simm.s32 $_size_execute0_lowered;
	s3 =	sadd.s32 s3, s5;
	[dreg:$0x0] =	wrdreg $0x0  }
0xb7: {  	s5 =	sshll.u32 s28, $0x1;
	[dreg:$0x2] =	wrdreg s3  }
0xb8: {  	[dreg:$0x3] =	wrdreg s5  }
0xb9: {  	[dreg:$0x4] =	wrdreg $0xC0  }
0xba: {  	_ =	task [dreg:s22], $0x5FFFF  }
0xbb: {  	[dreg:$0x1] =	wrdreg $0xFFFFFFFF  }
0xbc: {  	[dreg:$0x0] =	wrdreg $0x60  }
0xbd: {  	[dreg:$0x2] =	wrdreg s24  }
0xbe: {  	[dreg:$0x3] =	wrdreg $0x0  }
0xbf: {  	[dreg:$0x4] =	wrdreg $0x40000  }
0xc0: {  	[dreg:$0x5] =	wrdreg $0x80000  }
0xc1: {  	[dreg:$0x6] =	wrdreg $0xC0000  }
0xc2: {  	[dreg:$0x7] =	wrdreg $0xA  }
0xc3: {  	_ =	task.clear_ibuf [dreg:s22], $0x8FFFF;
	_ =	strace $0x9000004F  }
0xc4: {  	s29 =	simm.s32 $0xA;
	_ =	strace $0x80000051  }
0xc5: {  	_ =	swait.ge [sflag:s29], $0x1  }
0xc6: {  	[sflag:s29] =	ssyncadd.s32 $0xFFFFFFFF  }
0xc7: {  	_ =	strace $0x90000051  }
0xc8: {  	_ =	sfence  }
0xc9: {  	s30 =	sld [smem:$0x0];
	_ =	sdelay $0x2  }
0xca: {  	s31 =	sshll.u32 s1, $0xD;
	s1 =	sshrl.u32 s1, $0x2  }
0xcb: {  	s4 =	sand.u32 $0x4000, s31;
	s1 =	sadd.s32 s1, s30  }
0xcc: {  	s0 =	sor.u32 s4, s0;
	s1 =	sshll.u32 s1, $0x11  }
0xcd: {  	s0 =	sor.u32 s1, s0  }
0xce: {  	s0 =	sadd.s32 $0x8F2B, s0  }
0xcf: {  	[sflag:s0] =	ssyncadd.remote.s32 $0x1  }
0xd0: {  	_ =	sfence.sel $0xFFFF  }
0xd1: {  	[dreg:$0x0] =	wrdreg $0xFFFFFFFF;
	(pc) =	sbr.abs _section_cstart, $3  }
0xd2: {  	[dreg:$0x1] =	wrdreg $0xFFFFFFFF  }
0xd3: {  	_ =	task.clear_ibuf [dreg:s22], $0x2FFFF;
	_ =	strace $0x9FFFFFFF  }
0xd4: {  	(tm) =	ssettm $0x7FFFFFFF  }
0xd5: {  	_ =	shalt  }
tec
execute0_lowered:
.L_overlay_start_1:
0x0: {  	(tag) =	ssettag $0x1  }
0x1: {  	s0 =	rddreg [dreg:$0x0]  }
0x2: {  	s1 =	rddreg [dreg:$0x1]  }
0x3: {  	s2 =	rddreg [dreg:$0x2]  }
0x4: {  	s3 =	rddreg [dreg:$0x3]  }
0x5: {  	s5 =	rddreg [dreg:$0x4];
	s6 =	simm.s32 $0x0;
	s12 =	stileid.u32  }
0x6: {  	s4 =	srdreg.scid;
	s28 =	simm.s32 $0x80;
	s29 =	simm.s32 $0x400  }
0x7: {  	s30 =	simm.s32 $0x14000;
	s31 =	simm.s32 $0x4000;
	[smem:$0x7FF] =	sst s6  }
0x8: {  	s7 =	sshll.u32 s12, $0x10;
	s4 =	sand.u32 $0x1, s4;
	s13 =	sadd.s32 $0xD60600, s0  }
0x9: {  	s19 =	sshll.u32 s12, $0xE;
	s14 =	sshll.u32 s12, $0x11;
	s20 =	sshll.u32 s12, $0xC  }
0xa: {  	s26 =	sshll.u32 s12, $0xD;
	_ =	strace $0x80000050;
	s18 =	sadd.s32 s7, s0  }
0xb: {  	s8 =	ssub.s32 $0x2, s4;
	s7 =	sadd.s32 $0xEC0600, s0;
	s9 =	sadd.s32 s19, s2  }
0xc: {  	s10 =	sadd.s32 s19, s3;
	s11 =	sadd.s32 s19, s5;
	s17 =	sshll.u32 s4, $0x4  }
0xd: {  	s15 =	sor.u32 $0x80, s14;
	s23 =	sor.u32 $0x100, s14;
	s16 =	sor.u32 $0x180, s14  }
0xe: {  	s21 =	sshll.u32 s4, $0x10;
	s20 =	sadd.s32 s13, s20;
	[dreg:$0x6] =	wrdreg s15  }
0xf: {  	s4 =	sshll.u32 s4, $0x15;
	s22 =	sshrl.u32 s8, $0x1;
	[dreg:$0x7] =	wrdreg s23  }
0x10: {  	s15 =	smov.u32 s14;
	s24 =	sadd.s32 s21, s20;
	s21 =	sadd.s32 $0x400600, s18  }
0x11: {  	[dreg:$0xc] =	wrdreg s4;
	s4 =	sadd.s32 s26, s13;
	s26 =	simm.s32 $0x10000  }
0x12: {  	s13 =	simm.s32 $0x0;
	s0 =	ssub.s32 s8, s22;
	s8 =	sadd.s32 s19, s1  }
0x13: {  	s19 =	sor.u32 s17, s19;
	[dreg:$0x8] =	wrdreg s24;
	s25 =	sadd.s32 $0x800, s24  }
0x14: {  	s19 =	sadd.s32 s19, s7;
	s0 =	smax.u32 s0, $0x1;
	[dreg:$0xb] =	wrdreg s25  }
0x15: {  	s24 =	simm.s32 $0x1C000;
	s19 =	sadd.s32 $0x100000, s19;
	[dreg:$0xa] =	wrdreg s0  }
0x16: {  	v0 =	vimm.f32 $1.000000000e+00;
	v1 =	vimm.f32 $0.0e+00;
	s25 =	simm.s32 $0x1;
	s0 =	simm.s32 $0x10;
	[dreg:$0x9] =	wrdreg s19  }
.LBB2_1:
0x17: {  	[dreg:$0xd] =	wrdreg s13;
	s13 =	simm.s32 $0x40;
	s18 =	simm.s32 $0x0  }
.LBB2_2:
0x18: {  	p0 =	sne.s32 s13, $0xFFC0;
	[tilespmem:s18+$0x18000] =	vst v0;
	s19 =	smov.u32 s13;
	s13 =	sadd.s32 $0x40, s13  }
.Ltmp0:
0x19: {  	[tilespmem:s18+$0x1C000] =	vst v1;
	(pc) =	sbr.rel @p0 .LBB2_2-.Ltmp0, $2  }
0x1a: {  	_ =	sdelay $0x2  }
0x1b: {  	s18 =	sshra.s32 s19, $0x2  }
0x1c: {  	[tilespmem:s18+$0x18000] =	vst v0  }
0x1d: {  	[tilespmem:s18+$0x1C000] =	vst v1  }
0x1e: {  	[spmem:s8] =	stream.linear.scatter [tilespmem:s24], [sflag:$0x1], $0x4000, $0x38;
	v63 =	vld [tilespmem:$0x0]  }
0x1f: {  	_ =	swait.ge [sflag:s25], $0x4000  }
0x20: {  	[sflag:s25] =	ssyncset.done $0x0  }
0x21: {  	[sflag:s25] =	ssyncadd.s32 $0xFFFFC000  }
0x22: {  	[spmem:s9] =	stream.linear.scatter [tilespmem:s24], [sflag:$0x1], $0x4000, $0x38;
	v63 =	vld [tilespmem:$0x0]  }
0x23: {  	_ =	swait.ge [sflag:s25], $0x4000  }
0x24: {  	[sflag:s25] =	ssyncset.done $0x0  }
0x25: {  	[sflag:s25] =	ssyncadd.s32 $0xFFFFC000  }
0x26: {  	[spmem:s10] =	stream.linear.scatter [tilespmem:s24], [sflag:$0x1], $0x4000, $0x38;
	v63 =	vld [tilespmem:$0x0]  }
0x27: {  	_ =	swait.ge [sflag:s25], $0x4000  }
0x28: {  	[sflag:s25] =	ssyncset.done $0x0  }
0x29: {  	[sflag:s25] =	ssyncadd.s32 $0xFFFFC000  }
0x2a: {  	[spmem:s11] =	stream.linear.scatter [tilespmem:s24], [sflag:$0x1], $0x4000, $0x38;
	v63 =	vld [tilespmem:$0x0]  }
0x2b: {  	_ =	swait.ge [sflag:s25], $0x4000  }
0x2c: {  	[sflag:s25] =	ssyncset.done $0x0  }
0x2d: {  	[sflag:s25] =	ssyncadd.s32 $0xFFFFC000  }
0x2e: {  	s20 =	simm.s32 $0x0;
	[bflag:$0x0] =	sbarrier.arrive $0xFFFF  }
0x2f: {  	p0 =	por $0x0, $0x0;
	s13 =	smov.u32 s17;
	s22 =	rddreg [dreg:$0xc]  }
.LBB2_4:
0x30: {  	s18 =	simm.s32 $0x1  }
0x31: {  	[tilespmem:s26], [sflag:$0x1] =	stream.linear.gather [hbm4b:s4+s6], $0x4000, $0x38;
	v63 =	vld [tilespmem:$0x0]  }
0x32: {  	s19 =	sand.u32 $0xFFF00000, s22;
	s18 =	simm.s32 @!p0 $0x0  }
0x33: {  	s19 =	sadd.s32 s19, s21;
	_ =	swait.ge [sflag:s25], $0x4000;
	s18 =	sshll.u32 s18, $0x6  }
0x34: {  	[sflag:s25] =	ssyncset.done $0x0;
	s18 =	sadd.s32 s18, s19  }
0x35: {  	[sflag:s25] =	ssyncadd.s32 $0xFFFFC000;
	s19 =	sadd.s32 $0x0, s18  }
0x36: {  	[tilespmem:s30], [sflag:$0x1] =	stream.strided.gather [hbm4b:s19+s28], $0x4000, s29, s28, $0x38;
	v63 =	vld [tilespmem:$0x0]  }
0x37: {  	_ =	swait.ge [sflag:s25], $0x4000  }
0x38: {  	[sflag:s25] =	ssyncset.done $0x0  }
0x39: {  	[sflag:s25] =	ssyncadd.s32 $0xFFFFC000  }
0x3a: {  	[spmem:s1] =	stream.indirect.scatter.add.f32 [tilespmem:s30], [sflag:$0x1], $0x1, s26, s31, $0xb8;
	v63 =	vld [tilespmem:$0x0]  }
0x3b: {  	_ =	swait.ge [sflag:s25], $0x4000  }
0x3c: {  	[sflag:s25] =	ssyncset.done $0x0  }
0x3d: {  	s23 =	sadd.s32 $0x10, s19;
	[sflag:s25] =	ssyncadd.s32 $0xFFFFC000  }
0x3e: {  	[tilespmem:s30], [sflag:$0x1] =	stream.strided.gather [hbm4b:s23+s28], $0x4000, s29, s28, $0x38;
	v63 =	vld [tilespmem:$0x0]  }
0x3f: {  	_ =	swait.ge [sflag:s25], $0x4000  }
0x40: {  	[sflag:s25] =	ssyncset.done $0x0  }
0x41: {  	[sflag:s25] =	ssyncadd.s32 $0xFFFFC000  }
0x42: {  	[spmem:s2] =	stream.indirect.scatter.add.f32 [tilespmem:s30], [sflag:$0x1], $0x1, s26, s31, $0xb8;
	v63 =	vld [tilespmem:$0x0]  }
0x43: {  	_ =	swait.ge [sflag:s25], $0x4000  }
0x44: {  	[sflag:s25] =	ssyncset.done $0x0  }
0x45: {  	s14 =	sadd.s32 $0x20, s19;
	[sflag:s25] =	ssyncadd.s32 $0xFFFFC000  }
0x46: {  	[tilespmem:s30], [sflag:$0x1] =	stream.strided.gather [hbm4b:s14+s28], $0x4000, s29, s28, $0x38;
	v63 =	vld [tilespmem:$0x0]  }
0x47: {  	_ =	swait.ge [sflag:s25], $0x4000  }
0x48: {  	[sflag:s25] =	ssyncset.done $0x0  }
0x49: {  	[sflag:s25] =	ssyncadd.s32 $0xFFFFC000  }
0x4a: {  	[spmem:s3] =	stream.indirect.scatter.add.f32 [tilespmem:s30], [sflag:$0x1], $0x1, s26, s31, $0xb8;
	v63 =	vld [tilespmem:$0x0]  }
0x4b: {  	_ =	swait.ge [sflag:s25], $0x4000  }
0x4c: {  	[sflag:s25] =	ssyncset.done $0x0  }
0x4d: {  	s19 =	sadd.s32 $0x30, s19;
	[sflag:s25] =	ssyncadd.s32 $0xFFFFC000  }
0x4e: {  	[tilespmem:s30], [sflag:$0x1] =	stream.strided.gather [hbm4b:s19+s28], $0x4000, s29, s28, $0x38;
	v63 =	vld [tilespmem:$0x0]  }
0x4f: {  	_ =	swait.ge [sflag:s25], $0x4000  }
0x50: {  	[sflag:s25] =	ssyncset.done $0x0  }
0x51: {  	[sflag:s25] =	ssyncadd.s32 $0xFFFFC000  }
0x52: {  	[spmem:s5] =	stream.indirect.scatter.add.f32 [tilespmem:s30], [sflag:$0x1], $0x1, s26, s31, $0xb8;
	v63 =	vld [tilespmem:$0x0]  }
0x53: {  	_ =	swait.ge [sflag:s25], $0x4000  }
0x54: {  	s23 =	smov.u32 s4;
	s19 =	simm.s32 $0x4000;
	[sflag:s25] =	ssyncset.done $0x0  }
.LBB2_5:
0x55: {  	p1 =	sne.s32 s19, $0xC000;
	[sflag:s25] =	ssyncadd.s32 $0xFFFFC000;
	s23 =	sadd.s32 $0x800, s23  }
0x56: {  	[tilespmem:s26], [sflag:$0x1] =	stream.linear.gather [hbm4b:s23+s6], $0x4000, $0x38;
	v63 =	vld [tilespmem:$0x0]  }
0x57: {  	s12 =	smov.u32 s19;
	s19 =	sadd.s32 $0x4000, s19;
	_ =	swait.ge [sflag:s25], $0x4000  }
0x58: {  	[sflag:s25] =	ssyncset.done $0x0  }
0x59: {  	s12 =	sadd.s32 s12, s18;
	[sflag:s25] =	ssyncadd.s32 $0xFFFFC000  }
0x5a: {  	[tilespmem:s30], [sflag:$0x1] =	stream.strided.gather [hbm4b:s12+s28], $0x4000, s29, s28, $0x38;
	v63 =	vld [tilespmem:$0x0]  }
0x5b: {  	_ =	swait.ge [sflag:s25], $0x4000  }
0x5c: {  	[sflag:s25] =	ssyncset.done $0x0  }
0x5d: {  	[sflag:s25] =	ssyncadd.s32 $0xFFFFC000  }
0x5e: {  	[spmem:s1] =	stream.indirect.scatter.add.f32 [tilespmem:s30], [sflag:$0x1], $0x1, s26, s31, $0xb8;
	v63 =	vld [tilespmem:$0x0]  }
0x5f: {  	_ =	swait.ge [sflag:s25], $0x4000  }
0x60: {  	[sflag:s25] =	ssyncset.done $0x0  }
0x61: {  	s14 =	sadd.s32 $0x10, s12;
	[sflag:s25] =	ssyncadd.s32 $0xFFFFC000  }
0x62: {  	[tilespmem:s30], [sflag:$0x1] =	stream.strided.gather [hbm4b:s14+s28], $0x4000, s29, s28, $0x38;
	v63 =	vld [tilespmem:$0x0]  }
0x63: {  	_ =	swait.ge [sflag:s25], $0x4000  }
0x64: {  	[sflag:s25] =	ssyncset.done $0x0  }
0x65: {  	[sflag:s25] =	ssyncadd.s32 $0xFFFFC000  }
0x66: {  	[spmem:s2] =	stream.indirect.scatter.add.f32 [tilespmem:s30], [sflag:$0x1], $0x1, s26, s31, $0xb8;
	v63 =	vld [tilespmem:$0x0]  }
0x67: {  	_ =	swait.ge [sflag:s25], $0x4000  }
0x68: {  	[sflag:s25] =	ssyncset.done $0x0  }
0x69: {  	s14 =	sadd.s32 $0x20, s12;
	[sflag:s25] =	ssyncadd.s32 $0xFFFFC000  }
0x6a: {  	[tilespmem:s30], [sflag:$0x1] =	stream.strided.gather [hbm4b:s14+s28], $0x4000, s29, s28, $0x38;
	v63 =	vld [tilespmem:$0x0]  }
0x6b: {  	_ =	swait.ge [sflag:s25], $0x4000  }
0x6c: {  	[sflag:s25] =	ssyncset.done $0x0  }
0x6d: {  	[sflag:s25] =	ssyncadd.s32 $0xFFFFC000  }
0x6e: {  	[spmem:s3] =	stream.indirect.scatter.add.f32 [tilespmem:s30], [sflag:$0x1], $0x1, s26, s31, $0xb8;
	v63 =	vld [tilespmem:$0x0]  }
0x6f: {  	_ =	swait.ge [sflag:s25], $0x4000  }
0x70: {  	[sflag:s25] =	ssyncset.done $0x0  }
0x71: {  	s12 =	sadd.s32 $0x30, s12;
	[sflag:s25] =	ssyncadd.s32 $0xFFFFC000  }
0x72: {  	[tilespmem:s30], [sflag:$0x1] =	stream.strided.gather [hbm4b:s12+s28], $0x4000, s29, s28, $0x38;
	v63 =	vld [tilespmem:$0x0]  }
0x73: {  	_ =	swait.ge [sflag:s25], $0x4000  }
.Ltmp1:
0x74: {  	[sflag:s25] =	ssyncset.done $0x0;
	(pc) =	sbr.rel @p1 .LBB2_5-.Ltmp1, $4  }
0x75: {  	[sflag:s25] =	ssyncadd.s32 $0xFFFFC000  }
0x76: {  	[spmem:s5] =	stream.indirect.scatter.add.f32 [tilespmem:s30], [sflag:$0x1], $0x1, s26, s31, $0xb8;
	v63 =	vld [tilespmem:$0x0]  }
0x77: {  	_ =	swait.ge [sflag:s25], $0x4000  }
0x78: {  	[sflag:s25] =	ssyncset.done $0x0  }
0x79: {  	s12 =	sshll.u32 s20, $0x9  }
0x7a: {  	s13 =	sshll.u32 s13, $0x12;
	s12 =	sand.u32 $0x200, s12  }
0x7b: {  	s13 =	sand.u32 $0xE00000, s13;
	s14 =	sor.u32 s15, s12  }
0x7c: {  	[sflag:s25] =	ssyncadd.s32 $0xFFFFC000;
	s18 =	stileid.u32;
	s14 =	sor.u32 s13, s14  }
0x7d: {  	s19 =	sshrl.u32 s8, $0x3;
	s18 =	sshll.u32 s18, $0x6;
	s14 =	sshrl.u32 s14, $0x3  }
0x7e: {  	[bflag:$0x0] =	sbarrier.arrive $0xFFFF;
	s18 =	sor.u32 $0x1C01, s18;
	s14 =	sadd.s32 s7, s14  }
0x7f: {  	[hbm:s14@s28], [sflag:s18] =	dma.strided [spmem:s19@s0], $0x800, s25, $0x10   }
0x80: {  	_ =	swait.ge [sflag:s25], $0x800  }
0x81: {  	[sflag:s25] =	ssyncset.done $0x0;
	s23 =	rddreg [dreg:$0x6]  }
0x82: {  	[sflag:s25] =	ssyncadd.s32 $0xFFFFF800;
	s14 =	sor.u32 s23, s12  }
0x83: {  	[spmem:s8] =	stream.linear.scatter [tilespmem:s24], [sflag:$0x1], $0x4000, $0x38;
	v63 =	vld [tilespmem:$0x0]  }
0x84: {  	s14 =	sor.u32 s13, s14;
	_ =	swait.ge [sflag:s25], $0x4000  }
0x85: {  	s14 =	sshrl.u32 s14, $0x3;
	[sflag:s25] =	ssyncset.done $0x0  }
0x86: {  	s23 =	sshrl.u32 s9, $0x3;
	s14 =	sadd.s32 s7, s14;
	[sflag:s25] =	ssyncadd.s32 $0xFFFFC000  }
0x87: {  	[hbm:s14@s28], [sflag:s18] =	dma.strided [spmem:s23@s0], $0x800, s25, $0x10   }
0x88: {  	_ =	swait.ge [sflag:s25], $0x800  }
0x89: {  	[sflag:s25] =	ssyncset.done $0x0;
	s23 =	rddreg [dreg:$0x7]  }
0x8a: {  	[sflag:s25] =	ssyncadd.s32 $0xFFFFF800;
	s14 =	sor.u32 s23, s12  }
0x8b: {  	[spmem:s9] =	stream.linear.scatter [tilespmem:s24], [sflag:$0x1], $0x4000, $0x38;
	v63 =	vld [tilespmem:$0x0]  }
0x8c: {  	s14 =	sor.u32 s13, s14;
	_ =	swait.ge [sflag:s25], $0x4000  }
0x8d: {  	s14 =	sshrl.u32 s14, $0x3;
	[sflag:s25] =	ssyncset.done $0x0  }
0x8e: {  	s23 =	sshrl.u32 s10, $0x3;
	s14 =	sadd.s32 s7, s14;
	[sflag:s25] =	ssyncadd.s32 $0xFFFFC000  }
0x8f: {  	[hbm:s14@s28], [sflag:s18] =	dma.strided [spmem:s23@s0], $0x800, s25, $0x10   }
0x90: {  	_ =	swait.ge [sflag:s25], $0x800  }
0x91: {  	[sflag:s25] =	ssyncset.done $0x0  }
0x92: {  	s12 =	sor.u32 s16, s12;
	[sflag:s25] =	ssyncadd.s32 $0xFFFFF800  }
0x93: {  	[spmem:s10] =	stream.linear.scatter [tilespmem:s24], [sflag:$0x1], $0x4000, $0x38;
	v63 =	vld [tilespmem:$0x0]  }
0x94: {  	s12 =	sor.u32 s13, s12;
	_ =	swait.ge [sflag:s25], $0x4000  }
0x95: {  	s12 =	sshrl.u32 s12, $0x3;
	[sflag:s25] =	ssyncset.done $0x0  }
0x96: {  	s12 =	sadd.s32 s7, s12;
	s14 =	sshrl.u32 s11, $0x3;
	[sflag:s25] =	ssyncadd.s32 $0xFFFFC000  }
0x97: {  	[hbm:s12@s28], [sflag:s18] =	dma.strided [spmem:s14@s0], $0x800, s25, $0x10   }
0x98: {  	_ =	swait.ge [sflag:s25], $0x800  }
0x99: {  	s20 =	sadd.s32 $0x1, s20;
	[sflag:s25] =	ssyncset.done $0x0  }
0x9a: {  	p1 =	sne.s32 s20, $0x4;
	[sflag:s25] =	ssyncadd.s32 $0xFFFFF800  }
0x9b: {  	[spmem:s11] =	stream.linear.scatter [tilespmem:s24], [sflag:$0x1], $0x4000, $0x38;
	v63 =	vld [tilespmem:$0x0]  }
.Ltmp2:
0x9c: {  	_ =	swait.ge [sflag:s25], $0x4000;
	(pc) =	sbr.rel @p1 .LBB2_4-.Ltmp2, $4  }
0x9d: {  	[sflag:s25] =	ssyncset.done $0x0  }
0x9e: {  	[sflag:s25] =	ssyncadd.s32 $0xFFFFC000  }
0x9f: {  	s23 =	sshll.u32 s20, $0x2;
	[bflag:$0x0] =	sbarrier.arrive $0xFFFF  }
0xa0: {  	s22 =	sadd.s32 $0x80000, s22;
	p0 =	por !p0, !p0;
	s13 =	sadd.s32 s17, s23  }
0xa1: {  	s12 =	rddreg [dreg:$0x8]  }
0xa2: {  	[tilespmem:s26], [sflag:$0x1] =	stream.linear.gather [hbm4b:s12+s6], $0x4000, $0x38;
	v63 =	vld [tilespmem:$0x0]  }
0xa3: {  	_ =	swait.ge [sflag:s25], $0x4000  }
0xa4: {  	[sflag:s25] =	ssyncset.done $0x0  }
0xa5: {  	s13 =	simm.s32 $0x18000;
	[sflag:s25] =	ssyncadd.s32 $0xFFFFC000  }
0xa6: {  	[spmem:s1] =	stream.indirect.scatter.add.f32 [tilespmem:s13], [sflag:$0x1], $0x1, s26, s31, $0xb8;
	v63 =	vld [tilespmem:$0x0]  }
0xa7: {  	_ =	swait.ge [sflag:s25], $0x4000  }
0xa8: {  	[sflag:s25] =	ssyncset.done $0x0  }
0xa9: {  	s14 =	rddreg [dreg:$0xb];
	[sflag:s25] =	ssyncadd.s32 $0xFFFFC000  }
0xaa: {  	[tilespmem:s26], [sflag:$0x1] =	stream.linear.gather [hbm4b:s14+s6], $0x4000, $0x38;
	v63 =	vld [tilespmem:$0x0]  }
0xab: {  	_ =	swait.ge [sflag:s25], $0x4000  }
0xac: {  	[sflag:s25] =	ssyncset.done $0x0  }
0xad: {  	[sflag:s25] =	ssyncadd.s32 $0xFFFFC000  }
0xae: {  	[spmem:s1] =	stream.indirect.scatter.add.f32 [tilespmem:s13], [sflag:$0x1], $0x1, s26, s31, $0xb8;
	v63 =	vld [tilespmem:$0x0]  }
0xaf: {  	_ =	swait.ge [sflag:s25], $0x4000  }
0xb0: {  	[sflag:s25] =	ssyncset.done $0x0  }
0xb1: {  	[sflag:s25] =	ssyncadd.s32 $0xFFFFC000  }
0xb2: {  	[bflag:$0x0] =	sbarrier.arrive $0xFFFF  }
0xb3: {  	s20 =	rddreg [dreg:$0x9]  }
0xb4: {  	[hbm:s20@s28], [sflag:s18] =	dma.strided [spmem:s19@s0], $0x800, s25, $0x10   }
0xb5: {  	_ =	swait.ge [sflag:s25], $0x800  }
0xb6: {  	[sflag:s25] =	ssyncset.done $0x0  }
0xb7: {  	[sflag:s25] =	ssyncadd.s32 $0xFFFFF800  }
0xb8: {  	[spmem:s8] =	stream.linear.scatter [tilespmem:s24], [sflag:$0x1], $0x4000, $0x38;
	v63 =	vld [tilespmem:$0x0]  }
0xb9: {  	_ =	swait.ge [sflag:s25], $0x4000  }
0xba: {  	s22 =	rddreg [dreg:$0xd]  }
0xbb: {  	s23 =	rddreg [dreg:$0xa];
	s13 =	sadd.s32 $0x1, s22  }
0xbc: {  	p0 =	sne.s32 s13, s23  }
.Ltmp3:
0xbd: {  	_ = 	snop;
	(pc) =	sbr.rel @p0 .LBB2_1-.Ltmp3, $3  }
0xbe: {  	[sflag:s25] =	ssyncset.done $0x0  }
0xbf: {  	[sflag:s25] =	ssyncadd.s32 $0xFFFFC000  }
0xc0: {  	[bflag:$0x0] =	sbarrier.arrive $0xFFFF;
	_ =	sdelay $0x1  }
0xc1: {  	_ =	sfence.sel $0x180000  }
0xc2: {  	[bflag:$0x0] =	sbarrier.arrive $0xFFFF  }
0xc3: {  	_ =	strace $0x90000050  }
0xc4: {  	s0 =	stileid.u32;
	[bflag:$0x2] =	sbarrier.arrive $0xFFFF  }
0xc5: {  	p0 =	sne.s32 s0, $0x0;
	s0 =	rddreg [dreg:$0x5]  }
0xc6: {  	s0 =	sadd.s32 @!p0 $0x100000, s0  }
0xc7: {  	[sflag:s0] =	ssyncadd.tile.s32 @!p0 $0x1;
	_ =	shalt  }
.Lfunc_end2:
_tile_overlayer_lowered:
.L_overlay_start_2:
0xc8: {  	(tag) =	ssettag $0x2  }
0xc9: {  	s0 =	rddreg [dreg:$0x0];
	s2 =	stileid.u32  }
0xca: {  	s1 =	rddreg [dreg:$0x1];
	p0 =	sne.s32 s2, $0x0  }
0xcb: {  	s3 =	rddreg [dreg:$0x2];
	[bflag:$0x3] =	sbarrier.arrive $0xFFFF;
	s2 =	simm.s32 @!p0 $0x1C01  }
0xcc: {  	[timem:s3], [sflag:s2] =	dma.local @!p0 [hbm:s0], s1  }
0xcd: {  	s0 =	simm.s32 @!p0 $0x1  }
0xce: {  	_ =	swait.ge @!p0 [sflag:s0], s1  }
0xcf: {  	s1 =	ssub.s32 @!p0 $0x0, s1;
	[sflag:s0] =	ssyncset.done @!p0 $0x0  }
0xd0: {  	[sflag:s0] =	ssyncadd.s32 @!p0 s1  }
0xd1: {  	[bflag:$0x3] =	sbarrier.arrive $0xFFFF  }
0xd2: {  	_ =	shalt  }

// kernel: sparse-core-data-format-call.1.cloned.1.call-start
scs
called_computation.1_lowered:
.L_overlay_start_0:
0x0: {  	s2 =	sld [smem:$0x3FD9]  }
0x1: {  	s3 =	sld [smem:$0x3FFE];
	_ =	sdelay $0x1  }
0x2: {  	s1 =	srdreg.scid  }
0x3: {  	s0 =	sand.u32 $0x1, s1  }
0x4: {  	s18 =	sshll.u32 s0, $0xA;
	s2 =	sadd.s32 s3, s2  }
0x5: {  	s2 =	sadd.s32 s2, s18  }
0x6: {  	[smem:$0x3FC1] =	sst s2  }
0x7: {  	_ = 	snop  }
0x8: {  	(tm) =	ssettm $0x1  }
0x9: {  	s19 =	sld [smem:$0x3FFB];
	_ =	sdelay $0x3  }
0xa: {  	_ =	strace s19  }
0xb: {  	s2 =	sld [smem:$0x3FFC];
	_ =	sdelay $0x3  }
0xc: {  	_ =	strace s2  }
0xd: {  	s2 =	sld [smem:$0x3FFD];
	_ =	sdelay $0x3  }
0xe: {  	_ =	strace s2  }
0xf: {  	_ =	strace $0x8FFFFFFF  }
0x10: {  	s20 =	sld [smem:$0x3FDB];
	_ =	sdelay $0x1  }
0x11: {  	s21 =	simm.s32 $_scs_section_size  }
0x12: {  	s4 =	simm.s32 $_size__tile_overlayer_lowered;
	s5 =	simm.s32 $_tile_overlayer_lowered  }
0x13: {  	s6 =	simm.s32 $0x1BFF;
	s22 =	sshll.u32 s5, $0x1;
	s3 =	sadd.s32 s21, s20  }
0x14: {  	s23 =	simm.s32 $0x0;
	s4 =	sshll.u32 s4, $0x1;
	s5 =	sadd.s32 s22, s3  }
0x15: {  	[timem:s23], [sflag:s6] =	dma.local [hbm:s5], s4  }
0x16: {  	_ =	swait.ge [sflag:s6], s4  }
0x17: {  	s4 =	ssub.s32 $0x0, s4;
	[sflag:s6] =	ssyncset.done $0x0  }
0x18: {  	[sflag:s6] =	ssyncadd.s32 s4;
	_ =	sdelay $0x1  }
0x19: {  	s24 =	simm.s32 $0x1B8B  }
0x1a: {  	_ =	swait.ge [sflag:s24], $0x1  }
0x1b: {  	[sflag:s24] =	ssyncset.done $0x0  }
0x1c: {  	[sflag:s24] =	ssyncadd.s32 $0xFFFFFFFF  }
0x1d: {  	s4 =	sld [smem:$0x0]  }
0x1e: {  	s5 =	sand.u32 $0xFFFFFFFE, s1  }
0x1f: {  	p0 =	sne.s32 s1, s5  }
0x20: {  	s5 =	sshll.u32 @p0 s5, $0xE  }
0x21: {  	s5 =	sadd.s32 @p0 $0x11B8D, s5;
	s6 =	sshll.u32 @p0 s4, $0x11  }
0x22: {  	s5 =	sor.u32 @p0 s6, s5  }
0x23: {  	[sflag:s5] =	ssyncadd.remote.s32 @p0 $0x1;
	_ =	sdelay $0x1  }
0x24: {  	s5 =	simm.s32 @p0 $0x1B8D  }
0x25: {  	_ =	swait.eq @p0 [sflag:s5], $0x1  }
0x26: {  	[sflag:s5] =	ssyncadd.s32 @p0 $0xFFFFFFFF  }
0x27: {  	s6 =	sshll.u32 @!p0 s1, $0xE  }
0x28: {  	s6 =	sor.u32 @!p0 $0x4000, s6;
	s5 =	simm.s32 @!p0 $0x1B8D  }
0x29: {  	s4 =	sshll.u32 @!p0 s4, $0x11;
	s6 =	sadd.s32 @!p0 $0x11B8D, s6;
	_ =	swait.eq @!p0 [sflag:s5], $0x1  }
0x2a: {  	s4 =	sor.u32 @!p0 s4, s6;
	[sflag:s5] =	ssyncadd.s32 @!p0 $0xFFFFFFFF  }
0x2b: {  	s26 =	simm.s32 $0x1B8E;
	s25 =	sld [smem:$0x3FFE];
	[sflag:s4] =	ssyncadd.remote.s32 @!p0 $0x1  }
0x2c: {  	s27 =	simm.s32 $execute0_lowered;
	[smem:$0x3FD2] =	sst s26  }
0x2d: {  	s5 =	sshll.u32 s27, $0x1;
	_ =	strace $0x80000055;
	[dreg:$0x1] =	wrdreg $0xFFFFFFFF  }
0x2e: {  	s28 =	simm.s32 $_size_execute0_lowered;
	s3 =	sadd.s32 s3, s5;
	[dreg:$0x0] =	wrdreg $0x0  }
0x2f: {  	s5 =	sshll.u32 s28, $0x1;
	[dreg:$0x2] =	wrdreg s3  }
0x30: {  	[dreg:$0x3] =	wrdreg s5  }
0x31: {  	[dreg:$0x4] =	wrdreg $0xC0  }
0x32: {  	_ =	task [dreg:s23], $0x5FFFF  }
0x33: {  	[dreg:$0x1] =	wrdreg $0xFFFFFFFF  }
0x34: {  	[dreg:$0x0] =	wrdreg $0x60  }
0x35: {  	[dreg:$0x2] =	wrdreg s25  }
0x36: {  	[dreg:$0x3] =	wrdreg $0xB  }
0x37: {  	_ =	task.clear_ibuf [dreg:s23], $0x4FFFF;
	_ =	strace $0x90000055  }
0x38: {  	s29 =	simm.s32 $0xB;
	_ =	strace $0x80000057  }
0x39: {  	_ =	swait.ge [sflag:s29], $0x1  }
0x3a: {  	[sflag:s29] =	ssyncadd.s32 $0xFFFFFFFF  }
0x3b: {  	_ =	strace $0x90000057  }
0x3c: {  	_ =	sfence  }
0x3d: {  	s30 =	sld [smem:$0x0];
	_ =	sdelay $0x2  }
0x3e: {  	s31 =	sshll.u32 s1, $0xD;
	s1 =	sshrl.u32 s1, $0x2  }
0x3f: {  	s4 =	sand.u32 $0x4000, s31;
	s1 =	sadd.s32 s1, s30  }
0x40: {  	s0 =	sor.u32 s4, s0;
	s1 =	sshll.u32 s1, $0x11  }
0x41: {  	s0 =	sor.u32 s1, s0  }
0x42: {  	s0 =	sadd.s32 $0x8F2B, s0  }
0x43: {  	[sflag:s0] =	ssyncadd.remote.s32 $0x1  }
0x44: {  	_ =	sfence.sel $0xFFFF  }
0x45: {  	[dreg:$0x0] =	wrdreg $0xFFFFFFFF;
	(pc) =	sbr.abs _section_cstart, $3  }
0x46: {  	[dreg:$0x1] =	wrdreg $0xFFFFFFFF  }
0x47: {  	_ =	task.clear_ibuf [dreg:s23], $0x2FFFF;
	_ =	strace $0x9FFFFFFF  }
0x48: {  	(tm) =	ssettm $0x7FFFFFFF  }
0x49: {  	_ =	shalt  }
tec
execute0_lowered:
.L_overlay_start_1:
0x0: {  	(tag) =	ssettag $0x1  }
0x1: {  	s0 =	srdreg.scid  }
0x2: {  	s6 =	rddreg [dreg:$0x0];
	s1 =	sshll.u32 s0, $0x4  }
0x3: {  	_ =	strace $0x80000056;
	s0 =	stileid.u32;
	s1 =	sand.u32 $0x10, s1  }
0x4: {  	s4 =	simm.s32 $0x1;
	s31 =	simm.s32 $0x2;
	s1 =	sor.u32 s0, s1  }
0x5: {  	s15 =	simm.s32 $0x0;
	s8 =	simm.s32 $0x40000;
	s2 =	sshll.u32 s1, $0x3  }
0x6: {  	s9 =	simm.s32 $0x0;
	s16 =	simm.s32 $0x0;
	s1 =	ssub.s32 $0x200, s2  }
0x7: {  	s18 =	simm.s32 $0x0;
	s17 =	simm.s32 $0x0;
	s3 =	sand.u32 $0xF8, s1  }
0x8: {  	s10 =	simm.s32 $0x0;
	p0 =	sne.s32 s3, $0x0;
	s3 =	simm.s32 $0x1  }
.Ltmp0:
0x9: {  	s1 =	sshrl.u32 s1, $0x8;
	s3 =	simm.s32 @!p0 $0x0;
	(pc) =	sbr.rel .LBB1_1-.Ltmp0, $4  }
0xa: {  	s11 =	simm.s32 $0x0;
	s13 =	simm.s32 $0x0;
	s1 =	sadd.s32 s3, s1  }
0xb: {  	s14 =	simm.s32 $0x0;
	[sflag:s4] =	ssyncpa.u1 $0x0;
	s5 =	smul.u32 $0xA, s1  }
0xc: {  	s24 =	simm.s32 $0x0;
	[sflag:s31] =	ssyncpa.u1 $0x0;
	s12 =	smov.u32 s2  }
0xd: {  	s3 =	sadd.s32 $0xD80600, s6;
	s6 =	sadd.s32 $0x940600, s6;
	s7 =	sor.u32 $0x1, s5  }
.LBB1_7:
0xe: {  	s1 =	sadd.s32 $0x100, s10  }
0xf: {  	s15 =	sadd.s32 $0x8, s11;
	s19 =	smov.u32 s11;
	p1 =	sgt.s32 s1, $0x1FF  }
0x10: {  	s19 =	smov.u32 @p1 s15  }
0x11: {  	s20 =	smov.u32 s12;
	s15 =	sadd.s32 $0x100, s12;
	p2 =	sgt.s32 s19, $0x7  }
0x12: {  	s20 =	smov.u32 @p2 s15  }
0x13: {  	s15 =	simm.s32 $0x1;
	p3 =	sgt.s32 s20, $0x1FF  }
0x14: {  	s15 =	simm.s32 @!p3 $0x0  }
0x15: {  	p0 =	slt.u32 s14, $0x2;
	s22 =	sadd.s32 s15, s13  }
0x16: {  	s16 =	smov.u32 s11;
	s1 =	simm.s32 @p1 $0x0;
	p1 =	sgt.s32 s22, $0x4  }
0x17: {  	s21 =	simm.s32 @!p0 $0x2;
	s22 =	simm.s32 @p1 $0x0;
	p1 =	sne.s32 s14, s7  }
.Ltmp1:
0x18: {  	s18 =	smov.u32 s12;
	_ =	swait.ge @!p0 [sflag:s21], $0x4000;
	(pc) =	sbr.rel @!p1 .LBB1_8-.Ltmp1, $4  }
0x19: {  	s17 =	smov.u32 s13;
	[sflag:s21] =	ssyncset.done @!p0 $0x0;
	s19 =	simm.s32 @p2 $0x0  }
0x1a: {  	s9 =	sadd.s32 $0x4000, s9;
	[sflag:s21] =	ssyncadd.s32 @!p0 $0xFFFFC000;
	s11 =	smov.u32 s19  }
0x1b: {  	s20 =	smov.u32 @p3 s2;
	s15 =	smov.u32 s10;
	s10 =	smov.u32 s1  }
0x1c: {  	s12 =	smov.u32 s20;
	s14 =	sadd.s32 $0x1, s14;
	s13 =	smov.u32 s22  }
.LBB1_1:
0x1d: {  	p0 =	sge.u32 s14, s5  }
0x1e: {  	s31 =	sadd.s32 $0xFFFFFFFF, s14;
	s1 =	sxor.u32 @!p0 $0xFFFFFFFF, s14;
	s19 =	sshll.u32 @!p0 s10, $0x3  }
0x1f: {  	s20 =	sshll.u32 @!p0 s11, $0x7;
	s21 =	sand.u32 @!p0 $0x78, s10;
	s22 =	sshll.u32 @!p0 s13, $0x12  }
0x20: {  	s23 =	sshll.u32 @!p0 s12, $0x9;
	s1 =	sshll.u32 @!p0 s1, $0xE;
	s20 =	sand.u32 @!p0 $0x380, s20  }
0x21: {  	s19 =	sand.u32 @!p0 $0xC00, s19;
	s1 =	sand.u32 @!p0 $0x4000, s1;
	s20 =	sor.u32 @!p0 s21, s20  }
0x22: {  	s21 =	sand.u32 @!p0 $0x7, s10;
	s19 =	sor.u32 @!p0 s19, s20;
	s20 =	sadd.s32 @!p0 s3, s22  }
0x23: {  	s21 =	sshll.u32 @!p0 s21, $0x12;
	s19 =	sshrl.u32 @!p0 s19, $0x3;
	s20 =	sadd.s32 @!p0 s23, s20  }
0x24: {  	s19 =	sadd.s32 @!p0 s19, s20;
	s20 =	sor.u32 @!p0 $0x800, s21;
	s21 =	simm.s32 @!p0 $0x1000  }
0x25: {  	[tilespmem:s1], [sflag:$0x1] =	stream.strided.gather @!p0 [hbm4b:s19+s20], $0x4000, s21, s20, $0x38;
	[tilespmem:$0x10000] =	vst v63  }
0x26: {  	p0 =	sge.u32 s31, s5  }
.Ltmp2:
0x27: {  	_ = 	snop;
	(pc) =	sbr.rel @p0 .LBB1_7-.Ltmp2, $1  }
0x28: {  	_ =	sdelay $0x3  }
0x29: {  	s1 =	sshll.u32 s9, $0x2;
	_ =	swait.ge [sflag:s4], $0x4000;
	s19 =	sshll.u32 s14, $0xE  }
0x2a: {  	p0 =	por $0x0, $0x0;
	s25 =	simm.s32 $0x0;
	s26 =	simm.s32 $0x0  }
0x2b: {  	s1 =	sand.u32 $0x10000, s1;
	[sflag:s4] =	ssyncset.done $0x0;
	s22 =	sand.u32 $0x4000, s19  }
0x2c: {  	s1 =	sshrl.u32 s1, $0x2;
	[sflag:s4] =	ssyncadd.s32 $0xFFFFC000;
	s19 =	sor.u32 $0x8000, s22  }
0x2d: {  	s20 =	sor.u32 $0x40, s1;
	s21 =	sor.u32 $0x8410, s1;
	s23 =	sadd.s32 $0x8400, s1  }
.LBB1_3:
0x2e: {  	v1 =	vld [tilespmem:s20+$0xFFFFFFD0]  }
0x2f: {  	v2 =	vld [tilespmem:s20+$0x430]  }
0x30: {  	s1 =	sshll.u32 s26, $0xB;
	v4 =	vld [tilespmem:s20+$0xFFFFFFE0]  }
0x31: {  	v7 =	vld [tilespmem:s20+$0xFFFFFFF0];
	v0 =	vmov s1  }
0x32: {  	v8 =	vld [tilespmem:s20+$0x0]  }
0x33: {  	v9 =	vld [tilespmem:s20+$0x10];
	s1 =	sand.u32 $0x300, s24  }
0x34: {  	s27 =	sand.u32 $0x80, s24;
	v10 =	vld [tilespmem:s20+$0x20];
	s1 =	sadd.s32 s1, s22  }
0x35: {  	v11 =	vld [tilespmem:s20+$0x30];
	s1 =	sadd.s32 s27, s1;
	s27 =	simm.s32 $0x1;
	[tilespmem:s21+$0x60] =	vst v2  }
0x36: {  	s27 =	simm.s32 @!p0 $0x0;
	[tilespmem:s21+$0xFFFFFC00] =	vst v1;
	v3 =	vld.idx.msk [tilespmem:v0+s1+$0x400 ss:$0x1], $0xffff;
	s1 =	sshll.u32 s25, $0x2  }
0x37: {  	v6 =	vld [tilespmem:s20+$0x3D0];
	s27 =	sshll.u32 s27, $0x9;
	[tilespmem:s21+$0xFFFFFC10] =	vst v4;
	s1 =	sand.u32 $0xFFFFFC00, s1  }
0x38: {  	v5 =	vld [tilespmem:s20+$0x3E0];
	[tilespmem:s21+$0xFFFFFC20] =	vst v7;
	s1 =	sor.u32 s27, s1  }
0x39: {  	[tilespmem:s21+$0xFFFFFC30] =	vst v8;
	v4 =	vld [tilespmem:s20+$0x400];
	s1 =	sshrl.u32 s1, $0x2  }
0x3a: {  	[tilespmem:s21+$0xFFFFFC40] =	vst v9;
	v1 =	vld [tilespmem:s20+$0x410];
	s27 =	sadd.s32 s1, s23  }
0x3b: {  	[tilespmem:s27+$0x0] =	vst v3;
	v3 =	vld [tilespmem:s20+$0x3F0]  }
0x3c: {  	s31 =	simm.s32 $0x80;
	s30 =	simm.s32 $0x100;
	[tilespmem:s21+$0xFFFFFC50] =	vst v10;
	v2 =	vld [tilespmem:s20+$0x420]  }
0x3d: {  	s28 =	sadd.s32 $0x80, s20;
	s29 =	smov.u32 s21;
	v7 =	vld [tilespmem:s20+$0xFFFFFFC0];
	[tilespmem:s21+$0xFFFFFC60] =	vst v11;
	s1 =	sand.u32 $0x300, s31  }
.LBB1_4:
0x3e: {  	p1 =	sne.s32 s30, $0x380;
	v8 =	vld [tilespmem:s28+$0xFFFFFFD0];
	s31 =	sand.u32 $0x80, s31;
	s1 =	sadd.s32 s1, s22;
	[tilespmem:s29+$0x0] =	vst v6  }
0x3f: {  	s1 =	sadd.s32 s31, s1;
	v6 =	vld [tilespmem:s28+$0x430];
	[tilespmem:s29+$0x10] =	vst v5;
	s31 =	smov.u32 s30  }
0x40: {  	v5 =	vld.idx.msk [tilespmem:v0+s1+$0x400 ss:$0x1], $0xffff;
	[tilespmem:s29+$0x20] =	vst v3  }
0x41: {  	v3 =	vld [tilespmem:s28+$0xFFFFFFE0];
	[tilespmem:s29+$0x30] =	vst v4  }
0x42: {  	v4 =	vld [tilespmem:s28+$0xFFFFFFF0];
	[tilespmem:s29+$0xFFFFFBF0] =	vst v7  }
0x43: {  	v7 =	vld [tilespmem:s28+$0x0];
	[tilespmem:s29+$0x40] =	vst v1  }
0x44: {  	v1 =	vld [tilespmem:s28+$0x10];
	[tilespmem:s29+$0x50] =	vst v2;
	s29 =	sadd.s32 $0x800, s29  }
0x45: {  	s27 =	sadd.s32 $0x800, s27;
	v2 =	vld [tilespmem:s28+$0x20];
	[tilespmem:s29+$0x60] =	vst v6  }
0x46: {  	v9 =	vld [tilespmem:s28+$0x30];
	[tilespmem:s27+$0x0] =	vst v5  }
0x47: {  	[tilespmem:s29+$0xFFFFFC00] =	vst v8;
	v6 =	vld [tilespmem:s28+$0x3D0]  }
0x48: {  	[tilespmem:s29+$0xFFFFFC10] =	vst v3;
	v5 =	vld [tilespmem:s28+$0x3E0]  }
.Ltmp3:
0x49: {  	[tilespmem:s29+$0xFFFFFC20] =	vst v4;
	v3 =	vld [tilespmem:s28+$0x3F0];
	(pc) =	sbr.rel @p1 .LBB1_4-.Ltmp3, $4  }
0x4a: {  	[tilespmem:s29+$0xFFFFFC30] =	vst v7;
	v4 =	vld [tilespmem:s28+$0x400]  }
0x4b: {  	[tilespmem:s29+$0xFFFFFC40] =	vst v1;
	v1 =	vld [tilespmem:s28+$0x410]  }
0x4c: {  	[tilespmem:s29+$0xFFFFFC50] =	vst v2;
	v2 =	vld [tilespmem:s28+$0x420]  }
0x4d: {  	s30 =	sadd.s32 $0x80, s30;
	s1 =	sand.u32 $0x300, s31;
	v7 =	vld [tilespmem:s28+$0xFFFFFFC0];
	[tilespmem:s29+$0xFFFFFC60] =	vst v9;
	s28 =	sadd.s32 $0x80, s28  }
0x4e: {  	[tilespmem:s29+$0x0] =	vst v6  }
0x4f: {  	[tilespmem:s29+$0x10] =	vst v5  }
0x50: {  	v49 =	vld [tilespmem:s28+$0x430];
	[tilespmem:s29+$0x20] =	vst v3  }
0x51: {  	v50 =	vld [tilespmem:s28+$0xFFFFFFD0];
	[tilespmem:s29+$0x30] =	vst v4  }
0x52: {  	v51 =	vld [tilespmem:s28+$0xFFFFFFE0];
	[tilespmem:s29+$0x40] =	vst v1  }
0x53: {  	v52 =	vld [tilespmem:s28+$0xFFFFFFF0];
	[tilespmem:s29+$0x50] =	vst v2  }
0x54: {  	s30 =	sand.u32 $0x80, s31;
	s31 =	sadd.s32 $0x800, s29;
	v53 =	vld [tilespmem:s28+$0x0];
	[tilespmem:s29+$0xFFFFFBF0] =	vst v7  }
0x55: {  	v54 =	vld [tilespmem:s28+$0x10];
	[tilespmem:s31+$0x60] =	vst v49  }
0x56: {  	v55 =	vld [tilespmem:s28+$0x20];
	[tilespmem:s31+$0xFFFFFC00] =	vst v50  }
0x57: {  	v56 =	vld [tilespmem:s28+$0x30];
	[tilespmem:s31+$0xFFFFFC10] =	vst v51  }
0x58: {  	v57 =	vld [tilespmem:s28+$0x3D0];
	[tilespmem:s31+$0xFFFFFC20] =	vst v52  }
0x59: {  	v58 =	vld [tilespmem:s28+$0x3E0];
	[tilespmem:s31+$0xFFFFFC30] =	vst v53  }
0x5a: {  	v59 =	vld [tilespmem:s28+$0x3F0];
	[tilespmem:s31+$0xFFFFFC40] =	vst v54  }
0x5b: {  	v60 =	vld [tilespmem:s28+$0x400];
	[tilespmem:s31+$0xFFFFFC50] =	vst v55  }
0x5c: {  	v61 =	vld [tilespmem:s28+$0xFFFFFFC0];
	[tilespmem:s31+$0xFFFFFC60] =	vst v56  }
0x5d: {  	s1 =	sadd.s32 s1, s22;
	v62 =	vld [tilespmem:s28+$0x410];
	[tilespmem:s31+$0x0] =	vst v57  }
0x5e: {  	v63 =	vld [tilespmem:s28+$0x420];
	s26 =	sadd.s32 $0x1, s26;
	s1 =	sadd.s32 s30, s1;
	[tilespmem:s31+$0x10] =	vst v58  }
0x5f: {  	p1 =	sne.s32 s26, $0x8;
	v0 =	vld.idx.msk [tilespmem:v0+s1+$0x400 ss:$0x1], $0xffff;
	[tilespmem:s31+$0x20] =	vst v59  }
.Ltmp4:
0x60: {  	[tilespmem:s31+$0x30] =	vst v60;
	(pc) =	sbr.rel @p1 .LBB1_3-.Ltmp4, $4  }
0x61: {  	[tilespmem:s31+$0xFFFFFBF0] =	vst v61  }
0x62: {  	[tilespmem:s31+$0x40] =	vst v62  }
0x63: {  	s27 =	sadd.s32 $0x800, s27;
	s20 =	sadd.s32 $0x800, s20;
	[tilespmem:s31+$0x50] =	vst v63  }
0x64: {  	s25 =	sadd.s32 $0x80, s25;
	p0 =	por !p0, !p0;
	s21 =	sadd.s32 $0x80, s21;
	[tilespmem:s27+$0x0] =	vst v0  }
0x65: {  	s1 =	sand.u32 $0x78, s15  }
0x66: {  	s20 =	sshll.u32 s18, $0x9;
	s21 =	sshll.u32 s15, $0x3;
	s27 =	sshll.u32 s18, $0x7  }
0x67: {  	s17 =	sshll.u32 s17, $0x12;
	s16 =	sshll.u32 s16, $0xF;
	s30 =	sand.u32 $0x7, s15  }
0x68: {  	s20 =	sand.u32 $0x3F000, s20;
	s21 =	sand.u32 $0x3FC00, s21;
	s28 =	sand.u32 $0x200, s27  }
0x69: {  	s18 =	sand.u32 $0x180, s27;
	s17 =	sadd.s32 s6, s17;
	s20 =	sadd.s32 s20, s21  }
.Ltmp5:
0x6a: {  	s1 =	sor.u32 s18, s1;
	s20 =	sor.u32 s28, s20;
	(pc) =	sbr.rel .LBB1_7-.Ltmp5, $4  }
0x6b: {  	s16 =	sadd.s32 s16, s17;
	s1 =	sshrl.u32 s1, $0x3;
	s29 =	sshrl.u32 s20, $0x3  }
0x6c: {  	s15 =	sshll.u32 s30, $0x12;
	s1 =	sadd.s32 s1, s16;
	s31 =	sand.u32 $0x7FC0, s29  }
0x6d: {  	s15 =	sor.u32 $0x800, s15;
	s1 =	sadd.s32 s31, s1  }
0x6e: {  	[hbm4b:s1+s15] =	stream.strided.scatter [tilespmem:s19], [sflag:$0x2], $0x4000, s8, s15, $0x38;
	[tilespmem:$0x10000] =	vst v63  }
.LBB1_8:
0x6f: {  	_ =	sfence.sel $0x180000  }
0x70: {  	s1 =	simm.s32 $0x1;
	[bflag:$0x0] =	sbarrier.arrive $0xFFFF  }
0x71: {  	s31 =	simm.s32 $0x2;
	[sflag:s1] =	ssyncpa.u1 $0x1  }
0x72: {  	[sflag:s31] =	ssyncpa.u1 $0x1  }
0x73: {  	_ =	strace $0x90000056  }
0x74: {  	[bflag:$0x2] =	sbarrier.arrive $0xFFFF  }
0x75: {  	p0 =	sne.s32 s0, $0x0;
	s0 =	rddreg [dreg:$0x1]  }
0x76: {  	s0 =	sadd.s32 @!p0 $0x100000, s0  }
0x77: {  	[sflag:s0] =	ssyncadd.tile.s32 @!p0 $0x1;
	_ =	shalt  }
.Lfunc_end1:
_tile_overlayer_lowered:
.L_overlay_start_2:
0x78: {  	(tag) =	ssettag $0x2  }
0x79: {  	s0 =	rddreg [dreg:$0x0];
	s2 =	stileid.u32  }
0x7a: {  	s1 =	rddreg [dreg:$0x1];
	p0 =	sne.s32 s2, $0x0  }
0x7b: {  	s3 =	rddreg [dreg:$0x2];
	[bflag:$0x3] =	sbarrier.arrive $0xFFFF;
	s2 =	simm.s32 @!p0 $0x1C01  }
0x7c: {  	[timem:s3], [sflag:s2] =	dma.local @!p0 [hbm:s0], s1  }
0x7d: {  	s0 =	simm.s32 @!p0 $0x1  }
0x7e: {  	_ =	swait.ge @!p0 [sflag:s0], s1  }
0x7f: {  	s1 =	ssub.s32 @!p0 $0x0, s1;
	[sflag:s0] =	ssyncset.done @!p0 $0x0  }
0x80: {  	[sflag:s0] =	ssyncadd.s32 @!p0 s1  }
0x81: {  	[bflag:$0x3] =	sbarrier.arrive $0xFFFF  }
0x82: {  	_ =	shalt  }

// kernel: sparse-core-data-format-call.2.cloned.1.call-start
scs
called_computation.2_lowered:
.L_overlay_start_0:
0x0: {  	s2 =	sld [smem:$0x3FD9]  }
0x1: {  	s3 =	sld [smem:$0x3FFE];
	_ =	sdelay $0x1  }
0x2: {  	s1 =	srdreg.scid  }
0x3: {  	s0 =	sand.u32 $0x1, s1  }
0x4: {  	s18 =	sshll.u32 s0, $0xA;
	s2 =	sadd.s32 s3, s2  }
0x5: {  	s2 =	sadd.s32 s2, s18  }
0x6: {  	[smem:$0x3FC1] =	sst s2  }
0x7: {  	_ = 	snop  }
0x8: {  	s19 =	sld [smem:$0x3FD0];
	(tm) =	ssettm $0x1  }
0x9: {  	s20 =	sld [smem:$0x3FFB];
	_ =	sdelay $0x3  }
0xa: {  	_ =	strace s20  }
0xb: {  	s2 =	sld [smem:$0x3FFC];
	_ =	sdelay $0x3  }
0xc: {  	_ =	strace s2  }
0xd: {  	s2 =	sld [smem:$0x3FFD];
	_ =	sdelay $0x3  }
0xe: {  	_ =	strace s2  }
0xf: {  	_ =	strace $0x8FFFFFFF  }
0x10: {  	s21 =	sld [smem:$0x3FDB];
	_ =	sdelay $0x1  }
0x11: {  	s4 =	simm.s32 $_scs_section_size  }
0x12: {  	s5 =	simm.s32 $_size__tile_overlayer_lowered;
	s6 =	simm.s32 $_tile_overlayer_lowered  }
0x13: {  	s7 =	simm.s32 $0x1BFF;
	s22 =	sshll.u32 s6, $0x1;
	s4 =	sadd.s32 s4, s21  }
0x14: {  	s23 =	simm.s32 $0x0;
	s5 =	sshll.u32 s5, $0x1;
	s6 =	sadd.s32 s22, s4  }
0x15: {  	[timem:s23], [sflag:s7] =	dma.local [hbm:s6], s5  }
0x16: {  	_ =	swait.ge [sflag:s7], s5  }
0x17: {  	s5 =	ssub.s32 $0x0, s5;
	[sflag:s7] =	ssyncset.done $0x0  }
0x18: {  	[sflag:s7] =	ssyncadd.s32 s5;
	_ =	sdelay $0x1  }
0x19: {  	s24 =	simm.s32 $0x1B8B  }
0x1a: {  	_ =	swait.ge [sflag:s24], $0x1  }
0x1b: {  	[sflag:s24] =	ssyncset.done $0x0  }
0x1c: {  	[sflag:s24] =	ssyncadd.s32 $0xFFFFFFFF  }
0x1d: {  	s5 =	sld [smem:$0x0]  }
0x1e: {  	s6 =	sand.u32 $0xFFFFFFFE, s1  }
0x1f: {  	p0 =	sne.s32 s1, s6  }
0x20: {  	s6 =	sshll.u32 @p0 s6, $0xE  }
0x21: {  	s6 =	sadd.s32 @p0 $0x11B8D, s6;
	s7 =	sshll.u32 @p0 s5, $0x11  }
0x22: {  	s6 =	sor.u32 @p0 s7, s6  }
0x23: {  	[sflag:s6] =	ssyncadd.remote.s32 @p0 $0x1;
	_ =	sdelay $0x1  }
0x24: {  	s6 =	simm.s32 @p0 $0x1B8D  }
0x25: {  	_ =	swait.eq @p0 [sflag:s6], $0x1  }
0x26: {  	[sflag:s6] =	ssyncadd.s32 @p0 $0xFFFFFFFF  }
0x27: {  	s7 =	sshll.u32 @!p0 s1, $0xE  }
0x28: {  	s7 =	sor.u32 @!p0 $0x4000, s7;
	s6 =	simm.s32 @!p0 $0x1B8D  }
0x29: {  	s5 =	sshll.u32 @!p0 s5, $0x11;
	s7 =	sadd.s32 @!p0 $0x11B8D, s7;
	_ =	swait.eq @!p0 [sflag:s6], $0x1  }
0x2a: {  	s5 =	sor.u32 @!p0 s5, s7;
	[sflag:s6] =	ssyncadd.s32 @!p0 $0xFFFFFFFF  }
0x2b: {  	s26 =	simm.s32 $0x1B8E;
	s25 =	sld [smem:$0x3FFE];
	[sflag:s5] =	ssyncadd.remote.s32 @!p0 $0x1  }
0x2c: {  	s27 =	simm.s32 $execute0_lowered;
	[smem:$0x3FD2] =	sst s26  }
0x2d: {  	s6 =	sshll.u32 s27, $0x1;
	_ =	strace $0x80000058;
	[dreg:$0x1] =	wrdreg $0xFFFFFFFF  }
0x2e: {  	s28 =	simm.s32 $_size_execute0_lowered;
	s4 =	sadd.s32 s4, s6;
	[dreg:$0x0] =	wrdreg $0x0  }
0x2f: {  	s6 =	sshll.u32 s28, $0x1;
	[dreg:$0x2] =	wrdreg s4  }
0x30: {  	[dreg:$0x3] =	wrdreg s6  }
0x31: {  	[dreg:$0x4] =	wrdreg $0xC0  }
0x32: {  	_ =	task [dreg:s23], $0x5FFFF  }
0x33: {  	[dreg:$0x1] =	wrdreg $0xFFFFFFFF  }
0x34: {  	[dreg:$0x0] =	wrdreg $0x60  }
0x35: {  	[dreg:$0x2] =	wrdreg s25  }
0x36: {  	[dreg:$0x3] =	wrdreg s19  }
0x37: {  	[dreg:$0x4] =	wrdreg $0xA  }
0x38: {  	_ =	task.clear_ibuf [dreg:s23], $0x5FFFF;
	_ =	strace $0x90000058  }
0x39: {  	s29 =	simm.s32 $0xA;
	_ =	strace $0x8000005A  }
0x3a: {  	_ =	swait.ge [sflag:s29], $0x1  }
0x3b: {  	[sflag:s29] =	ssyncadd.s32 $0xFFFFFFFF  }
0x3c: {  	_ =	strace $0x9000005A  }
0x3d: {  	_ =	sfence  }
0x3e: {  	s30 =	sld [smem:$0x0];
	_ =	sdelay $0x2  }
0x3f: {  	s31 =	sshll.u32 s1, $0xD;
	s1 =	sshrl.u32 s1, $0x2  }
0x40: {  	s4 =	sand.u32 $0x4000, s31;
	s1 =	sadd.s32 s1, s30  }
0x41: {  	s0 =	sor.u32 s4, s0;
	s1 =	sshll.u32 s1, $0x11  }
0x42: {  	s0 =	sor.u32 s1, s0  }
0x43: {  	s0 =	sadd.s32 $0x8F2B, s0  }
0x44: {  	[sflag:s0] =	ssyncadd.remote.s32 $0x1  }
0x45: {  	_ =	sfence.sel $0xFFFF  }
0x46: {  	[dreg:$0x0] =	wrdreg $0xFFFFFFFF;
	(pc) =	sbr.abs _section_cstart, $3  }
0x47: {  	[dreg:$0x1] =	wrdreg $0xFFFFFFFF  }
0x48: {  	_ =	task.clear_ibuf [dreg:s23], $0x2FFFF;
	_ =	strace $0x9FFFFFFF  }
0x49: {  	(tm) =	ssettm $0x7FFFFFFF  }
tec
execute0_lowered:
.L_overlay_start_1:
0x0: {  	(tag) =	ssettag $0x1  }
0x1: {  	s0 =	srdreg.scid  }
0x2: {  	s6 =	rddreg [dreg:$0x0];
	s1 =	sshll.u32 s0, $0x4  }
0x3: {  	s4 =	simm.s32 $0x1;
	s0 =	stileid.u32;
	s1 =	sand.u32 $0x10, s1  }
0x4: {  	s31 =	simm.s32 $0x2;
	s15 =	simm.s32 $0x0;
	s1 =	sor.u32 s0, s1  }
0x5: {  	s8 =	simm.s32 $0x40000;
	s9 =	simm.s32 $0x0;
	s2 =	sshll.u32 s1, $0x3  }
0x6: {  	s16 =	simm.s32 $0x0;
	s18 =	simm.s32 $0x0;
	s1 =	ssub.s32 $0x200, s2  }
0x7: {  	s17 =	simm.s32 $0x0;
	s10 =	simm.s32 $0x0;
	s3 =	sand.u32 $0xF8, s1  }
0x8: {  	s11 =	simm.s32 $0x0;
	s13 =	simm.s32 $0x0;
	p0 =	sne.s32 s3, $0x0  }
.Ltmp0:
0x9: {  	s1 =	sshrl.u32 s1, $0x8;
	s4 =	simm.s32 @!p0 $0x0;
	(pc) =	sbr.rel .LBB1_1-.Ltmp0, $4  }
0xa: {  	s14 =	simm.s32 $0x0;
	s3 =	rddreg [dreg:$0x1];
	s1 =	sadd.s32 s4, s1  }
0xb: {  	_ =	strace $0x80000059;
	s4 =	simm.s32 $0x1;
	s5 =	smul.u32 $0xA, s1  }
0xc: {  	s24 =	simm.s32 $0x0;
	s6 =	sadd.s32 $0xEC0600, s6;
	[sflag:s4] =	ssyncpa.u1 $0x0  }
0xd: {  	s12 =	smov.u32 s2;
	[sflag:s31] =	ssyncpa.u1 $0x0;
	s7 =	sor.u32 $0x1, s5  }
.LBB1_7:
0xe: {  	s1 =	sadd.s32 $0x100, s10  }
0xf: {  	s15 =	sadd.s32 $0x8, s11;
	s19 =	smov.u32 s11;
	p1 =	sgt.s32 s1, $0x1FF  }
0x10: {  	s19 =	smov.u32 @p1 s15  }
0x11: {  	s20 =	smov.u32 s12;
	s15 =	sadd.s32 $0x100, s12;
	p2 =	sgt.s32 s19, $0x7  }
0x12: {  	s20 =	smov.u32 @p2 s15  }
0x13: {  	s15 =	simm.s32 $0x1;
	p3 =	sgt.s32 s20, $0x1FF  }
0x14: {  	s15 =	simm.s32 @!p3 $0x0  }
0x15: {  	p0 =	slt.u32 s14, $0x2;
	s22 =	sadd.s32 s15, s13  }
0x16: {  	s16 =	smov.u32 s11;
	s1 =	simm.s32 @p1 $0x0;
	p1 =	sgt.s32 s22, $0x4  }
0x17: {  	s21 =	simm.s32 @!p0 $0x2;
	s22 =	simm.s32 @p1 $0x0;
	p1 =	sne.s32 s14, s7  }
.Ltmp1:
0x18: {  	s18 =	smov.u32 s12;
	_ =	swait.ge @!p0 [sflag:s21], $0x4000;
	(pc) =	sbr.rel @!p1 .LBB1_8-.Ltmp1, $4  }
0x19: {  	s17 =	smov.u32 s13;
	[sflag:s21] =	ssyncset.done @!p0 $0x0;
	s19 =	simm.s32 @p2 $0x0  }
0x1a: {  	s9 =	sadd.s32 $0x4000, s9;
	[sflag:s21] =	ssyncadd.s32 @!p0 $0xFFFFC000;
	s11 =	smov.u32 s19  }
0x1b: {  	s20 =	smov.u32 @p3 s2;
	s15 =	smov.u32 s10;
	s10 =	smov.u32 s1  }
0x1c: {  	s12 =	smov.u32 s20;
	s14 =	sadd.s32 $0x1, s14;
	s13 =	smov.u32 s22  }
.LBB1_1:
0x1d: {  	p0 =	sge.u32 s14, s5  }
0x1e: {  	s31 =	sadd.s32 $0xFFFFFFFF, s14;
	s1 =	sxor.u32 @!p0 $0xFFFFFFFF, s14;
	s19 =	sshll.u32 @!p0 s10, $0x3  }
0x1f: {  	s20 =	sshll.u32 @!p0 s11, $0x7;
	s21 =	sand.u32 @!p0 $0x78, s10;
	s22 =	sshll.u32 @!p0 s13, $0x12  }
0x20: {  	s23 =	sshll.u32 @!p0 s12, $0x9;
	s1 =	sshll.u32 @!p0 s1, $0xE;
	s20 =	sand.u32 @!p0 $0x380, s20  }
0x21: {  	s19 =	sand.u32 @!p0 $0xC00, s19;
	s1 =	sand.u32 @!p0 $0x4000, s1;
	s20 =	sor.u32 @!p0 s21, s20  }
0x22: {  	s21 =	sand.u32 @!p0 $0x7, s10;
	s19 =	sor.u32 @!p0 s19, s20;
	s20 =	sadd.s32 @!p0 s6, s22  }
0x23: {  	s21 =	sshll.u32 @!p0 s21, $0x12;
	s19 =	sshrl.u32 @!p0 s19, $0x3;
	s20 =	sadd.s32 @!p0 s23, s20  }
0x24: {  	s19 =	sadd.s32 @!p0 s19, s20;
	s20 =	sor.u32 @!p0 $0x800, s21;
	s21 =	simm.s32 @!p0 $0x1000  }
0x25: {  	[tilespmem:s1], [sflag:$0x1] =	stream.strided.gather @!p0 [hbm4b:s19+s20], $0x4000, s21, s20, $0x38;
	[tilespmem:$0x10000] =	vst v63  }
0x26: {  	p0 =	sge.u32 s31, s5  }
.Ltmp2:
0x27: {  	_ = 	snop;
	(pc) =	sbr.rel @p0 .LBB1_7-.Ltmp2, $1  }
0x28: {  	_ =	sdelay $0x3  }
0x29: {  	s1 =	sshll.u32 s9, $0x2;
	_ =	swait.ge [sflag:s4], $0x4000;
	s19 =	sshll.u32 s14, $0xE  }
0x2a: {  	p0 =	por $0x0, $0x0;
	s25 =	simm.s32 $0x0;
	s26 =	simm.s32 $0x0  }
0x2b: {  	s1 =	sand.u32 $0x10000, s1;
	[sflag:s4] =	ssyncset.done $0x0;
	s22 =	sand.u32 $0x4000, s19  }
0x2c: {  	s1 =	sshrl.u32 s1, $0x2;
	[sflag:s4] =	ssyncadd.s32 $0xFFFFC000;
	s19 =	sor.u32 $0x8000, s22  }
0x2d: {  	s20 =	sor.u32 $0x40, s1;
	s21 =	sor.u32 $0x8410, s1;
	s23 =	sadd.s32 $0x8400, s1  }
.LBB1_3:
0x2e: {  	v1 =	vld [tilespmem:s20+$0xFFFFFFD0]  }
0x2f: {  	v2 =	vld [tilespmem:s20+$0x430]  }
0x30: {  	s1 =	sshll.u32 s26, $0xB;
	v4 =	vld [tilespmem:s20+$0xFFFFFFE0]  }
0x31: {  	v7 =	vld [tilespmem:s20+$0xFFFFFFF0];
	v0 =	vmov s1  }
0x32: {  	v8 =	vld [tilespmem:s20+$0x0]  }
0x33: {  	v9 =	vld [tilespmem:s20+$0x10];
	s1 =	sand.u32 $0x300, s24  }
0x34: {  	s27 =	sand.u32 $0x80, s24;
	v10 =	vld [tilespmem:s20+$0x20];
	s1 =	sadd.s32 s1, s22  }
0x35: {  	v11 =	vld [tilespmem:s20+$0x30];
	s1 =	sadd.s32 s27, s1;
	s27 =	simm.s32 $0x1;
	[tilespmem:s21+$0x60] =	vst v2  }
0x36: {  	s27 =	simm.s32 @!p0 $0x0;
	[tilespmem:s21+$0xFFFFFC00] =	vst v1;
	v3 =	vld.idx.msk [tilespmem:v0+s1+$0x400 ss:$0x1], $0xffff;
	s1 =	sshll.u32 s25, $0x2  }
0x37: {  	v6 =	vld [tilespmem:s20+$0x3D0];
	s27 =	sshll.u32 s27, $0x9;
	[tilespmem:s21+$0xFFFFFC10] =	vst v4;
	s1 =	sand.u32 $0xFFFFFC00, s1  }
0x38: {  	v5 =	vld [tilespmem:s20+$0x3E0];
	[tilespmem:s21+$0xFFFFFC20] =	vst v7;
	s1 =	sor.u32 s27, s1  }
0x39: {  	[tilespmem:s21+$0xFFFFFC30] =	vst v8;
	v4 =	vld [tilespmem:s20+$0x400];
	s1 =	sshrl.u32 s1, $0x2  }
0x3a: {  	[tilespmem:s21+$0xFFFFFC40] =	vst v9;
	v1 =	vld [tilespmem:s20+$0x410];
	s27 =	sadd.s32 s1, s23  }
0x3b: {  	[tilespmem:s27+$0x0] =	vst v3;
	v3 =	vld [tilespmem:s20+$0x3F0]  }
0x3c: {  	s31 =	simm.s32 $0x80;
	s30 =	simm.s32 $0x100;
	[tilespmem:s21+$0xFFFFFC50] =	vst v10;
	v2 =	vld [tilespmem:s20+$0x420]  }
0x3d: {  	s28 =	sadd.s32 $0x80, s20;
	s29 =	smov.u32 s21;
	v7 =	vld [tilespmem:s20+$0xFFFFFFC0];
	[tilespmem:s21+$0xFFFFFC60] =	vst v11;
	s1 =	sand.u32 $0x300, s31  }
.LBB1_4:
0x3e: {  	p1 =	sne.s32 s30, $0x380;
	v8 =	vld [tilespmem:s28+$0xFFFFFFD0];
	s31 =	sand.u32 $0x80, s31;
	s1 =	sadd.s32 s1, s22;
	[tilespmem:s29+$0x0] =	vst v6  }
0x3f: {  	s1 =	sadd.s32 s31, s1;
	v6 =	vld [tilespmem:s28+$0x430];
	[tilespmem:s29+$0x10] =	vst v5;
	s31 =	smov.u32 s30  }
0x40: {  	v5 =	vld.idx.msk [tilespmem:v0+s1+$0x400 ss:$0x1], $0xffff;
	[tilespmem:s29+$0x20] =	vst v3  }
0x41: {  	v3 =	vld [tilespmem:s28+$0xFFFFFFE0];
	[tilespmem:s29+$0x30] =	vst v4  }
0x42: {  	v4 =	vld [tilespmem:s28+$0xFFFFFFF0];
	[tilespmem:s29+$0xFFFFFBF0] =	vst v7  }
0x43: {  	v7 =	vld [tilespmem:s28+$0x0];
	[tilespmem:s29+$0x40] =	vst v1  }
0x44: {  	v1 =	vld [tilespmem:s28+$0x10];
	[tilespmem:s29+$0x50] =	vst v2;
	s29 =	sadd.s32 $0x800, s29  }
0x45: {  	s27 =	sadd.s32 $0x800, s27;
	v2 =	vld [tilespmem:s28+$0x20];
	[tilespmem:s29+$0x60] =	vst v6  }
0x46: {  	v9 =	vld [tilespmem:s28+$0x30];
	[tilespmem:s27+$0x0] =	vst v5  }
0x47: {  	[tilespmem:s29+$0xFFFFFC00] =	vst v8;
	v6 =	vld [tilespmem:s28+$0x3D0]  }
0x48: {  	[tilespmem:s29+$0xFFFFFC10] =	vst v3;
	v5 =	vld [tilespmem:s28+$0x3E0]  }
.Ltmp3:
0x49: {  	[tilespmem:s29+$0xFFFFFC20] =	vst v4;
	v3 =	vld [tilespmem:s28+$0x3F0];
	(pc) =	sbr.rel @p1 .LBB1_4-.Ltmp3, $4  }
0x4a: {  	[tilespmem:s29+$0xFFFFFC30] =	vst v7;
	v4 =	vld [tilespmem:s28+$0x400]  }
0x4b: {  	[tilespmem:s29+$0xFFFFFC40] =	vst v1;
	v1 =	vld [tilespmem:s28+$0x410]  }
0x4c: {  	[tilespmem:s29+$0xFFFFFC50] =	vst v2;
	v2 =	vld [tilespmem:s28+$0x420]  }
0x4d: {  	s30 =	sadd.s32 $0x80, s30;
	s1 =	sand.u32 $0x300, s31;
	v7 =	vld [tilespmem:s28+$0xFFFFFFC0];
	[tilespmem:s29+$0xFFFFFC60] =	vst v9;
	s28 =	sadd.s32 $0x80, s28  }
0x4e: {  	[tilespmem:s29+$0x0] =	vst v6  }
0x4f: {  	[tilespmem:s29+$0x10] =	vst v5  }
0x50: {  	v49 =	vld [tilespmem:s28+$0x430];
	[tilespmem:s29+$0x20] =	vst v3  }
0x51: {  	v50 =	vld [tilespmem:s28+$0xFFFFFFD0];
	[tilespmem:s29+$0x30] =	vst v4  }
0x52: {  	v51 =	vld [tilespmem:s28+$0xFFFFFFE0];
	[tilespmem:s29+$0x40] =	vst v1  }
0x53: {  	v52 =	vld [tilespmem:s28+$0xFFFFFFF0];
	[tilespmem:s29+$0x50] =	vst v2  }
0x54: {  	s30 =	sand.u32 $0x80, s31;
	s31 =	sadd.s32 $0x800, s29;
	v53 =	vld [tilespmem:s28+$0x0];
	[tilespmem:s29+$0xFFFFFBF0] =	vst v7  }
0x55: {  	v54 =	vld [tilespmem:s28+$0x10];
	[tilespmem:s31+$0x60] =	vst v49  }
0x56: {  	v55 =	vld [tilespmem:s28+$0x20];
	[tilespmem:s31+$0xFFFFFC00] =	vst v50  }
0x57: {  	v56 =	vld [tilespmem:s28+$0x30];
	[tilespmem:s31+$0xFFFFFC10] =	vst v51  }
0x58: {  	v57 =	vld [tilespmem:s28+$0x3D0];
	[tilespmem:s31+$0xFFFFFC20] =	vst v52  }
0x59: {  	v58 =	vld [tilespmem:s28+$0x3E0];
	[tilespmem:s31+$0xFFFFFC30] =	vst v53  }
0x5a: {  	v59 =	vld [tilespmem:s28+$0x3F0];
	[tilespmem:s31+$0xFFFFFC40] =	vst v54  }
0x5b: {  	v60 =	vld [tilespmem:s28+$0x400];
	[tilespmem:s31+$0xFFFFFC50] =	vst v55  }
0x5c: {  	v61 =	vld [tilespmem:s28+$0xFFFFFFC0];
	[tilespmem:s31+$0xFFFFFC60] =	vst v56  }
0x5d: {  	s1 =	sadd.s32 s1, s22;
	v62 =	vld [tilespmem:s28+$0x410];
	[tilespmem:s31+$0x0] =	vst v57  }
0x5e: {  	v63 =	vld [tilespmem:s28+$0x420];
	s26 =	sadd.s32 $0x1, s26;
	s1 =	sadd.s32 s30, s1;
	[tilespmem:s31+$0x10] =	vst v58  }
0x5f: {  	p1 =	sne.s32 s26, $0x8;
	v0 =	vld.idx.msk [tilespmem:v0+s1+$0x400 ss:$0x1], $0xffff;
	[tilespmem:s31+$0x20] =	vst v59  }
.Ltmp4:
0x60: {  	[tilespmem:s31+$0x30] =	vst v60;
	(pc) =	sbr.rel @p1 .LBB1_3-.Ltmp4, $4  }
0x61: {  	[tilespmem:s31+$0xFFFFFBF0] =	vst v61  }
0x62: {  	[tilespmem:s31+$0x40] =	vst v62  }
0x63: {  	s27 =	sadd.s32 $0x800, s27;
	s20 =	sadd.s32 $0x800, s20;
	[tilespmem:s31+$0x50] =	vst v63  }
0x64: {  	s25 =	sadd.s32 $0x80, s25;
	p0 =	por !p0, !p0;
	s21 =	sadd.s32 $0x80, s21;
	[tilespmem:s27+$0x0] =	vst v0  }
0x65: {  	s1 =	sand.u32 $0x78, s15  }
0x66: {  	s20 =	sshll.u32 s18, $0x9;
	s21 =	sshll.u32 s15, $0x3;
	s27 =	sshll.u32 s18, $0x7  }
0x67: {  	s17 =	sshll.u32 s17, $0x12;
	s16 =	sshll.u32 s16, $0xF;
	s30 =	sand.u32 $0x7, s15  }
0x68: {  	s20 =	sand.u32 $0x3F000, s20;
	s21 =	sand.u32 $0x3FC00, s21;
	s28 =	sand.u32 $0x200, s27  }
0x69: {  	s18 =	sand.u32 $0x180, s27;
	s17 =	sadd.s32 s3, s17;
	s20 =	sadd.s32 s20, s21  }
.Ltmp5:
0x6a: {  	s1 =	sor.u32 s18, s1;
	s20 =	sor.u32 s28, s20;
	(pc) =	sbr.rel .LBB1_7-.Ltmp5, $4  }
0x6b: {  	s16 =	sadd.s32 s16, s17;
	s1 =	sshrl.u32 s1, $0x3;
	s29 =	sshrl.u32 s20, $0x3  }
0x6c: {  	s15 =	sshll.u32 s30, $0x12;
	s1 =	sadd.s32 s1, s16;
	s31 =	sand.u32 $0x7FC0, s29  }
0x6d: {  	s15 =	sor.u32 $0x800, s15;
	s1 =	sadd.s32 s31, s1  }
0x6e: {  	[hbm4b:s1+s15] =	stream.strided.scatter [tilespmem:s19], [sflag:$0x2], $0x4000, s8, s15, $0x38;
	[tilespmem:$0x10000] =	vst v63  }
.LBB1_8:
0x6f: {  	_ =	sfence.sel $0x180000  }
0x70: {  	s1 =	simm.s32 $0x1;
	[bflag:$0x0] =	sbarrier.arrive $0xFFFF  }
0x71: {  	s31 =	simm.s32 $0x2;
	[sflag:s1] =	ssyncpa.u1 $0x1  }
0x72: {  	[sflag:s31] =	ssyncpa.u1 $0x1  }
0x73: {  	_ =	strace $0x90000059  }
0x74: {  	[bflag:$0x2] =	sbarrier.arrive $0xFFFF  }
0x75: {  	p0 =	sne.s32 s0, $0x0;
	s0 =	rddreg [dreg:$0x2]  }
0x76: {  	s0 =	sadd.s32 @!p0 $0x100000, s0  }
0x77: {  	[sflag:s0] =	ssyncadd.tile.s32 @!p0 $0x1;
	_ =	shalt  }
.Lfunc_end1:
_tile_overlayer_lowered:
.L_overlay_start_2:
0x78: {  	(tag) =	ssettag $0x2  }
0x79: {  	s0 =	rddreg [dreg:$0x0];
	s2 =	stileid.u32  }
0x7a: {  	s1 =	rddreg [dreg:$0x1];
	p0 =	sne.s32 s2, $0x0  }
0x7b: {  	s3 =	rddreg [dreg:$0x2];
	[bflag:$0x3] =	sbarrier.arrive $0xFFFF;
	s2 =	simm.s32 @!p0 $0x1C01  }
0x7c: {  	[timem:s3], [sflag:s2] =	dma.local @!p0 [hbm:s0], s1  }
0x7d: {  	s0 =	simm.s32 @!p0 $0x1  }
0x7e: {  	_ =	swait.ge @!p0 [sflag:s0], s1  }
0x7f: {  	s1 =	ssub.s32 @!p0 $0x0, s1;
	[sflag:s0] =	ssyncset.done @!p0 $0x0  }
0x80: {  	[sflag:s0] =	ssyncadd.s32 @!p0 s1  }
0x81: {  	[bflag:$0x3] =	sbarrier.arrive $0xFFFF  }
0x82: {  	_ =	shalt  }

// kernel: sparse-core-data-format-call.3.cloned.1.call-start
scs
called_computation.3_lowered:
.L_overlay_start_0:
0x0: {  	s2 =	sld [smem:$0x3FD9]  }
0x1: {  	s3 =	sld [smem:$0x3FFE];
	_ =	sdelay $0x1  }
0x2: {  	s1 =	srdreg.scid  }
0x3: {  	s0 =	sand.u32 $0x1, s1  }
0x4: {  	s19 =	sshll.u32 s0, $0xA;
	s2 =	sadd.s32 s3, s2  }
0x5: {  	s2 =	sadd.s32 s2, s19  }
0x6: {  	[smem:$0x3FC1] =	sst s2  }
0x7: {  	_ = 	snop  }
0x8: {  	s2 =	sld [smem:$0x3FC9]  }
0x9: {  	s20 =	sld [smem:$0x3FD0];
	(tm) =	ssettm $0x1  }
0xa: {  	s4 =	sld [smem:$0x3FFB];
	_ =	sdelay $0x3  }
0xb: {  	_ =	strace s4  }
0xc: {  	s4 =	sld [smem:$0x3FFC];
	_ =	sdelay $0x3  }
0xd: {  	_ =	strace s4  }
0xe: {  	s4 =	sld [smem:$0x3FFD];
	_ =	sdelay $0x3  }
0xf: {  	_ =	strace s4  }
0x10: {  	_ =	strace $0x8FFFFFFF  }
0x11: {  	s21 =	sld [smem:$0x3FDB];
	_ =	sdelay $0x1  }
0x12: {  	s5 =	simm.s32 $_scs_section_size  }
0x13: {  	s6 =	simm.s32 $_size__tile_overlayer_lowered;
	s7 =	simm.s32 $_tile_overlayer_lowered  }
0x14: {  	s24 =	simm.s32 $0x1BFF;
	s23 =	sshll.u32 s7, $0x1;
	s4 =	sadd.s32 s5, s21  }
0x15: {  	s8 =	simm.s32 $0x0;
	s22 =	sshll.u32 s6, $0x1;
	s6 =	sadd.s32 s23, s4  }
0x16: {  	[timem:s8], [sflag:s24] =	dma.local [hbm:s6], s22  }
0x17: {  	_ =	swait.ge [sflag:s24], s22  }
0x18: {  	s5 =	ssub.s32 $0x0, s22;
	[sflag:s24] =	ssyncset.done $0x0  }
0x19: {  	[sflag:s24] =	ssyncadd.s32 s5;
	_ =	sdelay $0x1  }
0x1a: {  	s25 =	simm.s32 $0x1B8B  }
0x1b: {  	_ =	swait.ge [sflag:s25], $0x1  }
0x1c: {  	[sflag:s25] =	ssyncset.done $0x0  }
0x1d: {  	s26 =	simm.s32 $0x1B8E;
	[sflag:s25] =	ssyncadd.s32 $0xFFFFFFFF  }
0x1e: {  	s27 =	simm.s32 $execute0_lowered;
	[smem:$0x3FD2] =	sst s26  }
0x1f: {  	s5 =	sshll.u32 s27, $0x1;
	_ =	strace $0x80000046;
	[dreg:$0x1] =	wrdreg $0xFFFFFFFF  }
0x20: {  	s28 =	simm.s32 $_size_execute0_lowered;
	s4 =	sadd.s32 s4, s5;
	[dreg:$0x0] =	wrdreg $0x0  }
0x21: {  	s5 =	sshll.u32 s28, $0x1;
	[dreg:$0x2] =	wrdreg s4  }
0x22: {  	[dreg:$0x3] =	wrdreg s5  }
0x23: {  	[dreg:$0x4] =	wrdreg $0xC0  }
0x24: {  	_ =	task [dreg:s8], $0x5FFFF  }
0x25: {  	[dreg:$0x1] =	wrdreg $0xFFFFFFFF  }
0x26: {  	[dreg:$0x0] =	wrdreg $0x60  }
0x27: {  	[dreg:$0x2] =	wrdreg s2  }
0x28: {  	[dreg:$0x3] =	wrdreg s20  }
0x29: {  	[dreg:$0x4] =	wrdreg $0x9  }
0x2a: {  	_ =	task.clear_ibuf [dreg:s8], $0x5FFFF;
	_ =	strace $0x90000046  }
0x2b: {  	s29 =	simm.s32 $0x9;
	_ =	strace $0x80000048  }
0x2c: {  	_ =	swait.ge [sflag:s29], $0x1  }
0x2d: {  	[sflag:s29] =	ssyncadd.s32 $0xFFFFFFFF  }
0x2e: {  	_ =	strace $0x90000048  }
0x2f: {  	_ =	sfence  }
0x30: {  	s30 =	sld [smem:$0x0];
	_ =	sdelay $0x2  }
0x31: {  	s31 =	sshll.u32 s1, $0xD;
	s1 =	sshrl.u32 s1, $0x2  }
0x32: {  	s3 =	sand.u32 $0x4000, s31;
	s1 =	sadd.s32 s1, s30  }
0x33: {  	s0 =	sor.u32 s3, s0;
	s1 =	sshll.u32 s1, $0x11  }
0x34: {  	s0 =	sor.u32 s1, s0  }
0x35: {  	s0 =	sadd.s32 $0x8F2B, s0  }
0x36: {  	[sflag:s0] =	ssyncadd.remote.s32 $0x1  }
0x37: {  	_ =	sfence.sel $0xFFFF  }
0x38: {  	[dreg:$0x0] =	wrdreg $0xFFFFFFFF;
	(pc) =	sbr.abs _section_cstart, $3  }
0x39: {  	[dreg:$0x1] =	wrdreg $0xFFFFFFFF  }
0x3a: {  	_ =	task.clear_ibuf [dreg:s8], $0x2FFFF;
	_ =	strace $0x9FFFFFFF  }
0x3b: {  	(tm) =	ssettm $0x7FFFFFFF  }
tec
execute0_lowered:
.L_overlay_start_1:
0x0: {  	(tag) =	ssettag $0x1  }
0x1: {  	s0 =	srdreg.scid  }
0x2: {  	s1 =	sshll.u32 s0, $0x4  }
0x3: {  	s3 =	rddreg [dreg:$0x0];
	s0 =	stileid.u32;
	s1 =	sand.u32 $0x10, s1  }
0x4: {  	s5 =	simm.s32 $0x1;
	s31 =	simm.s32 $0x2;
	s1 =	sor.u32 s0, s1  }
0x5: {  	s15 =	simm.s32 $0x0;
	s8 =	simm.s32 $0x40000;
	s2 =	sshll.u32 s1, $0x3  }
0x6: {  	s9 =	simm.s32 $0x0;
	s16 =	simm.s32 $0x0;
	s1 =	ssub.s32 $0x200, s2  }
0x7: {  	s18 =	simm.s32 $0x0;
	s17 =	simm.s32 $0x0;
	s4 =	sand.u32 $0xF8, s1  }
0x8: {  	s10 =	simm.s32 $0x0;
	s11 =	simm.s32 $0x0;
	p0 =	sne.s32 s4, $0x0  }
.Ltmp0:
0x9: {  	s1 =	sshrl.u32 s1, $0x8;
	s5 =	simm.s32 @!p0 $0x0;
	(pc) =	sbr.rel .LBB1_1-.Ltmp0, $4  }
0xa: {  	s13 =	simm.s32 $0x0;
	s4 =	rddreg [dreg:$0x1];
	s1 =	sadd.s32 s5, s1  }
0xb: {  	_ =	strace $0x80000047;
	s5 =	simm.s32 $0x1;
	s6 =	smul.u32 $0x18, s1  }
0xc: {  	s14 =	simm.s32 $0x0;
	s24 =	simm.s32 $0x0;
	[sflag:s5] =	ssyncpa.u1 $0x0  }
0xd: {  	s12 =	smov.u32 s2;
	[sflag:s31] =	ssyncpa.u1 $0x0;
	s7 =	sor.u32 $0x1, s6  }
.LBB1_7:
0xe: {  	s1 =	sadd.s32 $0x100, s10  }
0xf: {  	s15 =	sadd.s32 $0x8, s11;
	s19 =	smov.u32 s11;
	p1 =	sgt.s32 s1, $0x1FF  }
0x10: {  	s19 =	smov.u32 @p1 s15  }
0x11: {  	s20 =	smov.u32 s12;
	s15 =	sadd.s32 $0x100, s12;
	p2 =	sgt.s32 s19, $0x7  }
0x12: {  	s20 =	smov.u32 @p2 s15  }
0x13: {  	s15 =	simm.s32 $0x1;
	p3 =	sgt.s32 s20, $0x1FF  }
0x14: {  	s15 =	simm.s32 @!p3 $0x0  }
0x15: {  	p0 =	slt.u32 s14, $0x2;
	s22 =	sadd.s32 s15, s13  }
0x16: {  	s16 =	smov.u32 s11;
	s1 =	simm.s32 @p1 $0x0;
	p1 =	sgt.s32 s22, $0xB  }
0x17: {  	s21 =	simm.s32 @!p0 $0x2;
	s22 =	simm.s32 @p1 $0x0;
	p1 =	sne.s32 s14, s7  }
.Ltmp1:
0x18: {  	s18 =	smov.u32 s12;
	_ =	swait.ge @!p0 [sflag:s21], $0x4000;
	(pc) =	sbr.rel @!p1 .LBB1_8-.Ltmp1, $4  }
0x19: {  	s17 =	smov.u32 s13;
	[sflag:s21] =	ssyncset.done @!p0 $0x0;
	s19 =	simm.s32 @p2 $0x0  }
0x1a: {  	s9 =	sadd.s32 $0x4000, s9;
	[sflag:s21] =	ssyncadd.s32 @!p0 $0xFFFFC000;
	s11 =	smov.u32 s19  }
0x1b: {  	s20 =	smov.u32 @p3 s2;
	s15 =	smov.u32 s10;
	s10 =	smov.u32 s1  }
0x1c: {  	s12 =	smov.u32 s20;
	s14 =	sadd.s32 $0x1, s14;
	s13 =	smov.u32 s22  }
.LBB1_1:
0x1d: {  	p0 =	sge.u32 s14, s6  }
0x1e: {  	s31 =	sadd.s32 $0xFFFFFFFF, s14;
	s1 =	sxor.u32 @!p0 $0xFFFFFFFF, s14;
	s19 =	sshll.u32 @!p0 s10, $0x3  }
0x1f: {  	s20 =	sshll.u32 @!p0 s11, $0x7;
	s21 =	sand.u32 @!p0 $0x78, s10;
	s22 =	sshll.u32 @!p0 s13, $0x12  }
0x20: {  	s23 =	sshll.u32 @!p0 s12, $0x9;
	s1 =	sshll.u32 @!p0 s1, $0xE;
	s20 =	sand.u32 @!p0 $0x380, s20  }
0x21: {  	s19 =	sand.u32 @!p0 $0xC00, s19;
	s1 =	sand.u32 @!p0 $0x4000, s1;
	s20 =	sor.u32 @!p0 s21, s20  }
0x22: {  	s21 =	sand.u32 @!p0 $0x7, s10;
	s19 =	sor.u32 @!p0 s19, s20;
	s20 =	sadd.s32 @!p0 s3, s22  }
0x23: {  	s21 =	sshll.u32 @!p0 s21, $0x12;
	s19 =	sshrl.u32 @!p0 s19, $0x3;
	s20 =	sadd.s32 @!p0 s23, s20  }
0x24: {  	s19 =	sadd.s32 @!p0 s19, s20;
	s20 =	sor.u32 @!p0 $0x800, s21;
	s21 =	simm.s32 @!p0 $0x1000  }
0x25: {  	[tilespmem:s1], [sflag:$0x1] =	stream.strided.gather @!p0 [hbm4b:s19+s20], $0x4000, s21, s20, $0x38;
	[tilespmem:$0x10000] =	vst v63  }
0x26: {  	p0 =	sge.u32 s31, s6  }
.Ltmp2:
0x27: {  	_ = 	snop;
	(pc) =	sbr.rel @p0 .LBB1_7-.Ltmp2, $1  }
0x28: {  	_ =	sdelay $0x3  }
0x29: {  	s1 =	sshll.u32 s9, $0x2;
	_ =	swait.ge [sflag:s5], $0x4000;
	s19 =	sshll.u32 s14, $0xE  }
0x2a: {  	p0 =	por $0x0, $0x0;
	s25 =	simm.s32 $0x0;
	s26 =	simm.s32 $0x0  }
0x2b: {  	s1 =	sand.u32 $0x10000, s1;
	[sflag:s5] =	ssyncset.done $0x0;
	s22 =	sand.u32 $0x4000, s19  }
0x2c: {  	s1 =	sshrl.u32 s1, $0x2;
	[sflag:s5] =	ssyncadd.s32 $0xFFFFC000;
	s19 =	sor.u32 $0x8000, s22  }
0x2d: {  	s20 =	sor.u32 $0x40, s1;
	s21 =	sor.u32 $0x8410, s1;
	s23 =	sadd.s32 $0x8400, s1  }
.LBB1_3:
0x2e: {  	v1 =	vld [tilespmem:s20+$0xFFFFFFD0]  }
0x2f: {  	v2 =	vld [tilespmem:s20+$0x430]  }
0x30: {  	s1 =	sshll.u32 s26, $0xB;
	v4 =	vld [tilespmem:s20+$0xFFFFFFE0]  }
0x31: {  	v7 =	vld [tilespmem:s20+$0xFFFFFFF0];
	v0 =	vmov s1  }
0x32: {  	v8 =	vld [tilespmem:s20+$0x0]  }
0x33: {  	v9 =	vld [tilespmem:s20+$0x10];
	s1 =	sand.u32 $0x300, s24  }
0x34: {  	s27 =	sand.u32 $0x80, s24;
	v10 =	vld [tilespmem:s20+$0x20];
	s1 =	sadd.s32 s1, s22  }
0x35: {  	v11 =	vld [tilespmem:s20+$0x30];
	s1 =	sadd.s32 s27, s1;
	s27 =	simm.s32 $0x1;
	[tilespmem:s21+$0x60] =	vst v2  }
0x36: {  	s27 =	simm.s32 @!p0 $0x0;
	[tilespmem:s21+$0xFFFFFC00] =	vst v1;
	v3 =	vld.idx.msk [tilespmem:v0+s1+$0x400 ss:$0x1], $0xffff;
	s1 =	sshll.u32 s25, $0x2  }
0x37: {  	v6 =	vld [tilespmem:s20+$0x3D0];
	s27 =	sshll.u32 s27, $0x9;
	[tilespmem:s21+$0xFFFFFC10] =	vst v4;
	s1 =	sand.u32 $0xFFFFFC00, s1  }
0x38: {  	v5 =	vld [tilespmem:s20+$0x3E0];
	[tilespmem:s21+$0xFFFFFC20] =	vst v7;
	s1 =	sor.u32 s27, s1  }
0x39: {  	[tilespmem:s21+$0xFFFFFC30] =	vst v8;
	v4 =	vld [tilespmem:s20+$0x400];
	s1 =	sshrl.u32 s1, $0x2  }
0x3a: {  	[tilespmem:s21+$0xFFFFFC40] =	vst v9;
	v1 =	vld [tilespmem:s20+$0x410];
	s27 =	sadd.s32 s1, s23  }
0x3b: {  	[tilespmem:s27+$0x0] =	vst v3;
	v3 =	vld [tilespmem:s20+$0x3F0]  }
0x3c: {  	s31 =	simm.s32 $0x80;
	s30 =	simm.s32 $0x100;
	[tilespmem:s21+$0xFFFFFC50] =	vst v10;
	v2 =	vld [tilespmem:s20+$0x420]  }
0x3d: {  	s28 =	sadd.s32 $0x80, s20;
	s29 =	smov.u32 s21;
	v7 =	vld [tilespmem:s20+$0xFFFFFFC0];
	[tilespmem:s21+$0xFFFFFC60] =	vst v11;
	s1 =	sand.u32 $0x300, s31  }
.LBB1_4:
0x3e: {  	p1 =	sne.s32 s30, $0x380;
	v8 =	vld [tilespmem:s28+$0xFFFFFFD0];
	s31 =	sand.u32 $0x80, s31;
	s1 =	sadd.s32 s1, s22;
	[tilespmem:s29+$0x0] =	vst v6  }
0x3f: {  	s1 =	sadd.s32 s31, s1;
	v6 =	vld [tilespmem:s28+$0x430];
	[tilespmem:s29+$0x10] =	vst v5;
	s31 =	smov.u32 s30  }
0x40: {  	v5 =	vld.idx.msk [tilespmem:v0+s1+$0x400 ss:$0x1], $0xffff;
	[tilespmem:s29+$0x20] =	vst v3  }
0x41: {  	v3 =	vld [tilespmem:s28+$0xFFFFFFE0];
	[tilespmem:s29+$0x30] =	vst v4  }
0x42: {  	v4 =	vld [tilespmem:s28+$0xFFFFFFF0];
	[tilespmem:s29+$0xFFFFFBF0] =	vst v7  }
0x43: {  	v7 =	vld [tilespmem:s28+$0x0];
	[tilespmem:s29+$0x40] =	vst v1  }
0x44: {  	v1 =	vld [tilespmem:s28+$0x10];
	[tilespmem:s29+$0x50] =	vst v2;
	s29 =	sadd.s32 $0x800, s29  }
0x45: {  	s27 =	sadd.s32 $0x800, s27;
	v2 =	vld [tilespmem:s28+$0x20];
	[tilespmem:s29+$0x60] =	vst v6  }
0x46: {  	v9 =	vld [tilespmem:s28+$0x30];
	[tilespmem:s27+$0x0] =	vst v5  }
0x47: {  	[tilespmem:s29+$0xFFFFFC00] =	vst v8;
	v6 =	vld [tilespmem:s28+$0x3D0]  }
0x48: {  	[tilespmem:s29+$0xFFFFFC10] =	vst v3;
	v5 =	vld [tilespmem:s28+$0x3E0]  }
.Ltmp3:
0x49: {  	[tilespmem:s29+$0xFFFFFC20] =	vst v4;
	v3 =	vld [tilespmem:s28+$0x3F0];
	(pc) =	sbr.rel @p1 .LBB1_4-.Ltmp3, $4  }
0x4a: {  	[tilespmem:s29+$0xFFFFFC30] =	vst v7;
	v4 =	vld [tilespmem:s28+$0x400]  }
0x4b: {  	[tilespmem:s29+$0xFFFFFC40] =	vst v1;
	v1 =	vld [tilespmem:s28+$0x410]  }
0x4c: {  	[tilespmem:s29+$0xFFFFFC50] =	vst v2;
	v2 =	vld [tilespmem:s28+$0x420]  }
0x4d: {  	s30 =	sadd.s32 $0x80, s30;
	s1 =	sand.u32 $0x300, s31;
	v7 =	vld [tilespmem:s28+$0xFFFFFFC0];
	[tilespmem:s29+$0xFFFFFC60] =	vst v9;
	s28 =	sadd.s32 $0x80, s28  }
0x4e: {  	[tilespmem:s29+$0x0] =	vst v6  }
0x4f: {  	[tilespmem:s29+$0x10] =	vst v5  }
0x50: {  	v49 =	vld [tilespmem:s28+$0x430];
	[tilespmem:s29+$0x20] =	vst v3  }
0x51: {  	v50 =	vld [tilespmem:s28+$0xFFFFFFD0];
	[tilespmem:s29+$0x30] =	vst v4  }
0x52: {  	v51 =	vld [tilespmem:s28+$0xFFFFFFE0];
	[tilespmem:s29+$0x40] =	vst v1  }
0x53: {  	v52 =	vld [tilespmem:s28+$0xFFFFFFF0];
	[tilespmem:s29+$0x50] =	vst v2  }
0x54: {  	s30 =	sand.u32 $0x80, s31;
	s31 =	sadd.s32 $0x800, s29;
	v53 =	vld [tilespmem:s28+$0x0];
	[tilespmem:s29+$0xFFFFFBF0] =	vst v7  }
0x55: {  	v54 =	vld [tilespmem:s28+$0x10];
	[tilespmem:s31+$0x60] =	vst v49  }
0x56: {  	v55 =	vld [tilespmem:s28+$0x20];
	[tilespmem:s31+$0xFFFFFC00] =	vst v50  }
0x57: {  	v56 =	vld [tilespmem:s28+$0x30];
	[tilespmem:s31+$0xFFFFFC10] =	vst v51  }
0x58: {  	v57 =	vld [tilespmem:s28+$0x3D0];
	[tilespmem:s31+$0xFFFFFC20] =	vst v52  }
0x59: {  	v58 =	vld [tilespmem:s28+$0x3E0];
	[tilespmem:s31+$0xFFFFFC30] =	vst v53  }
0x5a: {  	v59 =	vld [tilespmem:s28+$0x3F0];
	[tilespmem:s31+$0xFFFFFC40] =	vst v54  }
0x5b: {  	v60 =	vld [tilespmem:s28+$0x400];
	[tilespmem:s31+$0xFFFFFC50] =	vst v55  }
0x5c: {  	v61 =	vld [tilespmem:s28+$0xFFFFFFC0];
	[tilespmem:s31+$0xFFFFFC60] =	vst v56  }
0x5d: {  	s1 =	sadd.s32 s1, s22;
	v62 =	vld [tilespmem:s28+$0x410];
	[tilespmem:s31+$0x0] =	vst v57  }
0x5e: {  	v63 =	vld [tilespmem:s28+$0x420];
	s26 =	sadd.s32 $0x1, s26;
	s1 =	sadd.s32 s30, s1;
	[tilespmem:s31+$0x10] =	vst v58  }
0x5f: {  	p1 =	sne.s32 s26, $0x8;
	v0 =	vld.idx.msk [tilespmem:v0+s1+$0x400 ss:$0x1], $0xffff;
	[tilespmem:s31+$0x20] =	vst v59  }
.Ltmp4:
0x60: {  	[tilespmem:s31+$0x30] =	vst v60;
	(pc) =	sbr.rel @p1 .LBB1_3-.Ltmp4, $4  }
0x61: {  	[tilespmem:s31+$0xFFFFFBF0] =	vst v61  }
0x62: {  	[tilespmem:s31+$0x40] =	vst v62  }
0x63: {  	s27 =	sadd.s32 $0x800, s27;
	s20 =	sadd.s32 $0x800, s20;
	[tilespmem:s31+$0x50] =	vst v63  }
0x64: {  	s25 =	sadd.s32 $0x80, s25;
	p0 =	por !p0, !p0;
	s21 =	sadd.s32 $0x80, s21;
	[tilespmem:s27+$0x0] =	vst v0  }
0x65: {  	s1 =	sand.u32 $0x78, s15  }
0x66: {  	s20 =	sshll.u32 s18, $0x9;
	s21 =	sshll.u32 s15, $0x3;
	s27 =	sshll.u32 s18, $0x7  }
0x67: {  	s17 =	sshll.u32 s17, $0x12;
	s16 =	sshll.u32 s16, $0xF;
	s30 =	sand.u32 $0x7, s15  }
0x68: {  	s20 =	sand.u32 $0x3F000, s20;
	s21 =	sand.u32 $0x3FC00, s21;
	s28 =	sand.u32 $0x200, s27  }
0x69: {  	s18 =	sand.u32 $0x180, s27;
	s17 =	sadd.s32 s4, s17;
	s20 =	sadd.s32 s20, s21  }
.Ltmp5:
0x6a: {  	s1 =	sor.u32 s18, s1;
	s20 =	sor.u32 s28, s20;
	(pc) =	sbr.rel .LBB1_7-.Ltmp5, $4  }
0x6b: {  	s16 =	sadd.s32 s16, s17;
	s1 =	sshrl.u32 s1, $0x3;
	s29 =	sshrl.u32 s20, $0x3  }
0x6c: {  	s15 =	sshll.u32 s30, $0x12;
	s1 =	sadd.s32 s1, s16;
	s31 =	sand.u32 $0x7FC0, s29  }
0x6d: {  	s15 =	sor.u32 $0x800, s15;
	s1 =	sadd.s32 s31, s1  }
0x6e: {  	[hbm4b:s1+s15] =	stream.strided.scatter [tilespmem:s19], [sflag:$0x2], $0x4000, s8, s15, $0x38;
	[tilespmem:$0x10000] =	vst v63  }
.LBB1_8:
0x6f: {  	_ =	sfence.sel $0x180000  }
0x70: {  	s1 =	simm.s32 $0x1;
	[bflag:$0x0] =	sbarrier.arrive $0xFFFF  }
0x71: {  	s31 =	simm.s32 $0x2;
	[sflag:s1] =	ssyncpa.u1 $0x1  }
0x72: {  	[sflag:s31] =	ssyncpa.u1 $0x1  }
0x73: {  	_ =	strace $0x90000047  }
0x74: {  	[bflag:$0x2] =	sbarrier.arrive $0xFFFF  }
0x75: {  	p0 =	sne.s32 s0, $0x0;
	s0 =	rddreg [dreg:$0x2]  }
0x76: {  	s0 =	sadd.s32 @!p0 $0x100000, s0  }
0x77: {  	[sflag:s0] =	ssyncadd.tile.s32 @!p0 $0x1;
	_ =	shalt  }
.Lfunc_end1:
_tile_overlayer_lowered:
.L_overlay_start_2:
0x78: {  	(tag) =	ssettag $0x2  }
0x79: {  	s0 =	rddreg [dreg:$0x0];
	s2 =	stileid.u32  }
0x7a: {  	s1 =	rddreg [dreg:$0x1];
	p0 =	sne.s32 s2, $0x0  }
0x7b: {  	s3 =	rddreg [dreg:$0x2];
	[bflag:$0x3] =	sbarrier.arrive $0xFFFF;
	s2 =	simm.s32 @!p0 $0x1C01  }
0x7c: {  	[timem:s3], [sflag:s2] =	dma.local @!p0 [hbm:s0], s1  }
0x7d: {  	s0 =	simm.s32 @!p0 $0x1  }
0x7e: {  	_ =	swait.ge @!p0 [sflag:s0], s1  }
0x7f: {  	s1 =	ssub.s32 @!p0 $0x0, s1;
	[sflag:s0] =	ssyncset.done @!p0 $0x0  }
0x80: {  	[sflag:s0] =	ssyncadd.s32 @!p0 s1  }
0x81: {  	[bflag:$0x3] =	sbarrier.arrive $0xFFFF  }
0x82: {  	_ =	shalt  }

// kernel: sparse-core-data-format-call.cloned.1.call-start
scs
called_computation_lowered:
.L_overlay_start_0:
0x0: {  	s2 =	sld [smem:$0x3FD9]  }
0x1: {  	s3 =	sld [smem:$0x3FFE];
	_ =	sdelay $0x1  }
0x2: {  	s1 =	srdreg.scid  }
0x3: {  	s0 =	sand.u32 $0x1, s1  }
0x4: {  	s18 =	sshll.u32 s0, $0xA;
	s2 =	sadd.s32 s3, s2  }
0x5: {  	s2 =	sadd.s32 s2, s18  }
0x6: {  	[smem:$0x3FC1] =	sst s2  }
0x7: {  	_ = 	snop  }
0x8: {  	(tm) =	ssettm $0x1  }
0x9: {  	s19 =	sld [smem:$0x3FFB];
	_ =	sdelay $0x3  }
0xa: {  	_ =	strace s19  }
0xb: {  	s2 =	sld [smem:$0x3FFC];
	_ =	sdelay $0x3  }
0xc: {  	_ =	strace s2  }
0xd: {  	s2 =	sld [smem:$0x3FFD];
	_ =	sdelay $0x3  }
0xe: {  	_ =	strace s2  }
0xf: {  	_ =	strace $0x8FFFFFFF  }
0x10: {  	s20 =	sld [smem:$0x3FDB];
	_ =	sdelay $0x1  }
0x11: {  	s21 =	simm.s32 $_scs_section_size  }
0x12: {  	s4 =	simm.s32 $_size__tile_overlayer_lowered;
	s5 =	simm.s32 $_tile_overlayer_lowered  }
0x13: {  	s6 =	simm.s32 $0x1BFF;
	s22 =	sshll.u32 s5, $0x1;
	s3 =	sadd.s32 s21, s20  }
0x14: {  	s23 =	simm.s32 $0x0;
	s4 =	sshll.u32 s4, $0x1;
	s5 =	sadd.s32 s22, s3  }
0x15: {  	[timem:s23], [sflag:s6] =	dma.local [hbm:s5], s4  }
0x16: {  	_ =	swait.ge [sflag:s6], s4  }
0x17: {  	s4 =	ssub.s32 $0x0, s4;
	[sflag:s6] =	ssyncset.done $0x0  }
0x18: {  	[sflag:s6] =	ssyncadd.s32 s4;
	_ =	sdelay $0x1  }
0x19: {  	s24 =	simm.s32 $0x1B8B  }
0x1a: {  	_ =	swait.ge [sflag:s24], $0x1  }
0x1b: {  	[sflag:s24] =	ssyncset.done $0x0  }
0x1c: {  	[sflag:s24] =	ssyncadd.s32 $0xFFFFFFFF  }
0x1d: {  	s4 =	sld [smem:$0x0]  }
0x1e: {  	s5 =	sand.u32 $0xFFFFFFFE, s1  }
0x1f: {  	p0 =	sne.s32 s1, s5  }
0x20: {  	s5 =	sshll.u32 @p0 s5, $0xE  }
0x21: {  	s5 =	sadd.s32 @p0 $0x11B8D, s5;
	s6 =	sshll.u32 @p0 s4, $0x11  }
0x22: {  	s5 =	sor.u32 @p0 s6, s5  }
0x23: {  	[sflag:s5] =	ssyncadd.remote.s32 @p0 $0x1;
	_ =	sdelay $0x1  }
0x24: {  	s5 =	simm.s32 @p0 $0x1B8D  }
0x25: {  	_ =	swait.eq @p0 [sflag:s5], $0x1  }
0x26: {  	[sflag:s5] =	ssyncadd.s32 @p0 $0xFFFFFFFF  }
0x27: {  	s6 =	sshll.u32 @!p0 s1, $0xE  }
0x28: {  	s6 =	sor.u32 @!p0 $0x4000, s6;
	s5 =	simm.s32 @!p0 $0x1B8D  }
0x29: {  	s4 =	sshll.u32 @!p0 s4, $0x11;
	s6 =	sadd.s32 @!p0 $0x11B8D, s6;
	_ =	swait.eq @!p0 [sflag:s5], $0x1  }
0x2a: {  	s4 =	sor.u32 @!p0 s4, s6;
	[sflag:s5] =	ssyncadd.s32 @!p0 $0xFFFFFFFF  }
0x2b: {  	s26 =	simm.s32 $0x1B8E;
	s25 =	sld [smem:$0x3FFE];
	[sflag:s4] =	ssyncadd.remote.s32 @!p0 $0x1  }
0x2c: {  	s27 =	simm.s32 $execute0_lowered;
	[smem:$0x3FD2] =	sst s26  }
0x2d: {  	s5 =	sshll.u32 s27, $0x1;
	_ =	strace $0x80000052;
	[dreg:$0x1] =	wrdreg $0xFFFFFFFF  }
0x2e: {  	s28 =	simm.s32 $_size_execute0_lowered;
	s3 =	sadd.s32 s3, s5;
	[dreg:$0x0] =	wrdreg $0x0  }
0x2f: {  	s5 =	sshll.u32 s28, $0x1;
	[dreg:$0x2] =	wrdreg s3  }
0x30: {  	[dreg:$0x3] =	wrdreg s5  }
0x31: {  	[dreg:$0x4] =	wrdreg $0xC0  }
0x32: {  	_ =	task [dreg:s23], $0x5FFFF  }
0x33: {  	[dreg:$0x1] =	wrdreg $0xFFFFFFFF  }
0x34: {  	[dreg:$0x0] =	wrdreg $0x60  }
0x35: {  	[dreg:$0x2] =	wrdreg s25  }
0x36: {  	[dreg:$0x3] =	wrdreg $0x9  }
0x37: {  	_ =	task.clear_ibuf [dreg:s23], $0x4FFFF;
	_ =	strace $0x90000052  }
0x38: {  	s29 =	simm.s32 $0x9;
	_ =	strace $0x80000054  }
0x39: {  	_ =	swait.ge [sflag:s29], $0x1  }
0x3a: {  	[sflag:s29] =	ssyncadd.s32 $0xFFFFFFFF  }
0x3b: {  	_ =	strace $0x90000054  }
0x3c: {  	_ =	sfence  }
0x3d: {  	s30 =	sld [smem:$0x0];
	_ =	sdelay $0x2  }
0x3e: {  	s31 =	sshll.u32 s1, $0xD;
	s1 =	sshrl.u32 s1, $0x2  }
0x3f: {  	s4 =	sand.u32 $0x4000, s31;
	s1 =	sadd.s32 s1, s30  }
0x40: {  	s0 =	sor.u32 s4, s0;
	s1 =	sshll.u32 s1, $0x11  }
0x41: {  	s0 =	sor.u32 s1, s0  }
0x42: {  	s0 =	sadd.s32 $0x8F2B, s0  }
0x43: {  	[sflag:s0] =	ssyncadd.remote.s32 $0x1  }
0x44: {  	_ =	sfence.sel $0xFFFF  }
0x45: {  	[dreg:$0x0] =	wrdreg $0xFFFFFFFF;
	(pc) =	sbr.abs _section_cstart, $3  }
0x46: {  	[dreg:$0x1] =	wrdreg $0xFFFFFFFF  }
0x47: {  	_ =	task.clear_ibuf [dreg:s23], $0x2FFFF;
	_ =	strace $0x9FFFFFFF  }
0x48: {  	(tm) =	ssettm $0x7FFFFFFF  }
0x49: {  	_ =	shalt  }
tec
execute0_lowered:
.L_overlay_start_1:
0x0: {  	(tag) =	ssettag $0x1  }
0x1: {  	s0 =	srdreg.scid  }
0x2: {  	s6 =	rddreg [dreg:$0x0];
	s1 =	sshll.u32 s0, $0x4  }
0x3: {  	_ =	strace $0x80000053;
	s0 =	stileid.u32;
	s1 =	sand.u32 $0x10, s1  }
0x4: {  	s4 =	simm.s32 $0x1;
	s31 =	simm.s32 $0x2;
	s1 =	sor.u32 s0, s1  }
0x5: {  	s15 =	simm.s32 $0x0;
	s8 =	simm.s32 $0x40000;
	s2 =	sshll.u32 s1, $0x3  }
0x6: {  	s9 =	simm.s32 $0x0;
	s16 =	simm.s32 $0x0;
	s1 =	ssub.s32 $0x200, s2  }
0x7: {  	s18 =	simm.s32 $0x0;
	s17 =	simm.s32 $0x0;
	s3 =	sand.u32 $0xF8, s1  }
0x8: {  	s10 =	simm.s32 $0x0;
	p0 =	sne.s32 s3, $0x0;
	s3 =	simm.s32 $0x1  }
.Ltmp0:
0x9: {  	s1 =	sshrl.u32 s1, $0x8;
	s3 =	simm.s32 @!p0 $0x0;
	(pc) =	sbr.rel .LBB1_1-.Ltmp0, $4  }
0xa: {  	s11 =	simm.s32 $0x0;
	s13 =	simm.s32 $0x0;
	s1 =	sadd.s32 s3, s1  }
0xb: {  	s14 =	simm.s32 $0x0;
	[sflag:s4] =	ssyncpa.u1 $0x0;
	s5 =	smul.u32 $0xA, s1  }
0xc: {  	s24 =	simm.s32 $0x0;
	[sflag:s31] =	ssyncpa.u1 $0x0;
	s12 =	smov.u32 s2  }
0xd: {  	s3 =	sadd.s32 $0xC20600, s6;
	s6 =	sadd.s32 $0x800600, s6;
	s7 =	sor.u32 $0x1, s5  }
.LBB1_7:
0xe: {  	s1 =	sadd.s32 $0x100, s10  }
0xf: {  	s15 =	sadd.s32 $0x8, s11;
	s19 =	smov.u32 s11;
	p1 =	sgt.s32 s1, $0x1FF  }
0x10: {  	s19 =	smov.u32 @p1 s15  }
0x11: {  	s20 =	smov.u32 s12;
	s15 =	sadd.s32 $0x100, s12;
	p2 =	sgt.s32 s19, $0x7  }
0x12: {  	s20 =	smov.u32 @p2 s15  }
0x13: {  	s15 =	simm.s32 $0x1;
	p3 =	sgt.s32 s20, $0x1FF  }
0x14: {  	s15 =	simm.s32 @!p3 $0x0  }
0x15: {  	p0 =	slt.u32 s14, $0x2;
	s22 =	sadd.s32 s15, s13  }
0x16: {  	s16 =	smov.u32 s11;
	s1 =	simm.s32 @p1 $0x0;
	p1 =	sgt.s32 s22, $0x4  }
0x17: {  	s21 =	simm.s32 @!p0 $0x2;
	s22 =	simm.s32 @p1 $0x0;
	p1 =	sne.s32 s14, s7  }
.Ltmp1:
0x18: {  	s18 =	smov.u32 s12;
	_ =	swait.ge @!p0 [sflag:s21], $0x4000;
	(pc) =	sbr.rel @!p1 .LBB1_8-.Ltmp1, $4  }
0x19: {  	s17 =	smov.u32 s13;
	[sflag:s21] =	ssyncset.done @!p0 $0x0;
	s19 =	simm.s32 @p2 $0x0  }
0x1a: {  	s9 =	sadd.s32 $0x4000, s9;
	[sflag:s21] =	ssyncadd.s32 @!p0 $0xFFFFC000;
	s11 =	smov.u32 s19  }
0x1b: {  	s20 =	smov.u32 @p3 s2;
	s15 =	smov.u32 s10;
	s10 =	smov.u32 s1  }
0x1c: {  	s12 =	smov.u32 s20;
	s14 =	sadd.s32 $0x1, s14;
	s13 =	smov.u32 s22  }
.LBB1_1:
0x1d: {  	p0 =	sge.u32 s14, s5  }
0x1e: {  	s31 =	sadd.s32 $0xFFFFFFFF, s14;
	s1 =	sxor.u32 @!p0 $0xFFFFFFFF, s14;
	s19 =	sshll.u32 @!p0 s10, $0x3  }
0x1f: {  	s20 =	sshll.u32 @!p0 s11, $0x7;
	s21 =	sand.u32 @!p0 $0x78, s10;
	s22 =	sshll.u32 @!p0 s13, $0x12  }
0x20: {  	s23 =	sshll.u32 @!p0 s12, $0x9;
	s1 =	sshll.u32 @!p0 s1, $0xE;
	s20 =	sand.u32 @!p0 $0x380, s20  }
0x21: {  	s19 =	sand.u32 @!p0 $0xC00, s19;
	s1 =	sand.u32 @!p0 $0x4000, s1;
	s20 =	sor.u32 @!p0 s21, s20  }
0x22: {  	s21 =	sand.u32 @!p0 $0x7, s10;
	s19 =	sor.u32 @!p0 s19, s20;
	s20 =	sadd.s32 @!p0 s3, s22  }
0x23: {  	s21 =	sshll.u32 @!p0 s21, $0x12;
	s19 =	sshrl.u32 @!p0 s19, $0x3;
	s20 =	sadd.s32 @!p0 s23, s20  }
0x24: {  	s19 =	sadd.s32 @!p0 s19, s20;
	s20 =	sor.u32 @!p0 $0x800, s21;
	s21 =	simm.s32 @!p0 $0x1000  }
0x25: {  	[tilespmem:s1], [sflag:$0x1] =	stream.strided.gather @!p0 [hbm4b:s19+s20], $0x4000, s21, s20, $0x38;
	[tilespmem:$0x10000] =	vst v63  }
0x26: {  	p0 =	sge.u32 s31, s5  }
.Ltmp2:
0x27: {  	_ = 	snop;
	(pc) =	sbr.rel @p0 .LBB1_7-.Ltmp2, $1  }
0x28: {  	_ =	sdelay $0x3  }
0x29: {  	s1 =	sshll.u32 s9, $0x2;
	_ =	swait.ge [sflag:s4], $0x4000;
	s19 =	sshll.u32 s14, $0xE  }
0x2a: {  	p0 =	por $0x0, $0x0;
	s25 =	simm.s32 $0x0;
	s26 =	simm.s32 $0x0  }
0x2b: {  	s1 =	sand.u32 $0x10000, s1;
	[sflag:s4] =	ssyncset.done $0x0;
	s22 =	sand.u32 $0x4000, s19  }
0x2c: {  	s1 =	sshrl.u32 s1, $0x2;
	[sflag:s4] =	ssyncadd.s32 $0xFFFFC000;
	s19 =	sor.u32 $0x8000, s22  }
0x2d: {  	s20 =	sor.u32 $0x40, s1;
	s21 =	sor.u32 $0x8410, s1;
	s23 =	sadd.s32 $0x8400, s1  }
.LBB1_3:
0x2e: {  	v1 =	vld [tilespmem:s20+$0xFFFFFFD0]  }
0x2f: {  	v2 =	vld [tilespmem:s20+$0x430]  }
0x30: {  	s1 =	sshll.u32 s26, $0xB;
	v4 =	vld [tilespmem:s20+$0xFFFFFFE0]  }
0x31: {  	v7 =	vld [tilespmem:s20+$0xFFFFFFF0];
	v0 =	vmov s1  }
0x32: {  	v8 =	vld [tilespmem:s20+$0x0]  }
0x33: {  	v9 =	vld [tilespmem:s20+$0x10];
	s1 =	sand.u32 $0x300, s24  }
0x34: {  	s27 =	sand.u32 $0x80, s24;
	v10 =	vld [tilespmem:s20+$0x20];
	s1 =	sadd.s32 s1, s22  }
0x35: {  	v11 =	vld [tilespmem:s20+$0x30];
	s1 =	sadd.s32 s27, s1;
	s27 =	simm.s32 $0x1;
	[tilespmem:s21+$0x60] =	vst v2  }
0x36: {  	s27 =	simm.s32 @!p0 $0x0;
	[tilespmem:s21+$0xFFFFFC00] =	vst v1;
	v3 =	vld.idx.msk [tilespmem:v0+s1+$0x400 ss:$0x1], $0xffff;
	s1 =	sshll.u32 s25, $0x2  }
0x37: {  	v6 =	vld [tilespmem:s20+$0x3D0];
	s27 =	sshll.u32 s27, $0x9;
	[tilespmem:s21+$0xFFFFFC10] =	vst v4;
	s1 =	sand.u32 $0xFFFFFC00, s1  }
0x38: {  	v5 =	vld [tilespmem:s20+$0x3E0];
	[tilespmem:s21+$0xFFFFFC20] =	vst v7;
	s1 =	sor.u32 s27, s1  }
0x39: {  	[tilespmem:s21+$0xFFFFFC30] =	vst v8;
	v4 =	vld [tilespmem:s20+$0x400];
	s1 =	sshrl.u32 s1, $0x2  }
0x3a: {  	[tilespmem:s21+$0xFFFFFC40] =	vst v9;
	v1 =	vld [tilespmem:s20+$0x410];
	s27 =	sadd.s32 s1, s23  }
0x3b: {  	[tilespmem:s27+$0x0] =	vst v3;
	v3 =	vld [tilespmem:s20+$0x3F0]  }
0x3c: {  	s31 =	simm.s32 $0x80;
	s30 =	simm.s32 $0x100;
	[tilespmem:s21+$0xFFFFFC50] =	vst v10;
	v2 =	vld [tilespmem:s20+$0x420]  }
0x3d: {  	s28 =	sadd.s32 $0x80, s20;
	s29 =	smov.u32 s21;
	v7 =	vld [tilespmem:s20+$0xFFFFFFC0];
	[tilespmem:s21+$0xFFFFFC60] =	vst v11;
	s1 =	sand.u32 $0x300, s31  }
.LBB1_4:
0x3e: {  	p1 =	sne.s32 s30, $0x380;
	v8 =	vld [tilespmem:s28+$0xFFFFFFD0];
	s31 =	sand.u32 $0x80, s31;
	s1 =	sadd.s32 s1, s22;
	[tilespmem:s29+$0x0] =	vst v6  }
0x3f: {  	s1 =	sadd.s32 s31, s1;
	v6 =	vld [tilespmem:s28+$0x430];
	[tilespmem:s29+$0x10] =	vst v5;
	s31 =	smov.u32 s30  }
0x40: {  	v5 =	vld.idx.msk [tilespmem:v0+s1+$0x400 ss:$0x1], $0xffff;
	[tilespmem:s29+$0x20] =	vst v3  }
0x41: {  	v3 =	vld [tilespmem:s28+$0xFFFFFFE0];
	[tilespmem:s29+$0x30] =	vst v4  }
0x42: {  	v4 =	vld [tilespmem:s28+$0xFFFFFFF0];
	[tilespmem:s29+$0xFFFFFBF0] =	vst v7  }
0x43: {  	v7 =	vld [tilespmem:s28+$0x0];
	[tilespmem:s29+$0x40] =	vst v1  }
0x44: {  	v1 =	vld [tilespmem:s28+$0x10];
	[tilespmem:s29+$0x50] =	vst v2;
	s29 =	sadd.s32 $0x800, s29  }
0x45: {  	s27 =	sadd.s32 $0x800, s27;
	v2 =	vld [tilespmem:s28+$0x20];
	[tilespmem:s29+$0x60] =	vst v6  }
0x46: {  	v9 =	vld [tilespmem:s28+$0x30];
	[tilespmem:s27+$0x0] =	vst v5  }
0x47: {  	[tilespmem:s29+$0xFFFFFC00] =	vst v8;
	v6 =	vld [tilespmem:s28+$0x3D0]  }
0x48: {  	[tilespmem:s29+$0xFFFFFC10] =	vst v3;
	v5 =	vld [tilespmem:s28+$0x3E0]  }
.Ltmp3:
0x49: {  	[tilespmem:s29+$0xFFFFFC20] =	vst v4;
	v3 =	vld [tilespmem:s28+$0x3F0];
	(pc) =	sbr.rel @p1 .LBB1_4-.Ltmp3, $4  }
0x4a: {  	[tilespmem:s29+$0xFFFFFC30] =	vst v7;
	v4 =	vld [tilespmem:s28+$0x400]  }
0x4b: {  	[tilespmem:s29+$0xFFFFFC40] =	vst v1;
	v1 =	vld [tilespmem:s28+$0x410]  }
0x4c: {  	[tilespmem:s29+$0xFFFFFC50] =	vst v2;
	v2 =	vld [tilespmem:s28+$0x420]  }
0x4d: {  	s30 =	sadd.s32 $0x80, s30;
	s1 =	sand.u32 $0x300, s31;
	v7 =	vld [tilespmem:s28+$0xFFFFFFC0];
	[tilespmem:s29+$0xFFFFFC60] =	vst v9;
	s28 =	sadd.s32 $0x80, s28  }
0x4e: {  	[tilespmem:s29+$0x0] =	vst v6  }
0x4f: {  	[tilespmem:s29+$0x10] =	vst v5  }
0x50: {  	v49 =	vld [tilespmem:s28+$0x430];
	[tilespmem:s29+$0x20] =	vst v3  }
0x51: {  	v50 =	vld [tilespmem:s28+$0xFFFFFFD0];
	[tilespmem:s29+$0x30] =	vst v4  }
0x52: {  	v51 =	vld [tilespmem:s28+$0xFFFFFFE0];
	[tilespmem:s29+$0x40] =	vst v1  }
0x53: {  	v52 =	vld [tilespmem:s28+$0xFFFFFFF0];
	[tilespmem:s29+$0x50] =	vst v2  }
0x54: {  	s30 =	sand.u32 $0x80, s31;
	s31 =	sadd.s32 $0x800, s29;
	v53 =	vld [tilespmem:s28+$0x0];
	[tilespmem:s29+$0xFFFFFBF0] =	vst v7  }
0x55: {  	v54 =	vld [tilespmem:s28+$0x10];
	[tilespmem:s31+$0x60] =	vst v49  }
0x56: {  	v55 =	vld [tilespmem:s28+$0x20];
	[tilespmem:s31+$0xFFFFFC00] =	vst v50  }
0x57: {  	v56 =	vld [tilespmem:s28+$0x30];
	[tilespmem:s31+$0xFFFFFC10] =	vst v51  }
0x58: {  	v57 =	vld [tilespmem:s28+$0x3D0];
	[tilespmem:s31+$0xFFFFFC20] =	vst v52  }
0x59: {  	v58 =	vld [tilespmem:s28+$0x3E0];
	[tilespmem:s31+$0xFFFFFC30] =	vst v53  }
0x5a: {  	v59 =	vld [tilespmem:s28+$0x3F0];
	[tilespmem:s31+$0xFFFFFC40] =	vst v54  }
0x5b: {  	v60 =	vld [tilespmem:s28+$0x400];
	[tilespmem:s31+$0xFFFFFC50] =	vst v55  }
0x5c: {  	v61 =	vld [tilespmem:s28+$0xFFFFFFC0];
	[tilespmem:s31+$0xFFFFFC60] =	vst v56  }
0x5d: {  	s1 =	sadd.s32 s1, s22;
	v62 =	vld [tilespmem:s28+$0x410];
	[tilespmem:s31+$0x0] =	vst v57  }
0x5e: {  	v63 =	vld [tilespmem:s28+$0x420];
	s26 =	sadd.s32 $0x1, s26;
	s1 =	sadd.s32 s30, s1;
	[tilespmem:s31+$0x10] =	vst v58  }
0x5f: {  	p1 =	sne.s32 s26, $0x8;
	v0 =	vld.idx.msk [tilespmem:v0+s1+$0x400 ss:$0x1], $0xffff;
	[tilespmem:s31+$0x20] =	vst v59  }
.Ltmp4:
0x60: {  	[tilespmem:s31+$0x30] =	vst v60;
	(pc) =	sbr.rel @p1 .LBB1_3-.Ltmp4, $4  }
0x61: {  	[tilespmem:s31+$0xFFFFFBF0] =	vst v61  }
0x62: {  	[tilespmem:s31+$0x40] =	vst v62  }
0x63: {  	s27 =	sadd.s32 $0x800, s27;
	s20 =	sadd.s32 $0x800, s20;
	[tilespmem:s31+$0x50] =	vst v63  }
0x64: {  	s25 =	sadd.s32 $0x80, s25;
	p0 =	por !p0, !p0;
	s21 =	sadd.s32 $0x80, s21;
	[tilespmem:s27+$0x0] =	vst v0  }
0x65: {  	s1 =	sand.u32 $0x78, s15  }
0x66: {  	s20 =	sshll.u32 s18, $0x9;
	s21 =	sshll.u32 s15, $0x3;
	s27 =	sshll.u32 s18, $0x7  }
0x67: {  	s17 =	sshll.u32 s17, $0x12;
	s16 =	sshll.u32 s16, $0xF;
	s30 =	sand.u32 $0x7, s15  }
0x68: {  	s20 =	sand.u32 $0x3F000, s20;
	s21 =	sand.u32 $0x3FC00, s21;
	s28 =	sand.u32 $0x200, s27  }
0x69: {  	s18 =	sand.u32 $0x180, s27;
	s17 =	sadd.s32 s6, s17;
	s20 =	sadd.s32 s20, s21  }
.Ltmp5:
0x6a: {  	s1 =	sor.u32 s18, s1;
	s20 =	sor.u32 s28, s20;
	(pc) =	sbr.rel .LBB1_7-.Ltmp5, $4  }
0x6b: {  	s16 =	sadd.s32 s16, s17;
	s1 =	sshrl.u32 s1, $0x3;
	s29 =	sshrl.u32 s20, $0x3  }
0x6c: {  	s15 =	sshll.u32 s30, $0x12;
	s1 =	sadd.s32 s1, s16;
	s31 =	sand.u32 $0x7FC0, s29  }
0x6d: {  	s15 =	sor.u32 $0x800, s15;
	s1 =	sadd.s32 s31, s1  }
0x6e: {  	[hbm4b:s1+s15] =	stream.strided.scatter [tilespmem:s19], [sflag:$0x2], $0x4000, s8, s15, $0x38;
	[tilespmem:$0x10000] =	vst v63  }
.LBB1_8:
0x6f: {  	_ =	sfence.sel $0x180000  }
0x70: {  	s1 =	simm.s32 $0x1;
	[bflag:$0x0] =	sbarrier.arrive $0xFFFF  }
0x71: {  	s31 =	simm.s32 $0x2;
	[sflag:s1] =	ssyncpa.u1 $0x1  }
0x72: {  	[sflag:s31] =	ssyncpa.u1 $0x1  }
0x73: {  	_ =	strace $0x90000053  }
0x74: {  	[bflag:$0x2] =	sbarrier.arrive $0xFFFF  }
0x75: {  	p0 =	sne.s32 s0, $0x0;
	s0 =	rddreg [dreg:$0x1]  }
0x76: {  	s0 =	sadd.s32 @!p0 $0x100000, s0  }
0x77: {  	[sflag:s0] =	ssyncadd.tile.s32 @!p0 $0x1;
	_ =	shalt  }
.Lfunc_end1:
_tile_overlayer_lowered:
.L_overlay_start_2:
0x78: {  	(tag) =	ssettag $0x2  }
0x79: {  	s0 =	rddreg [dreg:$0x0];
	s2 =	stileid.u32  }
0x7a: {  	s1 =	rddreg [dreg:$0x1];
	p0 =	sne.s32 s2, $0x0  }
0x7b: {  	s3 =	rddreg [dreg:$0x2];
	[bflag:$0x3] =	sbarrier.arrive $0xFFFF;
	s2 =	simm.s32 @!p0 $0x1C01  }
0x7c: {  	[timem:s3], [sflag:s2] =	dma.local @!p0 [hbm:s0], s1  }
0x7d: {  	s0 =	simm.s32 @!p0 $0x1  }
0x7e: {  	_ =	swait.ge @!p0 [sflag:s0], s1  }
0x7f: {  	s1 =	ssub.s32 @!p0 $0x0, s1;
	[sflag:s0] =	ssyncset.done @!p0 $0x0  }
0x80: {  	[sflag:s0] =	ssyncadd.s32 @!p0 s1  }
0x81: {  	[bflag:$0x3] =	sbarrier.arrive $0xFFFF  }
0x82: {  	_ =	shalt  }

</sc_bundles>
